<compile_context>
chip_gen: v7x
topology: tpu7x:2x2x1
jax: 0.10.2.dev20260603
libtpu: 0.0.44.dev20260713+nightly
codegen_flags: <defaults>
</compile_context>

<pallas_src>
import functools

import jax
import jax.numpy as jnp
from jax import lax
from jax.experimental import pallas as pl
from jax.experimental.pallas import tpu as pltpu
from jax.experimental.pallas import tpu_sc as plsc

_NUM_STOCKS = 100000
_EMBED_DIM = 32
_BATCH = 16384
_SEQ_LEN = 50

_B = _BATCH * _SEQ_LEN
_NC = 2
_NS = 16
_NW = _NC * _NS
_BW = _BATCH // _NW
_IDXW = 128
_NSTREAM = _BW // _IDXW
_TRP = _BW + 1

_mesh = plsc.VectorSubcoreMesh(core_axis_name="c", subcore_axis_name="s")


@functools.partial(
    pl.kernel,
    mesh=_mesh,
    out_type=jax.ShapeDtypeStruct((_SEQ_LEN, _EMBED_DIM, _BATCH), jnp.float32),
    scratch_types=[
        pltpu.VMEM((_BW * _SEQ_LEN,), jnp.int32),
        pltpu.VMEM((2, _BW), jnp.int32),
        pltpu.VMEM((2, _BW, _EMBED_DIM), jnp.float32),
        pltpu.VMEM((2, _EMBED_DIM, _TRP), jnp.float32),
        pltpu.SemaphoreType.DMA,
        pltpu.SemaphoreType.DMA((2,)),
        pltpu.SemaphoreType.DMA((2,)),
    ],
    compiler_params=pltpu.CompilerParams(
        use_tc_tiling_on_sc=False, needs_layout_passes=False
    ),
)
def _emb_lookup(idx_hbm, table_hbm, out_hbm, idx_v, il_v, rows_v, tr_v,
                isem, gsem, osem):
    wid = lax.axis_index("s") * _NC + lax.axis_index("c")
    b0 = wid * _BW
    pltpu.async_copy(
        idx_hbm.at[pl.ds(b0 * _SEQ_LEN, _BW * _SEQ_LEN)], idx_v, isem
    ).wait()

    iota16 = lax.iota(jnp.int32, 16)
    iota_s = iota16 * _SEQ_LEN

    def build_ilist(p, s):
        @plsc.parallel_loop(0, _BW // 16, step=1, unroll=8)
        def bbody(bb):
            addr = iota_s + (bb * 16 * _SEQ_LEN + s)
            il_v[p, pl.ds(bb * 16, 16)] = plsc.load_gather(idx_v, [addr])

    def fire_gathers(p):
        for j in range(_NSTREAM):
            pltpu.async_copy(
                table_hbm.at[il_v.at[p].at[pl.ds(j * _IDXW, _IDXW)]],
                rows_v.at[p].at[pl.ds(j * _IDXW, _IDXW)],
                gsem.at[p],
            )

    def drain_gathers(p):
        for j in range(_NSTREAM):
            pltpu.make_async_copy(
                table_hbm.at[il_v.at[p].at[pl.ds(j * _IDXW, _IDXW)]],
                rows_v.at[p].at[pl.ds(j * _IDXW, _IDXW)],
                gsem.at[p],
            ).wait()

    def transpose(p):
        @plsc.parallel_loop(0, _BW, step=1, unroll=8)
        def bbody(b):
            bvec = jnp.full((16,), b, jnp.int32)
            v0 = rows_v[p, b, pl.ds(0, 16)]
            v1 = rows_v[p, b, pl.ds(16, 16)]
            plsc.store_scatter(tr_v.at[p], [iota16, bvec], v0)
            plsc.store_scatter(tr_v.at[p], [iota16 + 16, bvec], v1)

    build_ilist(0, 0)
    fire_gathers(0)

    def outer(it, carry):
        for p in range(2):
            s = it * 2 + p
            drain_gathers(p)

            @pl.when(s + 1 < _SEQ_LEN)
            def _():
                build_ilist(1 - p, s + 1)
                fire_gathers(1 - p)

            @pl.when(s >= 2)
            def _():
                pltpu.make_async_copy(
                    tr_v.at[p].at[:, pl.ds(0, _BW)],
                    out_hbm.at[0].at[:, pl.ds(b0, _BW)],
                    osem.at[p],
                ).wait()

            transpose(p)
            pltpu.async_copy(
                tr_v.at[p].at[:, pl.ds(0, _BW)],
                out_hbm.at[s].at[:, pl.ds(b0, _BW)],
                osem.at[p],
            )
        return carry

    lax.fori_loop(0, _SEQ_LEN // 2, outer, 0)

    for p in range(2):
        pltpu.make_async_copy(
            tr_v.at[p].at[:, pl.ds(0, _BW)],
            out_hbm.at[0].at[:, pl.ds(b0, _BW)],
            osem.at[p],
        ).wait()



_RQ = 4096
_RUNITS_PER_W = 25

@functools.partial(
    pl.kernel,
    mesh=_mesh,
    out_type=jax.ShapeDtypeStruct((_SEQ_LEN, _EMBED_DIM, _BATCH), jnp.float32),
    scratch_types=[
        pltpu.VMEM((2, 8, _RQ), jnp.float32),
        pltpu.SemaphoreType.DMA((2,)),
        pltpu.SemaphoreType.DMA((2,)),
    ],
    compiler_params=pltpu.CompilerParams(
        use_tc_tiling_on_sc=True, needs_layout_passes=False
    ),
)
def _retile(flat_hbm, out_hbm, buf_v, rsem, wsem):
    wid = lax.axis_index("s") * _NC + lax.axis_index("c")
    u0 = wid * _RUNITS_PER_W

    def fire_reads(p, u):
        s = u // 16
        rem = u % 16
        dt = rem // 4
        q = rem % 4
        for r in range(8):
            pltpu.async_copy(
                flat_hbm.at[
                    pl.ds(s * (_EMBED_DIM * _BATCH)
                          + (dt * 8 + r) * _BATCH + q * _RQ, _RQ)
                ],
                buf_v.at[p].at[r],
                rsem.at[p],
            )

    def wait_reads(p):
        for r in range(8):
            pltpu.make_async_copy(
                flat_hbm.at[pl.ds(0, _RQ)], buf_v.at[p].at[r], rsem.at[p]
            ).wait()

    def wait_write(p):
        pltpu.make_async_copy(
            buf_v.at[p],
            out_hbm.at[0].at[pl.ds(0, 8), pl.ds(0, _RQ)],
            wsem.at[p],
        ).wait()

    fire_reads(0, u0)

    def outer(it, carry):
        for p in range(2):
            u = it * 2 + p

            @pl.when(u < _RUNITS_PER_W)
            def _():
                ug = u0 + u
                wait_reads(p)

                @pl.when(u + 1 < _RUNITS_PER_W)
                def _():
                    @pl.when(u >= 1)
                    def _():
                        wait_write(1 - p)
                    fire_reads(1 - p, ug + 1)

                s = ug // 16
                rem = ug % 16
                dt = pl.multiple_of(rem // 4 * 8, 8)
                q = pl.multiple_of(rem % 4 * _RQ, _RQ)
                pltpu.async_copy(
                    buf_v.at[p],
                    out_hbm.at[s].at[pl.ds(dt, 8), pl.ds(q, _RQ)],
                    wsem.at[p],
                )
        return carry

    lax.fori_loop(0, (_RUNITS_PER_W + 2) // 2, outer, 0)

    wait_write(0)
    wait_write(1)


def kernel(stock_ids, weight):
    idx_flat = stock_ids.reshape(_B)
    out3 = _emb_lookup(idx_flat, weight)
    out3t = _retile(out3.reshape(_SEQ_LEN * _EMBED_DIM * _BATCH))
    return out3t.transpose(2, 0, 1)

# --- scband reference (transcript-rebuilt; emitter-appended) ---
"""Pipeline reference for scband-stock-embedding-64622077935996 (READ-ONLY COPY).

The authoritative reference and input builder live on the scoring server;
editing this copy changes nothing except your own understanding.
"""

import jax, jax.numpy as jnp
import numpy as np

NUM_STOCKS = 100000
EMBED_DIM = 32
BATCH = 16384
SEQ_LEN = 50

def setup_inputs(seed: int = 0) -> dict:
    key = jax.random.key(seed)
    k1, k2 = jax.random.split(key)
    stock_ids = jax.random.randint(k1, (BATCH, SEQ_LEN), 0, NUM_STOCKS, dtype=jnp.int64 if jax.config.jax_enable_x64 else jnp.int32)
    weight = jax.random.normal(k2, (NUM_STOCKS, EMBED_DIM), dtype=jnp.float32) * 0.02
    return {"stock_ids": stock_ids, "weight": weight}

def reference(stock_ids, weight):
    # nn.Embedding lookup: table[idx]
    return jnp.take(weight, stock_ids, axis=0)

if __name__ == "__main__":
    import jax
    _d = setup_inputs()
    print(jax.jit(kernel)(*tuple(_d.values())))

</pallas_src>

<mosaic_0001>
#map = affine_map<(d0, d1) -> (0)>
#map1 = affine_map<(d0, d1) -> (0, 0, 0)>
module attributes {stable_mosaic.version = 14 : i64} {
  func.func @_retile(%arg0: i32, %arg1: i32, %arg2: memref<26214400xf32, #tpu.memory_space<hbm>>, %arg3: memref<50x32x16384xf32, #tpu.memory_space<hbm>>, %arg4: memref<2x8x4096xf32, #tpu.memory_space<vmem>>, %arg5: memref<2x!tpu.dma_semaphore, #tpu.memory_space<semaphore_mem>>, %arg6: memref<2x!tpu.dma_semaphore, #tpu.memory_space<semaphore_mem>>) attributes {dimension_semantics = [#tpu.dimension_semantics<core_parallel>, #tpu.dimension_semantics<subcore_parallel>], iteration_bounds = array<i64: 2, 16>, scalar_prefetch = 0 : i64, scratch_operands = 3 : i64, tpu.core_type = #tpu.core_type<sc_vector_subcore>, window_params = [{transform_indices = #map}, {transform_indices = #map1}]} {
    %mul3A = arith.constant 2 : i32
    %mul3A_0 = arith.muli %arg1, %mul3A : i32
    %add3A = arith.addi %mul3A_0, %arg0 : i32
    %mul3A_1 = arith.constant 25 : i32
    %mul3A_2 = arith.muli %add3A, %mul3A_1 : i32
    %jit3A = arith.constant 16 : i32
    %div3A = arith.divsi %mul3A_2, %jit3A : i32
    %sign3A = arith.constant 0 : i32
    %sign3A_3 = arith.cmpi sgt, %mul3A_2, %sign3A : i32
    %sign3A_4 = arith.extui %sign3A_3 : i1 to i32
    %sign3A_5 = arith.constant 0 : i32
    %sign3A_6 = arith.cmpi slt, %mul3A_2, %sign3A_5 : i32
    %sign3A_7 = arith.extui %sign3A_6 : i1 to i32
    %sign3A_8 = arith.subi %sign3A_4, %sign3A_7 : i32
    %sign3A_9 = arith.constant 0 : i32
    %sign3A_10 = arith.cmpi sgt, %jit3A, %sign3A_9 : i32
    %sign3A_11 = arith.extui %sign3A_10 : i1 to i32
    %sign3A_12 = arith.constant 0 : i32
    %sign3A_13 = arith.cmpi slt, %jit3A, %sign3A_12 : i32
    %sign3A_14 = arith.extui %sign3A_13 : i1 to i32
    %sign3A_15 = arith.subi %sign3A_11, %sign3A_14 : i32
    %ne3A = arith.cmpi ne, %sign3A_8, %sign3A_15 : i32
    %rem3A = arith.remsi %mul3A_2, %jit3A : i32
    %ne3A_16 = arith.constant 0 : i32
    %ne3A_17 = arith.cmpi ne, %rem3A, %ne3A_16 : i32
    %and3A = arith.andi %ne3A, %ne3A_17 : i1
    %sub3A = arith.constant 1 : i32
    %sub3A_18 = arith.subi %div3A, %sub3A : i32
    %select_n3A = arith.select %and3A, %sub3A_18, %div3A : i32
    %jit3A_19 = arith.constant 16 : i32
    %eq3A = arith.constant 0 : i32
    %eq3A_20 = arith.cmpi eq, %jit3A_19, %eq3A : i32
    %jit3A_21 = arith.constant 1 : i32
    %select_n3A_22 = arith.select %eq3A_20, %jit3A_21, %jit3A_19 : i32
    %rem3A_23 = arith.remsi %mul3A_2, %select_n3A_22 : i32
    %ne3A_24 = arith.constant 0 : i32
    %ne3A_25 = arith.cmpi ne, %rem3A_23, %ne3A_24 : i32
    %lt3A = arith.constant 0 : i32
    %lt3A_26 = arith.cmpi slt, %rem3A_23, %lt3A : i32
    %lt3A_27 = arith.constant 0 : i32
    %lt3A_28 = arith.cmpi slt, %select_n3A_22, %lt3A_27 : i32
    %ne3A_29 = arith.xori %lt3A_26, %lt3A_28 : i1
    %and3A_30 = arith.andi %ne3A_29, %ne3A_25 : i1
    %add3A_31 = arith.addi %rem3A_23, %select_n3A_22 : i32
    %select_n3A_32 = arith.select %and3A_30, %add3A_31, %rem3A_23 : i32
    %jit3A_33 = arith.constant 4 : i32
    %div3A_34 = arith.divsi %select_n3A_32, %jit3A_33 : i32
    %sign3A_35 = arith.constant 0 : i32
    %sign3A_36 = arith.cmpi sgt, %select_n3A_32, %sign3A_35 : i32
    %sign3A_37 = arith.extui %sign3A_36 : i1 to i32
    %sign3A_38 = arith.constant 0 : i32
    %sign3A_39 = arith.cmpi slt, %select_n3A_32, %sign3A_38 : i32
    %sign3A_40 = arith.extui %sign3A_39 : i1 to i32
    %sign3A_41 = arith.subi %sign3A_37, %sign3A_40 : i32
    %sign3A_42 = arith.constant 0 : i32
    %sign3A_43 = arith.cmpi sgt, %jit3A_33, %sign3A_42 : i32
    %sign3A_44 = arith.extui %sign3A_43 : i1 to i32
    %sign3A_45 = arith.constant 0 : i32
    %sign3A_46 = arith.cmpi slt, %jit3A_33, %sign3A_45 : i32
    %sign3A_47 = arith.extui %sign3A_46 : i1 to i32
    %sign3A_48 = arith.subi %sign3A_44, %sign3A_47 : i32
    %ne3A_49 = arith.cmpi ne, %sign3A_41, %sign3A_48 : i32
    %rem3A_50 = arith.remsi %select_n3A_32, %jit3A_33 : i32
    %ne3A_51 = arith.constant 0 : i32
    %ne3A_52 = arith.cmpi ne, %rem3A_50, %ne3A_51 : i32
    %and3A_53 = arith.andi %ne3A_49, %ne3A_52 : i1
    %sub3A_54 = arith.constant 1 : i32
    %sub3A_55 = arith.subi %div3A_34, %sub3A_54 : i32
    %select_n3A_56 = arith.select %and3A_53, %sub3A_55, %div3A_34 : i32
    %jit3A_57 = arith.constant 4 : i32
    %eq3A_58 = arith.constant 0 : i32
    %eq3A_59 = arith.cmpi eq, %jit3A_57, %eq3A_58 : i32
    %jit3A_60 = arith.constant 1 : i32
    %select_n3A_61 = arith.select %eq3A_59, %jit3A_60, %jit3A_57 : i32
    %rem3A_62 = arith.remsi %select_n3A_32, %select_n3A_61 : i32
    %ne3A_63 = arith.constant 0 : i32
    %ne3A_64 = arith.cmpi ne, %rem3A_62, %ne3A_63 : i32
    %lt3A_65 = arith.constant 0 : i32
    %lt3A_66 = arith.cmpi slt, %rem3A_62, %lt3A_65 : i32
    %lt3A_67 = arith.constant 0 : i32
    %lt3A_68 = arith.cmpi slt, %select_n3A_61, %lt3A_67 : i32
    %ne3A_69 = arith.xori %lt3A_66, %lt3A_68 : i1
    %and3A_70 = arith.andi %ne3A_69, %ne3A_64 : i1
    %add3A_71 = arith.addi %rem3A_62, %select_n3A_61 : i32
    %select_n3A_72 = arith.select %and3A_70, %add3A_71, %rem3A_62 : i32
    %mul3A_73 = arith.constant 524288 : i32
    %mul3A_74 = arith.muli %select_n3A, %mul3A_73 : i32
    %mul3A_75 = arith.constant 8 : i32
    %mul3A_76 = arith.muli %select_n3A_56, %mul3A_75 : i32
    %add3A_77 = arith.constant 0 : i32
    %add3A_78 = arith.addi %mul3A_76, %add3A_77 : i32
    %mul3A_79 = arith.constant 16384 : i32
    %mul3A_80 = arith.muli %add3A_78, %mul3A_79 : i32
    %add3A_81 = arith.addi %mul3A_74, %mul3A_80 : i32
    %mul3A_82 = arith.constant 4096 : i32
    %mul3A_83 = arith.muli %select_n3A_72, %mul3A_82 : i32
    %add3A_84 = arith.addi %add3A_81, %mul3A_83 : i32
    %dma_start3A = arith.constant 0 : i32
    %dma_start3A_85 = arith.constant 0 : i32
    %dma_start3A_86 = arith.constant 0 : i32
    %dma_start3A_87 = arith.constant 0 : i32
    %dma_start3A_88 = arith.constant 0 : i32
    %dma_start3A_89 = tpu.memref_slice %arg4[%dma_start3A, %dma_start3A_87, %dma_start3A_88] : memref<2x8x4096xf32, #tpu.memory_space<vmem>> -> memref<1x8x4096xf32, #tpu.memory_space<vmem>>
    %dma_start3A_90 = tpu.memref_squeeze %dma_start3A_89 : memref<1x8x4096xf32, #tpu.memory_space<vmem>> -> memref<8x4096xf32, #tpu.memory_space<vmem>>
    %dma_start3A_91 = arith.constant 0 : i32
    %dma_start3A_92 = tpu.memref_slice %dma_start3A_90[%dma_start3A_85, %dma_start3A_91] : memref<8x4096xf32, #tpu.memory_space<vmem>> -> memref<1x4096xf32, #tpu.memory_space<vmem>>
    %dma_start3A_93 = tpu.memref_squeeze %dma_start3A_92 : memref<1x4096xf32, #tpu.memory_space<vmem>> -> memref<4096xf32, #tpu.memory_space<vmem>>
    %dma_start3A_94 = tpu.memref_slice %arg2[%add3A_84] : memref<26214400xf32, #tpu.memory_space<hbm>> -> memref<4096xf32, #tpu.memory_space<hbm>>
    %dma_start3A_95 = tpu.memref_slice %arg5[%dma_start3A_86] : memref<2x!tpu.dma_semaphore, #tpu.memory_space<semaphore_mem>> -> memref<1x!tpu.dma_semaphore, #tpu.memory_space<semaphore_mem>>
    %dma_start3A_96 = tpu.memref_squeeze %dma_start3A_95 : memref<1x!tpu.dma_semaphore, #tpu.memory_space<semaphore_mem>> -> memref<!tpu.dma_semaphore, #tpu.memory_space<semaphore_mem>>
    %dma_start3A_97 = arith.constant 0 : i32
    %dma_start3A_98 = arith.constant 0 : i32
    %dma_start3A_99 = tpu.memref_slice %arg4[%dma_start3A, %dma_start3A_97, %dma_start3A_98] : memref<2x8x4096xf32, #tpu.memory_space<vmem>> -> memref<1x8x4096xf32, #tpu.memory_space<vmem>>
    %dma_start3A_100 = tpu.memref_squeeze %dma_start3A_99 : memref<1x8x4096xf32, #tpu.memory_space<vmem>> -> memref<8x4096xf32, #tpu.memory_space<vmem>>
    %dma_start3A_101 = arith.constant 0 : i32
    %dma_start3A_102 = tpu.memref_slice %dma_start3A_100[%dma_start3A_85, %dma_start3A_101] : memref<8x4096xf32, #tpu.memory_space<vmem>> -> memref<1x4096xf32, #tpu.memory_space<vmem>>
    %dma_start3A_103 = tpu.memref_squeeze %dma_start3A_102 : memref<1x4096xf32, #tpu.memory_space<vmem>> -> memref<4096xf32, #tpu.memory_space<vmem>>
    %dma_start3A_104 = tpu.memref_slice %arg2[%add3A_84] : memref<26214400xf32, #tpu.memory_space<hbm>> -> memref<4096xf32, #tpu.memory_space<hbm>>
    tpu.enqueue_dma source(%dma_start3A_104 : memref<4096xf32, #tpu.memory_space<hbm>>) target(%dma_start3A_103 : memref<4096xf32, #tpu.memory_space<vmem>>) target_semaphore(%dma_start3A_96 : memref<!tpu.dma_semaphore, #tpu.memory_space<semaphore_mem>>)
    %mul3A_105 = arith.constant 524288 : i32
    %mul3A_106 = arith.muli %select_n3A, %mul3A_105 : i32
    %mul3A_107 = arith.constant 8 : i32
    %mul3A_108 = arith.muli %select_n3A_56, %mul3A_107 : i32
    %add3A_109 = arith.constant 1 : i32
    %add3A_110 = arith.addi %mul3A_108, %add3A_109 : i32
    %mul3A_111 = arith.constant 16384 : i32
    %mul3A_112 = arith.muli %add3A_110, %mul3A_111 : i32
    %add3A_113 = arith.addi %mul3A_106, %mul3A_112 : i32
    %mul3A_114 = arith.constant 4096 : i32
    %mul3A_115 = arith.muli %select_n3A_72, %mul3A_114 : i32
    %add3A_116 = arith.addi %add3A_113, %mul3A_115 : i32
    %dma_start3A_117 = arith.constant 0 : i32
    %dma_start3A_118 = arith.constant 1 : i32
    %dma_start3A_119 = arith.constant 0 : i32
    %dma_start3A_120 = arith.constant 0 : i32
    %dma_start3A_121 = arith.constant 0 : i32
    %dma_start3A_122 = tpu.memref_slice %arg4[%dma_start3A_117, %dma_start3A_120, %dma_start3A_121] : memref<2x8x4096xf32, #tpu.memory_space<vmem>> -> memref<1x8x4096xf32, #tpu.memory_space<vmem>>
    %dma_start3A_123 = tpu.memref_squeeze %dma_start3A_122 : memref<1x8x4096xf32, #tpu.memory_space<vmem>> -> memref<8x4096xf32, #tpu.memory_space<vmem>>
    %dma_start3A_124 = arith.constant 0 : i32
    %dma_start3A_125 = tpu.memref_slice %dma_start3A_123[%dma_start3A_118, %dma_start3A_124] : memref<8x4096xf32, #tpu.memory_space<vmem>> -> memref<1x4096xf32, #tpu.memory_space<vmem>>
    %dma_start3A_126 = tpu.memref_squeeze %dma_start3A_125 : memref<1x4096xf32, #tpu.memory_space<vmem>> -> memref<4096xf32, #tpu.memory_space<vmem>>
    %dma_start3A_127 = tpu.memref_slice %arg2[%add3A_116] : memref<26214400xf32, #tpu.memory_space<hbm>> -> memref<4096xf32, #tpu.memory_space<hbm>>
    %dma_start3A_128 = tpu.memref_slice %arg5[%dma_start3A_119] : memref<2x!tpu.dma_semaphore, #tpu.memory_space<semaphore_mem>> -> memref<1x!tpu.dma_semaphore, #tpu.memory_space<semaphore_mem>>
    %dma_start3A_129 = tpu.memref_squeeze %dma_start3A_128 : memref<1x!tpu.dma_semaphore, #tpu.memory_space<semaphore_mem>> -> memref<!tpu.dma_semaphore, #tpu.memory_space<semaphore_mem>>
    %dma_start3A_130 = arith.constant 0 : i32
    %dma_start3A_131 = arith.constant 0 : i32
    %dma_start3A_132 = tpu.memref_slice %arg4[%dma_start3A_117, %dma_start3A_130, %dma_start3A_131] : memref<2x8x4096xf32, #tpu.memory_space<vmem>> -> memref<1x8x4096xf32, #tpu.memory_space<vmem>>
    %dma_start3A_133 = tpu.memref_squeeze %dma_start3A_132 : memref<1x8x4096xf32, #tpu.memory_space<vmem>> -> memref<8x4096xf32, #tpu.memory_space<vmem>>
    %dma_start3A_134 = arith.constant 0 : i32
    %dma_start3A_135 = tpu.memref_slice %dma_start3A_133[%dma_start3A_118, %dma_start3A_134] : memref<8x4096xf32, #tpu.memory_space<vmem>> -> memref<1x4096xf32, #tpu.memory_space<vmem>>
    %dma_start3A_136 = tpu.memref_squeeze %dma_start3A_135 : memref<1x4096xf32, #tpu.memory_space<vmem>> -> memref<4096xf32, #tpu.memory_space<vmem>>
    %dma_start3A_137 = tpu.memref_slice %arg2[%add3A_116] : memref<26214400xf32, #tpu.memory_space<hbm>> -> memref<4096xf32, #tpu.memory_space<hbm>>
    tpu.enqueue_dma source(%dma_start3A_137 : memref<4096xf32, #tpu.memory_space<hbm>>) target(%dma_start3A_136 : memref<4096xf32, #tpu.memory_space<vmem>>) target_semaphore(%dma_start3A_129 : memref<!tpu.dma_semaphore, #tpu.memory_space<semaphore_mem>>)
    %mul3A_138 = arith.constant 524288 : i32
    %mul3A_139 = arith.muli %select_n3A, %mul3A_138 : i32
    %mul3A_140 = arith.constant 8 : i32
    %mul3A_141 = arith.muli %select_n3A_56, %mul3A_140 : i32
    %add3A_142 = arith.constant 2 : i32
    %add3A_143 = arith.addi %mul3A_141, %add3A_142 : i32
    %mul3A_144 = arith.constant 16384 : i32
    %mul3A_145 = arith.muli %add3A_143, %mul3A_144 : i32
    %add3A_146 = arith.addi %mul3A_139, %mul3A_145 : i32
    %mul3A_147 = arith.constant 4096 : i32
    %mul3A_148 = arith.muli %select_n3A_72, %mul3A_147 : i32
    %add3A_149 = arith.addi %add3A_146, %mul3A_148 : i32
    %dma_start3A_150 = arith.constant 0 : i32
    %dma_start3A_151 = arith.constant 2 : i32
    %dma_start3A_152 = arith.constant 0 : i32
    %dma_start3A_153 = arith.constant 0 : i32
    %dma_start3A_154 = arith.constant 0 : i32
    %dma_start3A_155 = tpu.memref_slice %arg4[%dma_start3A_150, %dma_start3A_153, %dma_start3A_154] : memref<2x8x4096xf32, #tpu.memory_space<vmem>> -> memref<1x8x4096xf32, #tpu.memory_space<vmem>>
    %dma_start3A_156 = tpu.memref_squeeze %dma_start3A_155 : memref<1x8x4096xf32, #tpu.memory_space<vmem>> -> memref<8x4096xf32, #tpu.memory_space<vmem>>
    %dma_start3A_157 = arith.constant 0 : i32
    %dma_start3A_158 = tpu.memref_slice %dma_start3A_156[%dma_start3A_151, %dma_start3A_157] : memref<8x4096xf32, #tpu.memory_space<vmem>> -> memref<1x4096xf32, #tpu.memory_space<vmem>>
    %dma_start3A_159 = tpu.memref_squeeze %dma_start3A_158 : memref<1x4096xf32, #tpu.memory_space<vmem>> -> memref<4096xf32, #tpu.memory_space<vmem>>
    %dma_start3A_160 = tpu.memref_slice %arg2[%add3A_149] : memref<26214400xf32, #tpu.memory_space<hbm>> -> memref<4096xf32, #tpu.memory_space<hbm>>
    %dma_start3A_161 = tpu.memref_slice %arg5[%dma_start3A_152] : memref<2x!tpu.dma_semaphore, #tpu.memory_space<semaphore_mem>> -> memref<1x!tpu.dma_semaphore, #tpu.memory_space<semaphore_mem>>
    %dma_start3A_162 = tpu.memref_squeeze %dma_start3A_161 : memref<1x!tpu.dma_semaphore, #tpu.memory_space<semaphore_mem>> -> memref<!tpu.dma_semaphore, #tpu.memory_space<semaphore_mem>>
    %dma_start3A_163 = arith.constant 0 : i32
    %dma_start3A_164 = arith.constant 0 : i32
    %dma_start3A_165 = tpu.memref_slice %arg4[%dma_start3A_150, %dma_start3A_163, %dma_start3A_164] : memref<2x8x4096xf32, #tpu.memory_space<vmem>> -> memref<1x8x4096xf32, #tpu.memory_space<vmem>>
    %dma_start3A_166 = tpu.memref_squeeze %dma_start3A_165 : memref<1x8x4096xf32, #tpu.memory_space<vmem>> -> memref<8x4096xf32, #tpu.memory_space<vmem>>
    %dma_start3A_167 = arith.constant 0 : i32
    %dma_start3A_168 = tpu.memref_slice %dma_start3A_166[%dma_start3A_151, %dma_start3A_167] : memref<8x4096xf32, #tpu.memory_space<vmem>> -> memref<1x4096xf32, #tpu.memory_space<vmem>>
    %dma_start3A_169 = tpu.memref_squeeze %dma_start3A_168 : memref<1x4096xf32, #tpu.memory_space<vmem>> -> memref<4096xf32, #tpu.memory_space<vmem>>
    %dma_start3A_170 = tpu.memref_slice %arg2[%add3A_149] : memref<26214400xf32, #tpu.memory_space<hbm>> -> memref<4096xf32, #tpu.memory_space<hbm>>
    tpu.enqueue_dma source(%dma_start3A_170 : memref<4096xf32, #tpu.memory_space<hbm>>) target(%dma_start3A_169 : memref<4096xf32, #tpu.memory_space<vmem>>) target_semaphore(%dma_start3A_162 : memref<!tpu.dma_semaphore, #tpu.memory_space<semaphore_mem>>)
    %mul3A_171 = arith.constant 524288 : i32
    %mul3A_172 = arith.muli %select_n3A, %mul3A_171 : i32
    %mul3A_173 = arith.constant 8 : i32
    %mul3A_174 = arith.muli %select_n3A_56, %mul3A_173 : i32
    %add3A_175 = arith.constant 3 : i32
    %add3A_176 = arith.addi %mul3A_174, %add3A_175 : i32
    %mul3A_177 = arith.constant 16384 : i32
    %mul3A_178 = arith.muli %add3A_176, %mul3A_177 : i32
    %add3A_179 = arith.addi %mul3A_172, %mul3A_178 : i32
    %mul3A_180 = arith.constant 4096 : i32
    %mul3A_181 = arith.muli %select_n3A_72, %mul3A_180 : i32
    %add3A_182 = arith.addi %add3A_179, %mul3A_181 : i32
    %dma_start3A_183 = arith.constant 0 : i32
    %dma_start3A_184 = arith.constant 3 : i32
    %dma_start3A_185 = arith.constant 0 : i32
    %dma_start3A_186 = arith.constant 0 : i32
    %dma_start3A_187 = arith.constant 0 : i32
    %dma_start3A_188 = tpu.memref_slice %arg4[%dma_start3A_183, %dma_start3A_186, %dma_start3A_187] : memref<2x8x4096xf32, #tpu.memory_space<vmem>> -> memref<1x8x4096xf32, #tpu.memory_space<vmem>>
    %dma_start3A_189 = tpu.memref_squeeze %dma_start3A_188 : memref<1x8x4096xf32, #tpu.memory_space<vmem>> -> memref<8x4096xf32, #tpu.memory_space<vmem>>
    %dma_start3A_190 = arith.constant 0 : i32
    %dma_start3A_191 = tpu.memref_slice %dma_start3A_189[%dma_start3A_184, %dma_start3A_190] : memref<8x4096xf32, #tpu.memory_space<vmem>> -> memref<1x4096xf32, #tpu.memory_space<vmem>>
    %dma_start3A_192 = tpu.memref_squeeze %dma_start3A_191 : memref<1x4096xf32, #tpu.memory_space<vmem>> -> memref<4096xf32, #tpu.memory_space<vmem>>
    %dma_start3A_193 = tpu.memref_slice %arg2[%add3A_182] : memref<26214400xf32, #tpu.memory_space<hbm>> -> memref<4096xf32, #tpu.memory_space<hbm>>
    %dma_start3A_194 = tpu.memref_slice %arg5[%dma_start3A_185] : memref<2x!tpu.dma_semaphore, #tpu.memory_space<semaphore_mem>> -> memref<1x!tpu.dma_semaphore, #tpu.memory_space<semaphore_mem>>
    %dma_start3A_195 = tpu.memref_squeeze %dma_start3A_194 : memref<1x!tpu.dma_semaphore, #tpu.memory_space<semaphore_mem>> -> memref<!tpu.dma_semaphore, #tpu.memory_space<semaphore_mem>>
    %dma_start3A_196 = arith.constant 0 : i32
    %dma_start3A_197 = arith.constant 0 : i32
    %dma_start3A_198 = tpu.memref_slice %arg4[%dma_start3A_183, %dma_start3A_196, %dma_start3A_197] : memref<2x8x4096xf32, #tpu.memory_space<vmem>> -> memref<1x8x4096xf32, #tpu.memory_space<vmem>>
    %dma_start3A_199 = tpu.memref_squeeze %dma_start3A_198 : memref<1x8x4096xf32, #tpu.memory_space<vmem>> -> memref<8x4096xf32, #tpu.memory_space<vmem>>
    %dma_start3A_200 = arith.constant 0 : i32
    %dma_start3A_201 = tpu.memref_slice %dma_start3A_199[%dma_start3A_184, %dma_start3A_200] : memref<8x4096xf32, #tpu.memory_space<vmem>> -> memref<1x4096xf32, #tpu.memory_space<vmem>>
    %dma_start3A_202 = tpu.memref_squeeze %dma_start3A_201 : memref<1x4096xf32, #tpu.memory_space<vmem>> -> memref<4096xf32, #tpu.memory_space<vmem>>
    %dma_start3A_203 = tpu.memref_slice %arg2[%add3A_182] : memref<26214400xf32, #tpu.memory_space<hbm>> -> memref<4096xf32, #tpu.memory_space<hbm>>
    tpu.enqueue_dma source(%dma_start3A_203 : memref<4096xf32, #tpu.memory_space<hbm>>) target(%dma_start3A_202 : memref<4096xf32, #tpu.memory_space<vmem>>) target_semaphore(%dma_start3A_195 : memref<!tpu.dma_semaphore, #tpu.memory_space<semaphore_mem>>)
    %mul3A_204 = arith.constant 524288 : i32
    %mul3A_205 = arith.muli %select_n3A, %mul3A_204 : i32
    %mul3A_206 = arith.constant 8 : i32
    %mul3A_207 = arith.muli %select_n3A_56, %mul3A_206 : i32
    %add3A_208 = arith.constant 4 : i32
    %add3A_209 = arith.addi %mul3A_207, %add3A_208 : i32
    %mul3A_210 = arith.constant 16384 : i32
    %mul3A_211 = arith.muli %add3A_209, %mul3A_210 : i32
    %add3A_212 = arith.addi %mul3A_205, %mul3A_211 : i32
    %mul3A_213 = arith.constant 4096 : i32
    %mul3A_214 = arith.muli %select_n3A_72, %mul3A_213 : i32
    %add3A_215 = arith.addi %add3A_212, %mul3A_214 : i32
    %dma_start3A_216 = arith.constant 0 : i32
    %dma_start3A_217 = arith.constant 4 : i32
    %dma_start3A_218 = arith.constant 0 : i32
    %dma_start3A_219 = arith.constant 0 : i32
    %dma_start3A_220 = arith.constant 0 : i32
    %dma_start3A_221 = tpu.memref_slice %arg4[%dma_start3A_216, %dma_start3A_219, %dma_start3A_220] : memref<2x8x4096xf32, #tpu.memory_space<vmem>> -> memref<1x8x4096xf32, #tpu.memory_space<vmem>>
    %dma_start3A_222 = tpu.memref_squeeze %dma_start3A_221 : memref<1x8x4096xf32, #tpu.memory_space<vmem>> -> memref<8x4096xf32, #tpu.memory_space<vmem>>
    %dma_start3A_223 = arith.constant 0 : i32
    %dma_start3A_224 = tpu.memref_slice %dma_start3A_222[%dma_start3A_217, %dma_start3A_223] : memref<8x4096xf32, #tpu.memory_space<vmem>> -> memref<1x4096xf32, #tpu.memory_space<vmem>>
    %dma_start3A_225 = tpu.memref_squeeze %dma_start3A_224 : memref<1x4096xf32, #tpu.memory_space<vmem>> -> memref<4096xf32, #tpu.memory_space<vmem>>
    %dma_start3A_226 = tpu.memref_slice %arg2[%add3A_215] : memref<26214400xf32, #tpu.memory_space<hbm>> -> memref<4096xf32, #tpu.memory_space<hbm>>
    %dma_start3A_227 = tpu.memref_slice %arg5[%dma_start3A_218] : memref<2x!tpu.dma_semaphore, #tpu.memory_space<semaphore_mem>> -> memref<1x!tpu.dma_semaphore, #tpu.memory_space<semaphore_mem>>
    %dma_start3A_228 = tpu.memref_squeeze %dma_start3A_227 : memref<1x!tpu.dma_semaphore, #tpu.memory_space<semaphore_mem>> -> memref<!tpu.dma_semaphore, #tpu.memory_space<semaphore_mem>>
    %dma_start3A_229 = arith.constant 0 : i32
    %dma_start3A_230 = arith.constant 0 : i32
    %dma_start3A_231 = tpu.memref_slice %arg4[%dma_start3A_216, %dma_start3A_229, %dma_start3A_230] : memref<2x8x4096xf32, #tpu.memory_space<vmem>> -> memref<1x8x4096xf32, #tpu.memory_space<vmem>>
    %dma_start3A_232 = tpu.memref_squeeze %dma_start3A_231 : memref<1x8x4096xf32, #tpu.memory_space<vmem>> -> memref<8x4096xf32, #tpu.memory_space<vmem>>
    %dma_start3A_233 = arith.constant 0 : i32
    %dma_start3A_234 = tpu.memref_slice %dma_start3A_232[%dma_start3A_217, %dma_start3A_233] : memref<8x4096xf32, #tpu.memory_space<vmem>> -> memref<1x4096xf32, #tpu.memory_space<vmem>>
    %dma_start3A_235 = tpu.memref_squeeze %dma_start3A_234 : memref<1x4096xf32, #tpu.memory_space<vmem>> -> memref<4096xf32, #tpu.memory_space<vmem>>
    %dma_start3A_236 = tpu.memref_slice %arg2[%add3A_215] : memref<26214400xf32, #tpu.memory_space<hbm>> -> memref<4096xf32, #tpu.memory_space<hbm>>
    tpu.enqueue_dma source(%dma_start3A_236 : memref<4096xf32, #tpu.memory_space<hbm>>) target(%dma_start3A_235 : memref<4096xf32, #tpu.memory_space<vmem>>) target_semaphore(%dma_start3A_228 : memref<!tpu.dma_semaphore, #tpu.memory_space<semaphore_mem>>)
    %mul3A_237 = arith.constant 524288 : i32
    %mul3A_238 = arith.muli %select_n3A, %mul3A_237 : i32
    %mul3A_239 = arith.constant 8 : i32
    %mul3A_240 = arith.muli %select_n3A_56, %mul3A_239 : i32
    %add3A_241 = arith.constant 5 : i32
    %add3A_242 = arith.addi %mul3A_240, %add3A_241 : i32
    %mul3A_243 = arith.constant 16384 : i32
    %mul3A_244 = arith.muli %add3A_242, %mul3A_243 : i32
    %add3A_245 = arith.addi %mul3A_238, %mul3A_244 : i32
    %mul3A_246 = arith.constant 4096 : i32
    %mul3A_247 = arith.muli %select_n3A_72, %mul3A_246 : i32
    %add3A_248 = arith.addi %add3A_245, %mul3A_247 : i32
    %dma_start3A_249 = arith.constant 0 : i32
    %dma_start3A_250 = arith.constant 5 : i32
    %dma_start3A_251 = arith.constant 0 : i32
    %dma_start3A_252 = arith.constant 0 : i32
    %dma_start3A_253 = arith.constant 0 : i32
    %dma_start3A_254 = tpu.memref_slice %arg4[%dma_start3A_249, %dma_start3A_252, %dma_start3A_253] : memref<2x8x4096xf32, #tpu.memory_space<vmem>> -> memref<1x8x4096xf32, #tpu.memory_space<vmem>>
    %dma_start3A_255 = tpu.memref_squeeze %dma_start3A_254 : memref<1x8x4096xf32, #tpu.memory_space<vmem>> -> memref<8x4096xf32, #tpu.memory_space<vmem>>
    %dma_start3A_256 = arith.constant 0 : i32
    %dma_start3A_257 = tpu.memref_slice %dma_start3A_255[%dma_start3A_250, %dma_start3A_256] : memref<8x4096xf32, #tpu.memory_space<vmem>> -> memref<1x4096xf32, #tpu.memory_space<vmem>>
    %dma_start3A_258 = tpu.memref_squeeze %dma_start3A_257 : memref<1x4096xf32, #tpu.memory_space<vmem>> -> memref<4096xf32, #tpu.memory_space<vmem>>
    %dma_start3A_259 = tpu.memref_slice %arg2[%add3A_248] : memref<26214400xf32, #tpu.memory_space<hbm>> -> memref<4096xf32, #tpu.memory_space<hbm>>
    %dma_start3A_260 = tpu.memref_slice %arg5[%dma_start3A_251] : memref<2x!tpu.dma_semaphore, #tpu.memory_space<semaphore_mem>> -> memref<1x!tpu.dma_semaphore, #tpu.memory_space<semaphore_mem>>
    %dma_start3A_261 = tpu.memref_squeeze %dma_start3A_260 : memref<1x!tpu.dma_semaphore, #tpu.memory_space<semaphore_mem>> -> memref<!tpu.dma_semaphore, #tpu.memory_space<semaphore_mem>>
    %dma_start3A_262 = arith.constant 0 : i32
    %dma_start3A_263 = arith.constant 0 : i32
    %dma_start3A_264 = tpu.memref_slice %arg4[%dma_start3A_249, %dma_start3A_262, %dma_start3A_263] : memref<2x8x4096xf32, #tpu.memory_space<vmem>> -> memref<1x8x4096xf32, #tpu.memory_space<vmem>>
    %dma_start3A_265 = tpu.memref_squeeze %dma_start3A_264 : memref<1x8x4096xf32, #tpu.memory_space<vmem>> -> memref<8x4096xf32, #tpu.memory_space<vmem>>
    %dma_start3A_266 = arith.constant 0 : i32
    %dma_start3A_267 = tpu.memref_slice %dma_start3A_265[%dma_start3A_250, %dma_start3A_266] : memref<8x4096xf32, #tpu.memory_space<vmem>> -> memref<1x4096xf32, #tpu.memory_space<vmem>>
    %dma_start3A_268 = tpu.memref_squeeze %dma_start3A_267 : memref<1x4096xf32, #tpu.memory_space<vmem>> -> memref<4096xf32, #tpu.memory_space<vmem>>
    %dma_start3A_269 = tpu.memref_slice %arg2[%add3A_248] : memref<26214400xf32, #tpu.memory_space<hbm>> -> memref<4096xf32, #tpu.memory_space<hbm>>
    tpu.enqueue_dma source(%dma_start3A_269 : memref<4096xf32, #tpu.memory_space<hbm>>) target(%dma_start3A_268 : memref<4096xf32, #tpu.memory_space<vmem>>) target_semaphore(%dma_start3A_261 : memref<!tpu.dma_semaphore, #tpu.memory_space<semaphore_mem>>)
    %mul3A_270 = arith.constant 524288 : i32
    %mul3A_271 = arith.muli %select_n3A, %mul3A_270 : i32
    %mul3A_272 = arith.constant 8 : i32
    %mul3A_273 = arith.muli %select_n3A_56, %mul3A_272 : i32
    %add3A_274 = arith.constant 6 : i32
    %add3A_275 = arith.addi %mul3A_273, %add3A_274 : i32
    %mul3A_276 = arith.constant 16384 : i32
    %mul3A_277 = arith.muli %add3A_275, %mul3A_276 : i32
    %add3A_278 = arith.addi %mul3A_271, %mul3A_277 : i32
    %mul3A_279 = arith.constant 4096 : i32
    %mul3A_280 = arith.muli %select_n3A_72, %mul3A_279 : i32
    %add3A_281 = arith.addi %add3A_278, %mul3A_280 : i32
    %dma_start3A_282 = arith.constant 0 : i32
    %dma_start3A_283 = arith.constant 6 : i32
    %dma_start3A_284 = arith.constant 0 : i32
    %dma_start3A_285 = arith.constant 0 : i32
    %dma_start3A_286 = arith.constant 0 : i32
    %dma_start3A_287 = tpu.memref_slice %arg4[%dma_start3A_282, %dma_start3A_285, %dma_start3A_286] : memref<2x8x4096xf32, #tpu.memory_space<vmem>> -> memref<1x8x4096xf32, #tpu.memory_space<vmem>>
    %dma_start3A_288 = tpu.memref_squeeze %dma_start3A_287 : memref<1x8x4096xf32, #tpu.memory_space<vmem>> -> memref<8x4096xf32, #tpu.memory_space<vmem>>
    %dma_start3A_289 = arith.constant 0 : i32
    %dma_start3A_290 = tpu.memref_slice %dma_start3A_288[%dma_start3A_283, %dma_start3A_289] : memref<8x4096xf32, #tpu.memory_space<vmem>> -> memref<1x4096xf32, #tpu.memory_space<vmem>>
    %dma_start3A_291 = tpu.memref_squeeze %dma_start3A_290 : memref<1x4096xf32, #tpu.memory_space<vmem>> -> memref<4096xf32, #tpu.memory_space<vmem>>
    %dma_start3A_292 = tpu.memref_slice %arg2[%add3A_281] : memref<26214400xf32, #tpu.memory_space<hbm>> -> memref<4096xf32, #tpu.memory_space<hbm>>
    %dma_start3A_293 = tpu.memref_slice %arg5[%dma_start3A_284] : memref<2x!tpu.dma_semaphore, #tpu.memory_space<semaphore_mem>> -> memref<1x!tpu.dma_semaphore, #tpu.memory_space<semaphore_mem>>
    %dma_start3A_294 = tpu.memref_squeeze %dma_start3A_293 : memref<1x!tpu.dma_semaphore, #tpu.memory_space<semaphore_mem>> -> memref<!tpu.dma_semaphore, #tpu.memory_space<semaphore_mem>>
    %dma_start3A_295 = arith.constant 0 : i32
    %dma_start3A_296 = arith.constant 0 : i32
    %dma_start3A_297 = tpu.memref_slice %arg4[%dma_start3A_282, %dma_start3A_295, %dma_start3A_296] : memref<2x8x4096xf32, #tpu.memory_space<vmem>> -> memref<1x8x4096xf32, #tpu.memory_space<vmem>>
    %dma_start3A_298 = tpu.memref_squeeze %dma_start3A_297 : memref<1x8x4096xf32, #tpu.memory_space<vmem>> -> memref<8x4096xf32, #tpu.memory_space<vmem>>
    %dma_start3A_299 = arith.constant 0 : i32
    %dma_start3A_300 = tpu.memref_slice %dma_start3A_298[%dma_start3A_283, %dma_start3A_299] : memref<8x4096xf32, #tpu.memory_space<vmem>> -> memref<1x4096xf32, #tpu.memory_space<vmem>>
    %dma_start3A_301 = tpu.memref_squeeze %dma_start3A_300 : memref<1x4096xf32, #tpu.memory_space<vmem>> -> memref<4096xf32, #tpu.memory_space<vmem>>
    %dma_start3A_302 = tpu.memref_slice %arg2[%add3A_281] : memref<26214400xf32, #tpu.memory_space<hbm>> -> memref<4096xf32, #tpu.memory_space<hbm>>
    tpu.enqueue_dma source(%dma_start3A_302 : memref<4096xf32, #tpu.memory_space<hbm>>) target(%dma_start3A_301 : memref<4096xf32, #tpu.memory_space<vmem>>) target_semaphore(%dma_start3A_294 : memref<!tpu.dma_semaphore, #tpu.memory_space<semaphore_mem>>)
    %mul3A_303 = arith.constant 524288 : i32
    %mul3A_304 = arith.muli %select_n3A, %mul3A_303 : i32
    %mul3A_305 = arith.constant 8 : i32
    %mul3A_306 = arith.muli %select_n3A_56, %mul3A_305 : i32
    %add3A_307 = arith.constant 7 : i32
    %add3A_308 = arith.addi %mul3A_306, %add3A_307 : i32
    %mul3A_309 = arith.constant 16384 : i32
    %mul3A_310 = arith.muli %add3A_308, %mul3A_309 : i32
    %add3A_311 = arith.addi %mul3A_304, %mul3A_310 : i32
    %mul3A_312 = arith.constant 4096 : i32
    %mul3A_313 = arith.muli %select_n3A_72, %mul3A_312 : i32
    %add3A_314 = arith.addi %add3A_311, %mul3A_313 : i32
    %dma_start3A_315 = arith.constant 0 : i32
    %dma_start3A_316 = arith.constant 7 : i32
    %dma_start3A_317 = arith.constant 0 : i32
    %dma_start3A_318 = arith.constant 0 : i32
    %dma_start3A_319 = arith.constant 0 : i32
    %dma_start3A_320 = tpu.memref_slice %arg4[%dma_start3A_315, %dma_start3A_318, %dma_start3A_319] : memref<2x8x4096xf32, #tpu.memory_space<vmem>> -> memref<1x8x4096xf32, #tpu.memory_space<vmem>>
    %dma_start3A_321 = tpu.memref_squeeze %dma_start3A_320 : memref<1x8x4096xf32, #tpu.memory_space<vmem>> -> memref<8x4096xf32, #tpu.memory_space<vmem>>
    %dma_start3A_322 = arith.constant 0 : i32
    %dma_start3A_323 = tpu.memref_slice %dma_start3A_321[%dma_start3A_316, %dma_start3A_322] : memref<8x4096xf32, #tpu.memory_space<vmem>> -> memref<1x4096xf32, #tpu.memory_space<vmem>>
    %dma_start3A_324 = tpu.memref_squeeze %dma_start3A_323 : memref<1x4096xf32, #tpu.memory_space<vmem>> -> memref<4096xf32, #tpu.memory_space<vmem>>
    %dma_start3A_325 = tpu.memref_slice %arg2[%add3A_314] : memref<26214400xf32, #tpu.memory_space<hbm>> -> memref<4096xf32, #tpu.memory_space<hbm>>
    %dma_start3A_326 = tpu.memref_slice %arg5[%dma_start3A_317] : memref<2x!tpu.dma_semaphore, #tpu.memory_space<semaphore_mem>> -> memref<1x!tpu.dma_semaphore, #tpu.memory_space<semaphore_mem>>
    %dma_start3A_327 = tpu.memref_squeeze %dma_start3A_326 : memref<1x!tpu.dma_semaphore, #tpu.memory_space<semaphore_mem>> -> memref<!tpu.dma_semaphore, #tpu.memory_space<semaphore_mem>>
    %dma_start3A_328 = arith.constant 0 : i32
    %dma_start3A_329 = arith.constant 0 : i32
    %dma_start3A_330 = tpu.memref_slice %arg4[%dma_start3A_315, %dma_start3A_328, %dma_start3A_329] : memref<2x8x4096xf32, #tpu.memory_space<vmem>> -> memref<1x8x4096xf32, #tpu.memory_space<vmem>>
    %dma_start3A_331 = tpu.memref_squeeze %dma_start3A_330 : memref<1x8x4096xf32, #tpu.memory_space<vmem>> -> memref<8x4096xf32, #tpu.memory_space<vmem>>
    %dma_start3A_332 = arith.constant 0 : i32
    %dma_start3A_333 = tpu.memref_slice %dma_start3A_331[%dma_start3A_316, %dma_start3A_332] : memref<8x4096xf32, #tpu.memory_space<vmem>> -> memref<1x4096xf32, #tpu.memory_space<vmem>>
    %dma_start3A_334 = tpu.memref_squeeze %dma_start3A_333 : memref<1x4096xf32, #tpu.memory_space<vmem>> -> memref<4096xf32, #tpu.memory_space<vmem>>
    %dma_start3A_335 = tpu.memref_slice %arg2[%add3A_314] : memref<26214400xf32, #tpu.memory_space<hbm>> -> memref<4096xf32, #tpu.memory_space<hbm>>
    tpu.enqueue_dma source(%dma_start3A_335 : memref<4096xf32, #tpu.memory_space<hbm>>) target(%dma_start3A_334 : memref<4096xf32, #tpu.memory_space<vmem>>) target_semaphore(%dma_start3A_327 : memref<!tpu.dma_semaphore, #tpu.memory_space<semaphore_mem>>)
    %scan3A = arith.constant 0 : i32
    %scan3A_336 = arith.constant 0 : i32
    %scan3A_337 = arith.constant 13 : i32
    %scan3A_338 = arith.addi %scan3A_336, %scan3A_337 : i32
    %scan3A_339 = arith.constant 1 : i32
    scf.for %scan3A_394 = %scan3A_336 to %scan3A_338 step %scan3A_339  : i32 {
      %mul3A_395 = arith.constant 2 : i32
      %mul3A_396 = arith.muli %scan3A_394, %mul3A_395 : i32
      %add3A_397 = arith.constant 0 : i32
      %add3A_398 = arith.addi %mul3A_396, %add3A_397 : i32
      %lt3A_399 = arith.constant 25 : i32
      %lt3A_400 = arith.cmpi slt, %add3A_398, %lt3A_399 : i32
      %convert_element_type3A = arith.extui %lt3A_400 : i1 to i32
      %cond3A = arith.constant 0 : i32
      %cond3A_401 = arith.cmpi ne, %convert_element_type3A, %cond3A : i32
      scf.if %cond3A_401 {
        %add3A_411 = arith.addi %mul3A_2, %add3A_398 : i32
        %dma_wait3A_412 = arith.constant 0 : i32
        %dma_wait3A_413 = arith.constant 0 : i32
        %dma_wait3A_414 = arith.constant 0 : i32
        %dma_wait3A_415 = arith.constant 0 : i32
        %dma_wait3A_416 = arith.constant 0 : i32
        %dma_wait3A_417 = tpu.memref_slice %arg4[%dma_wait3A_412, %dma_wait3A_415, %dma_wait3A_416] : memref<2x8x4096xf32, #tpu.memory_space<vmem>> -> memref<1x8x4096xf32, #tpu.memory_space<vmem>>
        %dma_wait3A_418 = tpu.memref_squeeze %dma_wait3A_417 : memref<1x8x4096xf32, #tpu.memory_space<vmem>> -> memref<8x4096xf32, #tpu.memory_space<vmem>>
        %dma_wait3A_419 = arith.constant 0 : i32
        %dma_wait3A_420 = tpu.memref_slice %dma_wait3A_418[%dma_wait3A_413, %dma_wait3A_419] : memref<8x4096xf32, #tpu.memory_space<vmem>> -> memref<1x4096xf32, #tpu.memory_space<vmem>>
        %dma_wait3A_421 = tpu.memref_squeeze %dma_wait3A_420 : memref<1x4096xf32, #tpu.memory_space<vmem>> -> memref<4096xf32, #tpu.memory_space<vmem>>
        %dma_wait3A_422 = arith.constant 0 : i32
        %dma_wait3A_423 = tpu.memref_slice %arg2[%dma_wait3A_422] : memref<26214400xf32, #tpu.memory_space<hbm>> -> memref<4096xf32, #tpu.memory_space<hbm>>
        %dma_wait3A_424 = tpu.memref_slice %arg5[%dma_wait3A_414] : memref<2x!tpu.dma_semaphore, #tpu.memory_space<semaphore_mem>> -> memref<1x!tpu.dma_semaphore, #tpu.memory_space<semaphore_mem>>
        %dma_wait3A_425 = tpu.memref_squeeze %dma_wait3A_424 : memref<1x!tpu.dma_semaphore, #tpu.memory_space<semaphore_mem>> -> memref<!tpu.dma_semaphore, #tpu.memory_space<semaphore_mem>>
        %dma_wait3A_426 = arith.constant 0 : i32
        %dma_wait3A_427 = arith.constant 0 : i32
        %dma_wait3A_428 = tpu.memref_slice %arg4[%dma_wait3A_412, %dma_wait3A_426, %dma_wait3A_427] : memref<2x8x4096xf32, #tpu.memory_space<vmem>> -> memref<1x8x4096xf32, #tpu.memory_space<vmem>>
        %dma_wait3A_429 = tpu.memref_squeeze %dma_wait3A_428 : memref<1x8x4096xf32, #tpu.memory_space<vmem>> -> memref<8x4096xf32, #tpu.memory_space<vmem>>
        %dma_wait3A_430 = arith.constant 0 : i32
        %dma_wait3A_431 = tpu.memref_slice %dma_wait3A_429[%dma_wait3A_413, %dma_wait3A_430] : memref<8x4096xf32, #tpu.memory_space<vmem>> -> memref<1x4096xf32, #tpu.memory_space<vmem>>
        %dma_wait3A_432 = tpu.memref_squeeze %dma_wait3A_431 : memref<1x4096xf32, #tpu.memory_space<vmem>> -> memref<4096xf32, #tpu.memory_space<vmem>>
        %dma_wait3A_433 = arith.constant 0 : i32
        %dma_wait3A_434 = tpu.memref_slice %arg2[%dma_wait3A_433] : memref<26214400xf32, #tpu.memory_space<hbm>> -> memref<4096xf32, #tpu.memory_space<hbm>>
        tpu.wait_dma2 semaphore(%dma_wait3A_425 : memref<!tpu.dma_semaphore, #tpu.memory_space<semaphore_mem>>) src(%dma_wait3A_434 : memref<4096xf32, #tpu.memory_space<hbm>>) dst(%dma_wait3A_432 : memref<4096xf32, #tpu.memory_space<vmem>>)
        %dma_wait3A_435 = arith.constant 0 : i32
        %dma_wait3A_436 = arith.constant 1 : i32
        %dma_wait3A_437 = arith.constant 0 : i32
        %dma_wait3A_438 = arith.constant 0 : i32
        %dma_wait3A_439 = arith.constant 0 : i32
        %dma_wait3A_440 = tpu.memref_slice %arg4[%dma_wait3A_435, %dma_wait3A_438, %dma_wait3A_439] : memref<2x8x4096xf32, #tpu.memory_space<vmem>> -> memref<1x8x4096xf32, #tpu.memory_space<vmem>>
        %dma_wait3A_441 = tpu.memref_squeeze %dma_wait3A_440 : memref<1x8x4096xf32, #tpu.memory_space<vmem>> -> memref<8x4096xf32, #tpu.memory_space<vmem>>
        %dma_wait3A_442 = arith.constant 0 : i32
        %dma_wait3A_443 = tpu.memref_slice %dma_wait3A_441[%dma_wait3A_436, %dma_wait3A_442] : memref<8x4096xf32, #tpu.memory_space<vmem>> -> memref<1x4096xf32, #tpu.memory_space<vmem>>
        %dma_wait3A_444 = tpu.memref_squeeze %dma_wait3A_443 : memref<1x4096xf32, #tpu.memory_space<vmem>> -> memref<4096xf32, #tpu.memory_space<vmem>>
        %dma_wait3A_445 = arith.constant 0 : i32
        %dma_wait3A_446 = tpu.memref_slice %arg2[%dma_wait3A_445] : memref<26214400xf32, #tpu.memory_space<hbm>> -> memref<4096xf32, #tpu.memory_space<hbm>>
        %dma_wait3A_447 = tpu.memref_slice %arg5[%dma_wait3A_437] : memref<2x!tpu.dma_semaphore, #tpu.memory_space<semaphore_mem>> -> memref<1x!tpu.dma_semaphore, #tpu.memory_space<semaphore_mem>>
        %dma_wait3A_448 = tpu.memref_squeeze %dma_wait3A_447 : memref<1x!tpu.dma_semaphore, #tpu.memory_space<semaphore_mem>> -> memref<!tpu.dma_semaphore, #tpu.memory_space<semaphore_mem>>
        %dma_wait3A_449 = arith.constant 0 : i32
        %dma_wait3A_450 = arith.constant 0 : i32
        %dma_wait3A_451 = tpu.memref_slice %arg4[%dma_wait3A_435, %dma_wait3A_449, %dma_wait3A_450] : memref<2x8x4096xf32, #tpu.memory_space<vmem>> -> memref<1x8x4096xf32, #tpu.memory_space<vmem>>
        %dma_wait3A_452 = tpu.memref_squeeze %dma_wait3A_451 : memref<1x8x4096xf32, #tpu.memory_space<vmem>> -> memref<8x4096xf32, #tpu.memory_space<vmem>>
        %dma_wait3A_453 = arith.constant 0 : i32
        %dma_wait3A_454 = tpu.memref_slice %dma_wait3A_452[%dma_wait3A_436, %dma_wait3A_453] : memref<8x4096xf32, #tpu.memory_space<vmem>> -> memref<1x4096xf32, #tpu.memory_space<vmem>>
        %dma_wait3A_455 = tpu.memref_squeeze %dma_wait3A_454 : memref<1x4096xf32, #tpu.memory_space<vmem>> -> memref<4096xf32, #tpu.memory_space<vmem>>
        %dma_wait3A_456 = arith.constant 0 : i32
        %dma_wait3A_457 = tpu.memref_slice %arg2[%dma_wait3A_456] : memref<26214400xf32, #tpu.memory_space<hbm>> -> memref<4096xf32, #tpu.memory_space<hbm>>
        tpu.wait_dma2 semaphore(%dma_wait3A_448 : memref<!tpu.dma_semaphore, #tpu.memory_space<semaphore_mem>>) src(%dma_wait3A_457 : memref<4096xf32, #tpu.memory_space<hbm>>) dst(%dma_wait3A_455 : memref<4096xf32, #tpu.memory_space<vmem>>)
        %dma_wait3A_458 = arith.constant 0 : i32
        %dma_wait3A_459 = arith.constant 2 : i32
        %dma_wait3A_460 = arith.constant 0 : i32
        %dma_wait3A_461 = arith.constant 0 : i32
        %dma_wait3A_462 = arith.constant 0 : i32
        %dma_wait3A_463 = tpu.memref_slice %arg4[%dma_wait3A_458, %dma_wait3A_461, %dma_wait3A_462] : memref<2x8x4096xf32, #tpu.memory_space<vmem>> -> memref<1x8x4096xf32, #tpu.memory_space<vmem>>
        %dma_wait3A_464 = tpu.memref_squeeze %dma_wait3A_463 : memref<1x8x4096xf32, #tpu.memory_space<vmem>> -> memref<8x4096xf32, #tpu.memory_space<vmem>>
        %dma_wait3A_465 = arith.constant 0 : i32
        %dma_wait3A_466 = tpu.memref_slice %dma_wait3A_464[%dma_wait3A_459, %dma_wait3A_465] : memref<8x4096xf32, #tpu.memory_space<vmem>> -> memref<1x4096xf32, #tpu.memory_space<vmem>>
        %dma_wait3A_467 = tpu.memref_squeeze %dma_wait3A_466 : memref<1x4096xf32, #tpu.memory_space<vmem>> -> memref<4096xf32, #tpu.memory_space<vmem>>
        %dma_wait3A_468 = arith.constant 0 : i32
        %dma_wait3A_469 = tpu.memref_slice %arg2[%dma_wait3A_468] : memref<26214400xf32, #tpu.memory_space<hbm>> -> memref<4096xf32, #tpu.memory_space<hbm>>
        %dma_wait3A_470 = tpu.memref_slice %arg5[%dma_wait3A_460] : memref<2x!tpu.dma_semaphore, #tpu.memory_space<semaphore_mem>> -> memref<1x!tpu.dma_semaphore, #tpu.memory_space<semaphore_mem>>
        %dma_wait3A_471 = tpu.memref_squeeze %dma_wait3A_470 : memref<1x!tpu.dma_semaphore, #tpu.memory_space<semaphore_mem>> -> memref<!tpu.dma_semaphore, #tpu.memory_space<semaphore_mem>>
        %dma_wait3A_472 = arith.constant 0 : i32
        %dma_wait3A_473 = arith.constant 0 : i32
        %dma_wait3A_474 = tpu.memref_slice %arg4[%dma_wait3A_458, %dma_wait3A_472, %dma_wait3A_473] : memref<2x8x4096xf32, #tpu.memory_space<vmem>> -> memref<1x8x4096xf32, #tpu.memory_space<vmem>>
        %dma_wait3A_475 = tpu.memref_squeeze %dma_wait3A_474 : memref<1x8x4096xf32, #tpu.memory_space<vmem>> -> memref<8x4096xf32, #tpu.memory_space<vmem>>
        %dma_wait3A_476 = arith.constant 0 : i32
        %dma_wait3A_477 = tpu.memref_slice %dma_wait3A_475[%dma_wait3A_459, %dma_wait3A_476] : memref<8x4096xf32, #tpu.memory_space<vmem>> -> memref<1x4096xf32, #tpu.memory_space<vmem>>
        %dma_wait3A_478 = tpu.memref_squeeze %dma_wait3A_477 : memref<1x4096xf32, #tpu.memory_space<vmem>> -> memref<4096xf32, #tpu.memory_space<vmem>>
        %dma_wait3A_479 = arith.constant 0 : i32
        %dma_wait3A_480 = tpu.memref_slice %arg2[%dma_wait3A_479] : memref<26214400xf32, #tpu.memory_space<hbm>> -> memref<4096xf32, #tpu.memory_space<hbm>>
        tpu.wait_dma2 semaphore(%dma_wait3A_471 : memref<!tpu.dma_semaphore, #tpu.memory_space<semaphore_mem>>) src(%dma_wait3A_480 : memref<4096xf32, #tpu.memory_space<hbm>>) dst(%dma_wait3A_478 : memref<4096xf32, #tpu.memory_space<vmem>>)
        %dma_wait3A_481 = arith.constant 0 : i32
        %dma_wait3A_482 = arith.constant 3 : i32
        %dma_wait3A_483 = arith.constant 0 : i32
        %dma_wait3A_484 = arith.constant 0 : i32
        %dma_wait3A_485 = arith.constant 0 : i32
        %dma_wait3A_486 = tpu.memref_slice %arg4[%dma_wait3A_481, %dma_wait3A_484, %dma_wait3A_485] : memref<2x8x4096xf32, #tpu.memory_space<vmem>> -> memref<1x8x4096xf32, #tpu.memory_space<vmem>>
        %dma_wait3A_487 = tpu.memref_squeeze %dma_wait3A_486 : memref<1x8x4096xf32, #tpu.memory_space<vmem>> -> memref<8x4096xf32, #tpu.memory_space<vmem>>
        %dma_wait3A_488 = arith.constant 0 : i32
        %dma_wait3A_489 = tpu.memref_slice %dma_wait3A_487[%dma_wait3A_482, %dma_wait3A_488] : memref<8x4096xf32, #tpu.memory_space<vmem>> -> memref<1x4096xf32, #tpu.memory_space<vmem>>
        %dma_wait3A_490 = tpu.memref_squeeze %dma_wait3A_489 : memref<1x4096xf32, #tpu.memory_space<vmem>> -> memref<4096xf32, #tpu.memory_space<vmem>>
        %dma_wait3A_491 = arith.constant 0 : i32
        %dma_wait3A_492 = tpu.memref_slice %arg2[%dma_wait3A_491] : memref<26214400xf32, #tpu.memory_space<hbm>> -> memref<4096xf32, #tpu.memory_space<hbm>>
        %dma_wait3A_493 = tpu.memref_slice %arg5[%dma_wait3A_483] : memref<2x!tpu.dma_semaphore, #tpu.memory_space<semaphore_mem>> -> memref<1x!tpu.dma_semaphore, #tpu.memory_space<semaphore_mem>>
        %dma_wait3A_494 = tpu.memref_squeeze %dma_wait3A_493 : memref<1x!tpu.dma_semaphore, #tpu.memory_space<semaphore_mem>> -> memref<!tpu.dma_semaphore, #tpu.memory_space<semaphore_mem>>
        %dma_wait3A_495 = arith.constant 0 : i32
        %dma_wait3A_496 = arith.constant 0 : i32
        %dma_wait3A_497 = tpu.memref_slice %arg4[%dma_wait3A_481, %dma_wait3A_495, %dma_wait3A_496] : memref<2x8x4096xf32, #tpu.memory_space<vmem>> -> memref<1x8x4096xf32, #tpu.memory_space<vmem>>
        %dma_wait3A_498 = tpu.memref_squeeze %dma_wait3A_497 : memref<1x8x4096xf32, #tpu.memory_space<vmem>> -> memref<8x4096xf32, #tpu.memory_space<vmem>>
        %dma_wait3A_499 = arith.constant 0 : i32
        %dma_wait3A_500 = tpu.memref_slice %dma_wait3A_498[%dma_wait3A_482, %dma_wait3A_499] : memref<8x4096xf32, #tpu.memory_space<vmem>> -> memref<1x4096xf32, #tpu.memory_space<vmem>>
        %dma_wait3A_501 = tpu.memref_squeeze %dma_wait3A_500 : memref<1x4096xf32, #tpu.memory_space<vmem>> -> memref<4096xf32, #tpu.memory_space<vmem>>
        %dma_wait3A_502 = arith.constant 0 : i32
        %dma_wait3A_503 = tpu.memref_slice %arg2[%dma_wait3A_502] : memref<26214400xf32, #tpu.memory_space<hbm>> -> memref<4096xf32, #tpu.memory_space<hbm>>
        tpu.wait_dma2 semaphore(%dma_wait3A_494 : memref<!tpu.dma_semaphore, #tpu.memory_space<semaphore_mem>>) src(%dma_wait3A_503 : memref<4096xf32, #tpu.memory_space<hbm>>) dst(%dma_wait3A_501 : memref<4096xf32, #tpu.memory_space<vmem>>)
        %dma_wait3A_504 = arith.constant 0 : i32
        %dma_wait3A_505 = arith.constant 4 : i32
        %dma_wait3A_506 = arith.constant 0 : i32
        %dma_wait3A_507 = arith.constant 0 : i32
        %dma_wait3A_508 = arith.constant 0 : i32
        %dma_wait3A_509 = tpu.memref_slice %arg4[%dma_wait3A_504, %dma_wait3A_507, %dma_wait3A_508] : memref<2x8x4096xf32, #tpu.memory_space<vmem>> -> memref<1x8x4096xf32, #tpu.memory_space<vmem>>
        %dma_wait3A_510 = tpu.memref_squeeze %dma_wait3A_509 : memref<1x8x4096xf32, #tpu.memory_space<vmem>> -> memref<8x4096xf32, #tpu.memory_space<vmem>>
        %dma_wait3A_511 = arith.constant 0 : i32
        %dma_wait3A_512 = tpu.memref_slice %dma_wait3A_510[%dma_wait3A_505, %dma_wait3A_511] : memref<8x4096xf32, #tpu.memory_space<vmem>> -> memref<1x4096xf32, #tpu.memory_space<vmem>>
        %dma_wait3A_513 = tpu.memref_squeeze %dma_wait3A_512 : memref<1x4096xf32, #tpu.memory_space<vmem>> -> memref<4096xf32, #tpu.memory_space<vmem>>
        %dma_wait3A_514 = arith.constant 0 : i32
        %dma_wait3A_515 = tpu.memref_slice %arg2[%dma_wait3A_514] : memref<26214400xf32, #tpu.memory_space<hbm>> -> memref<4096xf32, #tpu.memory_space<hbm>>
        %dma_wait3A_516 = tpu.memref_slice %arg5[%dma_wait3A_506] : memref<2x!tpu.dma_semaphore, #tpu.memory_space<semaphore_mem>> -> memref<1x!tpu.dma_semaphore, #tpu.memory_space<semaphore_mem>>
        %dma_wait3A_517 = tpu.memref_squeeze %dma_wait3A_516 : memref<1x!tpu.dma_semaphore, #tpu.memory_space<semaphore_mem>> -> memref<!tpu.dma_semaphore, #tpu.memory_space<semaphore_mem>>
        %dma_wait3A_518 = arith.constant 0 : i32
        %dma_wait3A_519 = arith.constant 0 : i32
        %dma_wait3A_520 = tpu.memref_slice %arg4[%dma_wait3A_504, %dma_wait3A_518, %dma_wait3A_519] : memref<2x8x4096xf32, #tpu.memory_space<vmem>> -> memref<1x8x4096xf32, #tpu.memory_space<vmem>>
        %dma_wait3A_521 = tpu.memref_squeeze %dma_wait3A_520 : memref<1x8x4096xf32, #tpu.memory_space<vmem>> -> memref<8x4096xf32, #tpu.memory_space<vmem>>
        %dma_wait3A_522 = arith.constant 0 : i32
        %dma_wait3A_523 = tpu.memref_slice %dma_wait3A_521[%dma_wait3A_505, %dma_wait3A_522] : memref<8x4096xf32, #tpu.memory_space<vmem>> -> memref<1x4096xf32, #tpu.memory_space<vmem>>
        %dma_wait3A_524 = tpu.memref_squeeze %dma_wait3A_523 : memref<1x4096xf32, #tpu.memory_space<vmem>> -> memref<4096xf32, #tpu.memory_space<vmem>>
        %dma_wait3A_525 = arith.constant 0 : i32
        %dma_wait3A_526 = tpu.memref_slice %arg2[%dma_wait3A_525] : memref<26214400xf32, #tpu.memory_space<hbm>> -> memref<4096xf32, #tpu.memory_space<hbm>>
        tpu.wait_dma2 semaphore(%dma_wait3A_517 : memref<!tpu.dma_semaphore, #tpu.memory_space<semaphore_mem>>) src(%dma_wait3A_526 : memref<4096xf32, #tpu.memory_space<hbm>>) dst(%dma_wait3A_524 : memref<4096xf32, #tpu.memory_space<vmem>>)
        %dma_wait3A_527 = arith.constant 0 : i32
        %dma_wait3A_528 = arith.constant 5 : i32
        %dma_wait3A_529 = arith.constant 0 : i32
        %dma_wait3A_530 = arith.constant 0 : i32
        %dma_wait3A_531 = arith.constant 0 : i32
        %dma_wait3A_532 = tpu.memref_slice %arg4[%dma_wait3A_527, %dma_wait3A_530, %dma_wait3A_531] : memref<2x8x4096xf32, #tpu.memory_space<vmem>> -> memref<1x8x4096xf32, #tpu.memory_space<vmem>>
        %dma_wait3A_533 = tpu.memref_squeeze %dma_wait3A_532 : memref<1x8x4096xf32, #tpu.memory_space<vmem>> -> memref<8x4096xf32, #tpu.memory_space<vmem>>
        %dma_wait3A_534 = arith.constant 0 : i32
        %dma_wait3A_535 = tpu.memref_slice %dma_wait3A_533[%dma_wait3A_528, %dma_wait3A_534] : memref<8x4096xf32, #tpu.memory_space<vmem>> -> memref<1x4096xf32, #tpu.memory_space<vmem>>
        %dma_wait3A_536 = tpu.memref_squeeze %dma_wait3A_535 : memref<1x4096xf32, #tpu.memory_space<vmem>> -> memref<4096xf32, #tpu.memory_space<vmem>>
        %dma_wait3A_537 = arith.constant 0 : i32
        %dma_wait3A_538 = tpu.memref_slice %arg2[%dma_wait3A_537] : memref<26214400xf32, #tpu.memory_space<hbm>> -> memref<4096xf32, #tpu.memory_space<hbm>>
        %dma_wait3A_539 = tpu.memref_slice %arg5[%dma_wait3A_529] : memref<2x!tpu.dma_semaphore, #tpu.memory_space<semaphore_mem>> -> memref<1x!tpu.dma_semaphore, #tpu.memory_space<semaphore_mem>>
        %dma_wait3A_540 = tpu.memref_squeeze %dma_wait3A_539 : memref<1x!tpu.dma_semaphore, #tpu.memory_space<semaphore_mem>> -> memref<!tpu.dma_semaphore, #tpu.memory_space<semaphore_mem>>
        %dma_wait3A_541 = arith.constant 0 : i32
        %dma_wait3A_542 = arith.constant 0 : i32
        %dma_wait3A_543 = tpu.memref_slice %arg4[%dma_wait3A_527, %dma_wait3A_541, %dma_wait3A_542] : memref<2x8x4096xf32, #tpu.memory_space<vmem>> -> memref<1x8x4096xf32, #tpu.memory_space<vmem>>
        %dma_wait3A_544 = tpu.memref_squeeze %dma_wait3A_543 : memref<1x8x4096xf32, #tpu.memory_space<vmem>> -> memref<8x4096xf32, #tpu.memory_space<vmem>>
        %dma_wait3A_545 = arith.constant 0 : i32
        %dma_wait3A_546 = tpu.memref_slice %dma_wait3A_544[%dma_wait3A_528, %dma_wait3A_545] : memref<8x4096xf32, #tpu.memory_space<vmem>> -> memref<1x4096xf32, #tpu.memory_space<vmem>>
        %dma_wait3A_547 = tpu.memref_squeeze %dma_wait3A_546 : memref<1x4096xf32, #tpu.memory_space<vmem>> -> memref<4096xf32, #tpu.memory_space<vmem>>
        %dma_wait3A_548 = arith.constant 0 : i32
        %dma_wait3A_549 = tpu.memref_slice %arg2[%dma_wait3A_548] : memref<26214400xf32, #tpu.memory_space<hbm>> -> memref<4096xf32, #tpu.memory_space<hbm>>
        tpu.wait_dma2 semaphore(%dma_wait3A_540 : memref<!tpu.dma_semaphore, #tpu.memory_space<semaphore_mem>>) src(%dma_wait3A_549 : memref<4096xf32, #tpu.memory_space<hbm>>) dst(%dma_wait3A_547 : memref<4096xf32, #tpu.memory_space<vmem>>)
        %dma_wait3A_550 = arith.constant 0 : i32
        %dma_wait3A_551 = arith.constant 6 : i32
        %dma_wait3A_552 = arith.constant 0 : i32
        %dma_wait3A_553 = arith.constant 0 : i32
        %dma_wait3A_554 = arith.constant 0 : i32
        %dma_wait3A_555 = tpu.memref_slice %arg4[%dma_wait3A_550, %dma_wait3A_553, %dma_wait3A_554] : memref<2x8x4096xf32, #tpu.memory_space<vmem>> -> memref<1x8x4096xf32, #tpu.memory_space<vmem>>
        %dma_wait3A_556 = tpu.memref_squeeze %dma_wait3A_555 : memref<1x8x4096xf32, #tpu.memory_space<vmem>> -> memref<8x4096xf32, #tpu.memory_space<vmem>>
        %dma_wait3A_557 = arith.constant 0 : i32
        %dma_wait3A_558 = tpu.memref_slice %dma_wait3A_556[%dma_wait3A_551, %dma_wait3A_557] : memref<8x4096xf32, #tpu.memory_space<vmem>> -> memref<1x4096xf32, #tpu.memory_space<vmem>>
        %dma_wait3A_559 = tpu.memref_squeeze %dma_wait3A_558 : memref<1x4096xf32, #tpu.memory_space<vmem>> -> memref<4096xf32, #tpu.memory_space<vmem>>
        %dma_wait3A_560 = arith.constant 0 : i32
        %dma_wait3A_561 = tpu.memref_slice %arg2[%dma_wait3A_560] : memref<26214400xf32, #tpu.memory_space<hbm>> -> memref<4096xf32, #tpu.memory_space<hbm>>
        %dma_wait3A_562 = tpu.memref_slice %arg5[%dma_wait3A_552] : memref<2x!tpu.dma_semaphore, #tpu.memory_space<semaphore_mem>> -> memref<1x!tpu.dma_semaphore, #tpu.memory_space<semaphore_mem>>
        %dma_wait3A_563 = tpu.memref_squeeze %dma_wait3A_562 : memref<1x!tpu.dma_semaphore, #tpu.memory_space<semaphore_mem>> -> memref<!tpu.dma_semaphore, #tpu.memory_space<semaphore_mem>>
        %dma_wait3A_564 = arith.constant 0 : i32
        %dma_wait3A_565 = arith.constant 0 : i32
        %dma_wait3A_566 = tpu.memref_slice %arg4[%dma_wait3A_550, %dma_wait3A_564, %dma_wait3A_565] : memref<2x8x4096xf32, #tpu.memory_space<vmem>> -> memref<1x8x4096xf32, #tpu.memory_space<vmem>>
        %dma_wait3A_567 = tpu.memref_squeeze %dma_wait3A_566 : memref<1x8x4096xf32, #tpu.memory_space<vmem>> -> memref<8x4096xf32, #tpu.memory_space<vmem>>
        %dma_wait3A_568 = arith.constant 0 : i32
        %dma_wait3A_569 = tpu.memref_slice %dma_wait3A_567[%dma_wait3A_551, %dma_wait3A_568] : memref<8x4096xf32, #tpu.memory_space<vmem>> -> memref<1x4096xf32, #tpu.memory_space<vmem>>
        %dma_wait3A_570 = tpu.memref_squeeze %dma_wait3A_569 : memref<1x4096xf32, #tpu.memory_space<vmem>> -> memref<4096xf32, #tpu.memory_space<vmem>>
        %dma_wait3A_571 = arith.constant 0 : i32
        %dma_wait3A_572 = tpu.memref_slice %arg2[%dma_wait3A_571] : memref<26214400xf32, #tpu.memory_space<hbm>> -> memref<4096xf32, #tpu.memory_space<hbm>>
        tpu.wait_dma2 semaphore(%dma_wait3A_563 : memref<!tpu.dma_semaphore, #tpu.memory_space<semaphore_mem>>) src(%dma_wait3A_572 : memref<4096xf32, #tpu.memory_space<hbm>>) dst(%dma_wait3A_570 : memref<4096xf32, #tpu.memory_space<vmem>>)
        %dma_wait3A_573 = arith.constant 0 : i32
        %dma_wait3A_574 = arith.constant 7 : i32
        %dma_wait3A_575 = arith.constant 0 : i32
        %dma_wait3A_576 = arith.constant 0 : i32
        %dma_wait3A_577 = arith.constant 0 : i32
        %dma_wait3A_578 = tpu.memref_slice %arg4[%dma_wait3A_573, %dma_wait3A_576, %dma_wait3A_577] : memref<2x8x4096xf32, #tpu.memory_space<vmem>> -> memref<1x8x4096xf32, #tpu.memory_space<vmem>>
        %dma_wait3A_579 = tpu.memref_squeeze %dma_wait3A_578 : memref<1x8x4096xf32, #tpu.memory_space<vmem>> -> memref<8x4096xf32, #tpu.memory_space<vmem>>
        %dma_wait3A_580 = arith.constant 0 : i32
        %dma_wait3A_581 = tpu.memref_slice %dma_wait3A_579[%dma_wait3A_574, %dma_wait3A_580] : memref<8x4096xf32, #tpu.memory_space<vmem>> -> memref<1x4096xf32, #tpu.memory_space<vmem>>
        %dma_wait3A_582 = tpu.memref_squeeze %dma_wait3A_581 : memref<1x4096xf32, #tpu.memory_space<vmem>> -> memref<4096xf32, #tpu.memory_space<vmem>>
        %dma_wait3A_583 = arith.constant 0 : i32
        %dma_wait3A_584 = tpu.memref_slice %arg2[%dma_wait3A_583] : memref<26214400xf32, #tpu.memory_space<hbm>> -> memref<4096xf32, #tpu.memory_space<hbm>>
        %dma_wait3A_585 = tpu.memref_slice %arg5[%dma_wait3A_575] : memref<2x!tpu.dma_semaphore, #tpu.memory_space<semaphore_mem>> -> memref<1x!tpu.dma_semaphore, #tpu.memory_space<semaphore_mem>>
        %dma_wait3A_586 = tpu.memref_squeeze %dma_wait3A_585 : memref<1x!tpu.dma_semaphore, #tpu.memory_space<semaphore_mem>> -> memref<!tpu.dma_semaphore, #tpu.memory_space<semaphore_mem>>
        %dma_wait3A_587 = arith.constant 0 : i32
        %dma_wait3A_588 = arith.constant 0 : i32
        %dma_wait3A_589 = tpu.memref_slice %arg4[%dma_wait3A_573, %dma_wait3A_587, %dma_wait3A_588] : memref<2x8x4096xf32, #tpu.memory_space<vmem>> -> memref<1x8x4096xf32, #tpu.memory_space<vmem>>
        %dma_wait3A_590 = tpu.memref_squeeze %dma_wait3A_589 : memref<1x8x4096xf32, #tpu.memory_space<vmem>> -> memref<8x4096xf32, #tpu.memory_space<vmem>>
        %dma_wait3A_591 = arith.constant 0 : i32
        %dma_wait3A_592 = tpu.memref_slice %dma_wait3A_590[%dma_wait3A_574, %dma_wait3A_591] : memref<8x4096xf32, #tpu.memory_space<vmem>> -> memref<1x4096xf32, #tpu.memory_space<vmem>>
        %dma_wait3A_593 = tpu.memref_squeeze %dma_wait3A_592 : memref<1x4096xf32, #tpu.memory_space<vmem>> -> memref<4096xf32, #tpu.memory_space<vmem>>
        %dma_wait3A_594 = arith.constant 0 : i32
        %dma_wait3A_595 = tpu.memref_slice %arg2[%dma_wait3A_594] : memref<26214400xf32, #tpu.memory_space<hbm>> -> memref<4096xf32, #tpu.memory_space<hbm>>
        tpu.wait_dma2 semaphore(%dma_wait3A_586 : memref<!tpu.dma_semaphore, #tpu.memory_space<semaphore_mem>>) src(%dma_wait3A_595 : memref<4096xf32, #tpu.memory_space<hbm>>) dst(%dma_wait3A_593 : memref<4096xf32, #tpu.memory_space<vmem>>)
        %add3A_596 = arith.constant 1 : i32
        %add3A_597 = arith.addi %add3A_398, %add3A_596 : i32
        %lt3A_598 = arith.constant 25 : i32
        %lt3A_599 = arith.cmpi slt, %add3A_597, %lt3A_598 : i32
        %convert_element_type3A_600 = arith.extui %lt3A_599 : i1 to i32
        %cond3A_601 = arith.constant 0 : i32
        %cond3A_602 = arith.cmpi ne, %convert_element_type3A_600, %cond3A_601 : i32
        scf.if %cond3A_602 {
          %ge3A = arith.constant 1 : i32
          %ge3A_710 = arith.cmpi sge, %add3A_398, %ge3A : i32
          %convert_element_type3A_711 = arith.extui %ge3A_710 : i1 to i32
          %cond3A_712 = arith.constant 0 : i32
          %cond3A_713 = arith.cmpi ne, %convert_element_type3A_711, %cond3A_712 : i32
          scf.if %cond3A_713 {
            %dma_wait3A_1060 = arith.constant 1 : i32
            %dma_wait3A_1061 = arith.constant 0 : i32
            %dma_wait3A_1062 = arith.constant 1 : i32
            %dma_wait3A_1063 = arith.constant 0 : i32
            %dma_wait3A_1064 = arith.constant 0 : i32
            %dma_wait3A_1065 = tpu.memref_slice %arg4[%dma_wait3A_1060, %dma_wait3A_1063, %dma_wait3A_1064] : memref<2x8x4096xf32, #tpu.memory_space<vmem>> -> memref<1x8x4096xf32, #tpu.memory_space<vmem>>
            %dma_wait3A_1066 = tpu.memref_squeeze %dma_wait3A_1065 : memref<1x8x4096xf32, #tpu.memory_space<vmem>> -> memref<8x4096xf32, #tpu.memory_space<vmem>>
            %dma_wait3A_1067 = arith.constant 0 : i32
            %dma_wait3A_1068 = arith.constant 0 : i32
            %dma_wait3A_1069 = tpu.memref_slice %arg3[%dma_wait3A_1061, %dma_wait3A_1067, %dma_wait3A_1068] : memref<50x32x16384xf32, #tpu.memory_space<hbm>> -> memref<1x32x16384xf32, #tpu.memory_space<hbm>>
            %dma_wait3A_1070 = tpu.memref_squeeze %dma_wait3A_1069 : memref<1x32x16384xf32, #tpu.memory_space<hbm>> -> memref<32x16384xf32, #tpu.memory_space<hbm>>
            %dma_wait3A_1071 = arith.constant 0 : i32
            %dma_wait3A_1072 = arith.constant 0 : i32
            %dma_wait3A_1073 = tpu.memref_slice %dma_wait3A_1070[%dma_wait3A_1071, %dma_wait3A_1072] : memref<32x16384xf32, #tpu.memory_space<hbm>> -> memref<8x4096xf32, #tpu.memory_space<hbm>>
            %dma_wait3A_1074 = tpu.memref_slice %arg6[%dma_wait3A_1062] : memref<2x!tpu.dma_semaphore, #tpu.memory_space<semaphore_mem>> -> memref<1x!tpu.dma_semaphore, #tpu.memory_space<semaphore_mem>>
            %dma_wait3A_1075 = tpu.memref_squeeze %dma_wait3A_1074 : memref<1x!tpu.dma_semaphore, #tpu.memory_space<semaphore_mem>> -> memref<!tpu.dma_semaphore, #tpu.memory_space<semaphore_mem>>
            %dma_wait3A_1076 = arith.constant 0 : i32
            %dma_wait3A_1077 = arith.constant 0 : i32
            %dma_wait3A_1078 = tpu.memref_slice %arg3[%dma_wait3A_1061, %dma_wait3A_1076, %dma_wait3A_1077] : memref<50x32x16384xf32, #tpu.memory_space<hbm>> -> memref<1x32x16384xf32, #tpu.memory_space<hbm>>
            %dma_wait3A_1079 = tpu.memref_squeeze %dma_wait3A_1078 : memref<1x32x16384xf32, #tpu.memory_space<hbm>> -> memref<32x16384xf32, #tpu.memory_space<hbm>>
            %dma_wait3A_1080 = arith.constant 0 : i32
            %dma_wait3A_1081 = arith.constant 0 : i32
            %dma_wait3A_1082 = tpu.memref_slice %dma_wait3A_1079[%dma_wait3A_1080, %dma_wait3A_1081] : memref<32x16384xf32, #tpu.memory_space<hbm>> -> memref<8x4096xf32, #tpu.memory_space<hbm>>
            %dma_wait3A_1083 = arith.constant 0 : i32
            %dma_wait3A_1084 = arith.constant 0 : i32
            %dma_wait3A_1085 = tpu.memref_slice %arg4[%dma_wait3A_1060, %dma_wait3A_1083, %dma_wait3A_1084] : memref<2x8x4096xf32, #tpu.memory_space<vmem>> -> memref<1x8x4096xf32, #tpu.memory_space<vmem>>
            %dma_wait3A_1086 = tpu.memref_squeeze %dma_wait3A_1085 : memref<1x8x4096xf32, #tpu.memory_space<vmem>> -> memref<8x4096xf32, #tpu.memory_space<vmem>>
            tpu.wait_dma2 semaphore(%dma_wait3A_1075 : memref<!tpu.dma_semaphore, #tpu.memory_space<semaphore_mem>>) src(%dma_wait3A_1086 : memref<8x4096xf32, #tpu.memory_space<vmem>>) dst(%dma_wait3A_1082 : memref<8x4096xf32, #tpu.memory_space<hbm>>)
          } else {
          }
          %add3A_714 = arith.constant 1 : i32
          %add3A_715 = arith.addi %add3A_411, %add3A_714 : i32
          %jit3A_716 = arith.constant 16 : i32
          %div3A_717 = arith.divsi %add3A_715, %jit3A_716 : i32
          %sign3A_718 = arith.constant 0 : i32
          %sign3A_719 = arith.cmpi sgt, %add3A_715, %sign3A_718 : i32
          %sign3A_720 = arith.extui %sign3A_719 : i1 to i32
          %sign3A_721 = arith.constant 0 : i32
          %sign3A_722 = arith.cmpi slt, %add3A_715, %sign3A_721 : i32
          %sign3A_723 = arith.extui %sign3A_722 : i1 to i32
          %sign3A_724 = arith.subi %sign3A_720, %sign3A_723 : i32
          %sign3A_725 = arith.constant 0 : i32
          %sign3A_726 = arith.cmpi sgt, %jit3A_716, %sign3A_725 : i32
          %sign3A_727 = arith.extui %sign3A_726 : i1 to i32
          %sign3A_728 = arith.constant 0 : i32
          %sign3A_729 = arith.cmpi slt, %jit3A_716, %sign3A_728 : i32
          %sign3A_730 = arith.extui %sign3A_729 : i1 to i32
          %sign3A_731 = arith.subi %sign3A_727, %sign3A_730 : i32
          %ne3A_732 = arith.cmpi ne, %sign3A_724, %sign3A_731 : i32
          %rem3A_733 = arith.remsi %add3A_715, %jit3A_716 : i32
          %ne3A_734 = arith.constant 0 : i32
          %ne3A_735 = arith.cmpi ne, %rem3A_733, %ne3A_734 : i32
          %and3A_736 = arith.andi %ne3A_732, %ne3A_735 : i1
          %sub3A_737 = arith.constant 1 : i32
          %sub3A_738 = arith.subi %div3A_717, %sub3A_737 : i32
          %select_n3A_739 = arith.select %and3A_736, %sub3A_738, %div3A_717 : i32
          %jit3A_740 = arith.constant 16 : i32
          %eq3A_741 = arith.constant 0 : i32
          %eq3A_742 = arith.cmpi eq, %jit3A_740, %eq3A_741 : i32
          %jit3A_743 = arith.constant 1 : i32
          %select_n3A_744 = arith.select %eq3A_742, %jit3A_743, %jit3A_740 : i32
          %rem3A_745 = arith.remsi %add3A_715, %select_n3A_744 : i32
          %ne3A_746 = arith.constant 0 : i32
          %ne3A_747 = arith.cmpi ne, %rem3A_745, %ne3A_746 : i32
          %lt3A_748 = arith.constant 0 : i32
          %lt3A_749 = arith.cmpi slt, %rem3A_745, %lt3A_748 : i32
          %lt3A_750 = arith.constant 0 : i32
          %lt3A_751 = arith.cmpi slt, %select_n3A_744, %lt3A_750 : i32
          %ne3A_752 = arith.xori %lt3A_749, %lt3A_751 : i1
          %and3A_753 = arith.andi %ne3A_752, %ne3A_747 : i1
          %add3A_754 = arith.addi %rem3A_745, %select_n3A_744 : i32
          %select_n3A_755 = arith.select %and3A_753, %add3A_754, %rem3A_745 : i32
          %jit3A_756 = arith.constant 4 : i32
          %div3A_757 = arith.divsi %select_n3A_755, %jit3A_756 : i32
          %sign3A_758 = arith.constant 0 : i32
          %sign3A_759 = arith.cmpi sgt, %select_n3A_755, %sign3A_758 : i32
          %sign3A_760 = arith.extui %sign3A_759 : i1 to i32
          %sign3A_761 = arith.constant 0 : i32
          %sign3A_762 = arith.cmpi slt, %select_n3A_755, %sign3A_761 : i32
          %sign3A_763 = arith.extui %sign3A_762 : i1 to i32
          %sign3A_764 = arith.subi %sign3A_760, %sign3A_763 : i32
          %sign3A_765 = arith.constant 0 : i32
          %sign3A_766 = arith.cmpi sgt, %jit3A_756, %sign3A_765 : i32
          %sign3A_767 = arith.extui %sign3A_766 : i1 to i32
          %sign3A_768 = arith.constant 0 : i32
          %sign3A_769 = arith.cmpi slt, %jit3A_756, %sign3A_768 : i32
          %sign3A_770 = arith.extui %sign3A_769 : i1 to i32
          %sign3A_771 = arith.subi %sign3A_767, %sign3A_770 : i32
          %ne3A_772 = arith.cmpi ne, %sign3A_764, %sign3A_771 : i32
          %rem3A_773 = arith.remsi %select_n3A_755, %jit3A_756 : i32
          %ne3A_774 = arith.constant 0 : i32
          %ne3A_775 = arith.cmpi ne, %rem3A_773, %ne3A_774 : i32
          %and3A_776 = arith.andi %ne3A_772, %ne3A_775 : i1
          %sub3A_777 = arith.constant 1 : i32
          %sub3A_778 = arith.subi %div3A_757, %sub3A_777 : i32
          %select_n3A_779 = arith.select %and3A_776, %sub3A_778, %div3A_757 : i32
          %jit3A_780 = arith.constant 4 : i32
          %eq3A_781 = arith.constant 0 : i32
          %eq3A_782 = arith.cmpi eq, %jit3A_780, %eq3A_781 : i32
          %jit3A_783 = arith.constant 1 : i32
          %select_n3A_784 = arith.select %eq3A_782, %jit3A_783, %jit3A_780 : i32
          %rem3A_785 = arith.remsi %select_n3A_755, %select_n3A_784 : i32
          %ne3A_786 = arith.constant 0 : i32
          %ne3A_787 = arith.cmpi ne, %rem3A_785, %ne3A_786 : i32
          %lt3A_788 = arith.constant 0 : i32
          %lt3A_789 = arith.cmpi slt, %rem3A_785, %lt3A_788 : i32
          %lt3A_790 = arith.constant 0 : i32
          %lt3A_791 = arith.cmpi slt, %select_n3A_784, %lt3A_790 : i32
          %ne3A_792 = arith.xori %lt3A_789, %lt3A_791 : i1
          %and3A_793 = arith.andi %ne3A_792, %ne3A_787 : i1
          %add3A_794 = arith.addi %rem3A_785, %select_n3A_784 : i32
          %select_n3A_795 = arith.select %and3A_793, %add3A_794, %rem3A_785 : i32
          %mul3A_796 = arith.constant 524288 : i32
          %mul3A_797 = arith.muli %select_n3A_739, %mul3A_796 : i32
          %mul3A_798 = arith.constant 8 : i32
          %mul3A_799 = arith.muli %select_n3A_779, %mul3A_798 : i32
          %add3A_800 = arith.constant 0 : i32
          %add3A_801 = arith.addi %mul3A_799, %add3A_800 : i32
          %mul3A_802 = arith.constant 16384 : i32
          %mul3A_803 = arith.muli %add3A_801, %mul3A_802 : i32
          %add3A_804 = arith.addi %mul3A_797, %mul3A_803 : i32
          %mul3A_805 = arith.constant 4096 : i32
          %mul3A_806 = arith.muli %select_n3A_795, %mul3A_805 : i32
          %add3A_807 = arith.addi %add3A_804, %mul3A_806 : i32
          %dma_start3A_808 = arith.constant 1 : i32
          %dma_start3A_809 = arith.constant 0 : i32
          %dma_start3A_810 = arith.constant 1 : i32
          %dma_start3A_811 = arith.constant 0 : i32
          %dma_start3A_812 = arith.constant 0 : i32
          %dma_start3A_813 = tpu.memref_slice %arg4[%dma_start3A_808, %dma_start3A_811, %dma_start3A_812] : memref<2x8x4096xf32, #tpu.memory_space<vmem>> -> memref<1x8x4096xf32, #tpu.memory_space<vmem>>
          %dma_start3A_814 = tpu.memref_squeeze %dma_start3A_813 : memref<1x8x4096xf32, #tpu.memory_space<vmem>> -> memref<8x4096xf32, #tpu.memory_space<vmem>>
          %dma_start3A_815 = arith.constant 0 : i32
          %dma_start3A_816 = tpu.memref_slice %dma_start3A_814[%dma_start3A_809, %dma_start3A_815] : memref<8x4096xf32, #tpu.memory_space<vmem>> -> memref<1x4096xf32, #tpu.memory_space<vmem>>
          %dma_start3A_817 = tpu.memref_squeeze %dma_start3A_816 : memref<1x4096xf32, #tpu.memory_space<vmem>> -> memref<4096xf32, #tpu.memory_space<vmem>>
          %dma_start3A_818 = tpu.memref_slice %arg2[%add3A_807] : memref<26214400xf32, #tpu.memory_space<hbm>> -> memref<4096xf32, #tpu.memory_space<hbm>>
          %dma_start3A_819 = tpu.memref_slice %arg5[%dma_start3A_810] : memref<2x!tpu.dma_semaphore, #tpu.memory_space<semaphore_mem>> -> memref<1x!tpu.dma_semaphore, #tpu.memory_space<semaphore_mem>>
          %dma_start3A_820 = tpu.memref_squeeze %dma_start3A_819 : memref<1x!tpu.dma_semaphore, #tpu.memory_space<semaphore_mem>> -> memref<!tpu.dma_semaphore, #tpu.memory_space<semaphore_mem>>
          %dma_start3A_821 = arith.constant 0 : i32
          %dma_start3A_822 = arith.constant 0 : i32
          %dma_start3A_823 = tpu.memref_slice %arg4[%dma_start3A_808, %dma_start3A_821, %dma_start3A_822] : memref<2x8x4096xf32, #tpu.memory_space<vmem>> -> memref<1x8x4096xf32, #tpu.memory_space<vmem>>
          %dma_start3A_824 = tpu.memref_squeeze %dma_start3A_823 : memref<1x8x4096xf32, #tpu.memory_space<vmem>> -> memref<8x4096xf32, #tpu.memory_space<vmem>>
          %dma_start3A_825 = arith.constant 0 : i32
          %dma_start3A_826 = tpu.memref_slice %dma_start3A_824[%dma_start3A_809, %dma_start3A_825] : memref<8x4096xf32, #tpu.memory_space<vmem>> -> memref<1x4096xf32, #tpu.memory_space<vmem>>
          %dma_start3A_827 = tpu.memref_squeeze %dma_start3A_826 : memref<1x4096xf32, #tpu.memory_space<vmem>> -> memref<4096xf32, #tpu.memory_space<vmem>>
          %dma_start3A_828 = tpu.memref_slice %arg2[%add3A_807] : memref<26214400xf32, #tpu.memory_space<hbm>> -> memref<4096xf32, #tpu.memory_space<hbm>>
          tpu.enqueue_dma source(%dma_start3A_828 : memref<4096xf32, #tpu.memory_space<hbm>>) target(%dma_start3A_827 : memref<4096xf32, #tpu.memory_space<vmem>>) target_semaphore(%dma_start3A_820 : memref<!tpu.dma_semaphore, #tpu.memory_space<semaphore_mem>>)
          %mul3A_829 = arith.constant 524288 : i32
          %mul3A_830 = arith.muli %select_n3A_739, %mul3A_829 : i32
          %mul3A_831 = arith.constant 8 : i32
          %mul3A_832 = arith.muli %select_n3A_779, %mul3A_831 : i32
          %add3A_833 = arith.constant 1 : i32
          %add3A_834 = arith.addi %mul3A_832, %add3A_833 : i32
          %mul3A_835 = arith.constant 16384 : i32
          %mul3A_836 = arith.muli %add3A_834, %mul3A_835 : i32
          %add3A_837 = arith.addi %mul3A_830, %mul3A_836 : i32
          %mul3A_838 = arith.constant 4096 : i32
          %mul3A_839 = arith.muli %select_n3A_795, %mul3A_838 : i32
          %add3A_840 = arith.addi %add3A_837, %mul3A_839 : i32
          %dma_start3A_841 = arith.constant 1 : i32
          %dma_start3A_842 = arith.constant 1 : i32
          %dma_start3A_843 = arith.constant 1 : i32
          %dma_start3A_844 = arith.constant 0 : i32
          %dma_start3A_845 = arith.constant 0 : i32
          %dma_start3A_846 = tpu.memref_slice %arg4[%dma_start3A_841, %dma_start3A_844, %dma_start3A_845] : memref<2x8x4096xf32, #tpu.memory_space<vmem>> -> memref<1x8x4096xf32, #tpu.memory_space<vmem>>
          %dma_start3A_847 = tpu.memref_squeeze %dma_start3A_846 : memref<1x8x4096xf32, #tpu.memory_space<vmem>> -> memref<8x4096xf32, #tpu.memory_space<vmem>>
          %dma_start3A_848 = arith.constant 0 : i32
          %dma_start3A_849 = tpu.memref_slice %dma_start3A_847[%dma_start3A_842, %dma_start3A_848] : memref<8x4096xf32, #tpu.memory_space<vmem>> -> memref<1x4096xf32, #tpu.memory_space<vmem>>
          %dma_start3A_850 = tpu.memref_squeeze %dma_start3A_849 : memref<1x4096xf32, #tpu.memory_space<vmem>> -> memref<4096xf32, #tpu.memory_space<vmem>>
          %dma_start3A_851 = tpu.memref_slice %arg2[%add3A_840] : memref<26214400xf32, #tpu.memory_space<hbm>> -> memref<4096xf32, #tpu.memory_space<hbm>>
          %dma_start3A_852 = tpu.memref_slice %arg5[%dma_start3A_843] : memref<2x!tpu.dma_semaphore, #tpu.memory_space<semaphore_mem>> -> memref<1x!tpu.dma_semaphore, #tpu.memory_space<semaphore_mem>>
          %dma_start3A_853 = tpu.memref_squeeze %dma_start3A_852 : memref<1x!tpu.dma_semaphore, #tpu.memory_space<semaphore_mem>> -> memref<!tpu.dma_semaphore, #tpu.memory_space<semaphore_mem>>
          %dma_start3A_854 = arith.constant 0 : i32
          %dma_start3A_855 = arith.constant 0 : i32
          %dma_start3A_856 = tpu.memref_slice %arg4[%dma_start3A_841, %dma_start3A_854, %dma_start3A_855] : memref<2x8x4096xf32, #tpu.memory_space<vmem>> -> memref<1x8x4096xf32, #tpu.memory_space<vmem>>
          %dma_start3A_857 = tpu.memref_squeeze %dma_start3A_856 : memref<1x8x4096xf32, #tpu.memory_space<vmem>> -> memref<8x4096xf32, #tpu.memory_space<vmem>>
          %dma_start3A_858 = arith.constant 0 : i32
          %dma_start3A_859 = tpu.memref_slice %dma_start3A_857[%dma_start3A_842, %dma_start3A_858] : memref<8x4096xf32, #tpu.memory_space<vmem>> -> memref<1x4096xf32, #tpu.memory_space<vmem>>
          %dma_start3A_860 = tpu.memref_squeeze %dma_start3A_859 : memref<1x4096xf32, #tpu.memory_space<vmem>> -> memref<4096xf32, #tpu.memory_space<vmem>>
          %dma_start3A_861 = tpu.memref_slice %arg2[%add3A_840] : memref<26214400xf32, #tpu.memory_space<hbm>> -> memref<4096xf32, #tpu.memory_space<hbm>>
          tpu.enqueue_dma source(%dma_start3A_861 : memref<4096xf32, #tpu.memory_space<hbm>>) target(%dma_start3A_860 : memref<4096xf32, #tpu.memory_space<vmem>>) target_semaphore(%dma_start3A_853 : memref<!tpu.dma_semaphore, #tpu.memory_space<semaphore_mem>>)
          %mul3A_862 = arith.constant 524288 : i32
          %mul3A_863 = arith.muli %select_n3A_739, %mul3A_862 : i32
          %mul3A_864 = arith.constant 8 : i32
          %mul3A_865 = arith.muli %select_n3A_779, %mul3A_864 : i32
          %add3A_866 = arith.constant 2 : i32
          %add3A_867 = arith.addi %mul3A_865, %add3A_866 : i32
          %mul3A_868 = arith.constant 16384 : i32
          %mul3A_869 = arith.muli %add3A_867, %mul3A_868 : i32
          %add3A_870 = arith.addi %mul3A_863, %mul3A_869 : i32
          %mul3A_871 = arith.constant 4096 : i32
          %mul3A_872 = arith.muli %select_n3A_795, %mul3A_871 : i32
          %add3A_873 = arith.addi %add3A_870, %mul3A_872 : i32
          %dma_start3A_874 = arith.constant 1 : i32
          %dma_start3A_875 = arith.constant 2 : i32
          %dma_start3A_876 = arith.constant 1 : i32
          %dma_start3A_877 = arith.constant 0 : i32
          %dma_start3A_878 = arith.constant 0 : i32
          %dma_start3A_879 = tpu.memref_slice %arg4[%dma_start3A_874, %dma_start3A_877, %dma_start3A_878] : memref<2x8x4096xf32, #tpu.memory_space<vmem>> -> memref<1x8x4096xf32, #tpu.memory_space<vmem>>
          %dma_start3A_880 = tpu.memref_squeeze %dma_start3A_879 : memref<1x8x4096xf32, #tpu.memory_space<vmem>> -> memref<8x4096xf32, #tpu.memory_space<vmem>>
          %dma_start3A_881 = arith.constant 0 : i32
          %dma_start3A_882 = tpu.memref_slice %dma_start3A_880[%dma_start3A_875, %dma_start3A_881] : memref<8x4096xf32, #tpu.memory_space<vmem>> -> memref<1x4096xf32, #tpu.memory_space<vmem>>
          %dma_start3A_883 = tpu.memref_squeeze %dma_start3A_882 : memref<1x4096xf32, #tpu.memory_space<vmem>> -> memref<4096xf32, #tpu.memory_space<vmem>>
          %dma_start3A_884 = tpu.memref_slice %arg2[%add3A_873] : memref<26214400xf32, #tpu.memory_space<hbm>> -> memref<4096xf32, #tpu.memory_space<hbm>>
          %dma_start3A_885 = tpu.memref_slice %arg5[%dma_start3A_876] : memref<2x!tpu.dma_semaphore, #tpu.memory_space<semaphore_mem>> -> memref<1x!tpu.dma_semaphore, #tpu.memory_space<semaphore_mem>>
          %dma_start3A_886 = tpu.memref_squeeze %dma_start3A_885 : memref<1x!tpu.dma_semaphore, #tpu.memory_space<semaphore_mem>> -> memref<!tpu.dma_semaphore, #tpu.memory_space<semaphore_mem>>
          %dma_start3A_887 = arith.constant 0 : i32
          %dma_start3A_888 = arith.constant 0 : i32
          %dma_start3A_889 = tpu.memref_slice %arg4[%dma_start3A_874, %dma_start3A_887, %dma_start3A_888] : memref<2x8x4096xf32, #tpu.memory_space<vmem>> -> memref<1x8x4096xf32, #tpu.memory_space<vmem>>
          %dma_start3A_890 = tpu.memref_squeeze %dma_start3A_889 : memref<1x8x4096xf32, #tpu.memory_space<vmem>> -> memref<8x4096xf32, #tpu.memory_space<vmem>>
          %dma_start3A_891 = arith.constant 0 : i32
          %dma_start3A_892 = tpu.memref_slice %dma_start3A_890[%dma_start3A_875, %dma_start3A_891] : memref<8x4096xf32, #tpu.memory_space<vmem>> -> memref<1x4096xf32, #tpu.memory_space<vmem>>
          %dma_start3A_893 = tpu.memref_squeeze %dma_start3A_892 : memref<1x4096xf32, #tpu.memory_space<vmem>> -> memref<4096xf32, #tpu.memory_space<vmem>>
          %dma_start3A_894 = tpu.memref_slice %arg2[%add3A_873] : memref<26214400xf32, #tpu.memory_space<hbm>> -> memref<4096xf32, #tpu.memory_space<hbm>>
          tpu.enqueue_dma source(%dma_start3A_894 : memref<4096xf32, #tpu.memory_space<hbm>>) target(%dma_start3A_893 : memref<4096xf32, #tpu.memory_space<vmem>>) target_semaphore(%dma_start3A_886 : memref<!tpu.dma_semaphore, #tpu.memory_space<semaphore_mem>>)
          %mul3A_895 = arith.constant 524288 : i32
          %mul3A_896 = arith.muli %select_n3A_739, %mul3A_895 : i32
          %mul3A_897 = arith.constant 8 : i32
          %mul3A_898 = arith.muli %select_n3A_779, %mul3A_897 : i32
          %add3A_899 = arith.constant 3 : i32
          %add3A_900 = arith.addi %mul3A_898, %add3A_899 : i32
          %mul3A_901 = arith.constant 16384 : i32
          %mul3A_902 = arith.muli %add3A_900, %mul3A_901 : i32
          %add3A_903 = arith.addi %mul3A_896, %mul3A_902 : i32
          %mul3A_904 = arith.constant 4096 : i32
          %mul3A_905 = arith.muli %select_n3A_795, %mul3A_904 : i32
          %add3A_906 = arith.addi %add3A_903, %mul3A_905 : i32
          %dma_start3A_907 = arith.constant 1 : i32
          %dma_start3A_908 = arith.constant 3 : i32
          %dma_start3A_909 = arith.constant 1 : i32
          %dma_start3A_910 = arith.constant 0 : i32
          %dma_start3A_911 = arith.constant 0 : i32
          %dma_start3A_912 = tpu.memref_slice %arg4[%dma_start3A_907, %dma_start3A_910, %dma_start3A_911] : memref<2x8x4096xf32, #tpu.memory_space<vmem>> -> memref<1x8x4096xf32, #tpu.memory_space<vmem>>
          %dma_start3A_913 = tpu.memref_squeeze %dma_start3A_912 : memref<1x8x4096xf32, #tpu.memory_space<vmem>> -> memref<8x4096xf32, #tpu.memory_space<vmem>>
          %dma_start3A_914 = arith.constant 0 : i32
          %dma_start3A_915 = tpu.memref_slice %dma_start3A_913[%dma_start3A_908, %dma_start3A_914] : memref<8x4096xf32, #tpu.memory_space<vmem>> -> memref<1x4096xf32, #tpu.memory_space<vmem>>
          %dma_start3A_916 = tpu.memref_squeeze %dma_start3A_915 : memref<1x4096xf32, #tpu.memory_space<vmem>> -> memref<4096xf32, #tpu.memory_space<vmem>>
          %dma_start3A_917 = tpu.memref_slice %arg2[%add3A_906] : memref<26214400xf32, #tpu.memory_space<hbm>> -> memref<4096xf32, #tpu.memory_space<hbm>>
          %dma_start3A_918 = tpu.memref_slice %arg5[%dma_start3A_909] : memref<2x!tpu.dma_semaphore, #tpu.memory_space<semaphore_mem>> -> memref<1x!tpu.dma_semaphore, #tpu.memory_space<semaphore_mem>>
          %dma_start3A_919 = tpu.memref_squeeze %dma_start3A_918 : memref<1x!tpu.dma_semaphore, #tpu.memory_space<semaphore_mem>> -> memref<!tpu.dma_semaphore, #tpu.memory_space<semaphore_mem>>
          %dma_start3A_920 = arith.constant 0 : i32
          %dma_start3A_921 = arith.constant 0 : i32
          %dma_start3A_922 = tpu.memref_slice %arg4[%dma_start3A_907, %dma_start3A_920, %dma_start3A_921] : memref<2x8x4096xf32, #tpu.memory_space<vmem>> -> memref<1x8x4096xf32, #tpu.memory_space<vmem>>
          %dma_start3A_923 = tpu.memref_squeeze %dma_start3A_922 : memref<1x8x4096xf32, #tpu.memory_space<vmem>> -> memref<8x4096xf32, #tpu.memory_space<vmem>>
          %dma_start3A_924 = arith.constant 0 : i32
          %dma_start3A_925 = tpu.memref_slice %dma_start3A_923[%dma_start3A_908, %dma_start3A_924] : memref<8x4096xf32, #tpu.memory_space<vmem>> -> memref<1x4096xf32, #tpu.memory_space<vmem>>
          %dma_start3A_926 = tpu.memref_squeeze %dma_start3A_925 : memref<1x4096xf32, #tpu.memory_space<vmem>> -> memref<4096xf32, #tpu.memory_space<vmem>>
          %dma_start3A_927 = tpu.memref_slice %arg2[%add3A_906] : memref<26214400xf32, #tpu.memory_space<hbm>> -> memref<4096xf32, #tpu.memory_space<hbm>>
          tpu.enqueue_dma source(%dma_start3A_927 : memref<4096xf32, #tpu.memory_space<hbm>>) target(%dma_start3A_926 : memref<4096xf32, #tpu.memory_space<vmem>>) target_semaphore(%dma_start3A_919 : memref<!tpu.dma_semaphore, #tpu.memory_space<semaphore_mem>>)
          %mul3A_928 = arith.constant 524288 : i32
          %mul3A_929 = arith.muli %select_n3A_739, %mul3A_928 : i32
          %mul3A_930 = arith.constant 8 : i32
          %mul3A_931 = arith.muli %select_n3A_779, %mul3A_930 : i32
          %add3A_932 = arith.constant 4 : i32
          %add3A_933 = arith.addi %mul3A_931, %add3A_932 : i32
          %mul3A_934 = arith.constant 16384 : i32
          %mul3A_935 = arith.muli %add3A_933, %mul3A_934 : i32
          %add3A_936 = arith.addi %mul3A_929, %mul3A_935 : i32
          %mul3A_937 = arith.constant 4096 : i32
          %mul3A_938 = arith.muli %select_n3A_795, %mul3A_937 : i32
          %add3A_939 = arith.addi %add3A_936, %mul3A_938 : i32
          %dma_start3A_940 = arith.constant 1 : i32
          %dma_start3A_941 = arith.constant 4 : i32
          %dma_start3A_942 = arith.constant 1 : i32
          %dma_start3A_943 = arith.constant 0 : i32
          %dma_start3A_944 = arith.constant 0 : i32
          %dma_start3A_945 = tpu.memref_slice %arg4[%dma_start3A_940, %dma_start3A_943, %dma_start3A_944] : memref<2x8x4096xf32, #tpu.memory_space<vmem>> -> memref<1x8x4096xf32, #tpu.memory_space<vmem>>
          %dma_start3A_946 = tpu.memref_squeeze %dma_start3A_945 : memref<1x8x4096xf32, #tpu.memory_space<vmem>> -> memref<8x4096xf32, #tpu.memory_space<vmem>>
          %dma_start3A_947 = arith.constant 0 : i32
          %dma_start3A_948 = tpu.memref_slice %dma_start3A_946[%dma_start3A_941, %dma_start3A_947] : memref<8x4096xf32, #tpu.memory_space<vmem>> -> memref<1x4096xf32, #tpu.memory_space<vmem>>
          %dma_start3A_949 = tpu.memref_squeeze %dma_start3A_948 : memref<1x4096xf32, #tpu.memory_space<vmem>> -> memref<4096xf32, #tpu.memory_space<vmem>>
          %dma_start3A_950 = tpu.memref_slice %arg2[%add3A_939] : memref<26214400xf32, #tpu.memory_space<hbm>> -> memref<4096xf32, #tpu.memory_space<hbm>>
          %dma_start3A_951 = tpu.memref_slice %arg5[%dma_start3A_942] : memref<2x!tpu.dma_semaphore, #tpu.memory_space<semaphore_mem>> -> memref<1x!tpu.dma_semaphore, #tpu.memory_space<semaphore_mem>>
          %dma_start3A_952 = tpu.memref_squeeze %dma_start3A_951 : memref<1x!tpu.dma_semaphore, #tpu.memory_space<semaphore_mem>> -> memref<!tpu.dma_semaphore, #tpu.memory_space<semaphore_mem>>
          %dma_start3A_953 = arith.constant 0 : i32
          %dma_start3A_954 = arith.constant 0 : i32
          %dma_start3A_955 = tpu.memref_slice %arg4[%dma_start3A_940, %dma_start3A_953, %dma_start3A_954] : memref<2x8x4096xf32, #tpu.memory_space<vmem>> -> memref<1x8x4096xf32, #tpu.memory_space<vmem>>
          %dma_start3A_956 = tpu.memref_squeeze %dma_start3A_955 : memref<1x8x4096xf32, #tpu.memory_space<vmem>> -> memref<8x4096xf32, #tpu.memory_space<vmem>>
          %dma_start3A_957 = arith.constant 0 : i32
          %dma_start3A_958 = tpu.memref_slice %dma_start3A_956[%dma_start3A_941, %dma_start3A_957] : memref<8x4096xf32, #tpu.memory_space<vmem>> -> memref<1x4096xf32, #tpu.memory_space<vmem>>
          %dma_start3A_959 = tpu.memref_squeeze %dma_start3A_958 : memref<1x4096xf32, #tpu.memory_space<vmem>> -> memref<4096xf32, #tpu.memory_space<vmem>>
          %dma_start3A_960 = tpu.memref_slice %arg2[%add3A_939] : memref<26214400xf32, #tpu.memory_space<hbm>> -> memref<4096xf32, #tpu.memory_space<hbm>>
          tpu.enqueue_dma source(%dma_start3A_960 : memref<4096xf32, #tpu.memory_space<hbm>>) target(%dma_start3A_959 : memref<4096xf32, #tpu.memory_space<vmem>>) target_semaphore(%dma_start3A_952 : memref<!tpu.dma_semaphore, #tpu.memory_space<semaphore_mem>>)
          %mul3A_961 = arith.constant 524288 : i32
          %mul3A_962 = arith.muli %select_n3A_739, %mul3A_961 : i32
          %mul3A_963 = arith.constant 8 : i32
          %mul3A_964 = arith.muli %select_n3A_779, %mul3A_963 : i32
          %add3A_965 = arith.constant 5 : i32
          %add3A_966 = arith.addi %mul3A_964, %add3A_965 : i32
          %mul3A_967 = arith.constant 16384 : i32
          %mul3A_968 = arith.muli %add3A_966, %mul3A_967 : i32
          %add3A_969 = arith.addi %mul3A_962, %mul3A_968 : i32
          %mul3A_970 = arith.constant 4096 : i32
          %mul3A_971 = arith.muli %select_n3A_795, %mul3A_970 : i32
          %add3A_972 = arith.addi %add3A_969, %mul3A_971 : i32
          %dma_start3A_973 = arith.constant 1 : i32
          %dma_start3A_974 = arith.constant 5 : i32
          %dma_start3A_975 = arith.constant 1 : i32
          %dma_start3A_976 = arith.constant 0 : i32
          %dma_start3A_977 = arith.constant 0 : i32
          %dma_start3A_978 = tpu.memref_slice %arg4[%dma_start3A_973, %dma_start3A_976, %dma_start3A_977] : memref<2x8x4096xf32, #tpu.memory_space<vmem>> -> memref<1x8x4096xf32, #tpu.memory_space<vmem>>
          %dma_start3A_979 = tpu.memref_squeeze %dma_start3A_978 : memref<1x8x4096xf32, #tpu.memory_space<vmem>> -> memref<8x4096xf32, #tpu.memory_space<vmem>>
          %dma_start3A_980 = arith.constant 0 : i32
          %dma_start3A_981 = tpu.memref_slice %dma_start3A_979[%dma_start3A_974, %dma_start3A_980] : memref<8x4096xf32, #tpu.memory_space<vmem>> -> memref<1x4096xf32, #tpu.memory_space<vmem>>
          %dma_start3A_982 = tpu.memref_squeeze %dma_start3A_981 : memref<1x4096xf32, #tpu.memory_space<vmem>> -> memref<4096xf32, #tpu.memory_space<vmem>>
          %dma_start3A_983 = tpu.memref_slice %arg2[%add3A_972] : memref<26214400xf32, #tpu.memory_space<hbm>> -> memref<4096xf32, #tpu.memory_space<hbm>>
          %dma_start3A_984 = tpu.memref_slice %arg5[%dma_start3A_975] : memref<2x!tpu.dma_semaphore, #tpu.memory_space<semaphore_mem>> -> memref<1x!tpu.dma_semaphore, #tpu.memory_space<semaphore_mem>>
          %dma_start3A_985 = tpu.memref_squeeze %dma_start3A_984 : memref<1x!tpu.dma_semaphore, #tpu.memory_space<semaphore_mem>> -> memref<!tpu.dma_semaphore, #tpu.memory_space<semaphore_mem>>
          %dma_start3A_986 = arith.constant 0 : i32
          %dma_start3A_987 = arith.constant 0 : i32
          %dma_start3A_988 = tpu.memref_slice %arg4[%dma_start3A_973, %dma_start3A_986, %dma_start3A_987] : memref<2x8x4096xf32, #tpu.memory_space<vmem>> -> memref<1x8x4096xf32, #tpu.memory_space<vmem>>
          %dma_start3A_989 = tpu.memref_squeeze %dma_start3A_988 : memref<1x8x4096xf32, #tpu.memory_space<vmem>> -> memref<8x4096xf32, #tpu.memory_space<vmem>>
          %dma_start3A_990 = arith.constant 0 : i32
          %dma_start3A_991 = tpu.memref_slice %dma_start3A_989[%dma_start3A_974, %dma_start3A_990] : memref<8x4096xf32, #tpu.memory_space<vmem>> -> memref<1x4096xf32, #tpu.memory_space<vmem>>
          %dma_start3A_992 = tpu.memref_squeeze %dma_start3A_991 : memref<1x4096xf32, #tpu.memory_space<vmem>> -> memref<4096xf32, #tpu.memory_space<vmem>>
          %dma_start3A_993 = tpu.memref_slice %arg2[%add3A_972] : memref<26214400xf32, #tpu.memory_space<hbm>> -> memref<4096xf32, #tpu.memory_space<hbm>>
          tpu.enqueue_dma source(%dma_start3A_993 : memref<4096xf32, #tpu.memory_space<hbm>>) target(%dma_start3A_992 : memref<4096xf32, #tpu.memory_space<vmem>>) target_semaphore(%dma_start3A_985 : memref<!tpu.dma_semaphore, #tpu.memory_space<semaphore_mem>>)
          %mul3A_994 = arith.constant 524288 : i32
          %mul3A_995 = arith.muli %select_n3A_739, %mul3A_994 : i32
          %mul3A_996 = arith.constant 8 : i32
          %mul3A_997 = arith.muli %select_n3A_779, %mul3A_996 : i32
          %add3A_998 = arith.constant 6 : i32
          %add3A_999 = arith.addi %mul3A_997, %add3A_998 : i32
          %mul3A_1000 = arith.constant 16384 : i32
          %mul3A_1001 = arith.muli %add3A_999, %mul3A_1000 : i32
          %add3A_1002 = arith.addi %mul3A_995, %mul3A_1001 : i32
          %mul3A_1003 = arith.constant 4096 : i32
          %mul3A_1004 = arith.muli %select_n3A_795, %mul3A_1003 : i32
          %add3A_1005 = arith.addi %add3A_1002, %mul3A_1004 : i32
          %dma_start3A_1006 = arith.constant 1 : i32
          %dma_start3A_1007 = arith.constant 6 : i32
          %dma_start3A_1008 = arith.constant 1 : i32
          %dma_start3A_1009 = arith.constant 0 : i32
          %dma_start3A_1010 = arith.constant 0 : i32
          %dma_start3A_1011 = tpu.memref_slice %arg4[%dma_start3A_1006, %dma_start3A_1009, %dma_start3A_1010] : memref<2x8x4096xf32, #tpu.memory_space<vmem>> -> memref<1x8x4096xf32, #tpu.memory_space<vmem>>
          %dma_start3A_1012 = tpu.memref_squeeze %dma_start3A_1011 : memref<1x8x4096xf32, #tpu.memory_space<vmem>> -> memref<8x4096xf32, #tpu.memory_space<vmem>>
          %dma_start3A_1013 = arith.constant 0 : i32
          %dma_start3A_1014 = tpu.memref_slice %dma_start3A_1012[%dma_start3A_1007, %dma_start3A_1013] : memref<8x4096xf32, #tpu.memory_space<vmem>> -> memref<1x4096xf32, #tpu.memory_space<vmem>>
          %dma_start3A_1015 = tpu.memref_squeeze %dma_start3A_1014 : memref<1x4096xf32, #tpu.memory_space<vmem>> -> memref<4096xf32, #tpu.memory_space<vmem>>
          %dma_start3A_1016 = tpu.memref_slice %arg2[%add3A_1005] : memref<26214400xf32, #tpu.memory_space<hbm>> -> memref<4096xf32, #tpu.memory_space<hbm>>
          %dma_start3A_1017 = tpu.memref_slice %arg5[%dma_start3A_1008] : memref<2x!tpu.dma_semaphore, #tpu.memory_space<semaphore_mem>> -> memref<1x!tpu.dma_semaphore, #tpu.memory_space<semaphore_mem>>
          %dma_start3A_1018 = tpu.memref_squeeze %dma_start3A_1017 : memref<1x!tpu.dma_semaphore, #tpu.memory_space<semaphore_mem>> -> memref<!tpu.dma_semaphore, #tpu.memory_space<semaphore_mem>>
          %dma_start3A_1019 = arith.constant 0 : i32
          %dma_start3A_1020 = arith.constant 0 : i32
          %dma_start3A_1021 = tpu.memref_slice %arg4[%dma_start3A_1006, %dma_start3A_1019, %dma_start3A_1020] : memref<2x8x4096xf32, #tpu.memory_space<vmem>> -> memref<1x8x4096xf32, #tpu.memory_space<vmem>>
          %dma_start3A_1022 = tpu.memref_squeeze %dma_start3A_1021 : memref<1x8x4096xf32, #tpu.memory_space<vmem>> -> memref<8x4096xf32, #tpu.memory_space<vmem>>
          %dma_start3A_1023 = arith.constant 0 : i32
          %dma_start3A_1024 = tpu.memref_slice %dma_start3A_1022[%dma_start3A_1007, %dma_start3A_1023] : memref<8x4096xf32, #tpu.memory_space<vmem>> -> memref<1x4096xf32, #tpu.memory_space<vmem>>
          %dma_start3A_1025 = tpu.memref_squeeze %dma_start3A_1024 : memref<1x4096xf32, #tpu.memory_space<vmem>> -> memref<4096xf32, #tpu.memory_space<vmem>>
          %dma_start3A_1026 = tpu.memref_slice %arg2[%add3A_1005] : memref<26214400xf32, #tpu.memory_space<hbm>> -> memref<4096xf32, #tpu.memory_space<hbm>>
          tpu.enqueue_dma source(%dma_start3A_1026 : memref<4096xf32, #tpu.memory_space<hbm>>) target(%dma_start3A_1025 : memref<4096xf32, #tpu.memory_space<vmem>>) target_semaphore(%dma_start3A_1018 : memref<!tpu.dma_semaphore, #tpu.memory_space<semaphore_mem>>)
          %mul3A_1027 = arith.constant 524288 : i32
          %mul3A_1028 = arith.muli %select_n3A_739, %mul3A_1027 : i32
          %mul3A_1029 = arith.constant 8 : i32
          %mul3A_1030 = arith.muli %select_n3A_779, %mul3A_1029 : i32
          %add3A_1031 = arith.constant 7 : i32
          %add3A_1032 = arith.addi %mul3A_1030, %add3A_1031 : i32
          %mul3A_1033 = arith.constant 16384 : i32
          %mul3A_1034 = arith.muli %add3A_1032, %mul3A_1033 : i32
          %add3A_1035 = arith.addi %mul3A_1028, %mul3A_1034 : i32
          %mul3A_1036 = arith.constant 4096 : i32
          %mul3A_1037 = arith.muli %select_n3A_795, %mul3A_1036 : i32
          %add3A_1038 = arith.addi %add3A_1035, %mul3A_1037 : i32
          %dma_start3A_1039 = arith.constant 1 : i32
          %dma_start3A_1040 = arith.constant 7 : i32
          %dma_start3A_1041 = arith.constant 1 : i32
          %dma_start3A_1042 = arith.constant 0 : i32
          %dma_start3A_1043 = arith.constant 0 : i32
          %dma_start3A_1044 = tpu.memref_slice %arg4[%dma_start3A_1039, %dma_start3A_1042, %dma_start3A_1043] : memref<2x8x4096xf32, #tpu.memory_space<vmem>> -> memref<1x8x4096xf32, #tpu.memory_space<vmem>>
          %dma_start3A_1045 = tpu.memref_squeeze %dma_start3A_1044 : memref<1x8x4096xf32, #tpu.memory_space<vmem>> -> memref<8x4096xf32, #tpu.memory_space<vmem>>
          %dma_start3A_1046 = arith.constant 0 : i32
          %dma_start3A_1047 = tpu.memref_slice %dma_start3A_1045[%dma_start3A_1040, %dma_start3A_1046] : memref<8x4096xf32, #tpu.memory_space<vmem>> -> memref<1x4096xf32, #tpu.memory_space<vmem>>
          %dma_start3A_1048 = tpu.memref_squeeze %dma_start3A_1047 : memref<1x4096xf32, #tpu.memory_space<vmem>> -> memref<4096xf32, #tpu.memory_space<vmem>>
          %dma_start3A_1049 = tpu.memref_slice %arg2[%add3A_1038] : memref<26214400xf32, #tpu.memory_space<hbm>> -> memref<4096xf32, #tpu.memory_space<hbm>>
          %dma_start3A_1050 = tpu.memref_slice %arg5[%dma_start3A_1041] : memref<2x!tpu.dma_semaphore, #tpu.memory_space<semaphore_mem>> -> memref<1x!tpu.dma_semaphore, #tpu.memory_space<semaphore_mem>>
          %dma_start3A_1051 = tpu.memref_squeeze %dma_start3A_1050 : memref<1x!tpu.dma_semaphore, #tpu.memory_space<semaphore_mem>> -> memref<!tpu.dma_semaphore, #tpu.memory_space<semaphore_mem>>
          %dma_start3A_1052 = arith.constant 0 : i32
          %dma_start3A_1053 = arith.constant 0 : i32
          %dma_start3A_1054 = tpu.memref_slice %arg4[%dma_start3A_1039, %dma_start3A_1052, %dma_start3A_1053] : memref<2x8x4096xf32, #tpu.memory_space<vmem>> -> memref<1x8x4096xf32, #tpu.memory_space<vmem>>
          %dma_start3A_1055 = tpu.memref_squeeze %dma_start3A_1054 : memref<1x8x4096xf32, #tpu.memory_space<vmem>> -> memref<8x4096xf32, #tpu.memory_space<vmem>>
          %dma_start3A_1056 = arith.constant 0 : i32
          %dma_start3A_1057 = tpu.memref_slice %dma_start3A_1055[%dma_start3A_1040, %dma_start3A_1056] : memref<8x4096xf32, #tpu.memory_space<vmem>> -> memref<1x4096xf32, #tpu.memory_space<vmem>>
          %dma_start3A_1058 = tpu.memref_squeeze %dma_start3A_1057 : memref<1x4096xf32, #tpu.memory_space<vmem>> -> memref<4096xf32, #tpu.memory_space<vmem>>
          %dma_start3A_1059 = tpu.memref_slice %arg2[%add3A_1038] : memref<26214400xf32, #tpu.memory_space<hbm>> -> memref<4096xf32, #tpu.memory_space<hbm>>
          tpu.enqueue_dma source(%dma_start3A_1059 : memref<4096xf32, #tpu.memory_space<hbm>>) target(%dma_start3A_1058 : memref<4096xf32, #tpu.memory_space<vmem>>) target_semaphore(%dma_start3A_1051 : memref<!tpu.dma_semaphore, #tpu.memory_space<semaphore_mem>>)
        } else {
        }
        %jit3A_603 = arith.constant 16 : i32
        %div3A_604 = arith.divsi %add3A_411, %jit3A_603 : i32
        %sign3A_605 = arith.constant 0 : i32
        %sign3A_606 = arith.cmpi sgt, %add3A_411, %sign3A_605 : i32
        %sign3A_607 = arith.extui %sign3A_606 : i1 to i32
        %sign3A_608 = arith.constant 0 : i32
        %sign3A_609 = arith.cmpi slt, %add3A_411, %sign3A_608 : i32
        %sign3A_610 = arith.extui %sign3A_609 : i1 to i32
        %sign3A_611 = arith.subi %sign3A_607, %sign3A_610 : i32
        %sign3A_612 = arith.constant 0 : i32
        %sign3A_613 = arith.cmpi sgt, %jit3A_603, %sign3A_612 : i32
        %sign3A_614 = arith.extui %sign3A_613 : i1 to i32
        %sign3A_615 = arith.constant 0 : i32
        %sign3A_616 = arith.cmpi slt, %jit3A_603, %sign3A_615 : i32
        %sign3A_617 = arith.extui %sign3A_616 : i1 to i32
        %sign3A_618 = arith.subi %sign3A_614, %sign3A_617 : i32
        %ne3A_619 = arith.cmpi ne, %sign3A_611, %sign3A_618 : i32
        %rem3A_620 = arith.remsi %add3A_411, %jit3A_603 : i32
        %ne3A_621 = arith.constant 0 : i32
        %ne3A_622 = arith.cmpi ne, %rem3A_620, %ne3A_621 : i32
        %and3A_623 = arith.andi %ne3A_619, %ne3A_622 : i1
        %sub3A_624 = arith.constant 1 : i32
        %sub3A_625 = arith.subi %div3A_604, %sub3A_624 : i32
        %select_n3A_626 = arith.select %and3A_623, %sub3A_625, %div3A_604 : i32
        %jit3A_627 = arith.constant 16 : i32
        %eq3A_628 = arith.constant 0 : i32
        %eq3A_629 = arith.cmpi eq, %jit3A_627, %eq3A_628 : i32
        %jit3A_630 = arith.constant 1 : i32
        %select_n3A_631 = arith.select %eq3A_629, %jit3A_630, %jit3A_627 : i32
        %rem3A_632 = arith.remsi %add3A_411, %select_n3A_631 : i32
        %ne3A_633 = arith.constant 0 : i32
        %ne3A_634 = arith.cmpi ne, %rem3A_632, %ne3A_633 : i32
        %lt3A_635 = arith.constant 0 : i32
        %lt3A_636 = arith.cmpi slt, %rem3A_632, %lt3A_635 : i32
        %lt3A_637 = arith.constant 0 : i32
        %lt3A_638 = arith.cmpi slt, %select_n3A_631, %lt3A_637 : i32
        %ne3A_639 = arith.xori %lt3A_636, %lt3A_638 : i1
        %and3A_640 = arith.andi %ne3A_639, %ne3A_634 : i1
        %add3A_641 = arith.addi %rem3A_632, %select_n3A_631 : i32
        %select_n3A_642 = arith.select %and3A_640, %add3A_641, %rem3A_632 : i32
        %jit3A_643 = arith.constant 4 : i32
        %div3A_644 = arith.divsi %select_n3A_642, %jit3A_643 : i32
        %sign3A_645 = arith.constant 0 : i32
        %sign3A_646 = arith.cmpi sgt, %select_n3A_642, %sign3A_645 : i32
        %sign3A_647 = arith.extui %sign3A_646 : i1 to i32
        %sign3A_648 = arith.constant 0 : i32
        %sign3A_649 = arith.cmpi slt, %select_n3A_642, %sign3A_648 : i32
        %sign3A_650 = arith.extui %sign3A_649 : i1 to i32
        %sign3A_651 = arith.subi %sign3A_647, %sign3A_650 : i32
        %sign3A_652 = arith.constant 0 : i32
        %sign3A_653 = arith.cmpi sgt, %jit3A_643, %sign3A_652 : i32
        %sign3A_654 = arith.extui %sign3A_653 : i1 to i32
        %sign3A_655 = arith.constant 0 : i32
        %sign3A_656 = arith.cmpi slt, %jit3A_643, %sign3A_655 : i32
        %sign3A_657 = arith.extui %sign3A_656 : i1 to i32
        %sign3A_658 = arith.subi %sign3A_654, %sign3A_657 : i32
        %ne3A_659 = arith.cmpi ne, %sign3A_651, %sign3A_658 : i32
        %rem3A_660 = arith.remsi %select_n3A_642, %jit3A_643 : i32
        %ne3A_661 = arith.constant 0 : i32
        %ne3A_662 = arith.cmpi ne, %rem3A_660, %ne3A_661 : i32
        %and3A_663 = arith.andi %ne3A_659, %ne3A_662 : i1
        %sub3A_664 = arith.constant 1 : i32
        %sub3A_665 = arith.subi %div3A_644, %sub3A_664 : i32
        %select_n3A_666 = arith.select %and3A_663, %sub3A_665, %div3A_644 : i32
        %mul3A_667 = arith.constant 8 : i32
        %mul3A_668 = arith.muli %select_n3A_666, %mul3A_667 : i32
        %multiple_of3A = tpu.assume_multiple %mul3A_668, 8 : i32
        %jit3A_669 = arith.constant 4 : i32
        %eq3A_670 = arith.constant 0 : i32
        %eq3A_671 = arith.cmpi eq, %jit3A_669, %eq3A_670 : i32
        %jit3A_672 = arith.constant 1 : i32
        %select_n3A_673 = arith.select %eq3A_671, %jit3A_672, %jit3A_669 : i32
        %rem3A_674 = arith.remsi %select_n3A_642, %select_n3A_673 : i32
        %ne3A_675 = arith.constant 0 : i32
        %ne3A_676 = arith.cmpi ne, %rem3A_674, %ne3A_675 : i32
        %lt3A_677 = arith.constant 0 : i32
        %lt3A_678 = arith.cmpi slt, %rem3A_674, %lt3A_677 : i32
        %lt3A_679 = arith.constant 0 : i32
        %lt3A_680 = arith.cmpi slt, %select_n3A_673, %lt3A_679 : i32
        %ne3A_681 = arith.xori %lt3A_678, %lt3A_680 : i1
        %and3A_682 = arith.andi %ne3A_681, %ne3A_676 : i1
        %add3A_683 = arith.addi %rem3A_674, %select_n3A_673 : i32
        %select_n3A_684 = arith.select %and3A_682, %add3A_683, %rem3A_674 : i32
        %mul3A_685 = arith.constant 4096 : i32
        %mul3A_686 = arith.muli %select_n3A_684, %mul3A_685 : i32
        %multiple_of3A_687 = tpu.assume_multiple %mul3A_686, 4096 : i32
        %dma_start3A_688 = arith.constant 0 : i32
        %dma_start3A_689 = arith.constant 0 : i32
        %dma_start3A_690 = arith.constant 0 : i32
        %dma_start3A_691 = arith.constant 0 : i32
        %dma_start3A_692 = tpu.memref_slice %arg4[%dma_start3A_688, %dma_start3A_690, %dma_start3A_691] : memref<2x8x4096xf32, #tpu.memory_space<vmem>> -> memref<1x8x4096xf32, #tpu.memory_space<vmem>>
        %dma_start3A_693 = tpu.memref_squeeze %dma_start3A_692 : memref<1x8x4096xf32, #tpu.memory_space<vmem>> -> memref<8x4096xf32, #tpu.memory_space<vmem>>
        %dma_start3A_694 = arith.constant 0 : i32
        %dma_start3A_695 = arith.constant 0 : i32
        %dma_start3A_696 = tpu.memref_slice %arg3[%select_n3A_626, %dma_start3A_694, %dma_start3A_695] : memref<50x32x16384xf32, #tpu.memory_space<hbm>> -> memref<1x32x16384xf32, #tpu.memory_space<hbm>>
        %dma_start3A_697 = tpu.memref_squeeze %dma_start3A_696 : memref<1x32x16384xf32, #tpu.memory_space<hbm>> -> memref<32x16384xf32, #tpu.memory_space<hbm>>
        %dma_start3A_698 = tpu.memref_slice %dma_start3A_697[%multiple_of3A, %multiple_of3A_687] : memref<32x16384xf32, #tpu.memory_space<hbm>> -> memref<8x4096xf32, #tpu.memory_space<hbm>>
        %dma_start3A_699 = tpu.memref_slice %arg6[%dma_start3A_689] : memref<2x!tpu.dma_semaphore, #tpu.memory_space<semaphore_mem>> -> memref<1x!tpu.dma_semaphore, #tpu.memory_space<semaphore_mem>>
        %dma_start3A_700 = tpu.memref_squeeze %dma_start3A_699 : memref<1x!tpu.dma_semaphore, #tpu.memory_space<semaphore_mem>> -> memref<!tpu.dma_semaphore, #tpu.memory_space<semaphore_mem>>
        %dma_start3A_701 = arith.constant 0 : i32
        %dma_start3A_702 = arith.constant 0 : i32
        %dma_start3A_703 = tpu.memref_slice %arg3[%select_n3A_626, %dma_start3A_701, %dma_start3A_702] : memref<50x32x16384xf32, #tpu.memory_space<hbm>> -> memref<1x32x16384xf32, #tpu.memory_space<hbm>>
        %dma_start3A_704 = tpu.memref_squeeze %dma_start3A_703 : memref<1x32x16384xf32, #tpu.memory_space<hbm>> -> memref<32x16384xf32, #tpu.memory_space<hbm>>
        %dma_start3A_705 = tpu.memref_slice %dma_start3A_704[%multiple_of3A, %multiple_of3A_687] : memref<32x16384xf32, #tpu.memory_space<hbm>> -> memref<8x4096xf32, #tpu.memory_space<hbm>>
        %dma_start3A_706 = arith.constant 0 : i32
        %dma_start3A_707 = arith.constant 0 : i32
        %dma_start3A_708 = tpu.memref_slice %arg4[%dma_start3A_688, %dma_start3A_706, %dma_start3A_707] : memref<2x8x4096xf32, #tpu.memory_space<vmem>> -> memref<1x8x4096xf32, #tpu.memory_space<vmem>>
        %dma_start3A_709 = tpu.memref_squeeze %dma_start3A_708 : memref<1x8x4096xf32, #tpu.memory_space<vmem>> -> memref<8x4096xf32, #tpu.memory_space<vmem>>
        tpu.enqueue_dma source(%dma_start3A_709 : memref<8x4096xf32, #tpu.memory_space<vmem>>) target(%dma_start3A_705 : memref<8x4096xf32, #tpu.memory_space<hbm>>) target_semaphore(%dma_start3A_700 : memref<!tpu.dma_semaphore, #tpu.memory_space<semaphore_mem>>)
      } else {
      }
      %mul3A_402 = arith.constant 2 : i32
      %mul3A_403 = arith.muli %scan3A_394, %mul3A_402 : i32
      %add3A_404 = arith.constant 1 : i32
      %add3A_405 = arith.addi %mul3A_403, %add3A_404 : i32
      %lt3A_406 = arith.constant 25 : i32
      %lt3A_407 = arith.cmpi slt, %add3A_405, %lt3A_406 : i32
      %convert_element_type3A_408 = arith.extui %lt3A_407 : i1 to i32
      %cond3A_409 = arith.constant 0 : i32
      %cond3A_410 = arith.cmpi ne, %convert_element_type3A_408, %cond3A_409 : i32
      scf.if %cond3A_410 {
        %add3A_411 = arith.addi %mul3A_2, %add3A_405 : i32
        %dma_wait3A_412 = arith.constant 1 : i32
        %dma_wait3A_413 = arith.constant 0 : i32
        %dma_wait3A_414 = arith.constant 1 : i32
        %dma_wait3A_415 = arith.constant 0 : i32
        %dma_wait3A_416 = arith.constant 0 : i32
        %dma_wait3A_417 = tpu.memref_slice %arg4[%dma_wait3A_412, %dma_wait3A_415, %dma_wait3A_416] : memref<2x8x4096xf32, #tpu.memory_space<vmem>> -> memref<1x8x4096xf32, #tpu.memory_space<vmem>>
        %dma_wait3A_418 = tpu.memref_squeeze %dma_wait3A_417 : memref<1x8x4096xf32, #tpu.memory_space<vmem>> -> memref<8x4096xf32, #tpu.memory_space<vmem>>
        %dma_wait3A_419 = arith.constant 0 : i32
        %dma_wait3A_420 = tpu.memref_slice %dma_wait3A_418[%dma_wait3A_413, %dma_wait3A_419] : memref<8x4096xf32, #tpu.memory_space<vmem>> -> memref<1x4096xf32, #tpu.memory_space<vmem>>
        %dma_wait3A_421 = tpu.memref_squeeze %dma_wait3A_420 : memref<1x4096xf32, #tpu.memory_space<vmem>> -> memref<4096xf32, #tpu.memory_space<vmem>>
        %dma_wait3A_422 = arith.constant 0 : i32
        %dma_wait3A_423 = tpu.memref_slice %arg2[%dma_wait3A_422] : memref<26214400xf32, #tpu.memory_space<hbm>> -> memref<4096xf32, #tpu.memory_space<hbm>>
        %dma_wait3A_424 = tpu.memref_slice %arg5[%dma_wait3A_414] : memref<2x!tpu.dma_semaphore, #tpu.memory_space<semaphore_mem>> -> memref<1x!tpu.dma_semaphore, #tpu.memory_space<semaphore_mem>>
        %dma_wait3A_425 = tpu.memref_squeeze %dma_wait3A_424 : memref<1x!tpu.dma_semaphore, #tpu.memory_space<semaphore_mem>> -> memref<!tpu.dma_semaphore, #tpu.memory_space<semaphore_mem>>
        %dma_wait3A_426 = arith.constant 0 : i32
        %dma_wait3A_427 = arith.constant 0 : i32
        %dma_wait3A_428 = tpu.memref_slice %arg4[%dma_wait3A_412, %dma_wait3A_426, %dma_wait3A_427] : memref<2x8x4096xf32, #tpu.memory_space<vmem>> -> memref<1x8x4096xf32, #tpu.memory_space<vmem>>
        %dma_wait3A_429 = tpu.memref_squeeze %dma_wait3A_428 : memref<1x8x4096xf32, #tpu.memory_space<vmem>> -> memref<8x4096xf32, #tpu.memory_space<vmem>>
        %dma_wait3A_430 = arith.constant 0 : i32
        %dma_wait3A_431 = tpu.memref_slice %dma_wait3A_429[%dma_wait3A_413, %dma_wait3A_430] : memref<8x4096xf32, #tpu.memory_space<vmem>> -> memref<1x4096xf32, #tpu.memory_space<vmem>>
        %dma_wait3A_432 = tpu.memref_squeeze %dma_wait3A_431 : memref<1x4096xf32, #tpu.memory_space<vmem>> -> memref<4096xf32, #tpu.memory_space<vmem>>
        %dma_wait3A_433 = arith.constant 0 : i32
        %dma_wait3A_434 = tpu.memref_slice %arg2[%dma_wait3A_433] : memref<26214400xf32, #tpu.memory_space<hbm>> -> memref<4096xf32, #tpu.memory_space<hbm>>
        tpu.wait_dma2 semaphore(%dma_wait3A_425 : memref<!tpu.dma_semaphore, #tpu.memory_space<semaphore_mem>>) src(%dma_wait3A_434 : memref<4096xf32, #tpu.memory_space<hbm>>) dst(%dma_wait3A_432 : memref<4096xf32, #tpu.memory_space<vmem>>)
        %dma_wait3A_435 = arith.constant 1 : i32
        %dma_wait3A_436 = arith.constant 1 : i32
        %dma_wait3A_437 = arith.constant 1 : i32
        %dma_wait3A_438 = arith.constant 0 : i32
        %dma_wait3A_439 = arith.constant 0 : i32
        %dma_wait3A_440 = tpu.memref_slice %arg4[%dma_wait3A_435, %dma_wait3A_438, %dma_wait3A_439] : memref<2x8x4096xf32, #tpu.memory_space<vmem>> -> memref<1x8x4096xf32, #tpu.memory_space<vmem>>
        %dma_wait3A_441 = tpu.memref_squeeze %dma_wait3A_440 : memref<1x8x4096xf32, #tpu.memory_space<vmem>> -> memref<8x4096xf32, #tpu.memory_space<vmem>>
        %dma_wait3A_442 = arith.constant 0 : i32
        %dma_wait3A_443 = tpu.memref_slice %dma_wait3A_441[%dma_wait3A_436, %dma_wait3A_442] : memref<8x4096xf32, #tpu.memory_space<vmem>> -> memref<1x4096xf32, #tpu.memory_space<vmem>>
        %dma_wait3A_444 = tpu.memref_squeeze %dma_wait3A_443 : memref<1x4096xf32, #tpu.memory_space<vmem>> -> memref<4096xf32, #tpu.memory_space<vmem>>
        %dma_wait3A_445 = arith.constant 0 : i32
        %dma_wait3A_446 = tpu.memref_slice %arg2[%dma_wait3A_445] : memref<26214400xf32, #tpu.memory_space<hbm>> -> memref<4096xf32, #tpu.memory_space<hbm>>
        %dma_wait3A_447 = tpu.memref_slice %arg5[%dma_wait3A_437] : memref<2x!tpu.dma_semaphore, #tpu.memory_space<semaphore_mem>> -> memref<1x!tpu.dma_semaphore, #tpu.memory_space<semaphore_mem>>
        %dma_wait3A_448 = tpu.memref_squeeze %dma_wait3A_447 : memref<1x!tpu.dma_semaphore, #tpu.memory_space<semaphore_mem>> -> memref<!tpu.dma_semaphore, #tpu.memory_space<semaphore_mem>>
        %dma_wait3A_449 = arith.constant 0 : i32
        %dma_wait3A_450 = arith.constant 0 : i32
        %dma_wait3A_451 = tpu.memref_slice %arg4[%dma_wait3A_435, %dma_wait3A_449, %dma_wait3A_450] : memref<2x8x4096xf32, #tpu.memory_space<vmem>> -> memref<1x8x4096xf32, #tpu.memory_space<vmem>>
        %dma_wait3A_452 = tpu.memref_squeeze %dma_wait3A_451 : memref<1x8x4096xf32, #tpu.memory_space<vmem>> -> memref<8x4096xf32, #tpu.memory_space<vmem>>
        %dma_wait3A_453 = arith.constant 0 : i32
        %dma_wait3A_454 = tpu.memref_slice %dma_wait3A_452[%dma_wait3A_436, %dma_wait3A_453] : memref<8x4096xf32, #tpu.memory_space<vmem>> -> memref<1x4096xf32, #tpu.memory_space<vmem>>
        %dma_wait3A_455 = tpu.memref_squeeze %dma_wait3A_454 : memref<1x4096xf32, #tpu.memory_space<vmem>> -> memref<4096xf32, #tpu.memory_space<vmem>>
        %dma_wait3A_456 = arith.constant 0 : i32
        %dma_wait3A_457 = tpu.memref_slice %arg2[%dma_wait3A_456] : memref<26214400xf32, #tpu.memory_space<hbm>> -> memref<4096xf32, #tpu.memory_space<hbm>>
        tpu.wait_dma2 semaphore(%dma_wait3A_448 : memref<!tpu.dma_semaphore, #tpu.memory_space<semaphore_mem>>) src(%dma_wait3A_457 : memref<4096xf32, #tpu.memory_space<hbm>>) dst(%dma_wait3A_455 : memref<4096xf32, #tpu.memory_space<vmem>>)
        %dma_wait3A_458 = arith.constant 1 : i32
        %dma_wait3A_459 = arith.constant 2 : i32
        %dma_wait3A_460 = arith.constant 1 : i32
        %dma_wait3A_461 = arith.constant 0 : i32
        %dma_wait3A_462 = arith.constant 0 : i32
        %dma_wait3A_463 = tpu.memref_slice %arg4[%dma_wait3A_458, %dma_wait3A_461, %dma_wait3A_462] : memref<2x8x4096xf32, #tpu.memory_space<vmem>> -> memref<1x8x4096xf32, #tpu.memory_space<vmem>>
        %dma_wait3A_464 = tpu.memref_squeeze %dma_wait3A_463 : memref<1x8x4096xf32, #tpu.memory_space<vmem>> -> memref<8x4096xf32, #tpu.memory_space<vmem>>
        %dma_wait3A_465 = arith.constant 0 : i32
        %dma_wait3A_466 = tpu.memref_slice %dma_wait3A_464[%dma_wait3A_459, %dma_wait3A_465] : memref<8x4096xf32, #tpu.memory_space<vmem>> -> memref<1x4096xf32, #tpu.memory_space<vmem>>
        %dma_wait3A_467 = tpu.memref_squeeze %dma_wait3A_466 : memref<1x4096xf32, #tpu.memory_space<vmem>> -> memref<4096xf32, #tpu.memory_space<vmem>>
        %dma_wait3A_468 = arith.constant 0 : i32
        %dma_wait3A_469 = tpu.memref_slice %arg2[%dma_wait3A_468] : memref<26214400xf32, #tpu.memory_space<hbm>> -> memref<4096xf32, #tpu.memory_space<hbm>>
        %dma_wait3A_470 = tpu.memref_slice %arg5[%dma_wait3A_460] : memref<2x!tpu.dma_semaphore, #tpu.memory_space<semaphore_mem>> -> memref<1x!tpu.dma_semaphore, #tpu.memory_space<semaphore_mem>>
        %dma_wait3A_471 = tpu.memref_squeeze %dma_wait3A_470 : memref<1x!tpu.dma_semaphore, #tpu.memory_space<semaphore_mem>> -> memref<!tpu.dma_semaphore, #tpu.memory_space<semaphore_mem>>
        %dma_wait3A_472 = arith.constant 0 : i32
        %dma_wait3A_473 = arith.constant 0 : i32
        %dma_wait3A_474 = tpu.memref_slice %arg4[%dma_wait3A_458, %dma_wait3A_472, %dma_wait3A_473] : memref<2x8x4096xf32, #tpu.memory_space<vmem>> -> memref<1x8x4096xf32, #tpu.memory_space<vmem>>
        %dma_wait3A_475 = tpu.memref_squeeze %dma_wait3A_474 : memref<1x8x4096xf32, #tpu.memory_space<vmem>> -> memref<8x4096xf32, #tpu.memory_space<vmem>>
        %dma_wait3A_476 = arith.constant 0 : i32
        %dma_wait3A_477 = tpu.memref_slice %dma_wait3A_475[%dma_wait3A_459, %dma_wait3A_476] : memref<8x4096xf32, #tpu.memory_space<vmem>> -> memref<1x4096xf32, #tpu.memory_space<vmem>>
        %dma_wait3A_478 = tpu.memref_squeeze %dma_wait3A_477 : memref<1x4096xf32, #tpu.memory_space<vmem>> -> memref<4096xf32, #tpu.memory_space<vmem>>
        %dma_wait3A_479 = arith.constant 0 : i32
        %dma_wait3A_480 = tpu.memref_slice %arg2[%dma_wait3A_479] : memref<26214400xf32, #tpu.memory_space<hbm>> -> memref<4096xf32, #tpu.memory_space<hbm>>
        tpu.wait_dma2 semaphore(%dma_wait3A_471 : memref<!tpu.dma_semaphore, #tpu.memory_space<semaphore_mem>>) src(%dma_wait3A_480 : memref<4096xf32, #tpu.memory_space<hbm>>) dst(%dma_wait3A_478 : memref<4096xf32, #tpu.memory_space<vmem>>)
        %dma_wait3A_481 = arith.constant 1 : i32
        %dma_wait3A_482 = arith.constant 3 : i32
        %dma_wait3A_483 = arith.constant 1 : i32
        %dma_wait3A_484 = arith.constant 0 : i32
        %dma_wait3A_485 = arith.constant 0 : i32
        %dma_wait3A_486 = tpu.memref_slice %arg4[%dma_wait3A_481, %dma_wait3A_484, %dma_wait3A_485] : memref<2x8x4096xf32, #tpu.memory_space<vmem>> -> memref<1x8x4096xf32, #tpu.memory_space<vmem>>
        %dma_wait3A_487 = tpu.memref_squeeze %dma_wait3A_486 : memref<1x8x4096xf32, #tpu.memory_space<vmem>> -> memref<8x4096xf32, #tpu.memory_space<vmem>>
        %dma_wait3A_488 = arith.constant 0 : i32
        %dma_wait3A_489 = tpu.memref_slice %dma_wait3A_487[%dma_wait3A_482, %dma_wait3A_488] : memref<8x4096xf32, #tpu.memory_space<vmem>> -> memref<1x4096xf32, #tpu.memory_space<vmem>>
        %dma_wait3A_490 = tpu.memref_squeeze %dma_wait3A_489 : memref<1x4096xf32, #tpu.memory_space<vmem>> -> memref<4096xf32, #tpu.memory_space<vmem>>
        %dma_wait3A_491 = arith.constant 0 : i32
        %dma_wait3A_492 = tpu.memref_slice %arg2[%dma_wait3A_491] : memref<26214400xf32, #tpu.memory_space<hbm>> -> memref<4096xf32, #tpu.memory_space<hbm>>
        %dma_wait3A_493 = tpu.memref_slice %arg5[%dma_wait3A_483] : memref<2x!tpu.dma_semaphore, #tpu.memory_space<semaphore_mem>> -> memref<1x!tpu.dma_semaphore, #tpu.memory_space<semaphore_mem>>
        %dma_wait3A_494 = tpu.memref_squeeze %dma_wait3A_493 : memref<1x!tpu.dma_semaphore, #tpu.memory_space<semaphore_mem>> -> memref<!tpu.dma_semaphore, #tpu.memory_space<semaphore_mem>>
        %dma_wait3A_495 = arith.constant 0 : i32
        %dma_wait3A_496 = arith.constant 0 : i32
        %dma_wait3A_497 = tpu.memref_slice %arg4[%dma_wait3A_481, %dma_wait3A_495, %dma_wait3A_496] : memref<2x8x4096xf32, #tpu.memory_space<vmem>> -> memref<1x8x4096xf32, #tpu.memory_space<vmem>>
        %dma_wait3A_498 = tpu.memref_squeeze %dma_wait3A_497 : memref<1x8x4096xf32, #tpu.memory_space<vmem>> -> memref<8x4096xf32, #tpu.memory_space<vmem>>
        %dma_wait3A_499 = arith.constant 0 : i32
        %dma_wait3A_500 = tpu.memref_slice %dma_wait3A_498[%dma_wait3A_482, %dma_wait3A_499] : memref<8x4096xf32, #tpu.memory_space<vmem>> -> memref<1x4096xf32, #tpu.memory_space<vmem>>
        %dma_wait3A_501 = tpu.memref_squeeze %dma_wait3A_500 : memref<1x4096xf32, #tpu.memory_space<vmem>> -> memref<4096xf32, #tpu.memory_space<vmem>>
        %dma_wait3A_502 = arith.constant 0 : i32
        %dma_wait3A_503 = tpu.memref_slice %arg2[%dma_wait3A_502] : memref<26214400xf32, #tpu.memory_space<hbm>> -> memref<4096xf32, #tpu.memory_space<hbm>>
        tpu.wait_dma2 semaphore(%dma_wait3A_494 : memref<!tpu.dma_semaphore, #tpu.memory_space<semaphore_mem>>) src(%dma_wait3A_503 : memref<4096xf32, #tpu.memory_space<hbm>>) dst(%dma_wait3A_501 : memref<4096xf32, #tpu.memory_space<vmem>>)
        %dma_wait3A_504 = arith.constant 1 : i32
        %dma_wait3A_505 = arith.constant 4 : i32
        %dma_wait3A_506 = arith.constant 1 : i32
        %dma_wait3A_507 = arith.constant 0 : i32
        %dma_wait3A_508 = arith.constant 0 : i32
        %dma_wait3A_509 = tpu.memref_slice %arg4[%dma_wait3A_504, %dma_wait3A_507, %dma_wait3A_508] : memref<2x8x4096xf32, #tpu.memory_space<vmem>> -> memref<1x8x4096xf32, #tpu.memory_space<vmem>>
        %dma_wait3A_510 = tpu.memref_squeeze %dma_wait3A_509 : memref<1x8x4096xf32, #tpu.memory_space<vmem>> -> memref<8x4096xf32, #tpu.memory_space<vmem>>
        %dma_wait3A_511 = arith.constant 0 : i32
        %dma_wait3A_512 = tpu.memref_slice %dma_wait3A_510[%dma_wait3A_505, %dma_wait3A_511] : memref<8x4096xf32, #tpu.memory_space<vmem>> -> memref<1x4096xf32, #tpu.memory_space<vmem>>
        %dma_wait3A_513 = tpu.memref_squeeze %dma_wait3A_512 : memref<1x4096xf32, #tpu.memory_space<vmem>> -> memref<4096xf32, #tpu.memory_space<vmem>>
        %dma_wait3A_514 = arith.constant 0 : i32
        %dma_wait3A_515 = tpu.memref_slice %arg2[%dma_wait3A_514] : memref<26214400xf32, #tpu.memory_space<hbm>> -> memref<4096xf32, #tpu.memory_space<hbm>>
        %dma_wait3A_516 = tpu.memref_slice %arg5[%dma_wait3A_506] : memref<2x!tpu.dma_semaphore, #tpu.memory_space<semaphore_mem>> -> memref<1x!tpu.dma_semaphore, #tpu.memory_space<semaphore_mem>>
        %dma_wait3A_517 = tpu.memref_squeeze %dma_wait3A_516 : memref<1x!tpu.dma_semaphore, #tpu.memory_space<semaphore_mem>> -> memref<!tpu.dma_semaphore, #tpu.memory_space<semaphore_mem>>
        %dma_wait3A_518 = arith.constant 0 : i32
        %dma_wait3A_519 = arith.constant 0 : i32
        %dma_wait3A_520 = tpu.memref_slice %arg4[%dma_wait3A_504, %dma_wait3A_518, %dma_wait3A_519] : memref<2x8x4096xf32, #tpu.memory_space<vmem>> -> memref<1x8x4096xf32, #tpu.memory_space<vmem>>
        %dma_wait3A_521 = tpu.memref_squeeze %dma_wait3A_520 : memref<1x8x4096xf32, #tpu.memory_space<vmem>> -> memref<8x4096xf32, #tpu.memory_space<vmem>>
        %dma_wait3A_522 = arith.constant 0 : i32
        %dma_wait3A_523 = tpu.memref_slice %dma_wait3A_521[%dma_wait3A_505, %dma_wait3A_522] : memref<8x4096xf32, #tpu.memory_space<vmem>> -> memref<1x4096xf32, #tpu.memory_space<vmem>>
        %dma_wait3A_524 = tpu.memref_squeeze %dma_wait3A_523 : memref<1x4096xf32, #tpu.memory_space<vmem>> -> memref<4096xf32, #tpu.memory_space<vmem>>
        %dma_wait3A_525 = arith.constant 0 : i32
        %dma_wait3A_526 = tpu.memref_slice %arg2[%dma_wait3A_525] : memref<26214400xf32, #tpu.memory_space<hbm>> -> memref<4096xf32, #tpu.memory_space<hbm>>
        tpu.wait_dma2 semaphore(%dma_wait3A_517 : memref<!tpu.dma_semaphore, #tpu.memory_space<semaphore_mem>>) src(%dma_wait3A_526 : memref<4096xf32, #tpu.memory_space<hbm>>) dst(%dma_wait3A_524 : memref<4096xf32, #tpu.memory_space<vmem>>)
        %dma_wait3A_527 = arith.constant 1 : i32
        %dma_wait3A_528 = arith.constant 5 : i32
        %dma_wait3A_529 = arith.constant 1 : i32
        %dma_wait3A_530 = arith.constant 0 : i32
        %dma_wait3A_531 = arith.constant 0 : i32
        %dma_wait3A_532 = tpu.memref_slice %arg4[%dma_wait3A_527, %dma_wait3A_530, %dma_wait3A_531] : memref<2x8x4096xf32, #tpu.memory_space<vmem>> -> memref<1x8x4096xf32, #tpu.memory_space<vmem>>
        %dma_wait3A_533 = tpu.memref_squeeze %dma_wait3A_532 : memref<1x8x4096xf32, #tpu.memory_space<vmem>> -> memref<8x4096xf32, #tpu.memory_space<vmem>>
        %dma_wait3A_534 = arith.constant 0 : i32
        %dma_wait3A_535 = tpu.memref_slice %dma_wait3A_533[%dma_wait3A_528, %dma_wait3A_534] : memref<8x4096xf32, #tpu.memory_space<vmem>> -> memref<1x4096xf32, #tpu.memory_space<vmem>>
        %dma_wait3A_536 = tpu.memref_squeeze %dma_wait3A_535 : memref<1x4096xf32, #tpu.memory_space<vmem>> -> memref<4096xf32, #tpu.memory_space<vmem>>
        %dma_wait3A_537 = arith.constant 0 : i32
        %dma_wait3A_538 = tpu.memref_slice %arg2[%dma_wait3A_537] : memref<26214400xf32, #tpu.memory_space<hbm>> -> memref<4096xf32, #tpu.memory_space<hbm>>
        %dma_wait3A_539 = tpu.memref_slice %arg5[%dma_wait3A_529] : memref<2x!tpu.dma_semaphore, #tpu.memory_space<semaphore_mem>> -> memref<1x!tpu.dma_semaphore, #tpu.memory_space<semaphore_mem>>
        %dma_wait3A_540 = tpu.memref_squeeze %dma_wait3A_539 : memref<1x!tpu.dma_semaphore, #tpu.memory_space<semaphore_mem>> -> memref<!tpu.dma_semaphore, #tpu.memory_space<semaphore_mem>>
        %dma_wait3A_541 = arith.constant 0 : i32
        %dma_wait3A_542 = arith.constant 0 : i32
        %dma_wait3A_543 = tpu.memref_slice %arg4[%dma_wait3A_527, %dma_wait3A_541, %dma_wait3A_542] : memref<2x8x4096xf32, #tpu.memory_space<vmem>> -> memref<1x8x4096xf32, #tpu.memory_space<vmem>>
        %dma_wait3A_544 = tpu.memref_squeeze %dma_wait3A_543 : memref<1x8x4096xf32, #tpu.memory_space<vmem>> -> memref<8x4096xf32, #tpu.memory_space<vmem>>
        %dma_wait3A_545 = arith.constant 0 : i32
        %dma_wait3A_546 = tpu.memref_slice %dma_wait3A_544[%dma_wait3A_528, %dma_wait3A_545] : memref<8x4096xf32, #tpu.memory_space<vmem>> -> memref<1x4096xf32, #tpu.memory_space<vmem>>
        %dma_wait3A_547 = tpu.memref_squeeze %dma_wait3A_546 : memref<1x4096xf32, #tpu.memory_space<vmem>> -> memref<4096xf32, #tpu.memory_space<vmem>>
        %dma_wait3A_548 = arith.constant 0 : i32
        %dma_wait3A_549 = tpu.memref_slice %arg2[%dma_wait3A_548] : memref<26214400xf32, #tpu.memory_space<hbm>> -> memref<4096xf32, #tpu.memory_space<hbm>>
        tpu.wait_dma2 semaphore(%dma_wait3A_540 : memref<!tpu.dma_semaphore, #tpu.memory_space<semaphore_mem>>) src(%dma_wait3A_549 : memref<4096xf32, #tpu.memory_space<hbm>>) dst(%dma_wait3A_547 : memref<4096xf32, #tpu.memory_space<vmem>>)
        %dma_wait3A_550 = arith.constant 1 : i32
        %dma_wait3A_551 = arith.constant 6 : i32
        %dma_wait3A_552 = arith.constant 1 : i32
        %dma_wait3A_553 = arith.constant 0 : i32
        %dma_wait3A_554 = arith.constant 0 : i32
        %dma_wait3A_555 = tpu.memref_slice %arg4[%dma_wait3A_550, %dma_wait3A_553, %dma_wait3A_554] : memref<2x8x4096xf32, #tpu.memory_space<vmem>> -> memref<1x8x4096xf32, #tpu.memory_space<vmem>>
        %dma_wait3A_556 = tpu.memref_squeeze %dma_wait3A_555 : memref<1x8x4096xf32, #tpu.memory_space<vmem>> -> memref<8x4096xf32, #tpu.memory_space<vmem>>
        %dma_wait3A_557 = arith.constant 0 : i32
        %dma_wait3A_558 = tpu.memref_slice %dma_wait3A_556[%dma_wait3A_551, %dma_wait3A_557] : memref<8x4096xf32, #tpu.memory_space<vmem>> -> memref<1x4096xf32, #tpu.memory_space<vmem>>
        %dma_wait3A_559 = tpu.memref_squeeze %dma_wait3A_558 : memref<1x4096xf32, #tpu.memory_space<vmem>> -> memref<4096xf32, #tpu.memory_space<vmem>>
        %dma_wait3A_560 = arith.constant 0 : i32
        %dma_wait3A_561 = tpu.memref_slice %arg2[%dma_wait3A_560] : memref<26214400xf32, #tpu.memory_space<hbm>> -> memref<4096xf32, #tpu.memory_space<hbm>>
        %dma_wait3A_562 = tpu.memref_slice %arg5[%dma_wait3A_552] : memref<2x!tpu.dma_semaphore, #tpu.memory_space<semaphore_mem>> -> memref<1x!tpu.dma_semaphore, #tpu.memory_space<semaphore_mem>>
        %dma_wait3A_563 = tpu.memref_squeeze %dma_wait3A_562 : memref<1x!tpu.dma_semaphore, #tpu.memory_space<semaphore_mem>> -> memref<!tpu.dma_semaphore, #tpu.memory_space<semaphore_mem>>
        %dma_wait3A_564 = arith.constant 0 : i32
        %dma_wait3A_565 = arith.constant 0 : i32
        %dma_wait3A_566 = tpu.memref_slice %arg4[%dma_wait3A_550, %dma_wait3A_564, %dma_wait3A_565] : memref<2x8x4096xf32, #tpu.memory_space<vmem>> -> memref<1x8x4096xf32, #tpu.memory_space<vmem>>
        %dma_wait3A_567 = tpu.memref_squeeze %dma_wait3A_566 : memref<1x8x4096xf32, #tpu.memory_space<vmem>> -> memref<8x4096xf32, #tpu.memory_space<vmem>>
        %dma_wait3A_568 = arith.constant 0 : i32
        %dma_wait3A_569 = tpu.memref_slice %dma_wait3A_567[%dma_wait3A_551, %dma_wait3A_568] : memref<8x4096xf32, #tpu.memory_space<vmem>> -> memref<1x4096xf32, #tpu.memory_space<vmem>>
        %dma_wait3A_570 = tpu.memref_squeeze %dma_wait3A_569 : memref<1x4096xf32, #tpu.memory_space<vmem>> -> memref<4096xf32, #tpu.memory_space<vmem>>
        %dma_wait3A_571 = arith.constant 0 : i32
        %dma_wait3A_572 = tpu.memref_slice %arg2[%dma_wait3A_571] : memref<26214400xf32, #tpu.memory_space<hbm>> -> memref<4096xf32, #tpu.memory_space<hbm>>
        tpu.wait_dma2 semaphore(%dma_wait3A_563 : memref<!tpu.dma_semaphore, #tpu.memory_space<semaphore_mem>>) src(%dma_wait3A_572 : memref<4096xf32, #tpu.memory_space<hbm>>) dst(%dma_wait3A_570 : memref<4096xf32, #tpu.memory_space<vmem>>)
        %dma_wait3A_573 = arith.constant 1 : i32
        %dma_wait3A_574 = arith.constant 7 : i32
        %dma_wait3A_575 = arith.constant 1 : i32
        %dma_wait3A_576 = arith.constant 0 : i32
        %dma_wait3A_577 = arith.constant 0 : i32
        %dma_wait3A_578 = tpu.memref_slice %arg4[%dma_wait3A_573, %dma_wait3A_576, %dma_wait3A_577] : memref<2x8x4096xf32, #tpu.memory_space<vmem>> -> memref<1x8x4096xf32, #tpu.memory_space<vmem>>
        %dma_wait3A_579 = tpu.memref_squeeze %dma_wait3A_578 : memref<1x8x4096xf32, #tpu.memory_space<vmem>> -> memref<8x4096xf32, #tpu.memory_space<vmem>>
        %dma_wait3A_580 = arith.constant 0 : i32
        %dma_wait3A_581 = tpu.memref_slice %dma_wait3A_579[%dma_wait3A_574, %dma_wait3A_580] : memref<8x4096xf32, #tpu.memory_space<vmem>> -> memref<1x4096xf32, #tpu.memory_space<vmem>>
        %dma_wait3A_582 = tpu.memref_squeeze %dma_wait3A_581 : memref<1x4096xf32, #tpu.memory_space<vmem>> -> memref<4096xf32, #tpu.memory_space<vmem>>
        %dma_wait3A_583 = arith.constant 0 : i32
        %dma_wait3A_584 = tpu.memref_slice %arg2[%dma_wait3A_583] : memref<26214400xf32, #tpu.memory_space<hbm>> -> memref<4096xf32, #tpu.memory_space<hbm>>
        %dma_wait3A_585 = tpu.memref_slice %arg5[%dma_wait3A_575] : memref<2x!tpu.dma_semaphore, #tpu.memory_space<semaphore_mem>> -> memref<1x!tpu.dma_semaphore, #tpu.memory_space<semaphore_mem>>
        %dma_wait3A_586 = tpu.memref_squeeze %dma_wait3A_585 : memref<1x!tpu.dma_semaphore, #tpu.memory_space<semaphore_mem>> -> memref<!tpu.dma_semaphore, #tpu.memory_space<semaphore_mem>>
        %dma_wait3A_587 = arith.constant 0 : i32
        %dma_wait3A_588 = arith.constant 0 : i32
        %dma_wait3A_589 = tpu.memref_slice %arg4[%dma_wait3A_573, %dma_wait3A_587, %dma_wait3A_588] : memref<2x8x4096xf32, #tpu.memory_space<vmem>> -> memref<1x8x4096xf32, #tpu.memory_space<vmem>>
        %dma_wait3A_590 = tpu.memref_squeeze %dma_wait3A_589 : memref<1x8x4096xf32, #tpu.memory_space<vmem>> -> memref<8x4096xf32, #tpu.memory_space<vmem>>
        %dma_wait3A_591 = arith.constant 0 : i32
        %dma_wait3A_592 = tpu.memref_slice %dma_wait3A_590[%dma_wait3A_574, %dma_wait3A_591] : memref<8x4096xf32, #tpu.memory_space<vmem>> -> memref<1x4096xf32, #tpu.memory_space<vmem>>
        %dma_wait3A_593 = tpu.memref_squeeze %dma_wait3A_592 : memref<1x4096xf32, #tpu.memory_space<vmem>> -> memref<4096xf32, #tpu.memory_space<vmem>>
        %dma_wait3A_594 = arith.constant 0 : i32
        %dma_wait3A_595 = tpu.memref_slice %arg2[%dma_wait3A_594] : memref<26214400xf32, #tpu.memory_space<hbm>> -> memref<4096xf32, #tpu.memory_space<hbm>>
        tpu.wait_dma2 semaphore(%dma_wait3A_586 : memref<!tpu.dma_semaphore, #tpu.memory_space<semaphore_mem>>) src(%dma_wait3A_595 : memref<4096xf32, #tpu.memory_space<hbm>>) dst(%dma_wait3A_593 : memref<4096xf32, #tpu.memory_space<vmem>>)
        %add3A_596 = arith.constant 1 : i32
        %add3A_597 = arith.addi %add3A_405, %add3A_596 : i32
        %lt3A_598 = arith.constant 25 : i32
        %lt3A_599 = arith.cmpi slt, %add3A_597, %lt3A_598 : i32
        %convert_element_type3A_600 = arith.extui %lt3A_599 : i1 to i32
        %cond3A_601 = arith.constant 0 : i32
        %cond3A_602 = arith.cmpi ne, %convert_element_type3A_600, %cond3A_601 : i32
        scf.if %cond3A_602 {
          %ge3A = arith.constant 1 : i32
          %ge3A_710 = arith.cmpi sge, %add3A_405, %ge3A : i32
          %convert_element_type3A_711 = arith.extui %ge3A_710 : i1 to i32
          %cond3A_712 = arith.constant 0 : i32
          %cond3A_713 = arith.cmpi ne, %convert_element_type3A_711, %cond3A_712 : i32
          scf.if %cond3A_713 {
            %dma_wait3A_1060 = arith.constant 0 : i32
            %dma_wait3A_1061 = arith.constant 0 : i32
            %dma_wait3A_1062 = arith.constant 0 : i32
            %dma_wait3A_1063 = arith.constant 0 : i32
            %dma_wait3A_1064 = arith.constant 0 : i32
            %dma_wait3A_1065 = tpu.memref_slice %arg4[%dma_wait3A_1060, %dma_wait3A_1063, %dma_wait3A_1064] : memref<2x8x4096xf32, #tpu.memory_space<vmem>> -> memref<1x8x4096xf32, #tpu.memory_space<vmem>>
            %dma_wait3A_1066 = tpu.memref_squeeze %dma_wait3A_1065 : memref<1x8x4096xf32, #tpu.memory_space<vmem>> -> memref<8x4096xf32, #tpu.memory_space<vmem>>
            %dma_wait3A_1067 = arith.constant 0 : i32
            %dma_wait3A_1068 = arith.constant 0 : i32
            %dma_wait3A_1069 = tpu.memref_slice %arg3[%dma_wait3A_1061, %dma_wait3A_1067, %dma_wait3A_1068] : memref<50x32x16384xf32, #tpu.memory_space<hbm>> -> memref<1x32x16384xf32, #tpu.memory_space<hbm>>
            %dma_wait3A_1070 = tpu.memref_squeeze %dma_wait3A_1069 : memref<1x32x16384xf32, #tpu.memory_space<hbm>> -> memref<32x16384xf32, #tpu.memory_space<hbm>>
            %dma_wait3A_1071 = arith.constant 0 : i32
            %dma_wait3A_1072 = arith.constant 0 : i32
            %dma_wait3A_1073 = tpu.memref_slice %dma_wait3A_1070[%dma_wait3A_1071, %dma_wait3A_1072] : memref<32x16384xf32, #tpu.memory_space<hbm>> -> memref<8x4096xf32, #tpu.memory_space<hbm>>
            %dma_wait3A_1074 = tpu.memref_slice %arg6[%dma_wait3A_1062] : memref<2x!tpu.dma_semaphore, #tpu.memory_space<semaphore_mem>> -> memref<1x!tpu.dma_semaphore, #tpu.memory_space<semaphore_mem>>
            %dma_wait3A_1075 = tpu.memref_squeeze %dma_wait3A_1074 : memref<1x!tpu.dma_semaphore, #tpu.memory_space<semaphore_mem>> -> memref<!tpu.dma_semaphore, #tpu.memory_space<semaphore_mem>>
            %dma_wait3A_1076 = arith.constant 0 : i32
            %dma_wait3A_1077 = arith.constant 0 : i32
            %dma_wait3A_1078 = tpu.memref_slice %arg3[%dma_wait3A_1061, %dma_wait3A_1076, %dma_wait3A_1077] : memref<50x32x16384xf32, #tpu.memory_space<hbm>> -> memref<1x32x16384xf32, #tpu.memory_space<hbm>>
            %dma_wait3A_1079 = tpu.memref_squeeze %dma_wait3A_1078 : memref<1x32x16384xf32, #tpu.memory_space<hbm>> -> memref<32x16384xf32, #tpu.memory_space<hbm>>
            %dma_wait3A_1080 = arith.constant 0 : i32
            %dma_wait3A_1081 = arith.constant 0 : i32
            %dma_wait3A_1082 = tpu.memref_slice %dma_wait3A_1079[%dma_wait3A_1080, %dma_wait3A_1081] : memref<32x16384xf32, #tpu.memory_space<hbm>> -> memref<8x4096xf32, #tpu.memory_space<hbm>>
            %dma_wait3A_1083 = arith.constant 0 : i32
            %dma_wait3A_1084 = arith.constant 0 : i32
            %dma_wait3A_1085 = tpu.memref_slice %arg4[%dma_wait3A_1060, %dma_wait3A_1083, %dma_wait3A_1084] : memref<2x8x4096xf32, #tpu.memory_space<vmem>> -> memref<1x8x4096xf32, #tpu.memory_space<vmem>>
            %dma_wait3A_1086 = tpu.memref_squeeze %dma_wait3A_1085 : memref<1x8x4096xf32, #tpu.memory_space<vmem>> -> memref<8x4096xf32, #tpu.memory_space<vmem>>
            tpu.wait_dma2 semaphore(%dma_wait3A_1075 : memref<!tpu.dma_semaphore, #tpu.memory_space<semaphore_mem>>) src(%dma_wait3A_1086 : memref<8x4096xf32, #tpu.memory_space<vmem>>) dst(%dma_wait3A_1082 : memref<8x4096xf32, #tpu.memory_space<hbm>>)
          } else {
          }
          %add3A_714 = arith.constant 1 : i32
          %add3A_715 = arith.addi %add3A_411, %add3A_714 : i32
          %jit3A_716 = arith.constant 16 : i32
          %div3A_717 = arith.divsi %add3A_715, %jit3A_716 : i32
          %sign3A_718 = arith.constant 0 : i32
          %sign3A_719 = arith.cmpi sgt, %add3A_715, %sign3A_718 : i32
          %sign3A_720 = arith.extui %sign3A_719 : i1 to i32
          %sign3A_721 = arith.constant 0 : i32
          %sign3A_722 = arith.cmpi slt, %add3A_715, %sign3A_721 : i32
          %sign3A_723 = arith.extui %sign3A_722 : i1 to i32
          %sign3A_724 = arith.subi %sign3A_720, %sign3A_723 : i32
          %sign3A_725 = arith.constant 0 : i32
          %sign3A_726 = arith.cmpi sgt, %jit3A_716, %sign3A_725 : i32
          %sign3A_727 = arith.extui %sign3A_726 : i1 to i32
          %sign3A_728 = arith.constant 0 : i32
          %sign3A_729 = arith.cmpi slt, %jit3A_716, %sign3A_728 : i32
          %sign3A_730 = arith.extui %sign3A_729 : i1 to i32
          %sign3A_731 = arith.subi %sign3A_727, %sign3A_730 : i32
          %ne3A_732 = arith.cmpi ne, %sign3A_724, %sign3A_731 : i32
          %rem3A_733 = arith.remsi %add3A_715, %jit3A_716 : i32
          %ne3A_734 = arith.constant 0 : i32
          %ne3A_735 = arith.cmpi ne, %rem3A_733, %ne3A_734 : i32
          %and3A_736 = arith.andi %ne3A_732, %ne3A_735 : i1
          %sub3A_737 = arith.constant 1 : i32
          %sub3A_738 = arith.subi %div3A_717, %sub3A_737 : i32
          %select_n3A_739 = arith.select %and3A_736, %sub3A_738, %div3A_717 : i32
          %jit3A_740 = arith.constant 16 : i32
          %eq3A_741 = arith.constant 0 : i32
          %eq3A_742 = arith.cmpi eq, %jit3A_740, %eq3A_741 : i32
          %jit3A_743 = arith.constant 1 : i32
          %select_n3A_744 = arith.select %eq3A_742, %jit3A_743, %jit3A_740 : i32
          %rem3A_745 = arith.remsi %add3A_715, %select_n3A_744 : i32
          %ne3A_746 = arith.constant 0 : i32
          %ne3A_747 = arith.cmpi ne, %rem3A_745, %ne3A_746 : i32
          %lt3A_748 = arith.constant 0 : i32
          %lt3A_749 = arith.cmpi slt, %rem3A_745, %lt3A_748 : i32
          %lt3A_750 = arith.constant 0 : i32
          %lt3A_751 = arith.cmpi slt, %select_n3A_744, %lt3A_750 : i32
          %ne3A_752 = arith.xori %lt3A_749, %lt3A_751 : i1
          %and3A_753 = arith.andi %ne3A_752, %ne3A_747 : i1
          %add3A_754 = arith.addi %rem3A_745, %select_n3A_744 : i32
          %select_n3A_755 = arith.select %and3A_753, %add3A_754, %rem3A_745 : i32
          %jit3A_756 = arith.constant 4 : i32
          %div3A_757 = arith.divsi %select_n3A_755, %jit3A_756 : i32
          %sign3A_758 = arith.constant 0 : i32
          %sign3A_759 = arith.cmpi sgt, %select_n3A_755, %sign3A_758 : i32
          %sign3A_760 = arith.extui %sign3A_759 : i1 to i32
          %sign3A_761 = arith.constant 0 : i32
          %sign3A_762 = arith.cmpi slt, %select_n3A_755, %sign3A_761 : i32
          %sign3A_763 = arith.extui %sign3A_762 : i1 to i32
          %sign3A_764 = arith.subi %sign3A_760, %sign3A_763 : i32
          %sign3A_765 = arith.constant 0 : i32
          %sign3A_766 = arith.cmpi sgt, %jit3A_756, %sign3A_765 : i32
          %sign3A_767 = arith.extui %sign3A_766 : i1 to i32
          %sign3A_768 = arith.constant 0 : i32
          %sign3A_769 = arith.cmpi slt, %jit3A_756, %sign3A_768 : i32
          %sign3A_770 = arith.extui %sign3A_769 : i1 to i32
          %sign3A_771 = arith.subi %sign3A_767, %sign3A_770 : i32
          %ne3A_772 = arith.cmpi ne, %sign3A_764, %sign3A_771 : i32
          %rem3A_773 = arith.remsi %select_n3A_755, %jit3A_756 : i32
          %ne3A_774 = arith.constant 0 : i32
          %ne3A_775 = arith.cmpi ne, %rem3A_773, %ne3A_774 : i32
          %and3A_776 = arith.andi %ne3A_772, %ne3A_775 : i1
          %sub3A_777 = arith.constant 1 : i32
          %sub3A_778 = arith.subi %div3A_757, %sub3A_777 : i32
          %select_n3A_779 = arith.select %and3A_776, %sub3A_778, %div3A_757 : i32
          %jit3A_780 = arith.constant 4 : i32
          %eq3A_781 = arith.constant 0 : i32
          %eq3A_782 = arith.cmpi eq, %jit3A_780, %eq3A_781 : i32
          %jit3A_783 = arith.constant 1 : i32
          %select_n3A_784 = arith.select %eq3A_782, %jit3A_783, %jit3A_780 : i32
          %rem3A_785 = arith.remsi %select_n3A_755, %select_n3A_784 : i32
          %ne3A_786 = arith.constant 0 : i32
          %ne3A_787 = arith.cmpi ne, %rem3A_785, %ne3A_786 : i32
          %lt3A_788 = arith.constant 0 : i32
          %lt3A_789 = arith.cmpi slt, %rem3A_785, %lt3A_788 : i32
          %lt3A_790 = arith.constant 0 : i32
          %lt3A_791 = arith.cmpi slt, %select_n3A_784, %lt3A_790 : i32
          %ne3A_792 = arith.xori %lt3A_789, %lt3A_791 : i1
          %and3A_793 = arith.andi %ne3A_792, %ne3A_787 : i1
          %add3A_794 = arith.addi %rem3A_785, %select_n3A_784 : i32
          %select_n3A_795 = arith.select %and3A_793, %add3A_794, %rem3A_785 : i32
          %mul3A_796 = arith.constant 524288 : i32
          %mul3A_797 = arith.muli %select_n3A_739, %mul3A_796 : i32
          %mul3A_798 = arith.constant 8 : i32
          %mul3A_799 = arith.muli %select_n3A_779, %mul3A_798 : i32
          %add3A_800 = arith.constant 0 : i32
          %add3A_801 = arith.addi %mul3A_799, %add3A_800 : i32
          %mul3A_802 = arith.constant 16384 : i32
          %mul3A_803 = arith.muli %add3A_801, %mul3A_802 : i32
          %add3A_804 = arith.addi %mul3A_797, %mul3A_803 : i32
          %mul3A_805 = arith.constant 4096 : i32
          %mul3A_806 = arith.muli %select_n3A_795, %mul3A_805 : i32
          %add3A_807 = arith.addi %add3A_804, %mul3A_806 : i32
          %dma_start3A_808 = arith.constant 0 : i32
          %dma_start3A_809 = arith.constant 0 : i32
          %dma_start3A_810 = arith.constant 0 : i32
          %dma_start3A_811 = arith.constant 0 : i32
          %dma_start3A_812 = arith.constant 0 : i32
          %dma_start3A_813 = tpu.memref_slice %arg4[%dma_start3A_808, %dma_start3A_811, %dma_start3A_812] : memref<2x8x4096xf32, #tpu.memory_space<vmem>> -> memref<1x8x4096xf32, #tpu.memory_space<vmem>>
          %dma_start3A_814 = tpu.memref_squeeze %dma_start3A_813 : memref<1x8x4096xf32, #tpu.memory_space<vmem>> -> memref<8x4096xf32, #tpu.memory_space<vmem>>
          %dma_start3A_815 = arith.constant 0 : i32
          %dma_start3A_816 = tpu.memref_slice %dma_start3A_814[%dma_start3A_809, %dma_start3A_815] : memref<8x4096xf32, #tpu.memory_space<vmem>> -> memref<1x4096xf32, #tpu.memory_space<vmem>>
          %dma_start3A_817 = tpu.memref_squeeze %dma_start3A_816 : memref<1x4096xf32, #tpu.memory_space<vmem>> -> memref<4096xf32, #tpu.memory_space<vmem>>
          %dma_start3A_818 = tpu.memref_slice %arg2[%add3A_807] : memref<26214400xf32, #tpu.memory_space<hbm>> -> memref<4096xf32, #tpu.memory_space<hbm>>
          %dma_start3A_819 = tpu.memref_slice %arg5[%dma_start3A_810] : memref<2x!tpu.dma_semaphore, #tpu.memory_space<semaphore_mem>> -> memref<1x!tpu.dma_semaphore, #tpu.memory_space<semaphore_mem>>
          %dma_start3A_820 = tpu.memref_squeeze %dma_start3A_819 : memref<1x!tpu.dma_semaphore, #tpu.memory_space<semaphore_mem>> -> memref<!tpu.dma_semaphore, #tpu.memory_space<semaphore_mem>>
          %dma_start3A_821 = arith.constant 0 : i32
          %dma_start3A_822 = arith.constant 0 : i32
          %dma_start3A_823 = tpu.memref_slice %arg4[%dma_start3A_808, %dma_start3A_821, %dma_start3A_822] : memref<2x8x4096xf32, #tpu.memory_space<vmem>> -> memref<1x8x4096xf32, #tpu.memory_space<vmem>>
          %dma_start3A_824 = tpu.memref_squeeze %dma_start3A_823 : memref<1x8x4096xf32, #tpu.memory_space<vmem>> -> memref<8x4096xf32, #tpu.memory_space<vmem>>
          %dma_start3A_825 = arith.constant 0 : i32
          %dma_start3A_826 = tpu.memref_slice %dma_start3A_824[%dma_start3A_809, %dma_start3A_825] : memref<8x4096xf32, #tpu.memory_space<vmem>> -> memref<1x4096xf32, #tpu.memory_space<vmem>>
          %dma_start3A_827 = tpu.memref_squeeze %dma_start3A_826 : memref<1x4096xf32, #tpu.memory_space<vmem>> -> memref<4096xf32, #tpu.memory_space<vmem>>
          %dma_start3A_828 = tpu.memref_slice %arg2[%add3A_807] : memref<26214400xf32, #tpu.memory_space<hbm>> -> memref<4096xf32, #tpu.memory_space<hbm>>
          tpu.enqueue_dma source(%dma_start3A_828 : memref<4096xf32, #tpu.memory_space<hbm>>) target(%dma_start3A_827 : memref<4096xf32, #tpu.memory_space<vmem>>) target_semaphore(%dma_start3A_820 : memref<!tpu.dma_semaphore, #tpu.memory_space<semaphore_mem>>)
          %mul3A_829 = arith.constant 524288 : i32
          %mul3A_830 = arith.muli %select_n3A_739, %mul3A_829 : i32
          %mul3A_831 = arith.constant 8 : i32
          %mul3A_832 = arith.muli %select_n3A_779, %mul3A_831 : i32
          %add3A_833 = arith.constant 1 : i32
          %add3A_834 = arith.addi %mul3A_832, %add3A_833 : i32
          %mul3A_835 = arith.constant 16384 : i32
          %mul3A_836 = arith.muli %add3A_834, %mul3A_835 : i32
          %add3A_837 = arith.addi %mul3A_830, %mul3A_836 : i32
          %mul3A_838 = arith.constant 4096 : i32
          %mul3A_839 = arith.muli %select_n3A_795, %mul3A_838 : i32
          %add3A_840 = arith.addi %add3A_837, %mul3A_839 : i32
          %dma_start3A_841 = arith.constant 0 : i32
          %dma_start3A_842 = arith.constant 1 : i32
          %dma_start3A_843 = arith.constant 0 : i32
          %dma_start3A_844 = arith.constant 0 : i32
          %dma_start3A_845 = arith.constant 0 : i32
          %dma_start3A_846 = tpu.memref_slice %arg4[%dma_start3A_841, %dma_start3A_844, %dma_start3A_845] : memref<2x8x4096xf32, #tpu.memory_space<vmem>> -> memref<1x8x4096xf32, #tpu.memory_space<vmem>>
          %dma_start3A_847 = tpu.memref_squeeze %dma_start3A_846 : memref<1x8x4096xf32, #tpu.memory_space<vmem>> -> memref<8x4096xf32, #tpu.memory_space<vmem>>
          %dma_start3A_848 = arith.constant 0 : i32
          %dma_start3A_849 = tpu.memref_slice %dma_start3A_847[%dma_start3A_842, %dma_start3A_848] : memref<8x4096xf32, #tpu.memory_space<vmem>> -> memref<1x4096xf32, #tpu.memory_space<vmem>>
          %dma_start3A_850 = tpu.memref_squeeze %dma_start3A_849 : memref<1x4096xf32, #tpu.memory_space<vmem>> -> memref<4096xf32, #tpu.memory_space<vmem>>
          %dma_start3A_851 = tpu.memref_slice %arg2[%add3A_840] : memref<26214400xf32, #tpu.memory_space<hbm>> -> memref<4096xf32, #tpu.memory_space<hbm>>
          %dma_start3A_852 = tpu.memref_slice %arg5[%dma_start3A_843] : memref<2x!tpu.dma_semaphore, #tpu.memory_space<semaphore_mem>> -> memref<1x!tpu.dma_semaphore, #tpu.memory_space<semaphore_mem>>
          %dma_start3A_853 = tpu.memref_squeeze %dma_start3A_852 : memref<1x!tpu.dma_semaphore, #tpu.memory_space<semaphore_mem>> -> memref<!tpu.dma_semaphore, #tpu.memory_space<semaphore_mem>>
          %dma_start3A_854 = arith.constant 0 : i32
          %dma_start3A_855 = arith.constant 0 : i32
          %dma_start3A_856 = tpu.memref_slice %arg4[%dma_start3A_841, %dma_start3A_854, %dma_start3A_855] : memref<2x8x4096xf32, #tpu.memory_space<vmem>> -> memref<1x8x4096xf32, #tpu.memory_space<vmem>>
          %dma_start3A_857 = tpu.memref_squeeze %dma_start3A_856 : memref<1x8x4096xf32, #tpu.memory_space<vmem>> -> memref<8x4096xf32, #tpu.memory_space<vmem>>
          %dma_start3A_858 = arith.constant 0 : i32
          %dma_start3A_859 = tpu.memref_slice %dma_start3A_857[%dma_start3A_842, %dma_start3A_858] : memref<8x4096xf32, #tpu.memory_space<vmem>> -> memref<1x4096xf32, #tpu.memory_space<vmem>>
          %dma_start3A_860 = tpu.memref_squeeze %dma_start3A_859 : memref<1x4096xf32, #tpu.memory_space<vmem>> -> memref<4096xf32, #tpu.memory_space<vmem>>
          %dma_start3A_861 = tpu.memref_slice %arg2[%add3A_840] : memref<26214400xf32, #tpu.memory_space<hbm>> -> memref<4096xf32, #tpu.memory_space<hbm>>
          tpu.enqueue_dma source(%dma_start3A_861 : memref<4096xf32, #tpu.memory_space<hbm>>) target(%dma_start3A_860 : memref<4096xf32, #tpu.memory_space<vmem>>) target_semaphore(%dma_start3A_853 : memref<!tpu.dma_semaphore, #tpu.memory_space<semaphore_mem>>)
          %mul3A_862 = arith.constant 524288 : i32
          %mul3A_863 = arith.muli %select_n3A_739, %mul3A_862 : i32
          %mul3A_864 = arith.constant 8 : i32
          %mul3A_865 = arith.muli %select_n3A_779, %mul3A_864 : i32
          %add3A_866 = arith.constant 2 : i32
          %add3A_867 = arith.addi %mul3A_865, %add3A_866 : i32
          %mul3A_868 = arith.constant 16384 : i32
          %mul3A_869 = arith.muli %add3A_867, %mul3A_868 : i32
          %add3A_870 = arith.addi %mul3A_863, %mul3A_869 : i32
          %mul3A_871 = arith.constant 4096 : i32
          %mul3A_872 = arith.muli %select_n3A_795, %mul3A_871 : i32
          %add3A_873 = arith.addi %add3A_870, %mul3A_872 : i32
          %dma_start3A_874 = arith.constant 0 : i32
          %dma_start3A_875 = arith.constant 2 : i32
          %dma_start3A_876 = arith.constant 0 : i32
          %dma_start3A_877 = arith.constant 0 : i32
          %dma_start3A_878 = arith.constant 0 : i32
          %dma_start3A_879 = tpu.memref_slice %arg4[%dma_start3A_874, %dma_start3A_877, %dma_start3A_878] : memref<2x8x4096xf32, #tpu.memory_space<vmem>> -> memref<1x8x4096xf32, #tpu.memory_space<vmem>>
          %dma_start3A_880 = tpu.memref_squeeze %dma_start3A_879 : memref<1x8x4096xf32, #tpu.memory_space<vmem>> -> memref<8x4096xf32, #tpu.memory_space<vmem>>
          %dma_start3A_881 = arith.constant 0 : i32
          %dma_start3A_882 = tpu.memref_slice %dma_start3A_880[%dma_start3A_875, %dma_start3A_881] : memref<8x4096xf32, #tpu.memory_space<vmem>> -> memref<1x4096xf32, #tpu.memory_space<vmem>>
          %dma_start3A_883 = tpu.memref_squeeze %dma_start3A_882 : memref<1x4096xf32, #tpu.memory_space<vmem>> -> memref<4096xf32, #tpu.memory_space<vmem>>
          %dma_start3A_884 = tpu.memref_slice %arg2[%add3A_873] : memref<26214400xf32, #tpu.memory_space<hbm>> -> memref<4096xf32, #tpu.memory_space<hbm>>
          %dma_start3A_885 = tpu.memref_slice %arg5[%dma_start3A_876] : memref<2x!tpu.dma_semaphore, #tpu.memory_space<semaphore_mem>> -> memref<1x!tpu.dma_semaphore, #tpu.memory_space<semaphore_mem>>
          %dma_start3A_886 = tpu.memref_squeeze %dma_start3A_885 : memref<1x!tpu.dma_semaphore, #tpu.memory_space<semaphore_mem>> -> memref<!tpu.dma_semaphore, #tpu.memory_space<semaphore_mem>>
          %dma_start3A_887 = arith.constant 0 : i32
          %dma_start3A_888 = arith.constant 0 : i32
          %dma_start3A_889 = tpu.memref_slice %arg4[%dma_start3A_874, %dma_start3A_887, %dma_start3A_888] : memref<2x8x4096xf32, #tpu.memory_space<vmem>> -> memref<1x8x4096xf32, #tpu.memory_space<vmem>>
          %dma_start3A_890 = tpu.memref_squeeze %dma_start3A_889 : memref<1x8x4096xf32, #tpu.memory_space<vmem>> -> memref<8x4096xf32, #tpu.memory_space<vmem>>
          %dma_start3A_891 = arith.constant 0 : i32
          %dma_start3A_892 = tpu.memref_slice %dma_start3A_890[%dma_start3A_875, %dma_start3A_891] : memref<8x4096xf32, #tpu.memory_space<vmem>> -> memref<1x4096xf32, #tpu.memory_space<vmem>>
          %dma_start3A_893 = tpu.memref_squeeze %dma_start3A_892 : memref<1x4096xf32, #tpu.memory_space<vmem>> -> memref<4096xf32, #tpu.memory_space<vmem>>
          %dma_start3A_894 = tpu.memref_slice %arg2[%add3A_873] : memref<26214400xf32, #tpu.memory_space<hbm>> -> memref<4096xf32, #tpu.memory_space<hbm>>
          tpu.enqueue_dma source(%dma_start3A_894 : memref<4096xf32, #tpu.memory_space<hbm>>) target(%dma_start3A_893 : memref<4096xf32, #tpu.memory_space<vmem>>) target_semaphore(%dma_start3A_886 : memref<!tpu.dma_semaphore, #tpu.memory_space<semaphore_mem>>)
          %mul3A_895 = arith.constant 524288 : i32
          %mul3A_896 = arith.muli %select_n3A_739, %mul3A_895 : i32
          %mul3A_897 = arith.constant 8 : i32
          %mul3A_898 = arith.muli %select_n3A_779, %mul3A_897 : i32
          %add3A_899 = arith.constant 3 : i32
          %add3A_900 = arith.addi %mul3A_898, %add3A_899 : i32
          %mul3A_901 = arith.constant 16384 : i32
          %mul3A_902 = arith.muli %add3A_900, %mul3A_901 : i32
          %add3A_903 = arith.addi %mul3A_896, %mul3A_902 : i32
          %mul3A_904 = arith.constant 4096 : i32
          %mul3A_905 = arith.muli %select_n3A_795, %mul3A_904 : i32
          %add3A_906 = arith.addi %add3A_903, %mul3A_905 : i32
          %dma_start3A_907 = arith.constant 0 : i32
          %dma_start3A_908 = arith.constant 3 : i32
          %dma_start3A_909 = arith.constant 0 : i32
          %dma_start3A_910 = arith.constant 0 : i32
          %dma_start3A_911 = arith.constant 0 : i32
          %dma_start3A_912 = tpu.memref_slice %arg4[%dma_start3A_907, %dma_start3A_910, %dma_start3A_911] : memref<2x8x4096xf32, #tpu.memory_space<vmem>> -> memref<1x8x4096xf32, #tpu.memory_space<vmem>>
          %dma_start3A_913 = tpu.memref_squeeze %dma_start3A_912 : memref<1x8x4096xf32, #tpu.memory_space<vmem>> -> memref<8x4096xf32, #tpu.memory_space<vmem>>
          %dma_start3A_914 = arith.constant 0 : i32
          %dma_start3A_915 = tpu.memref_slice %dma_start3A_913[%dma_start3A_908, %dma_start3A_914] : memref<8x4096xf32, #tpu.memory_space<vmem>> -> memref<1x4096xf32, #tpu.memory_space<vmem>>
          %dma_start3A_916 = tpu.memref_squeeze %dma_start3A_915 : memref<1x4096xf32, #tpu.memory_space<vmem>> -> memref<4096xf32, #tpu.memory_space<vmem>>
          %dma_start3A_917 = tpu.memref_slice %arg2[%add3A_906] : memref<26214400xf32, #tpu.memory_space<hbm>> -> memref<4096xf32, #tpu.memory_space<hbm>>
          %dma_start3A_918 = tpu.memref_slice %arg5[%dma_start3A_909] : memref<2x!tpu.dma_semaphore, #tpu.memory_space<semaphore_mem>> -> memref<1x!tpu.dma_semaphore, #tpu.memory_space<semaphore_mem>>
          %dma_start3A_919 = tpu.memref_squeeze %dma_start3A_918 : memref<1x!tpu.dma_semaphore, #tpu.memory_space<semaphore_mem>> -> memref<!tpu.dma_semaphore, #tpu.memory_space<semaphore_mem>>
          %dma_start3A_920 = arith.constant 0 : i32
          %dma_start3A_921 = arith.constant 0 : i32
          %dma_start3A_922 = tpu.memref_slice %arg4[%dma_start3A_907, %dma_start3A_920, %dma_start3A_921] : memref<2x8x4096xf32, #tpu.memory_space<vmem>> -> memref<1x8x4096xf32, #tpu.memory_space<vmem>>
          %dma_start3A_923 = tpu.memref_squeeze %dma_start3A_922 : memref<1x8x4096xf32, #tpu.memory_space<vmem>> -> memref<8x4096xf32, #tpu.memory_space<vmem>>
          %dma_start3A_924 = arith.constant 0 : i32
          %dma_start3A_925 = tpu.memref_slice %dma_start3A_923[%dma_start3A_908, %dma_start3A_924] : memref<8x4096xf32, #tpu.memory_space<vmem>> -> memref<1x4096xf32, #tpu.memory_space<vmem>>
          %dma_start3A_926 = tpu.memref_squeeze %dma_start3A_925 : memref<1x4096xf32, #tpu.memory_space<vmem>> -> memref<4096xf32, #tpu.memory_space<vmem>>
          %dma_start3A_927 = tpu.memref_slice %arg2[%add3A_906] : memref<26214400xf32, #tpu.memory_space<hbm>> -> memref<4096xf32, #tpu.memory_space<hbm>>
          tpu.enqueue_dma source(%dma_start3A_927 : memref<4096xf32, #tpu.memory_space<hbm>>) target(%dma_start3A_926 : memref<4096xf32, #tpu.memory_space<vmem>>) target_semaphore(%dma_start3A_919 : memref<!tpu.dma_semaphore, #tpu.memory_space<semaphore_mem>>)
          %mul3A_928 = arith.constant 524288 : i32
          %mul3A_929 = arith.muli %select_n3A_739, %mul3A_928 : i32
          %mul3A_930 = arith.constant 8 : i32
          %mul3A_931 = arith.muli %select_n3A_779, %mul3A_930 : i32
          %add3A_932 = arith.constant 4 : i32
          %add3A_933 = arith.addi %mul3A_931, %add3A_932 : i32
          %mul3A_934 = arith.constant 16384 : i32
          %mul3A_935 = arith.muli %add3A_933, %mul3A_934 : i32
          %add3A_936 = arith.addi %mul3A_929, %mul3A_935 : i32
          %mul3A_937 = arith.constant 4096 : i32
          %mul3A_938 = arith.muli %select_n3A_795, %mul3A_937 : i32
          %add3A_939 = arith.addi %add3A_936, %mul3A_938 : i32
          %dma_start3A_940 = arith.constant 0 : i32
          %dma_start3A_941 = arith.constant 4 : i32
          %dma_start3A_942 = arith.constant 0 : i32
          %dma_start3A_943 = arith.constant 0 : i32
          %dma_start3A_944 = arith.constant 0 : i32
          %dma_start3A_945 = tpu.memref_slice %arg4[%dma_start3A_940, %dma_start3A_943, %dma_start3A_944] : memref<2x8x4096xf32, #tpu.memory_space<vmem>> -> memref<1x8x4096xf32, #tpu.memory_space<vmem>>
          %dma_start3A_946 = tpu.memref_squeeze %dma_start3A_945 : memref<1x8x4096xf32, #tpu.memory_space<vmem>> -> memref<8x4096xf32, #tpu.memory_space<vmem>>
          %dma_start3A_947 = arith.constant 0 : i32
          %dma_start3A_948 = tpu.memref_slice %dma_start3A_946[%dma_start3A_941, %dma_start3A_947] : memref<8x4096xf32, #tpu.memory_space<vmem>> -> memref<1x4096xf32, #tpu.memory_space<vmem>>
          %dma_start3A_949 = tpu.memref_squeeze %dma_start3A_948 : memref<1x4096xf32, #tpu.memory_space<vmem>> -> memref<4096xf32, #tpu.memory_space<vmem>>
          %dma_start3A_950 = tpu.memref_slice %arg2[%add3A_939] : memref<26214400xf32, #tpu.memory_space<hbm>> -> memref<4096xf32, #tpu.memory_space<hbm>>
          %dma_start3A_951 = tpu.memref_slice %arg5[%dma_start3A_942] : memref<2x!tpu.dma_semaphore, #tpu.memory_space<semaphore_mem>> -> memref<1x!tpu.dma_semaphore, #tpu.memory_space<semaphore_mem>>
          %dma_start3A_952 = tpu.memref_squeeze %dma_start3A_951 : memref<1x!tpu.dma_semaphore, #tpu.memory_space<semaphore_mem>> -> memref<!tpu.dma_semaphore, #tpu.memory_space<semaphore_mem>>
          %dma_start3A_953 = arith.constant 0 : i32
          %dma_start3A_954 = arith.constant 0 : i32
          %dma_start3A_955 = tpu.memref_slice %arg4[%dma_start3A_940, %dma_start3A_953, %dma_start3A_954] : memref<2x8x4096xf32, #tpu.memory_space<vmem>> -> memref<1x8x4096xf32, #tpu.memory_space<vmem>>
          %dma_start3A_956 = tpu.memref_squeeze %dma_start3A_955 : memref<1x8x4096xf32, #tpu.memory_space<vmem>> -> memref<8x4096xf32, #tpu.memory_space<vmem>>
          %dma_start3A_957 = arith.constant 0 : i32
          %dma_start3A_958 = tpu.memref_slice %dma_start3A_956[%dma_start3A_941, %dma_start3A_957] : memref<8x4096xf32, #tpu.memory_space<vmem>> -> memref<1x4096xf32, #tpu.memory_space<vmem>>
          %dma_start3A_959 = tpu.memref_squeeze %dma_start3A_958 : memref<1x4096xf32, #tpu.memory_space<vmem>> -> memref<4096xf32, #tpu.memory_space<vmem>>
          %dma_start3A_960 = tpu.memref_slice %arg2[%add3A_939] : memref<26214400xf32, #tpu.memory_space<hbm>> -> memref<4096xf32, #tpu.memory_space<hbm>>
          tpu.enqueue_dma source(%dma_start3A_960 : memref<4096xf32, #tpu.memory_space<hbm>>) target(%dma_start3A_959 : memref<4096xf32, #tpu.memory_space<vmem>>) target_semaphore(%dma_start3A_952 : memref<!tpu.dma_semaphore, #tpu.memory_space<semaphore_mem>>)
          %mul3A_961 = arith.constant 524288 : i32
          %mul3A_962 = arith.muli %select_n3A_739, %mul3A_961 : i32
          %mul3A_963 = arith.constant 8 : i32
          %mul3A_964 = arith.muli %select_n3A_779, %mul3A_963 : i32
          %add3A_965 = arith.constant 5 : i32
          %add3A_966 = arith.addi %mul3A_964, %add3A_965 : i32
          %mul3A_967 = arith.constant 16384 : i32
          %mul3A_968 = arith.muli %add3A_966, %mul3A_967 : i32
          %add3A_969 = arith.addi %mul3A_962, %mul3A_968 : i32
          %mul3A_970 = arith.constant 4096 : i32
          %mul3A_971 = arith.muli %select_n3A_795, %mul3A_970 : i32
          %add3A_972 = arith.addi %add3A_969, %mul3A_971 : i32
          %dma_start3A_973 = arith.constant 0 : i32
          %dma_start3A_974 = arith.constant 5 : i32
          %dma_start3A_975 = arith.constant 0 : i32
          %dma_start3A_976 = arith.constant 0 : i32
          %dma_start3A_977 = arith.constant 0 : i32
          %dma_start3A_978 = tpu.memref_slice %arg4[%dma_start3A_973, %dma_start3A_976, %dma_start3A_977] : memref<2x8x4096xf32, #tpu.memory_space<vmem>> -> memref<1x8x4096xf32, #tpu.memory_space<vmem>>
          %dma_start3A_979 = tpu.memref_squeeze %dma_start3A_978 : memref<1x8x4096xf32, #tpu.memory_space<vmem>> -> memref<8x4096xf32, #tpu.memory_space<vmem>>
          %dma_start3A_980 = arith.constant 0 : i32
          %dma_start3A_981 = tpu.memref_slice %dma_start3A_979[%dma_start3A_974, %dma_start3A_980] : memref<8x4096xf32, #tpu.memory_space<vmem>> -> memref<1x4096xf32, #tpu.memory_space<vmem>>
          %dma_start3A_982 = tpu.memref_squeeze %dma_start3A_981 : memref<1x4096xf32, #tpu.memory_space<vmem>> -> memref<4096xf32, #tpu.memory_space<vmem>>
          %dma_start3A_983 = tpu.memref_slice %arg2[%add3A_972] : memref<26214400xf32, #tpu.memory_space<hbm>> -> memref<4096xf32, #tpu.memory_space<hbm>>
          %dma_start3A_984 = tpu.memref_slice %arg5[%dma_start3A_975] : memref<2x!tpu.dma_semaphore, #tpu.memory_space<semaphore_mem>> -> memref<1x!tpu.dma_semaphore, #tpu.memory_space<semaphore_mem>>
          %dma_start3A_985 = tpu.memref_squeeze %dma_start3A_984 : memref<1x!tpu.dma_semaphore, #tpu.memory_space<semaphore_mem>> -> memref<!tpu.dma_semaphore, #tpu.memory_space<semaphore_mem>>
          %dma_start3A_986 = arith.constant 0 : i32
          %dma_start3A_987 = arith.constant 0 : i32
          %dma_start3A_988 = tpu.memref_slice %arg4[%dma_start3A_973, %dma_start3A_986, %dma_start3A_987] : memref<2x8x4096xf32, #tpu.memory_space<vmem>> -> memref<1x8x4096xf32, #tpu.memory_space<vmem>>
          %dma_start3A_989 = tpu.memref_squeeze %dma_start3A_988 : memref<1x8x4096xf32, #tpu.memory_space<vmem>> -> memref<8x4096xf32, #tpu.memory_space<vmem>>
          %dma_start3A_990 = arith.constant 0 : i32
          %dma_start3A_991 = tpu.memref_slice %dma_start3A_989[%dma_start3A_974, %dma_start3A_990] : memref<8x4096xf32, #tpu.memory_space<vmem>> -> memref<1x4096xf32, #tpu.memory_space<vmem>>
          %dma_start3A_992 = tpu.memref_squeeze %dma_start3A_991 : memref<1x4096xf32, #tpu.memory_space<vmem>> -> memref<4096xf32, #tpu.memory_space<vmem>>
          %dma_start3A_993 = tpu.memref_slice %arg2[%add3A_972] : memref<26214400xf32, #tpu.memory_space<hbm>> -> memref<4096xf32, #tpu.memory_space<hbm>>
          tpu.enqueue_dma source(%dma_start3A_993 : memref<4096xf32, #tpu.memory_space<hbm>>) target(%dma_start3A_992 : memref<4096xf32, #tpu.memory_space<vmem>>) target_semaphore(%dma_start3A_985 : memref<!tpu.dma_semaphore, #tpu.memory_space<semaphore_mem>>)
          %mul3A_994 = arith.constant 524288 : i32
          %mul3A_995 = arith.muli %select_n3A_739, %mul3A_994 : i32
          %mul3A_996 = arith.constant 8 : i32
          %mul3A_997 = arith.muli %select_n3A_779, %mul3A_996 : i32
          %add3A_998 = arith.constant 6 : i32
          %add3A_999 = arith.addi %mul3A_997, %add3A_998 : i32
          %mul3A_1000 = arith.constant 16384 : i32
          %mul3A_1001 = arith.muli %add3A_999, %mul3A_1000 : i32
          %add3A_1002 = arith.addi %mul3A_995, %mul3A_1001 : i32
          %mul3A_1003 = arith.constant 4096 : i32
          %mul3A_1004 = arith.muli %select_n3A_795, %mul3A_1003 : i32
          %add3A_1005 = arith.addi %add3A_1002, %mul3A_1004 : i32
          %dma_start3A_1006 = arith.constant 0 : i32
          %dma_start3A_1007 = arith.constant 6 : i32
          %dma_start3A_1008 = arith.constant 0 : i32
          %dma_start3A_1009 = arith.constant 0 : i32
          %dma_start3A_1010 = arith.constant 0 : i32
          %dma_start3A_1011 = tpu.memref_slice %arg4[%dma_start3A_1006, %dma_start3A_1009, %dma_start3A_1010] : memref<2x8x4096xf32, #tpu.memory_space<vmem>> -> memref<1x8x4096xf32, #tpu.memory_space<vmem>>
          %dma_start3A_1012 = tpu.memref_squeeze %dma_start3A_1011 : memref<1x8x4096xf32, #tpu.memory_space<vmem>> -> memref<8x4096xf32, #tpu.memory_space<vmem>>
          %dma_start3A_1013 = arith.constant 0 : i32
          %dma_start3A_1014 = tpu.memref_slice %dma_start3A_1012[%dma_start3A_1007, %dma_start3A_1013] : memref<8x4096xf32, #tpu.memory_space<vmem>> -> memref<1x4096xf32, #tpu.memory_space<vmem>>
          %dma_start3A_1015 = tpu.memref_squeeze %dma_start3A_1014 : memref<1x4096xf32, #tpu.memory_space<vmem>> -> memref<4096xf32, #tpu.memory_space<vmem>>
          %dma_start3A_1016 = tpu.memref_slice %arg2[%add3A_1005] : memref<26214400xf32, #tpu.memory_space<hbm>> -> memref<4096xf32, #tpu.memory_space<hbm>>
          %dma_start3A_1017 = tpu.memref_slice %arg5[%dma_start3A_1008] : memref<2x!tpu.dma_semaphore, #tpu.memory_space<semaphore_mem>> -> memref<1x!tpu.dma_semaphore, #tpu.memory_space<semaphore_mem>>
          %dma_start3A_1018 = tpu.memref_squeeze %dma_start3A_1017 : memref<1x!tpu.dma_semaphore, #tpu.memory_space<semaphore_mem>> -> memref<!tpu.dma_semaphore, #tpu.memory_space<semaphore_mem>>
          %dma_start3A_1019 = arith.constant 0 : i32
          %dma_start3A_1020 = arith.constant 0 : i32
          %dma_start3A_1021 = tpu.memref_slice %arg4[%dma_start3A_1006, %dma_start3A_1019, %dma_start3A_1020] : memref<2x8x4096xf32, #tpu.memory_space<vmem>> -> memref<1x8x4096xf32, #tpu.memory_space<vmem>>
          %dma_start3A_1022 = tpu.memref_squeeze %dma_start3A_1021 : memref<1x8x4096xf32, #tpu.memory_space<vmem>> -> memref<8x4096xf32, #tpu.memory_space<vmem>>
          %dma_start3A_1023 = arith.constant 0 : i32
          %dma_start3A_1024 = tpu.memref_slice %dma_start3A_1022[%dma_start3A_1007, %dma_start3A_1023] : memref<8x4096xf32, #tpu.memory_space<vmem>> -> memref<1x4096xf32, #tpu.memory_space<vmem>>
          %dma_start3A_1025 = tpu.memref_squeeze %dma_start3A_1024 : memref<1x4096xf32, #tpu.memory_space<vmem>> -> memref<4096xf32, #tpu.memory_space<vmem>>
          %dma_start3A_1026 = tpu.memref_slice %arg2[%add3A_1005] : memref<26214400xf32, #tpu.memory_space<hbm>> -> memref<4096xf32, #tpu.memory_space<hbm>>
          tpu.enqueue_dma source(%dma_start3A_1026 : memref<4096xf32, #tpu.memory_space<hbm>>) target(%dma_start3A_1025 : memref<4096xf32, #tpu.memory_space<vmem>>) target_semaphore(%dma_start3A_1018 : memref<!tpu.dma_semaphore, #tpu.memory_space<semaphore_mem>>)
          %mul3A_1027 = arith.constant 524288 : i32
          %mul3A_1028 = arith.muli %select_n3A_739, %mul3A_1027 : i32
          %mul3A_1029 = arith.constant 8 : i32
          %mul3A_1030 = arith.muli %select_n3A_779, %mul3A_1029 : i32
          %add3A_1031 = arith.constant 7 : i32
          %add3A_1032 = arith.addi %mul3A_1030, %add3A_1031 : i32
          %mul3A_1033 = arith.constant 16384 : i32
          %mul3A_1034 = arith.muli %add3A_1032, %mul3A_1033 : i32
          %add3A_1035 = arith.addi %mul3A_1028, %mul3A_1034 : i32
          %mul3A_1036 = arith.constant 4096 : i32
          %mul3A_1037 = arith.muli %select_n3A_795, %mul3A_1036 : i32
          %add3A_1038 = arith.addi %add3A_1035, %mul3A_1037 : i32
          %dma_start3A_1039 = arith.constant 0 : i32
          %dma_start3A_1040 = arith.constant 7 : i32
          %dma_start3A_1041 = arith.constant 0 : i32
          %dma_start3A_1042 = arith.constant 0 : i32
          %dma_start3A_1043 = arith.constant 0 : i32
          %dma_start3A_1044 = tpu.memref_slice %arg4[%dma_start3A_1039, %dma_start3A_1042, %dma_start3A_1043] : memref<2x8x4096xf32, #tpu.memory_space<vmem>> -> memref<1x8x4096xf32, #tpu.memory_space<vmem>>
          %dma_start3A_1045 = tpu.memref_squeeze %dma_start3A_1044 : memref<1x8x4096xf32, #tpu.memory_space<vmem>> -> memref<8x4096xf32, #tpu.memory_space<vmem>>
          %dma_start3A_1046 = arith.constant 0 : i32
          %dma_start3A_1047 = tpu.memref_slice %dma_start3A_1045[%dma_start3A_1040, %dma_start3A_1046] : memref<8x4096xf32, #tpu.memory_space<vmem>> -> memref<1x4096xf32, #tpu.memory_space<vmem>>
          %dma_start3A_1048 = tpu.memref_squeeze %dma_start3A_1047 : memref<1x4096xf32, #tpu.memory_space<vmem>> -> memref<4096xf32, #tpu.memory_space<vmem>>
          %dma_start3A_1049 = tpu.memref_slice %arg2[%add3A_1038] : memref<26214400xf32, #tpu.memory_space<hbm>> -> memref<4096xf32, #tpu.memory_space<hbm>>
          %dma_start3A_1050 = tpu.memref_slice %arg5[%dma_start3A_1041] : memref<2x!tpu.dma_semaphore, #tpu.memory_space<semaphore_mem>> -> memref<1x!tpu.dma_semaphore, #tpu.memory_space<semaphore_mem>>
          %dma_start3A_1051 = tpu.memref_squeeze %dma_start3A_1050 : memref<1x!tpu.dma_semaphore, #tpu.memory_space<semaphore_mem>> -> memref<!tpu.dma_semaphore, #tpu.memory_space<semaphore_mem>>
          %dma_start3A_1052 = arith.constant 0 : i32
          %dma_start3A_1053 = arith.constant 0 : i32
          %dma_start3A_1054 = tpu.memref_slice %arg4[%dma_start3A_1039, %dma_start3A_1052, %dma_start3A_1053] : memref<2x8x4096xf32, #tpu.memory_space<vmem>> -> memref<1x8x4096xf32, #tpu.memory_space<vmem>>
          %dma_start3A_1055 = tpu.memref_squeeze %dma_start3A_1054 : memref<1x8x4096xf32, #tpu.memory_space<vmem>> -> memref<8x4096xf32, #tpu.memory_space<vmem>>
          %dma_start3A_1056 = arith.constant 0 : i32
          %dma_start3A_1057 = tpu.memref_slice %dma_start3A_1055[%dma_start3A_1040, %dma_start3A_1056] : memref<8x4096xf32, #tpu.memory_space<vmem>> -> memref<1x4096xf32, #tpu.memory_space<vmem>>
          %dma_start3A_1058 = tpu.memref_squeeze %dma_start3A_1057 : memref<1x4096xf32, #tpu.memory_space<vmem>> -> memref<4096xf32, #tpu.memory_space<vmem>>
          %dma_start3A_1059 = tpu.memref_slice %arg2[%add3A_1038] : memref<26214400xf32, #tpu.memory_space<hbm>> -> memref<4096xf32, #tpu.memory_space<hbm>>
          tpu.enqueue_dma source(%dma_start3A_1059 : memref<4096xf32, #tpu.memory_space<hbm>>) target(%dma_start3A_1058 : memref<4096xf32, #tpu.memory_space<vmem>>) target_semaphore(%dma_start3A_1051 : memref<!tpu.dma_semaphore, #tpu.memory_space<semaphore_mem>>)
        } else {
        }
        %jit3A_603 = arith.constant 16 : i32
        %div3A_604 = arith.divsi %add3A_411, %jit3A_603 : i32
        %sign3A_605 = arith.constant 0 : i32
        %sign3A_606 = arith.cmpi sgt, %add3A_411, %sign3A_605 : i32
        %sign3A_607 = arith.extui %sign3A_606 : i1 to i32
        %sign3A_608 = arith.constant 0 : i32
        %sign3A_609 = arith.cmpi slt, %add3A_411, %sign3A_608 : i32
        %sign3A_610 = arith.extui %sign3A_609 : i1 to i32
        %sign3A_611 = arith.subi %sign3A_607, %sign3A_610 : i32
        %sign3A_612 = arith.constant 0 : i32
        %sign3A_613 = arith.cmpi sgt, %jit3A_603, %sign3A_612 : i32
        %sign3A_614 = arith.extui %sign3A_613 : i1 to i32
        %sign3A_615 = arith.constant 0 : i32
        %sign3A_616 = arith.cmpi slt, %jit3A_603, %sign3A_615 : i32
        %sign3A_617 = arith.extui %sign3A_616 : i1 to i32
        %sign3A_618 = arith.subi %sign3A_614, %sign3A_617 : i32
        %ne3A_619 = arith.cmpi ne, %sign3A_611, %sign3A_618 : i32
        %rem3A_620 = arith.remsi %add3A_411, %jit3A_603 : i32
        %ne3A_621 = arith.constant 0 : i32
        %ne3A_622 = arith.cmpi ne, %rem3A_620, %ne3A_621 : i32
        %and3A_623 = arith.andi %ne3A_619, %ne3A_622 : i1
        %sub3A_624 = arith.constant 1 : i32
        %sub3A_625 = arith.subi %div3A_604, %sub3A_624 : i32
        %select_n3A_626 = arith.select %and3A_623, %sub3A_625, %div3A_604 : i32
        %jit3A_627 = arith.constant 16 : i32
        %eq3A_628 = arith.constant 0 : i32
        %eq3A_629 = arith.cmpi eq, %jit3A_627, %eq3A_628 : i32
        %jit3A_630 = arith.constant 1 : i32
        %select_n3A_631 = arith.select %eq3A_629, %jit3A_630, %jit3A_627 : i32
        %rem3A_632 = arith.remsi %add3A_411, %select_n3A_631 : i32
        %ne3A_633 = arith.constant 0 : i32
        %ne3A_634 = arith.cmpi ne, %rem3A_632, %ne3A_633 : i32
        %lt3A_635 = arith.constant 0 : i32
        %lt3A_636 = arith.cmpi slt, %rem3A_632, %lt3A_635 : i32
        %lt3A_637 = arith.constant 0 : i32
        %lt3A_638 = arith.cmpi slt, %select_n3A_631, %lt3A_637 : i32
        %ne3A_639 = arith.xori %lt3A_636, %lt3A_638 : i1
        %and3A_640 = arith.andi %ne3A_639, %ne3A_634 : i1
        %add3A_641 = arith.addi %rem3A_632, %select_n3A_631 : i32
        %select_n3A_642 = arith.select %and3A_640, %add3A_641, %rem3A_632 : i32
        %jit3A_643 = arith.constant 4 : i32
        %div3A_644 = arith.divsi %select_n3A_642, %jit3A_643 : i32
        %sign3A_645 = arith.constant 0 : i32
        %sign3A_646 = arith.cmpi sgt, %select_n3A_642, %sign3A_645 : i32
        %sign3A_647 = arith.extui %sign3A_646 : i1 to i32
        %sign3A_648 = arith.constant 0 : i32
        %sign3A_649 = arith.cmpi slt, %select_n3A_642, %sign3A_648 : i32
        %sign3A_650 = arith.extui %sign3A_649 : i1 to i32
        %sign3A_651 = arith.subi %sign3A_647, %sign3A_650 : i32
        %sign3A_652 = arith.constant 0 : i32
        %sign3A_653 = arith.cmpi sgt, %jit3A_643, %sign3A_652 : i32
        %sign3A_654 = arith.extui %sign3A_653 : i1 to i32
        %sign3A_655 = arith.constant 0 : i32
        %sign3A_656 = arith.cmpi slt, %jit3A_643, %sign3A_655 : i32
        %sign3A_657 = arith.extui %sign3A_656 : i1 to i32
        %sign3A_658 = arith.subi %sign3A_654, %sign3A_657 : i32
        %ne3A_659 = arith.cmpi ne, %sign3A_651, %sign3A_658 : i32
        %rem3A_660 = arith.remsi %select_n3A_642, %jit3A_643 : i32
        %ne3A_661 = arith.constant 0 : i32
        %ne3A_662 = arith.cmpi ne, %rem3A_660, %ne3A_661 : i32
        %and3A_663 = arith.andi %ne3A_659, %ne3A_662 : i1
        %sub3A_664 = arith.constant 1 : i32
        %sub3A_665 = arith.subi %div3A_644, %sub3A_664 : i32
        %select_n3A_666 = arith.select %and3A_663, %sub3A_665, %div3A_644 : i32
        %mul3A_667 = arith.constant 8 : i32
        %mul3A_668 = arith.muli %select_n3A_666, %mul3A_667 : i32
        %multiple_of3A = tpu.assume_multiple %mul3A_668, 8 : i32
        %jit3A_669 = arith.constant 4 : i32
        %eq3A_670 = arith.constant 0 : i32
        %eq3A_671 = arith.cmpi eq, %jit3A_669, %eq3A_670 : i32
        %jit3A_672 = arith.constant 1 : i32
        %select_n3A_673 = arith.select %eq3A_671, %jit3A_672, %jit3A_669 : i32
        %rem3A_674 = arith.remsi %select_n3A_642, %select_n3A_673 : i32
        %ne3A_675 = arith.constant 0 : i32
        %ne3A_676 = arith.cmpi ne, %rem3A_674, %ne3A_675 : i32
        %lt3A_677 = arith.constant 0 : i32
        %lt3A_678 = arith.cmpi slt, %rem3A_674, %lt3A_677 : i32
        %lt3A_679 = arith.constant 0 : i32
        %lt3A_680 = arith.cmpi slt, %select_n3A_673, %lt3A_679 : i32
        %ne3A_681 = arith.xori %lt3A_678, %lt3A_680 : i1
        %and3A_682 = arith.andi %ne3A_681, %ne3A_676 : i1
        %add3A_683 = arith.addi %rem3A_674, %select_n3A_673 : i32
        %select_n3A_684 = arith.select %and3A_682, %add3A_683, %rem3A_674 : i32
        %mul3A_685 = arith.constant 4096 : i32
        %mul3A_686 = arith.muli %select_n3A_684, %mul3A_685 : i32
        %multiple_of3A_687 = tpu.assume_multiple %mul3A_686, 4096 : i32
        %dma_start3A_688 = arith.constant 1 : i32
        %dma_start3A_689 = arith.constant 1 : i32
        %dma_start3A_690 = arith.constant 0 : i32
        %dma_start3A_691 = arith.constant 0 : i32
        %dma_start3A_692 = tpu.memref_slice %arg4[%dma_start3A_688, %dma_start3A_690, %dma_start3A_691] : memref<2x8x4096xf32, #tpu.memory_space<vmem>> -> memref<1x8x4096xf32, #tpu.memory_space<vmem>>
        %dma_start3A_693 = tpu.memref_squeeze %dma_start3A_692 : memref<1x8x4096xf32, #tpu.memory_space<vmem>> -> memref<8x4096xf32, #tpu.memory_space<vmem>>
        %dma_start3A_694 = arith.constant 0 : i32
        %dma_start3A_695 = arith.constant 0 : i32
        %dma_start3A_696 = tpu.memref_slice %arg3[%select_n3A_626, %dma_start3A_694, %dma_start3A_695] : memref<50x32x16384xf32, #tpu.memory_space<hbm>> -> memref<1x32x16384xf32, #tpu.memory_space<hbm>>
        %dma_start3A_697 = tpu.memref_squeeze %dma_start3A_696 : memref<1x32x16384xf32, #tpu.memory_space<hbm>> -> memref<32x16384xf32, #tpu.memory_space<hbm>>
        %dma_start3A_698 = tpu.memref_slice %dma_start3A_697[%multiple_of3A, %multiple_of3A_687] : memref<32x16384xf32, #tpu.memory_space<hbm>> -> memref<8x4096xf32, #tpu.memory_space<hbm>>
        %dma_start3A_699 = tpu.memref_slice %arg6[%dma_start3A_689] : memref<2x!tpu.dma_semaphore, #tpu.memory_space<semaphore_mem>> -> memref<1x!tpu.dma_semaphore, #tpu.memory_space<semaphore_mem>>
        %dma_start3A_700 = tpu.memref_squeeze %dma_start3A_699 : memref<1x!tpu.dma_semaphore, #tpu.memory_space<semaphore_mem>> -> memref<!tpu.dma_semaphore, #tpu.memory_space<semaphore_mem>>
        %dma_start3A_701 = arith.constant 0 : i32
        %dma_start3A_702 = arith.constant 0 : i32
        %dma_start3A_703 = tpu.memref_slice %arg3[%select_n3A_626, %dma_start3A_701, %dma_start3A_702] : memref<50x32x16384xf32, #tpu.memory_space<hbm>> -> memref<1x32x16384xf32, #tpu.memory_space<hbm>>
        %dma_start3A_704 = tpu.memref_squeeze %dma_start3A_703 : memref<1x32x16384xf32, #tpu.memory_space<hbm>> -> memref<32x16384xf32, #tpu.memory_space<hbm>>
        %dma_start3A_705 = tpu.memref_slice %dma_start3A_704[%multiple_of3A, %multiple_of3A_687] : memref<32x16384xf32, #tpu.memory_space<hbm>> -> memref<8x4096xf32, #tpu.memory_space<hbm>>
        %dma_start3A_706 = arith.constant 0 : i32
        %dma_start3A_707 = arith.constant 0 : i32
        %dma_start3A_708 = tpu.memref_slice %arg4[%dma_start3A_688, %dma_start3A_706, %dma_start3A_707] : memref<2x8x4096xf32, #tpu.memory_space<vmem>> -> memref<1x8x4096xf32, #tpu.memory_space<vmem>>
        %dma_start3A_709 = tpu.memref_squeeze %dma_start3A_708 : memref<1x8x4096xf32, #tpu.memory_space<vmem>> -> memref<8x4096xf32, #tpu.memory_space<vmem>>
        tpu.enqueue_dma source(%dma_start3A_709 : memref<8x4096xf32, #tpu.memory_space<vmem>>) target(%dma_start3A_705 : memref<8x4096xf32, #tpu.memory_space<hbm>>) target_semaphore(%dma_start3A_700 : memref<!tpu.dma_semaphore, #tpu.memory_space<semaphore_mem>>)
      } else {
      }
    }
    %scan3A_340 = arith.constant 13 : i32
    %dma_wait3A = arith.constant 0 : i32
    %dma_wait3A_341 = arith.constant 0 : i32
    %dma_wait3A_342 = arith.constant 0 : i32
    %dma_wait3A_343 = arith.constant 0 : i32
    %dma_wait3A_344 = arith.constant 0 : i32
    %dma_wait3A_345 = tpu.memref_slice %arg4[%dma_wait3A, %dma_wait3A_343, %dma_wait3A_344] : memref<2x8x4096xf32, #tpu.memory_space<vmem>> -> memref<1x8x4096xf32, #tpu.memory_space<vmem>>
    %dma_wait3A_346 = tpu.memref_squeeze %dma_wait3A_345 : memref<1x8x4096xf32, #tpu.memory_space<vmem>> -> memref<8x4096xf32, #tpu.memory_space<vmem>>
    %dma_wait3A_347 = arith.constant 0 : i32
    %dma_wait3A_348 = arith.constant 0 : i32
    %dma_wait3A_349 = tpu.memref_slice %arg3[%dma_wait3A_341, %dma_wait3A_347, %dma_wait3A_348] : memref<50x32x16384xf32, #tpu.memory_space<hbm>> -> memref<1x32x16384xf32, #tpu.memory_space<hbm>>
    %dma_wait3A_350 = tpu.memref_squeeze %dma_wait3A_349 : memref<1x32x16384xf32, #tpu.memory_space<hbm>> -> memref<32x16384xf32, #tpu.memory_space<hbm>>
    %dma_wait3A_351 = arith.constant 0 : i32
    %dma_wait3A_352 = arith.constant 0 : i32
    %dma_wait3A_353 = tpu.memref_slice %dma_wait3A_350[%dma_wait3A_351, %dma_wait3A_352] : memref<32x16384xf32, #tpu.memory_space<hbm>> -> memref<8x4096xf32, #tpu.memory_space<hbm>>
    %dma_wait3A_354 = tpu.memref_slice %arg6[%dma_wait3A_342] : memref<2x!tpu.dma_semaphore, #tpu.memory_space<semaphore_mem>> -> memref<1x!tpu.dma_semaphore, #tpu.memory_space<semaphore_mem>>
    %dma_wait3A_355 = tpu.memref_squeeze %dma_wait3A_354 : memref<1x!tpu.dma_semaphore, #tpu.memory_space<semaphore_mem>> -> memref<!tpu.dma_semaphore, #tpu.memory_space<semaphore_mem>>
    %dma_wait3A_356 = arith.constant 0 : i32
    %dma_wait3A_357 = arith.constant 0 : i32
    %dma_wait3A_358 = tpu.memref_slice %arg3[%dma_wait3A_341, %dma_wait3A_356, %dma_wait3A_357] : memref<50x32x16384xf32, #tpu.memory_space<hbm>> -> memref<1x32x16384xf32, #tpu.memory_space<hbm>>
    %dma_wait3A_359 = tpu.memref_squeeze %dma_wait3A_358 : memref<1x32x16384xf32, #tpu.memory_space<hbm>> -> memref<32x16384xf32, #tpu.memory_space<hbm>>
    %dma_wait3A_360 = arith.constant 0 : i32
    %dma_wait3A_361 = arith.constant 0 : i32
    %dma_wait3A_362 = tpu.memref_slice %dma_wait3A_359[%dma_wait3A_360, %dma_wait3A_361] : memref<32x16384xf32, #tpu.memory_space<hbm>> -> memref<8x4096xf32, #tpu.memory_space<hbm>>
    %dma_wait3A_363 = arith.constant 0 : i32
    %dma_wait3A_364 = arith.constant 0 : i32
    %dma_wait3A_365 = tpu.memref_slice %arg4[%dma_wait3A, %dma_wait3A_363, %dma_wait3A_364] : memref<2x8x4096xf32, #tpu.memory_space<vmem>> -> memref<1x8x4096xf32, #tpu.memory_space<vmem>>
    %dma_wait3A_366 = tpu.memref_squeeze %dma_wait3A_365 : memref<1x8x4096xf32, #tpu.memory_space<vmem>> -> memref<8x4096xf32, #tpu.memory_space<vmem>>
    tpu.wait_dma2 semaphore(%dma_wait3A_355 : memref<!tpu.dma_semaphore, #tpu.memory_space<semaphore_mem>>) src(%dma_wait3A_366 : memref<8x4096xf32, #tpu.memory_space<vmem>>) dst(%dma_wait3A_362 : memref<8x4096xf32, #tpu.memory_space<hbm>>)
    %dma_wait3A_367 = arith.constant 1 : i32
    %dma_wait3A_368 = arith.constant 0 : i32
    %dma_wait3A_369 = arith.constant 1 : i32
    %dma_wait3A_370 = arith.constant 0 : i32
    %dma_wait3A_371 = arith.constant 0 : i32
    %dma_wait3A_372 = tpu.memref_slice %arg4[%dma_wait3A_367, %dma_wait3A_370, %dma_wait3A_371] : memref<2x8x4096xf32, #tpu.memory_space<vmem>> -> memref<1x8x4096xf32, #tpu.memory_space<vmem>>
    %dma_wait3A_373 = tpu.memref_squeeze %dma_wait3A_372 : memref<1x8x4096xf32, #tpu.memory_space<vmem>> -> memref<8x4096xf32, #tpu.memory_space<vmem>>
    %dma_wait3A_374 = arith.constant 0 : i32
    %dma_wait3A_375 = arith.constant 0 : i32
    %dma_wait3A_376 = tpu.memref_slice %arg3[%dma_wait3A_368, %dma_wait3A_374, %dma_wait3A_375] : memref<50x32x16384xf32, #tpu.memory_space<hbm>> -> memref<1x32x16384xf32, #tpu.memory_space<hbm>>
    %dma_wait3A_377 = tpu.memref_squeeze %dma_wait3A_376 : memref<1x32x16384xf32, #tpu.memory_space<hbm>> -> memref<32x16384xf32, #tpu.memory_space<hbm>>
    %dma_wait3A_378 = arith.constant 0 : i32
    %dma_wait3A_379 = arith.constant 0 : i32
    %dma_wait3A_380 = tpu.memref_slice %dma_wait3A_377[%dma_wait3A_378, %dma_wait3A_379] : memref<32x16384xf32, #tpu.memory_space<hbm>> -> memref<8x4096xf32, #tpu.memory_space<hbm>>
    %dma_wait3A_381 = tpu.memref_slice %arg6[%dma_wait3A_369] : memref<2x!tpu.dma_semaphore, #tpu.memory_space<semaphore_mem>> -> memref<1x!tpu.dma_semaphore, #tpu.memory_space<semaphore_mem>>
    %dma_wait3A_382 = tpu.memref_squeeze %dma_wait3A_381 : memref<1x!tpu.dma_semaphore, #tpu.memory_space<semaphore_mem>> -> memref<!tpu.dma_semaphore, #tpu.memory_space<semaphore_mem>>
    %dma_wait3A_383 = arith.constant 0 : i32
    %dma_wait3A_384 = arith.constant 0 : i32
    %dma_wait3A_385 = tpu.memref_slice %arg3[%dma_wait3A_368, %dma_wait3A_383, %dma_wait3A_384] : memref<50x32x16384xf32, #tpu.memory_space<hbm>> -> memref<1x32x16384xf32, #tpu.memory_space<hbm>>
    %dma_wait3A_386 = tpu.memref_squeeze %dma_wait3A_385 : memref<1x32x16384xf32, #tpu.memory_space<hbm>> -> memref<32x16384xf32, #tpu.memory_space<hbm>>
    %dma_wait3A_387 = arith.constant 0 : i32
    %dma_wait3A_388 = arith.constant 0 : i32
    %dma_wait3A_389 = tpu.memref_slice %dma_wait3A_386[%dma_wait3A_387, %dma_wait3A_388] : memref<32x16384xf32, #tpu.memory_space<hbm>> -> memref<8x4096xf32, #tpu.memory_space<hbm>>
    %dma_wait3A_390 = arith.constant 0 : i32
    %dma_wait3A_391 = arith.constant 0 : i32
    %dma_wait3A_392 = tpu.memref_slice %arg4[%dma_wait3A_367, %dma_wait3A_390, %dma_wait3A_391] : memref<2x8x4096xf32, #tpu.memory_space<vmem>> -> memref<1x8x4096xf32, #tpu.memory_space<vmem>>
    %dma_wait3A_393 = tpu.memref_squeeze %dma_wait3A_392 : memref<1x8x4096xf32, #tpu.memory_space<vmem>> -> memref<8x4096xf32, #tpu.memory_space<vmem>>
    tpu.wait_dma2 semaphore(%dma_wait3A_382 : memref<!tpu.dma_semaphore, #tpu.memory_space<semaphore_mem>>) src(%dma_wait3A_393 : memref<8x4096xf32, #tpu.memory_space<vmem>>) dst(%dma_wait3A_389 : memref<8x4096xf32, #tpu.memory_space<hbm>>)
    return
  }
}

#map = affine_map<(d0, d1) -> (0)>
#map1 = affine_map<(d0, d1) -> (0, 0)>
#map2 = affine_map<(d0, d1) -> (0, 0, 0)>
module attributes {stable_mosaic.version = 14 : i64} {
  func.func @_emb_lookup(%arg0: i32, %arg1: i32, %arg2: memref<819200xi32, #tpu.memory_space<hbm>>, %arg3: memref<100000x32xf32, #tpu.memory_space<hbm>>, %arg4: memref<50x32x16384xf32, #tpu.memory_space<hbm>>, %arg5: memref<25600xi32, #tpu.memory_space<vmem>>, %arg6: memref<2x512xi32, #tpu.memory_space<vmem>>, %arg7: memref<2x512x32xf32, #tpu.memory_space<vmem>>, %arg8: memref<2x32x513xf32, #tpu.memory_space<vmem>>, %arg9: memref<!tpu.dma_semaphore, #tpu.memory_space<semaphore_mem>>, %arg10: memref<2x!tpu.dma_semaphore, #tpu.memory_space<semaphore_mem>>, %arg11: memref<2x!tpu.dma_semaphore, #tpu.memory_space<semaphore_mem>>) attributes {dimension_semantics = [#tpu.dimension_semantics<core_parallel>, #tpu.dimension_semantics<subcore_parallel>], iteration_bounds = array<i64: 2, 16>, scalar_prefetch = 0 : i64, scratch_operands = 7 : i64, tpu.core_type = #tpu.core_type<sc_vector_subcore>, window_params = [{transform_indices = #map}, {transform_indices = #map1}, {transform_indices = #map2}]} {
    %mul3A = arith.constant 2 : i32
    %mul3A_0 = arith.muli %arg1, %mul3A : i32
    %add3A = arith.addi %mul3A_0, %arg0 : i32
    %mul3A_1 = arith.constant 512 : i32
    %mul3A_2 = arith.muli %add3A, %mul3A_1 : i32
    %mul3A_3 = arith.constant 50 : i32
    %mul3A_4 = arith.muli %mul3A_2, %mul3A_3 : i32
    %dma_start3A = tpu.memref_slice %arg2[%mul3A_4] : memref<819200xi32, #tpu.memory_space<hbm>> -> memref<25600xi32, #tpu.memory_space<hbm>>
    %dma_start3A_5 = tpu.memref_slice %arg2[%mul3A_4] : memref<819200xi32, #tpu.memory_space<hbm>> -> memref<25600xi32, #tpu.memory_space<hbm>>
    tpu.enqueue_dma source(%dma_start3A_5 : memref<25600xi32, #tpu.memory_space<hbm>>) target(%arg5 : memref<25600xi32, #tpu.memory_space<vmem>>) target_semaphore(%arg9 : memref<!tpu.dma_semaphore, #tpu.memory_space<semaphore_mem>>)
    %dma_wait3A = tpu.memref_slice %arg2[%mul3A_4] : memref<819200xi32, #tpu.memory_space<hbm>> -> memref<25600xi32, #tpu.memory_space<hbm>>
    %dma_wait3A_6 = tpu.memref_slice %arg2[%mul3A_4] : memref<819200xi32, #tpu.memory_space<hbm>> -> memref<25600xi32, #tpu.memory_space<hbm>>
    tpu.wait_dma2 semaphore(%arg9 : memref<!tpu.dma_semaphore, #tpu.memory_space<semaphore_mem>>) src(%dma_wait3A_6 : memref<25600xi32, #tpu.memory_space<hbm>>) dst(%arg5 : memref<25600xi32, #tpu.memory_space<vmem>>)
    %iota3A = tpu.iota {dimensions = array<i32: 0>} : vector<16xi32>
    %mul3A_7 = arith.constant 50 : i32
    %mul3A_8 = vector.broadcast %mul3A_7 : i32 to vector<16xi32>
    %mul3A_9 = arith.muli %iota3A, %mul3A_8 : vector<16xi32>
    %parallel_loop3A = arith.constant 0 : i32
    %parallel_loop3A_10 = arith.constant 32 : i32
    %parallel_loop3A_11 = arith.constant 1 : i32
    scf.for %parallel_loop3A_159 = %parallel_loop3A to %parallel_loop3A_10 step %parallel_loop3A_11  : i32 {
      %parallel_loop3A_160 = arith.constant 16 : i32
      %parallel_loop3A_161 = arith.muli %parallel_loop3A_159, %parallel_loop3A_160 : i32
      %parallel_loop3A_162 = arith.constant 50 : i32
      %parallel_loop3A_163 = arith.muli %parallel_loop3A_161, %parallel_loop3A_162 : i32
      %parallel_loop3A_164 = arith.constant 0 : i32
      %parallel_loop3A_165 = arith.addi %parallel_loop3A_163, %parallel_loop3A_164 : i32
      %parallel_loop3A_166 = vector.broadcast %parallel_loop3A_165 : i32 to vector<16xi32>
      %parallel_loop3A_167 = arith.addi %mul3A_9, %parallel_loop3A_166 : vector<16xi32>
      %parallel_loop3A_168 = tpu.vector_load_idx %arg5[%parallel_loop3A_167] : memref<25600xi32, #tpu.memory_space<vmem>>[vector<16xi32>], vector<16xi32>,
      %parallel_loop3A_169 = arith.constant 16 : i32
      %parallel_loop3A_170 = arith.muli %parallel_loop3A_159, %parallel_loop3A_169 : i32
      %parallel_loop3A_171 = arith.constant 0 : i32
      %parallel_loop3A_172 = arith.index_cast %parallel_loop3A_171 : i32 to index
      %parallel_loop3A_173 = arith.index_cast %parallel_loop3A_170 : i32 to index
      %parallel_loop3A_174 = tpu.vector_load %arg6[%parallel_loop3A_172, %parallel_loop3A_173] {strides = array<i32>} : memref<2x512xi32, #tpu.memory_space<vmem>>, vector<16xi32>,
      tpu.vector_store %arg6[%parallel_loop3A_172, %parallel_loop3A_173], %parallel_loop3A_168 {strides = array<i32>} : memref<2x512xi32, #tpu.memory_space<vmem>>, vector<16xi32>,
    } {sc.loop_unroll_factor = 8 : i64, sc.parallel_access}
    %dma_start3A_12 = arith.constant 0 : i32
    %dma_start3A_13 = arith.constant 0 : i32
    %dma_start3A_14 = arith.constant 0 : i32
    %dma_start3A_15 = arith.constant 0 : i32
    %dma_start3A_16 = arith.constant 0 : i32
    %dma_start3A_17 = tpu.memref_slice %arg7[%dma_start3A_13, %dma_start3A_15, %dma_start3A_16] : memref<2x512x32xf32, #tpu.memory_space<vmem>> -> memref<1x512x32xf32, #tpu.memory_space<vmem>>
    %dma_start3A_18 = tpu.memref_squeeze %dma_start3A_17 : memref<1x512x32xf32, #tpu.memory_space<vmem>> -> memref<512x32xf32, #tpu.memory_space<vmem>>
    %dma_start3A_19 = arith.constant 0 : i32
    %dma_start3A_20 = arith.constant 0 : i32
    %dma_start3A_21 = tpu.memref_slice %dma_start3A_18[%dma_start3A_19, %dma_start3A_20] : memref<512x32xf32, #tpu.memory_space<vmem>> -> memref<128x32xf32, #tpu.memory_space<vmem>>
    %dma_start3A_22 = arith.constant 0 : i32
    %dma_start3A_23 = tpu.memref_slice %arg6[%dma_start3A_12, %dma_start3A_22] : memref<2x512xi32, #tpu.memory_space<vmem>> -> memref<1x512xi32, #tpu.memory_space<vmem>>
    %dma_start3A_24 = tpu.memref_squeeze %dma_start3A_23 : memref<1x512xi32, #tpu.memory_space<vmem>> -> memref<512xi32, #tpu.memory_space<vmem>>
    %dma_start3A_25 = arith.constant 0 : i32
    %dma_start3A_26 = tpu.memref_slice %dma_start3A_24[%dma_start3A_25] : memref<512xi32, #tpu.memory_space<vmem>> -> memref<128xi32, #tpu.memory_space<vmem>>
    %dma_start3A_27 = arith.constant 0 : i32
    %dma_start3A_28 = arith.constant 0 : i32
    %dma_start3A_29 = tpu.memref_slice %arg3[%dma_start3A_27, %dma_start3A_28] : memref<100000x32xf32, #tpu.memory_space<hbm>> -> memref<100000x32xf32, #tpu.memory_space<hbm>>
    %dma_start3A_30 = tpu.memref_slice %arg10[%dma_start3A_14] : memref<2x!tpu.dma_semaphore, #tpu.memory_space<semaphore_mem>> -> memref<1x!tpu.dma_semaphore, #tpu.memory_space<semaphore_mem>>
    %dma_start3A_31 = tpu.memref_squeeze %dma_start3A_30 : memref<1x!tpu.dma_semaphore, #tpu.memory_space<semaphore_mem>> -> memref<!tpu.dma_semaphore, #tpu.memory_space<semaphore_mem>>
    tpu.enqueue_indirect_dma source(%dma_start3A_29 : memref<100000x32xf32, #tpu.memory_space<hbm>>) target(%dma_start3A_21 : memref<128x32xf32, #tpu.memory_space<vmem>>) offsets(%dma_start3A_26 : memref<128xi32, #tpu.memory_space<vmem>>) semaphore(%dma_start3A_31 : memref<!tpu.dma_semaphore, #tpu.memory_space<semaphore_mem>>)
    %dma_start3A_32 = arith.constant 0 : i32
    %dma_start3A_33 = arith.constant 0 : i32
    %dma_start3A_34 = arith.constant 0 : i32
    %dma_start3A_35 = arith.constant 0 : i32
    %dma_start3A_36 = arith.constant 0 : i32
    %dma_start3A_37 = tpu.memref_slice %arg7[%dma_start3A_33, %dma_start3A_35, %dma_start3A_36] : memref<2x512x32xf32, #tpu.memory_space<vmem>> -> memref<1x512x32xf32, #tpu.memory_space<vmem>>
    %dma_start3A_38 = tpu.memref_squeeze %dma_start3A_37 : memref<1x512x32xf32, #tpu.memory_space<vmem>> -> memref<512x32xf32, #tpu.memory_space<vmem>>
    %dma_start3A_39 = arith.constant 128 : i32
    %dma_start3A_40 = arith.constant 0 : i32
    %dma_start3A_41 = tpu.memref_slice %dma_start3A_38[%dma_start3A_39, %dma_start3A_40] : memref<512x32xf32, #tpu.memory_space<vmem>> -> memref<128x32xf32, #tpu.memory_space<vmem>>
    %dma_start3A_42 = arith.constant 0 : i32
    %dma_start3A_43 = tpu.memref_slice %arg6[%dma_start3A_32, %dma_start3A_42] : memref<2x512xi32, #tpu.memory_space<vmem>> -> memref<1x512xi32, #tpu.memory_space<vmem>>
    %dma_start3A_44 = tpu.memref_squeeze %dma_start3A_43 : memref<1x512xi32, #tpu.memory_space<vmem>> -> memref<512xi32, #tpu.memory_space<vmem>>
    %dma_start3A_45 = arith.constant 128 : i32
    %dma_start3A_46 = tpu.memref_slice %dma_start3A_44[%dma_start3A_45] : memref<512xi32, #tpu.memory_space<vmem>> -> memref<128xi32, #tpu.memory_space<vmem>>
    %dma_start3A_47 = arith.constant 0 : i32
    %dma_start3A_48 = arith.constant 0 : i32
    %dma_start3A_49 = tpu.memref_slice %arg3[%dma_start3A_47, %dma_start3A_48] : memref<100000x32xf32, #tpu.memory_space<hbm>> -> memref<100000x32xf32, #tpu.memory_space<hbm>>
    %dma_start3A_50 = tpu.memref_slice %arg10[%dma_start3A_34] : memref<2x!tpu.dma_semaphore, #tpu.memory_space<semaphore_mem>> -> memref<1x!tpu.dma_semaphore, #tpu.memory_space<semaphore_mem>>
    %dma_start3A_51 = tpu.memref_squeeze %dma_start3A_50 : memref<1x!tpu.dma_semaphore, #tpu.memory_space<semaphore_mem>> -> memref<!tpu.dma_semaphore, #tpu.memory_space<semaphore_mem>>
    tpu.enqueue_indirect_dma source(%dma_start3A_49 : memref<100000x32xf32, #tpu.memory_space<hbm>>) target(%dma_start3A_41 : memref<128x32xf32, #tpu.memory_space<vmem>>) offsets(%dma_start3A_46 : memref<128xi32, #tpu.memory_space<vmem>>) semaphore(%dma_start3A_51 : memref<!tpu.dma_semaphore, #tpu.memory_space<semaphore_mem>>)
    %dma_start3A_52 = arith.constant 0 : i32
    %dma_start3A_53 = arith.constant 0 : i32
    %dma_start3A_54 = arith.constant 0 : i32
    %dma_start3A_55 = arith.constant 0 : i32
    %dma_start3A_56 = arith.constant 0 : i32
    %dma_start3A_57 = tpu.memref_slice %arg7[%dma_start3A_53, %dma_start3A_55, %dma_start3A_56] : memref<2x512x32xf32, #tpu.memory_space<vmem>> -> memref<1x512x32xf32, #tpu.memory_space<vmem>>
    %dma_start3A_58 = tpu.memref_squeeze %dma_start3A_57 : memref<1x512x32xf32, #tpu.memory_space<vmem>> -> memref<512x32xf32, #tpu.memory_space<vmem>>
    %dma_start3A_59 = arith.constant 256 : i32
    %dma_start3A_60 = arith.constant 0 : i32
    %dma_start3A_61 = tpu.memref_slice %dma_start3A_58[%dma_start3A_59, %dma_start3A_60] : memref<512x32xf32, #tpu.memory_space<vmem>> -> memref<128x32xf32, #tpu.memory_space<vmem>>
    %dma_start3A_62 = arith.constant 0 : i32
    %dma_start3A_63 = tpu.memref_slice %arg6[%dma_start3A_52, %dma_start3A_62] : memref<2x512xi32, #tpu.memory_space<vmem>> -> memref<1x512xi32, #tpu.memory_space<vmem>>
    %dma_start3A_64 = tpu.memref_squeeze %dma_start3A_63 : memref<1x512xi32, #tpu.memory_space<vmem>> -> memref<512xi32, #tpu.memory_space<vmem>>
    %dma_start3A_65 = arith.constant 256 : i32
    %dma_start3A_66 = tpu.memref_slice %dma_start3A_64[%dma_start3A_65] : memref<512xi32, #tpu.memory_space<vmem>> -> memref<128xi32, #tpu.memory_space<vmem>>
    %dma_start3A_67 = arith.constant 0 : i32
    %dma_start3A_68 = arith.constant 0 : i32
    %dma_start3A_69 = tpu.memref_slice %arg3[%dma_start3A_67, %dma_start3A_68] : memref<100000x32xf32, #tpu.memory_space<hbm>> -> memref<100000x32xf32, #tpu.memory_space<hbm>>
    %dma_start3A_70 = tpu.memref_slice %arg10[%dma_start3A_54] : memref<2x!tpu.dma_semaphore, #tpu.memory_space<semaphore_mem>> -> memref<1x!tpu.dma_semaphore, #tpu.memory_space<semaphore_mem>>
    %dma_start3A_71 = tpu.memref_squeeze %dma_start3A_70 : memref<1x!tpu.dma_semaphore, #tpu.memory_space<semaphore_mem>> -> memref<!tpu.dma_semaphore, #tpu.memory_space<semaphore_mem>>
    tpu.enqueue_indirect_dma source(%dma_start3A_69 : memref<100000x32xf32, #tpu.memory_space<hbm>>) target(%dma_start3A_61 : memref<128x32xf32, #tpu.memory_space<vmem>>) offsets(%dma_start3A_66 : memref<128xi32, #tpu.memory_space<vmem>>) semaphore(%dma_start3A_71 : memref<!tpu.dma_semaphore, #tpu.memory_space<semaphore_mem>>)
    %dma_start3A_72 = arith.constant 0 : i32
    %dma_start3A_73 = arith.constant 0 : i32
    %dma_start3A_74 = arith.constant 0 : i32
    %dma_start3A_75 = arith.constant 0 : i32
    %dma_start3A_76 = arith.constant 0 : i32
    %dma_start3A_77 = tpu.memref_slice %arg7[%dma_start3A_73, %dma_start3A_75, %dma_start3A_76] : memref<2x512x32xf32, #tpu.memory_space<vmem>> -> memref<1x512x32xf32, #tpu.memory_space<vmem>>
    %dma_start3A_78 = tpu.memref_squeeze %dma_start3A_77 : memref<1x512x32xf32, #tpu.memory_space<vmem>> -> memref<512x32xf32, #tpu.memory_space<vmem>>
    %dma_start3A_79 = arith.constant 384 : i32
    %dma_start3A_80 = arith.constant 0 : i32
    %dma_start3A_81 = tpu.memref_slice %dma_start3A_78[%dma_start3A_79, %dma_start3A_80] : memref<512x32xf32, #tpu.memory_space<vmem>> -> memref<128x32xf32, #tpu.memory_space<vmem>>
    %dma_start3A_82 = arith.constant 0 : i32
    %dma_start3A_83 = tpu.memref_slice %arg6[%dma_start3A_72, %dma_start3A_82] : memref<2x512xi32, #tpu.memory_space<vmem>> -> memref<1x512xi32, #tpu.memory_space<vmem>>
    %dma_start3A_84 = tpu.memref_squeeze %dma_start3A_83 : memref<1x512xi32, #tpu.memory_space<vmem>> -> memref<512xi32, #tpu.memory_space<vmem>>
    %dma_start3A_85 = arith.constant 384 : i32
    %dma_start3A_86 = tpu.memref_slice %dma_start3A_84[%dma_start3A_85] : memref<512xi32, #tpu.memory_space<vmem>> -> memref<128xi32, #tpu.memory_space<vmem>>
    %dma_start3A_87 = arith.constant 0 : i32
    %dma_start3A_88 = arith.constant 0 : i32
    %dma_start3A_89 = tpu.memref_slice %arg3[%dma_start3A_87, %dma_start3A_88] : memref<100000x32xf32, #tpu.memory_space<hbm>> -> memref<100000x32xf32, #tpu.memory_space<hbm>>
    %dma_start3A_90 = tpu.memref_slice %arg10[%dma_start3A_74] : memref<2x!tpu.dma_semaphore, #tpu.memory_space<semaphore_mem>> -> memref<1x!tpu.dma_semaphore, #tpu.memory_space<semaphore_mem>>
    %dma_start3A_91 = tpu.memref_squeeze %dma_start3A_90 : memref<1x!tpu.dma_semaphore, #tpu.memory_space<semaphore_mem>> -> memref<!tpu.dma_semaphore, #tpu.memory_space<semaphore_mem>>
    tpu.enqueue_indirect_dma source(%dma_start3A_89 : memref<100000x32xf32, #tpu.memory_space<hbm>>) target(%dma_start3A_81 : memref<128x32xf32, #tpu.memory_space<vmem>>) offsets(%dma_start3A_86 : memref<128xi32, #tpu.memory_space<vmem>>) semaphore(%dma_start3A_91 : memref<!tpu.dma_semaphore, #tpu.memory_space<semaphore_mem>>)
    %scan3A = arith.constant 0 : i32
    %scan3A_92 = arith.constant 0 : i32
    %scan3A_93 = arith.constant 25 : i32
    %scan3A_94 = arith.addi %scan3A_92, %scan3A_93 : i32
    %scan3A_95 = arith.constant 1 : i32
    scf.for %scan3A_159 = %scan3A_92 to %scan3A_94 step %scan3A_95  : i32 {
      %mul3A_160 = arith.constant 2 : i32
      %mul3A_161 = arith.muli %scan3A_159, %mul3A_160 : i32
      %add3A_162 = arith.constant 0 : i32
      %add3A_163 = arith.addi %mul3A_161, %add3A_162 : i32
      %dma_wait3A_164 = arith.constant 0 : i32
      %dma_wait3A_165 = arith.constant 0 : i32
      %dma_wait3A_166 = arith.constant 0 : i32
      %dma_wait3A_167 = arith.constant 0 : i32
      %dma_wait3A_168 = arith.constant 0 : i32
      %dma_wait3A_169 = tpu.memref_slice %arg7[%dma_wait3A_165, %dma_wait3A_167, %dma_wait3A_168] : memref<2x512x32xf32, #tpu.memory_space<vmem>> -> memref<1x512x32xf32, #tpu.memory_space<vmem>>
      %dma_wait3A_170 = tpu.memref_squeeze %dma_wait3A_169 : memref<1x512x32xf32, #tpu.memory_space<vmem>> -> memref<512x32xf32, #tpu.memory_space<vmem>>
      %dma_wait3A_171 = arith.constant 0 : i32
      %dma_wait3A_172 = arith.constant 0 : i32
      %dma_wait3A_173 = tpu.memref_slice %dma_wait3A_170[%dma_wait3A_171, %dma_wait3A_172] : memref<512x32xf32, #tpu.memory_space<vmem>> -> memref<128x32xf32, #tpu.memory_space<vmem>>
      %dma_wait3A_174 = arith.constant 0 : i32
      %dma_wait3A_175 = tpu.memref_slice %arg6[%dma_wait3A_164, %dma_wait3A_174] : memref<2x512xi32, #tpu.memory_space<vmem>> -> memref<1x512xi32, #tpu.memory_space<vmem>>
      %dma_wait3A_176 = tpu.memref_squeeze %dma_wait3A_175 : memref<1x512xi32, #tpu.memory_space<vmem>> -> memref<512xi32, #tpu.memory_space<vmem>>
      %dma_wait3A_177 = arith.constant 0 : i32
      %dma_wait3A_178 = tpu.memref_slice %dma_wait3A_176[%dma_wait3A_177] : memref<512xi32, #tpu.memory_space<vmem>> -> memref<128xi32, #tpu.memory_space<vmem>>
      %dma_wait3A_179 = arith.constant 0 : i32
      %dma_wait3A_180 = arith.constant 0 : i32
      %dma_wait3A_181 = tpu.memref_slice %arg3[%dma_wait3A_179, %dma_wait3A_180] : memref<100000x32xf32, #tpu.memory_space<hbm>> -> memref<100000x32xf32, #tpu.memory_space<hbm>>
      %dma_wait3A_182 = tpu.memref_slice %arg10[%dma_wait3A_166] : memref<2x!tpu.dma_semaphore, #tpu.memory_space<semaphore_mem>> -> memref<1x!tpu.dma_semaphore, #tpu.memory_space<semaphore_mem>>
      %dma_wait3A_183 = tpu.memref_squeeze %dma_wait3A_182 : memref<1x!tpu.dma_semaphore, #tpu.memory_space<semaphore_mem>> -> memref<!tpu.dma_semaphore, #tpu.memory_space<semaphore_mem>>
      tpu.wait_indirect_dma semaphore(%dma_wait3A_183 : memref<!tpu.dma_semaphore, #tpu.memory_space<semaphore_mem>>) src(%dma_wait3A_181 : memref<100000x32xf32, #tpu.memory_space<hbm>>) dst(%dma_wait3A_173 : memref<128x32xf32, #tpu.memory_space<vmem>>)
      %dma_wait3A_184 = arith.constant 0 : i32
      %dma_wait3A_185 = arith.constant 0 : i32
      %dma_wait3A_186 = arith.constant 0 : i32
      %dma_wait3A_187 = arith.constant 0 : i32
      %dma_wait3A_188 = arith.constant 0 : i32
      %dma_wait3A_189 = tpu.memref_slice %arg7[%dma_wait3A_185, %dma_wait3A_187, %dma_wait3A_188] : memref<2x512x32xf32, #tpu.memory_space<vmem>> -> memref<1x512x32xf32, #tpu.memory_space<vmem>>
      %dma_wait3A_190 = tpu.memref_squeeze %dma_wait3A_189 : memref<1x512x32xf32, #tpu.memory_space<vmem>> -> memref<512x32xf32, #tpu.memory_space<vmem>>
      %dma_wait3A_191 = arith.constant 128 : i32
      %dma_wait3A_192 = arith.constant 0 : i32
      %dma_wait3A_193 = tpu.memref_slice %dma_wait3A_190[%dma_wait3A_191, %dma_wait3A_192] : memref<512x32xf32, #tpu.memory_space<vmem>> -> memref<128x32xf32, #tpu.memory_space<vmem>>
      %dma_wait3A_194 = arith.constant 0 : i32
      %dma_wait3A_195 = tpu.memref_slice %arg6[%dma_wait3A_184, %dma_wait3A_194] : memref<2x512xi32, #tpu.memory_space<vmem>> -> memref<1x512xi32, #tpu.memory_space<vmem>>
      %dma_wait3A_196 = tpu.memref_squeeze %dma_wait3A_195 : memref<1x512xi32, #tpu.memory_space<vmem>> -> memref<512xi32, #tpu.memory_space<vmem>>
      %dma_wait3A_197 = arith.constant 128 : i32
      %dma_wait3A_198 = tpu.memref_slice %dma_wait3A_196[%dma_wait3A_197] : memref<512xi32, #tpu.memory_space<vmem>> -> memref<128xi32, #tpu.memory_space<vmem>>
      %dma_wait3A_199 = arith.constant 0 : i32
      %dma_wait3A_200 = arith.constant 0 : i32
      %dma_wait3A_201 = tpu.memref_slice %arg3[%dma_wait3A_199, %dma_wait3A_200] : memref<100000x32xf32, #tpu.memory_space<hbm>> -> memref<100000x32xf32, #tpu.memory_space<hbm>>
      %dma_wait3A_202 = tpu.memref_slice %arg10[%dma_wait3A_186] : memref<2x!tpu.dma_semaphore, #tpu.memory_space<semaphore_mem>> -> memref<1x!tpu.dma_semaphore, #tpu.memory_space<semaphore_mem>>
      %dma_wait3A_203 = tpu.memref_squeeze %dma_wait3A_202 : memref<1x!tpu.dma_semaphore, #tpu.memory_space<semaphore_mem>> -> memref<!tpu.dma_semaphore, #tpu.memory_space<semaphore_mem>>
      tpu.wait_indirect_dma semaphore(%dma_wait3A_203 : memref<!tpu.dma_semaphore, #tpu.memory_space<semaphore_mem>>) src(%dma_wait3A_201 : memref<100000x32xf32, #tpu.memory_space<hbm>>) dst(%dma_wait3A_193 : memref<128x32xf32, #tpu.memory_space<vmem>>)
      %dma_wait3A_204 = arith.constant 0 : i32
      %dma_wait3A_205 = arith.constant 0 : i32
      %dma_wait3A_206 = arith.constant 0 : i32
      %dma_wait3A_207 = arith.constant 0 : i32
      %dma_wait3A_208 = arith.constant 0 : i32
      %dma_wait3A_209 = tpu.memref_slice %arg7[%dma_wait3A_205, %dma_wait3A_207, %dma_wait3A_208] : memref<2x512x32xf32, #tpu.memory_space<vmem>> -> memref<1x512x32xf32, #tpu.memory_space<vmem>>
      %dma_wait3A_210 = tpu.memref_squeeze %dma_wait3A_209 : memref<1x512x32xf32, #tpu.memory_space<vmem>> -> memref<512x32xf32, #tpu.memory_space<vmem>>
      %dma_wait3A_211 = arith.constant 256 : i32
      %dma_wait3A_212 = arith.constant 0 : i32
      %dma_wait3A_213 = tpu.memref_slice %dma_wait3A_210[%dma_wait3A_211, %dma_wait3A_212] : memref<512x32xf32, #tpu.memory_space<vmem>> -> memref<128x32xf32, #tpu.memory_space<vmem>>
      %dma_wait3A_214 = arith.constant 0 : i32
      %dma_wait3A_215 = tpu.memref_slice %arg6[%dma_wait3A_204, %dma_wait3A_214] : memref<2x512xi32, #tpu.memory_space<vmem>> -> memref<1x512xi32, #tpu.memory_space<vmem>>
      %dma_wait3A_216 = tpu.memref_squeeze %dma_wait3A_215 : memref<1x512xi32, #tpu.memory_space<vmem>> -> memref<512xi32, #tpu.memory_space<vmem>>
      %dma_wait3A_217 = arith.constant 256 : i32
      %dma_wait3A_218 = tpu.memref_slice %dma_wait3A_216[%dma_wait3A_217] : memref<512xi32, #tpu.memory_space<vmem>> -> memref<128xi32, #tpu.memory_space<vmem>>
      %dma_wait3A_219 = arith.constant 0 : i32
      %dma_wait3A_220 = arith.constant 0 : i32
      %dma_wait3A_221 = tpu.memref_slice %arg3[%dma_wait3A_219, %dma_wait3A_220] : memref<100000x32xf32, #tpu.memory_space<hbm>> -> memref<100000x32xf32, #tpu.memory_space<hbm>>
      %dma_wait3A_222 = tpu.memref_slice %arg10[%dma_wait3A_206] : memref<2x!tpu.dma_semaphore, #tpu.memory_space<semaphore_mem>> -> memref<1x!tpu.dma_semaphore, #tpu.memory_space<semaphore_mem>>
      %dma_wait3A_223 = tpu.memref_squeeze %dma_wait3A_222 : memref<1x!tpu.dma_semaphore, #tpu.memory_space<semaphore_mem>> -> memref<!tpu.dma_semaphore, #tpu.memory_space<semaphore_mem>>
      tpu.wait_indirect_dma semaphore(%dma_wait3A_223 : memref<!tpu.dma_semaphore, #tpu.memory_space<semaphore_mem>>) src(%dma_wait3A_221 : memref<100000x32xf32, #tpu.memory_space<hbm>>) dst(%dma_wait3A_213 : memref<128x32xf32, #tpu.memory_space<vmem>>)
      %dma_wait3A_224 = arith.constant 0 : i32
      %dma_wait3A_225 = arith.constant 0 : i32
      %dma_wait3A_226 = arith.constant 0 : i32
      %dma_wait3A_227 = arith.constant 0 : i32
      %dma_wait3A_228 = arith.constant 0 : i32
      %dma_wait3A_229 = tpu.memref_slice %arg7[%dma_wait3A_225, %dma_wait3A_227, %dma_wait3A_228] : memref<2x512x32xf32, #tpu.memory_space<vmem>> -> memref<1x512x32xf32, #tpu.memory_space<vmem>>
      %dma_wait3A_230 = tpu.memref_squeeze %dma_wait3A_229 : memref<1x512x32xf32, #tpu.memory_space<vmem>> -> memref<512x32xf32, #tpu.memory_space<vmem>>
      %dma_wait3A_231 = arith.constant 384 : i32
      %dma_wait3A_232 = arith.constant 0 : i32
      %dma_wait3A_233 = tpu.memref_slice %dma_wait3A_230[%dma_wait3A_231, %dma_wait3A_232] : memref<512x32xf32, #tpu.memory_space<vmem>> -> memref<128x32xf32, #tpu.memory_space<vmem>>
      %dma_wait3A_234 = arith.constant 0 : i32
      %dma_wait3A_235 = tpu.memref_slice %arg6[%dma_wait3A_224, %dma_wait3A_234] : memref<2x512xi32, #tpu.memory_space<vmem>> -> memref<1x512xi32, #tpu.memory_space<vmem>>
      %dma_wait3A_236 = tpu.memref_squeeze %dma_wait3A_235 : memref<1x512xi32, #tpu.memory_space<vmem>> -> memref<512xi32, #tpu.memory_space<vmem>>
      %dma_wait3A_237 = arith.constant 384 : i32
      %dma_wait3A_238 = tpu.memref_slice %dma_wait3A_236[%dma_wait3A_237] : memref<512xi32, #tpu.memory_space<vmem>> -> memref<128xi32, #tpu.memory_space<vmem>>
      %dma_wait3A_239 = arith.constant 0 : i32
      %dma_wait3A_240 = arith.constant 0 : i32
      %dma_wait3A_241 = tpu.memref_slice %arg3[%dma_wait3A_239, %dma_wait3A_240] : memref<100000x32xf32, #tpu.memory_space<hbm>> -> memref<100000x32xf32, #tpu.memory_space<hbm>>
      %dma_wait3A_242 = tpu.memref_slice %arg10[%dma_wait3A_226] : memref<2x!tpu.dma_semaphore, #tpu.memory_space<semaphore_mem>> -> memref<1x!tpu.dma_semaphore, #tpu.memory_space<semaphore_mem>>
      %dma_wait3A_243 = tpu.memref_squeeze %dma_wait3A_242 : memref<1x!tpu.dma_semaphore, #tpu.memory_space<semaphore_mem>> -> memref<!tpu.dma_semaphore, #tpu.memory_space<semaphore_mem>>
      tpu.wait_indirect_dma semaphore(%dma_wait3A_243 : memref<!tpu.dma_semaphore, #tpu.memory_space<semaphore_mem>>) src(%dma_wait3A_241 : memref<100000x32xf32, #tpu.memory_space<hbm>>) dst(%dma_wait3A_233 : memref<128x32xf32, #tpu.memory_space<vmem>>)
      %add3A_244 = arith.constant 1 : i32
      %add3A_245 = arith.addi %add3A_163, %add3A_244 : i32
      %lt3A = arith.constant 50 : i32
      %lt3A_246 = arith.cmpi slt, %add3A_245, %lt3A : i32
      %convert_element_type3A = arith.extui %lt3A_246 : i1 to i32
      %cond3A = arith.constant 0 : i32
      %cond3A_247 = arith.cmpi ne, %convert_element_type3A, %cond3A : i32
      scf.if %cond3A_247 {
        %add3A_414 = arith.constant 1 : i32
        %add3A_415 = arith.addi %add3A_163, %add3A_414 : i32
        %parallel_loop3A_416 = arith.constant 0 : i32
        %parallel_loop3A_417 = arith.constant 32 : i32
        %parallel_loop3A_418 = arith.constant 1 : i32
        scf.for %parallel_loop3A_499 = %parallel_loop3A_416 to %parallel_loop3A_417 step %parallel_loop3A_418  : i32 {
          %parallel_loop3A_500 = arith.constant 16 : i32
          %parallel_loop3A_501 = arith.muli %parallel_loop3A_499, %parallel_loop3A_500 : i32
          %parallel_loop3A_502 = arith.constant 50 : i32
          %parallel_loop3A_503 = arith.muli %parallel_loop3A_501, %parallel_loop3A_502 : i32
          %parallel_loop3A_504 = arith.addi %parallel_loop3A_503, %add3A_415 : i32
          %parallel_loop3A_505 = vector.broadcast %parallel_loop3A_504 : i32 to vector<16xi32>
          %parallel_loop3A_506 = arith.addi %mul3A_9, %parallel_loop3A_505 : vector<16xi32>
          %parallel_loop3A_507 = tpu.vector_load_idx %arg5[%parallel_loop3A_506] : memref<25600xi32, #tpu.memory_space<vmem>>[vector<16xi32>], vector<16xi32>,
          %parallel_loop3A_508 = arith.constant 16 : i32
          %parallel_loop3A_509 = arith.muli %parallel_loop3A_499, %parallel_loop3A_508 : i32
          %parallel_loop3A_510 = arith.constant 1 : i32
          %parallel_loop3A_511 = arith.index_cast %parallel_loop3A_510 : i32 to index
          %parallel_loop3A_512 = arith.index_cast %parallel_loop3A_509 : i32 to index
          %parallel_loop3A_513 = tpu.vector_load %arg6[%parallel_loop3A_511, %parallel_loop3A_512] {strides = array<i32>} : memref<2x512xi32, #tpu.memory_space<vmem>>, vector<16xi32>,
          tpu.vector_store %arg6[%parallel_loop3A_511, %parallel_loop3A_512], %parallel_loop3A_507 {strides = array<i32>} : memref<2x512xi32, #tpu.memory_space<vmem>>, vector<16xi32>,
        } {sc.loop_unroll_factor = 8 : i64, sc.parallel_access}
        %dma_start3A_419 = arith.constant 1 : i32
        %dma_start3A_420 = arith.constant 1 : i32
        %dma_start3A_421 = arith.constant 1 : i32
        %dma_start3A_422 = arith.constant 0 : i32
        %dma_start3A_423 = arith.constant 0 : i32
        %dma_start3A_424 = tpu.memref_slice %arg7[%dma_start3A_420, %dma_start3A_422, %dma_start3A_423] : memref<2x512x32xf32, #tpu.memory_space<vmem>> -> memref<1x512x32xf32, #tpu.memory_space<vmem>>
        %dma_start3A_425 = tpu.memref_squeeze %dma_start3A_424 : memref<1x512x32xf32, #tpu.memory_space<vmem>> -> memref<512x32xf32, #tpu.memory_space<vmem>>
        %dma_start3A_426 = arith.constant 0 : i32
        %dma_start3A_427 = arith.constant 0 : i32
        %dma_start3A_428 = tpu.memref_slice %dma_start3A_425[%dma_start3A_426, %dma_start3A_427] : memref<512x32xf32, #tpu.memory_space<vmem>> -> memref<128x32xf32, #tpu.memory_space<vmem>>
        %dma_start3A_429 = arith.constant 0 : i32
        %dma_start3A_430 = tpu.memref_slice %arg6[%dma_start3A_419, %dma_start3A_429] : memref<2x512xi32, #tpu.memory_space<vmem>> -> memref<1x512xi32, #tpu.memory_space<vmem>>
        %dma_start3A_431 = tpu.memref_squeeze %dma_start3A_430 : memref<1x512xi32, #tpu.memory_space<vmem>> -> memref<512xi32, #tpu.memory_space<vmem>>
        %dma_start3A_432 = arith.constant 0 : i32
        %dma_start3A_433 = tpu.memref_slice %dma_start3A_431[%dma_start3A_432] : memref<512xi32, #tpu.memory_space<vmem>> -> memref<128xi32, #tpu.memory_space<vmem>>
        %dma_start3A_434 = arith.constant 0 : i32
        %dma_start3A_435 = arith.constant 0 : i32
        %dma_start3A_436 = tpu.memref_slice %arg3[%dma_start3A_434, %dma_start3A_435] : memref<100000x32xf32, #tpu.memory_space<hbm>> -> memref<100000x32xf32, #tpu.memory_space<hbm>>
        %dma_start3A_437 = tpu.memref_slice %arg10[%dma_start3A_421] : memref<2x!tpu.dma_semaphore, #tpu.memory_space<semaphore_mem>> -> memref<1x!tpu.dma_semaphore, #tpu.memory_space<semaphore_mem>>
        %dma_start3A_438 = tpu.memref_squeeze %dma_start3A_437 : memref<1x!tpu.dma_semaphore, #tpu.memory_space<semaphore_mem>> -> memref<!tpu.dma_semaphore, #tpu.memory_space<semaphore_mem>>
        tpu.enqueue_indirect_dma source(%dma_start3A_436 : memref<100000x32xf32, #tpu.memory_space<hbm>>) target(%dma_start3A_428 : memref<128x32xf32, #tpu.memory_space<vmem>>) offsets(%dma_start3A_433 : memref<128xi32, #tpu.memory_space<vmem>>) semaphore(%dma_start3A_438 : memref<!tpu.dma_semaphore, #tpu.memory_space<semaphore_mem>>)
        %dma_start3A_439 = arith.constant 1 : i32
        %dma_start3A_440 = arith.constant 1 : i32
        %dma_start3A_441 = arith.constant 1 : i32
        %dma_start3A_442 = arith.constant 0 : i32
        %dma_start3A_443 = arith.constant 0 : i32
        %dma_start3A_444 = tpu.memref_slice %arg7[%dma_start3A_440, %dma_start3A_442, %dma_start3A_443] : memref<2x512x32xf32, #tpu.memory_space<vmem>> -> memref<1x512x32xf32, #tpu.memory_space<vmem>>
        %dma_start3A_445 = tpu.memref_squeeze %dma_start3A_444 : memref<1x512x32xf32, #tpu.memory_space<vmem>> -> memref<512x32xf32, #tpu.memory_space<vmem>>
        %dma_start3A_446 = arith.constant 128 : i32
        %dma_start3A_447 = arith.constant 0 : i32
        %dma_start3A_448 = tpu.memref_slice %dma_start3A_445[%dma_start3A_446, %dma_start3A_447] : memref<512x32xf32, #tpu.memory_space<vmem>> -> memref<128x32xf32, #tpu.memory_space<vmem>>
        %dma_start3A_449 = arith.constant 0 : i32
        %dma_start3A_450 = tpu.memref_slice %arg6[%dma_start3A_439, %dma_start3A_449] : memref<2x512xi32, #tpu.memory_space<vmem>> -> memref<1x512xi32, #tpu.memory_space<vmem>>
        %dma_start3A_451 = tpu.memref_squeeze %dma_start3A_450 : memref<1x512xi32, #tpu.memory_space<vmem>> -> memref<512xi32, #tpu.memory_space<vmem>>
        %dma_start3A_452 = arith.constant 128 : i32
        %dma_start3A_453 = tpu.memref_slice %dma_start3A_451[%dma_start3A_452] : memref<512xi32, #tpu.memory_space<vmem>> -> memref<128xi32, #tpu.memory_space<vmem>>
        %dma_start3A_454 = arith.constant 0 : i32
        %dma_start3A_455 = arith.constant 0 : i32
        %dma_start3A_456 = tpu.memref_slice %arg3[%dma_start3A_454, %dma_start3A_455] : memref<100000x32xf32, #tpu.memory_space<hbm>> -> memref<100000x32xf32, #tpu.memory_space<hbm>>
        %dma_start3A_457 = tpu.memref_slice %arg10[%dma_start3A_441] : memref<2x!tpu.dma_semaphore, #tpu.memory_space<semaphore_mem>> -> memref<1x!tpu.dma_semaphore, #tpu.memory_space<semaphore_mem>>
        %dma_start3A_458 = tpu.memref_squeeze %dma_start3A_457 : memref<1x!tpu.dma_semaphore, #tpu.memory_space<semaphore_mem>> -> memref<!tpu.dma_semaphore, #tpu.memory_space<semaphore_mem>>
        tpu.enqueue_indirect_dma source(%dma_start3A_456 : memref<100000x32xf32, #tpu.memory_space<hbm>>) target(%dma_start3A_448 : memref<128x32xf32, #tpu.memory_space<vmem>>) offsets(%dma_start3A_453 : memref<128xi32, #tpu.memory_space<vmem>>) semaphore(%dma_start3A_458 : memref<!tpu.dma_semaphore, #tpu.memory_space<semaphore_mem>>)
        %dma_start3A_459 = arith.constant 1 : i32
        %dma_start3A_460 = arith.constant 1 : i32
        %dma_start3A_461 = arith.constant 1 : i32
        %dma_start3A_462 = arith.constant 0 : i32
        %dma_start3A_463 = arith.constant 0 : i32
        %dma_start3A_464 = tpu.memref_slice %arg7[%dma_start3A_460, %dma_start3A_462, %dma_start3A_463] : memref<2x512x32xf32, #tpu.memory_space<vmem>> -> memref<1x512x32xf32, #tpu.memory_space<vmem>>
        %dma_start3A_465 = tpu.memref_squeeze %dma_start3A_464 : memref<1x512x32xf32, #tpu.memory_space<vmem>> -> memref<512x32xf32, #tpu.memory_space<vmem>>
        %dma_start3A_466 = arith.constant 256 : i32
        %dma_start3A_467 = arith.constant 0 : i32
        %dma_start3A_468 = tpu.memref_slice %dma_start3A_465[%dma_start3A_466, %dma_start3A_467] : memref<512x32xf32, #tpu.memory_space<vmem>> -> memref<128x32xf32, #tpu.memory_space<vmem>>
        %dma_start3A_469 = arith.constant 0 : i32
        %dma_start3A_470 = tpu.memref_slice %arg6[%dma_start3A_459, %dma_start3A_469] : memref<2x512xi32, #tpu.memory_space<vmem>> -> memref<1x512xi32, #tpu.memory_space<vmem>>
        %dma_start3A_471 = tpu.memref_squeeze %dma_start3A_470 : memref<1x512xi32, #tpu.memory_space<vmem>> -> memref<512xi32, #tpu.memory_space<vmem>>
        %dma_start3A_472 = arith.constant 256 : i32
        %dma_start3A_473 = tpu.memref_slice %dma_start3A_471[%dma_start3A_472] : memref<512xi32, #tpu.memory_space<vmem>> -> memref<128xi32, #tpu.memory_space<vmem>>
        %dma_start3A_474 = arith.constant 0 : i32
        %dma_start3A_475 = arith.constant 0 : i32
        %dma_start3A_476 = tpu.memref_slice %arg3[%dma_start3A_474, %dma_start3A_475] : memref<100000x32xf32, #tpu.memory_space<hbm>> -> memref<100000x32xf32, #tpu.memory_space<hbm>>
        %dma_start3A_477 = tpu.memref_slice %arg10[%dma_start3A_461] : memref<2x!tpu.dma_semaphore, #tpu.memory_space<semaphore_mem>> -> memref<1x!tpu.dma_semaphore, #tpu.memory_space<semaphore_mem>>
        %dma_start3A_478 = tpu.memref_squeeze %dma_start3A_477 : memref<1x!tpu.dma_semaphore, #tpu.memory_space<semaphore_mem>> -> memref<!tpu.dma_semaphore, #tpu.memory_space<semaphore_mem>>
        tpu.enqueue_indirect_dma source(%dma_start3A_476 : memref<100000x32xf32, #tpu.memory_space<hbm>>) target(%dma_start3A_468 : memref<128x32xf32, #tpu.memory_space<vmem>>) offsets(%dma_start3A_473 : memref<128xi32, #tpu.memory_space<vmem>>) semaphore(%dma_start3A_478 : memref<!tpu.dma_semaphore, #tpu.memory_space<semaphore_mem>>)
        %dma_start3A_479 = arith.constant 1 : i32
        %dma_start3A_480 = arith.constant 1 : i32
        %dma_start3A_481 = arith.constant 1 : i32
        %dma_start3A_482 = arith.constant 0 : i32
        %dma_start3A_483 = arith.constant 0 : i32
        %dma_start3A_484 = tpu.memref_slice %arg7[%dma_start3A_480, %dma_start3A_482, %dma_start3A_483] : memref<2x512x32xf32, #tpu.memory_space<vmem>> -> memref<1x512x32xf32, #tpu.memory_space<vmem>>
        %dma_start3A_485 = tpu.memref_squeeze %dma_start3A_484 : memref<1x512x32xf32, #tpu.memory_space<vmem>> -> memref<512x32xf32, #tpu.memory_space<vmem>>
        %dma_start3A_486 = arith.constant 384 : i32
        %dma_start3A_487 = arith.constant 0 : i32
        %dma_start3A_488 = tpu.memref_slice %dma_start3A_485[%dma_start3A_486, %dma_start3A_487] : memref<512x32xf32, #tpu.memory_space<vmem>> -> memref<128x32xf32, #tpu.memory_space<vmem>>
        %dma_start3A_489 = arith.constant 0 : i32
        %dma_start3A_490 = tpu.memref_slice %arg6[%dma_start3A_479, %dma_start3A_489] : memref<2x512xi32, #tpu.memory_space<vmem>> -> memref<1x512xi32, #tpu.memory_space<vmem>>
        %dma_start3A_491 = tpu.memref_squeeze %dma_start3A_490 : memref<1x512xi32, #tpu.memory_space<vmem>> -> memref<512xi32, #tpu.memory_space<vmem>>
        %dma_start3A_492 = arith.constant 384 : i32
        %dma_start3A_493 = tpu.memref_slice %dma_start3A_491[%dma_start3A_492] : memref<512xi32, #tpu.memory_space<vmem>> -> memref<128xi32, #tpu.memory_space<vmem>>
        %dma_start3A_494 = arith.constant 0 : i32
        %dma_start3A_495 = arith.constant 0 : i32
        %dma_start3A_496 = tpu.memref_slice %arg3[%dma_start3A_494, %dma_start3A_495] : memref<100000x32xf32, #tpu.memory_space<hbm>> -> memref<100000x32xf32, #tpu.memory_space<hbm>>
        %dma_start3A_497 = tpu.memref_slice %arg10[%dma_start3A_481] : memref<2x!tpu.dma_semaphore, #tpu.memory_space<semaphore_mem>> -> memref<1x!tpu.dma_semaphore, #tpu.memory_space<semaphore_mem>>
        %dma_start3A_498 = tpu.memref_squeeze %dma_start3A_497 : memref<1x!tpu.dma_semaphore, #tpu.memory_space<semaphore_mem>> -> memref<!tpu.dma_semaphore, #tpu.memory_space<semaphore_mem>>
        tpu.enqueue_indirect_dma source(%dma_start3A_496 : memref<100000x32xf32, #tpu.memory_space<hbm>>) target(%dma_start3A_488 : memref<128x32xf32, #tpu.memory_space<vmem>>) offsets(%dma_start3A_493 : memref<128xi32, #tpu.memory_space<vmem>>) semaphore(%dma_start3A_498 : memref<!tpu.dma_semaphore, #tpu.memory_space<semaphore_mem>>)
      } else {
      }
      %ge3A = arith.constant 2 : i32
      %ge3A_248 = arith.cmpi sge, %add3A_163, %ge3A : i32
      %convert_element_type3A_249 = arith.extui %ge3A_248 : i1 to i32
      %cond3A_250 = arith.constant 0 : i32
      %cond3A_251 = arith.cmpi ne, %convert_element_type3A_249, %cond3A_250 : i32
      scf.if %cond3A_251 {
        %dma_wait3A_414 = arith.constant 0 : i32
        %dma_wait3A_415 = arith.constant 0 : i32
        %dma_wait3A_416 = arith.constant 0 : i32
        %dma_wait3A_417 = arith.constant 0 : i32
        %dma_wait3A_418 = arith.constant 0 : i32
        %dma_wait3A_419 = tpu.memref_slice %arg8[%dma_wait3A_414, %dma_wait3A_417, %dma_wait3A_418] : memref<2x32x513xf32, #tpu.memory_space<vmem>> -> memref<1x32x513xf32, #tpu.memory_space<vmem>>
        %dma_wait3A_420 = tpu.memref_squeeze %dma_wait3A_419 : memref<1x32x513xf32, #tpu.memory_space<vmem>> -> memref<32x513xf32, #tpu.memory_space<vmem>>
        %dma_wait3A_421 = arith.constant 0 : i32
        %dma_wait3A_422 = arith.constant 0 : i32
        %dma_wait3A_423 = tpu.memref_slice %dma_wait3A_420[%dma_wait3A_421, %dma_wait3A_422] : memref<32x513xf32, #tpu.memory_space<vmem>> -> memref<32x512xf32, #tpu.memory_space<vmem>>
        %dma_wait3A_424 = arith.constant 0 : i32
        %dma_wait3A_425 = arith.constant 0 : i32
        %dma_wait3A_426 = tpu.memref_slice %arg4[%dma_wait3A_415, %dma_wait3A_424, %dma_wait3A_425] : memref<50x32x16384xf32, #tpu.memory_space<hbm>> -> memref<1x32x16384xf32, #tpu.memory_space<hbm>>
        %dma_wait3A_427 = tpu.memref_squeeze %dma_wait3A_426 : memref<1x32x16384xf32, #tpu.memory_space<hbm>> -> memref<32x16384xf32, #tpu.memory_space<hbm>>
        %dma_wait3A_428 = arith.constant 0 : i32
        %dma_wait3A_429 = tpu.memref_slice %dma_wait3A_427[%dma_wait3A_428, %mul3A_2] : memref<32x16384xf32, #tpu.memory_space<hbm>> -> memref<32x512xf32, #tpu.memory_space<hbm>>
        %dma_wait3A_430 = tpu.memref_slice %arg11[%dma_wait3A_416] : memref<2x!tpu.dma_semaphore, #tpu.memory_space<semaphore_mem>> -> memref<1x!tpu.dma_semaphore, #tpu.memory_space<semaphore_mem>>
        %dma_wait3A_431 = tpu.memref_squeeze %dma_wait3A_430 : memref<1x!tpu.dma_semaphore, #tpu.memory_space<semaphore_mem>> -> memref<!tpu.dma_semaphore, #tpu.memory_space<semaphore_mem>>
        %dma_wait3A_432 = arith.constant 0 : i32
        %dma_wait3A_433 = arith.constant 0 : i32
        %dma_wait3A_434 = tpu.memref_slice %arg4[%dma_wait3A_415, %dma_wait3A_432, %dma_wait3A_433] : memref<50x32x16384xf32, #tpu.memory_space<hbm>> -> memref<1x32x16384xf32, #tpu.memory_space<hbm>>
        %dma_wait3A_435 = tpu.memref_squeeze %dma_wait3A_434 : memref<1x32x16384xf32, #tpu.memory_space<hbm>> -> memref<32x16384xf32, #tpu.memory_space<hbm>>
        %dma_wait3A_436 = arith.constant 0 : i32
        %dma_wait3A_437 = tpu.memref_slice %dma_wait3A_435[%dma_wait3A_436, %mul3A_2] : memref<32x16384xf32, #tpu.memory_space<hbm>> -> memref<32x512xf32, #tpu.memory_space<hbm>>
        %dma_wait3A_438 = arith.constant 0 : i32
        %dma_wait3A_439 = arith.constant 0 : i32
        %dma_wait3A_440 = tpu.memref_slice %arg8[%dma_wait3A_414, %dma_wait3A_438, %dma_wait3A_439] : memref<2x32x513xf32, #tpu.memory_space<vmem>> -> memref<1x32x513xf32, #tpu.memory_space<vmem>>
        %dma_wait3A_441 = tpu.memref_squeeze %dma_wait3A_440 : memref<1x32x513xf32, #tpu.memory_space<vmem>> -> memref<32x513xf32, #tpu.memory_space<vmem>>
        %dma_wait3A_442 = arith.constant 0 : i32
        %dma_wait3A_443 = arith.constant 0 : i32
        %dma_wait3A_444 = tpu.memref_slice %dma_wait3A_441[%dma_wait3A_442, %dma_wait3A_443] : memref<32x513xf32, #tpu.memory_space<vmem>> -> memref<32x512xf32, #tpu.memory_space<vmem>>
        tpu.wait_dma2 semaphore(%dma_wait3A_431 : memref<!tpu.dma_semaphore, #tpu.memory_space<semaphore_mem>>) src(%dma_wait3A_444 : memref<32x512xf32, #tpu.memory_space<vmem>>) dst(%dma_wait3A_437 : memref<32x512xf32, #tpu.memory_space<hbm>>)
      } else {
      }
      %parallel_loop3A_252 = arith.constant 0 : i32
      %parallel_loop3A_253 = arith.constant 512 : i32
      %parallel_loop3A_254 = arith.constant 1 : i32
      scf.for %parallel_loop3A_414 = %parallel_loop3A_252 to %parallel_loop3A_253 step %parallel_loop3A_254  : i32 {
        %parallel_loop3A_415 = vector.broadcast %parallel_loop3A_414 : i32 to vector<16xi32>
        %parallel_loop3A_416 = arith.constant 0 : i32
        %parallel_loop3A_417 = arith.index_cast %parallel_loop3A_416 : i32 to index
        %parallel_loop3A_418 = arith.index_cast %parallel_loop3A_414 : i32 to index
        %parallel_loop3A_419 = arith.constant 0 : index
        %parallel_loop3A_420 = tpu.vector_load %arg7[%parallel_loop3A_417, %parallel_loop3A_418, %parallel_loop3A_419] {strides = array<i32>} : memref<2x512x32xf32, #tpu.memory_space<vmem>>, vector<16xf32>,
        %parallel_loop3A_421 = arith.constant 0 : i32
        %parallel_loop3A_422 = arith.index_cast %parallel_loop3A_421 : i32 to index
        %parallel_loop3A_423 = arith.index_cast %parallel_loop3A_414 : i32 to index
        %parallel_loop3A_424 = arith.constant 16 : index
        %parallel_loop3A_425 = tpu.vector_load %arg7[%parallel_loop3A_422, %parallel_loop3A_423, %parallel_loop3A_424] {strides = array<i32>} : memref<2x512x32xf32, #tpu.memory_space<vmem>>, vector<16xf32>,
        %parallel_loop3A_426 = arith.constant 0 : i32
        %parallel_loop3A_427 = arith.constant 0 : i32
        %parallel_loop3A_428 = arith.constant 0 : i32
        %parallel_loop3A_429 = tpu.memref_slice %arg8[%parallel_loop3A_426, %parallel_loop3A_427, %parallel_loop3A_428] : memref<2x32x513xf32, #tpu.memory_space<vmem>> -> memref<1x32x513xf32, #tpu.memory_space<vmem>>
        %parallel_loop3A_430 = tpu.memref_squeeze %parallel_loop3A_429 : memref<1x32x513xf32, #tpu.memory_space<vmem>> -> memref<32x513xf32, #tpu.memory_space<vmem>>
        tpu.vector_store_idx %parallel_loop3A_430[%iota3A, %parallel_loop3A_415], %parallel_loop3A_420 : memref<32x513xf32, #tpu.memory_space<vmem>>[vector<16xi32>, vector<16xi32>], vector<16xf32>,
        %parallel_loop3A_431 = arith.constant 16 : i32
        %parallel_loop3A_432 = vector.broadcast %parallel_loop3A_431 : i32 to vector<16xi32>
        %parallel_loop3A_433 = arith.addi %iota3A, %parallel_loop3A_432 : vector<16xi32>
        %parallel_loop3A_434 = arith.constant 0 : i32
        %parallel_loop3A_435 = arith.constant 0 : i32
        %parallel_loop3A_436 = arith.constant 0 : i32
        %parallel_loop3A_437 = tpu.memref_slice %arg8[%parallel_loop3A_434, %parallel_loop3A_435, %parallel_loop3A_436] : memref<2x32x513xf32, #tpu.memory_space<vmem>> -> memref<1x32x513xf32, #tpu.memory_space<vmem>>
        %parallel_loop3A_438 = tpu.memref_squeeze %parallel_loop3A_437 : memref<1x32x513xf32, #tpu.memory_space<vmem>> -> memref<32x513xf32, #tpu.memory_space<vmem>>
        tpu.vector_store_idx %parallel_loop3A_438[%parallel_loop3A_433, %parallel_loop3A_415], %parallel_loop3A_425 : memref<32x513xf32, #tpu.memory_space<vmem>>[vector<16xi32>, vector<16xi32>], vector<16xf32>,
      } {sc.loop_unroll_factor = 8 : i64, sc.parallel_access}
      %dma_start3A_255 = arith.constant 0 : i32
      %dma_start3A_256 = arith.constant 0 : i32
      %dma_start3A_257 = arith.constant 0 : i32
      %dma_start3A_258 = arith.constant 0 : i32
      %dma_start3A_259 = tpu.memref_slice %arg8[%dma_start3A_255, %dma_start3A_257, %dma_start3A_258] : memref<2x32x513xf32, #tpu.memory_space<vmem>> -> memref<1x32x513xf32, #tpu.memory_space<vmem>>
      %dma_start3A_260 = tpu.memref_squeeze %dma_start3A_259 : memref<1x32x513xf32, #tpu.memory_space<vmem>> -> memref<32x513xf32, #tpu.memory_space<vmem>>
      %dma_start3A_261 = arith.constant 0 : i32
      %dma_start3A_262 = arith.constant 0 : i32
      %dma_start3A_263 = tpu.memref_slice %dma_start3A_260[%dma_start3A_261, %dma_start3A_262] : memref<32x513xf32, #tpu.memory_space<vmem>> -> memref<32x512xf32, #tpu.memory_space<vmem>>
      %dma_start3A_264 = arith.constant 0 : i32
      %dma_start3A_265 = arith.constant 0 : i32
      %dma_start3A_266 = tpu.memref_slice %arg4[%add3A_163, %dma_start3A_264, %dma_start3A_265] : memref<50x32x16384xf32, #tpu.memory_space<hbm>> -> memref<1x32x16384xf32, #tpu.memory_space<hbm>>
      %dma_start3A_267 = tpu.memref_squeeze %dma_start3A_266 : memref<1x32x16384xf32, #tpu.memory_space<hbm>> -> memref<32x16384xf32, #tpu.memory_space<hbm>>
      %dma_start3A_268 = arith.constant 0 : i32
      %dma_start3A_269 = tpu.memref_slice %dma_start3A_267[%dma_start3A_268, %mul3A_2] : memref<32x16384xf32, #tpu.memory_space<hbm>> -> memref<32x512xf32, #tpu.memory_space<hbm>>
      %dma_start3A_270 = tpu.memref_slice %arg11[%dma_start3A_256] : memref<2x!tpu.dma_semaphore, #tpu.memory_space<semaphore_mem>> -> memref<1x!tpu.dma_semaphore, #tpu.memory_space<semaphore_mem>>
      %dma_start3A_271 = tpu.memref_squeeze %dma_start3A_270 : memref<1x!tpu.dma_semaphore, #tpu.memory_space<semaphore_mem>> -> memref<!tpu.dma_semaphore, #tpu.memory_space<semaphore_mem>>
      %dma_start3A_272 = arith.constant 0 : i32
      %dma_start3A_273 = arith.constant 0 : i32
      %dma_start3A_274 = tpu.memref_slice %arg4[%add3A_163, %dma_start3A_272, %dma_start3A_273] : memref<50x32x16384xf32, #tpu.memory_space<hbm>> -> memref<1x32x16384xf32, #tpu.memory_space<hbm>>
      %dma_start3A_275 = tpu.memref_squeeze %dma_start3A_274 : memref<1x32x16384xf32, #tpu.memory_space<hbm>> -> memref<32x16384xf32, #tpu.memory_space<hbm>>
      %dma_start3A_276 = arith.constant 0 : i32
      %dma_start3A_277 = tpu.memref_slice %dma_start3A_275[%dma_start3A_276, %mul3A_2] : memref<32x16384xf32, #tpu.memory_space<hbm>> -> memref<32x512xf32, #tpu.memory_space<hbm>>
      %dma_start3A_278 = arith.constant 0 : i32
      %dma_start3A_279 = arith.constant 0 : i32
      %dma_start3A_280 = tpu.memref_slice %arg8[%dma_start3A_255, %dma_start3A_278, %dma_start3A_279] : memref<2x32x513xf32, #tpu.memory_space<vmem>> -> memref<1x32x513xf32, #tpu.memory_space<vmem>>
      %dma_start3A_281 = tpu.memref_squeeze %dma_start3A_280 : memref<1x32x513xf32, #tpu.memory_space<vmem>> -> memref<32x513xf32, #tpu.memory_space<vmem>>
      %dma_start3A_282 = arith.constant 0 : i32
      %dma_start3A_283 = arith.constant 0 : i32
      %dma_start3A_284 = tpu.memref_slice %dma_start3A_281[%dma_start3A_282, %dma_start3A_283] : memref<32x513xf32, #tpu.memory_space<vmem>> -> memref<32x512xf32, #tpu.memory_space<vmem>>
      tpu.enqueue_dma source(%dma_start3A_284 : memref<32x512xf32, #tpu.memory_space<vmem>>) target(%dma_start3A_277 : memref<32x512xf32, #tpu.memory_space<hbm>>) target_semaphore(%dma_start3A_271 : memref<!tpu.dma_semaphore, #tpu.memory_space<semaphore_mem>>)
      %mul3A_285 = arith.constant 2 : i32
      %mul3A_286 = arith.muli %scan3A_159, %mul3A_285 : i32
      %add3A_287 = arith.constant 1 : i32
      %add3A_288 = arith.addi %mul3A_286, %add3A_287 : i32
      %dma_wait3A_289 = arith.constant 1 : i32
      %dma_wait3A_290 = arith.constant 1 : i32
      %dma_wait3A_291 = arith.constant 1 : i32
      %dma_wait3A_292 = arith.constant 0 : i32
      %dma_wait3A_293 = arith.constant 0 : i32
      %dma_wait3A_294 = tpu.memref_slice %arg7[%dma_wait3A_290, %dma_wait3A_292, %dma_wait3A_293] : memref<2x512x32xf32, #tpu.memory_space<vmem>> -> memref<1x512x32xf32, #tpu.memory_space<vmem>>
      %dma_wait3A_295 = tpu.memref_squeeze %dma_wait3A_294 : memref<1x512x32xf32, #tpu.memory_space<vmem>> -> memref<512x32xf32, #tpu.memory_space<vmem>>
      %dma_wait3A_296 = arith.constant 0 : i32
      %dma_wait3A_297 = arith.constant 0 : i32
      %dma_wait3A_298 = tpu.memref_slice %dma_wait3A_295[%dma_wait3A_296, %dma_wait3A_297] : memref<512x32xf32, #tpu.memory_space<vmem>> -> memref<128x32xf32, #tpu.memory_space<vmem>>
      %dma_wait3A_299 = arith.constant 0 : i32
      %dma_wait3A_300 = tpu.memref_slice %arg6[%dma_wait3A_289, %dma_wait3A_299] : memref<2x512xi32, #tpu.memory_space<vmem>> -> memref<1x512xi32, #tpu.memory_space<vmem>>
      %dma_wait3A_301 = tpu.memref_squeeze %dma_wait3A_300 : memref<1x512xi32, #tpu.memory_space<vmem>> -> memref<512xi32, #tpu.memory_space<vmem>>
      %dma_wait3A_302 = arith.constant 0 : i32
      %dma_wait3A_303 = tpu.memref_slice %dma_wait3A_301[%dma_wait3A_302] : memref<512xi32, #tpu.memory_space<vmem>> -> memref<128xi32, #tpu.memory_space<vmem>>
      %dma_wait3A_304 = arith.constant 0 : i32
      %dma_wait3A_305 = arith.constant 0 : i32
      %dma_wait3A_306 = tpu.memref_slice %arg3[%dma_wait3A_304, %dma_wait3A_305] : memref<100000x32xf32, #tpu.memory_space<hbm>> -> memref<100000x32xf32, #tpu.memory_space<hbm>>
      %dma_wait3A_307 = tpu.memref_slice %arg10[%dma_wait3A_291] : memref<2x!tpu.dma_semaphore, #tpu.memory_space<semaphore_mem>> -> memref<1x!tpu.dma_semaphore, #tpu.memory_space<semaphore_mem>>
      %dma_wait3A_308 = tpu.memref_squeeze %dma_wait3A_307 : memref<1x!tpu.dma_semaphore, #tpu.memory_space<semaphore_mem>> -> memref<!tpu.dma_semaphore, #tpu.memory_space<semaphore_mem>>
      tpu.wait_indirect_dma semaphore(%dma_wait3A_308 : memref<!tpu.dma_semaphore, #tpu.memory_space<semaphore_mem>>) src(%dma_wait3A_306 : memref<100000x32xf32, #tpu.memory_space<hbm>>) dst(%dma_wait3A_298 : memref<128x32xf32, #tpu.memory_space<vmem>>)
      %dma_wait3A_309 = arith.constant 1 : i32
      %dma_wait3A_310 = arith.constant 1 : i32
      %dma_wait3A_311 = arith.constant 1 : i32
      %dma_wait3A_312 = arith.constant 0 : i32
      %dma_wait3A_313 = arith.constant 0 : i32
      %dma_wait3A_314 = tpu.memref_slice %arg7[%dma_wait3A_310, %dma_wait3A_312, %dma_wait3A_313] : memref<2x512x32xf32, #tpu.memory_space<vmem>> -> memref<1x512x32xf32, #tpu.memory_space<vmem>>
      %dma_wait3A_315 = tpu.memref_squeeze %dma_wait3A_314 : memref<1x512x32xf32, #tpu.memory_space<vmem>> -> memref<512x32xf32, #tpu.memory_space<vmem>>
      %dma_wait3A_316 = arith.constant 128 : i32
      %dma_wait3A_317 = arith.constant 0 : i32
      %dma_wait3A_318 = tpu.memref_slice %dma_wait3A_315[%dma_wait3A_316, %dma_wait3A_317] : memref<512x32xf32, #tpu.memory_space<vmem>> -> memref<128x32xf32, #tpu.memory_space<vmem>>
      %dma_wait3A_319 = arith.constant 0 : i32
      %dma_wait3A_320 = tpu.memref_slice %arg6[%dma_wait3A_309, %dma_wait3A_319] : memref<2x512xi32, #tpu.memory_space<vmem>> -> memref<1x512xi32, #tpu.memory_space<vmem>>
      %dma_wait3A_321 = tpu.memref_squeeze %dma_wait3A_320 : memref<1x512xi32, #tpu.memory_space<vmem>> -> memref<512xi32, #tpu.memory_space<vmem>>
      %dma_wait3A_322 = arith.constant 128 : i32
      %dma_wait3A_323 = tpu.memref_slice %dma_wait3A_321[%dma_wait3A_322] : memref<512xi32, #tpu.memory_space<vmem>> -> memref<128xi32, #tpu.memory_space<vmem>>
      %dma_wait3A_324 = arith.constant 0 : i32
      %dma_wait3A_325 = arith.constant 0 : i32
      %dma_wait3A_326 = tpu.memref_slice %arg3[%dma_wait3A_324, %dma_wait3A_325] : memref<100000x32xf32, #tpu.memory_space<hbm>> -> memref<100000x32xf32, #tpu.memory_space<hbm>>
      %dma_wait3A_327 = tpu.memref_slice %arg10[%dma_wait3A_311] : memref<2x!tpu.dma_semaphore, #tpu.memory_space<semaphore_mem>> -> memref<1x!tpu.dma_semaphore, #tpu.memory_space<semaphore_mem>>
      %dma_wait3A_328 = tpu.memref_squeeze %dma_wait3A_327 : memref<1x!tpu.dma_semaphore, #tpu.memory_space<semaphore_mem>> -> memref<!tpu.dma_semaphore, #tpu.memory_space<semaphore_mem>>
      tpu.wait_indirect_dma semaphore(%dma_wait3A_328 : memref<!tpu.dma_semaphore, #tpu.memory_space<semaphore_mem>>) src(%dma_wait3A_326 : memref<100000x32xf32, #tpu.memory_space<hbm>>) dst(%dma_wait3A_318 : memref<128x32xf32, #tpu.memory_space<vmem>>)
      %dma_wait3A_329 = arith.constant 1 : i32
      %dma_wait3A_330 = arith.constant 1 : i32
      %dma_wait3A_331 = arith.constant 1 : i32
      %dma_wait3A_332 = arith.constant 0 : i32
      %dma_wait3A_333 = arith.constant 0 : i32
      %dma_wait3A_334 = tpu.memref_slice %arg7[%dma_wait3A_330, %dma_wait3A_332, %dma_wait3A_333] : memref<2x512x32xf32, #tpu.memory_space<vmem>> -> memref<1x512x32xf32, #tpu.memory_space<vmem>>
      %dma_wait3A_335 = tpu.memref_squeeze %dma_wait3A_334 : memref<1x512x32xf32, #tpu.memory_space<vmem>> -> memref<512x32xf32, #tpu.memory_space<vmem>>
      %dma_wait3A_336 = arith.constant 256 : i32
      %dma_wait3A_337 = arith.constant 0 : i32
      %dma_wait3A_338 = tpu.memref_slice %dma_wait3A_335[%dma_wait3A_336, %dma_wait3A_337] : memref<512x32xf32, #tpu.memory_space<vmem>> -> memref<128x32xf32, #tpu.memory_space<vmem>>
      %dma_wait3A_339 = arith.constant 0 : i32
      %dma_wait3A_340 = tpu.memref_slice %arg6[%dma_wait3A_329, %dma_wait3A_339] : memref<2x512xi32, #tpu.memory_space<vmem>> -> memref<1x512xi32, #tpu.memory_space<vmem>>
      %dma_wait3A_341 = tpu.memref_squeeze %dma_wait3A_340 : memref<1x512xi32, #tpu.memory_space<vmem>> -> memref<512xi32, #tpu.memory_space<vmem>>
      %dma_wait3A_342 = arith.constant 256 : i32
      %dma_wait3A_343 = tpu.memref_slice %dma_wait3A_341[%dma_wait3A_342] : memref<512xi32, #tpu.memory_space<vmem>> -> memref<128xi32, #tpu.memory_space<vmem>>
      %dma_wait3A_344 = arith.constant 0 : i32
      %dma_wait3A_345 = arith.constant 0 : i32
      %dma_wait3A_346 = tpu.memref_slice %arg3[%dma_wait3A_344, %dma_wait3A_345] : memref<100000x32xf32, #tpu.memory_space<hbm>> -> memref<100000x32xf32, #tpu.memory_space<hbm>>
      %dma_wait3A_347 = tpu.memref_slice %arg10[%dma_wait3A_331] : memref<2x!tpu.dma_semaphore, #tpu.memory_space<semaphore_mem>> -> memref<1x!tpu.dma_semaphore, #tpu.memory_space<semaphore_mem>>
      %dma_wait3A_348 = tpu.memref_squeeze %dma_wait3A_347 : memref<1x!tpu.dma_semaphore, #tpu.memory_space<semaphore_mem>> -> memref<!tpu.dma_semaphore, #tpu.memory_space<semaphore_mem>>
      tpu.wait_indirect_dma semaphore(%dma_wait3A_348 : memref<!tpu.dma_semaphore, #tpu.memory_space<semaphore_mem>>) src(%dma_wait3A_346 : memref<100000x32xf32, #tpu.memory_space<hbm>>) dst(%dma_wait3A_338 : memref<128x32xf32, #tpu.memory_space<vmem>>)
      %dma_wait3A_349 = arith.constant 1 : i32
      %dma_wait3A_350 = arith.constant 1 : i32
      %dma_wait3A_351 = arith.constant 1 : i32
      %dma_wait3A_352 = arith.constant 0 : i32
      %dma_wait3A_353 = arith.constant 0 : i32
      %dma_wait3A_354 = tpu.memref_slice %arg7[%dma_wait3A_350, %dma_wait3A_352, %dma_wait3A_353] : memref<2x512x32xf32, #tpu.memory_space<vmem>> -> memref<1x512x32xf32, #tpu.memory_space<vmem>>
      %dma_wait3A_355 = tpu.memref_squeeze %dma_wait3A_354 : memref<1x512x32xf32, #tpu.memory_space<vmem>> -> memref<512x32xf32, #tpu.memory_space<vmem>>
      %dma_wait3A_356 = arith.constant 384 : i32
      %dma_wait3A_357 = arith.constant 0 : i32
      %dma_wait3A_358 = tpu.memref_slice %dma_wait3A_355[%dma_wait3A_356, %dma_wait3A_357] : memref<512x32xf32, #tpu.memory_space<vmem>> -> memref<128x32xf32, #tpu.memory_space<vmem>>
      %dma_wait3A_359 = arith.constant 0 : i32
      %dma_wait3A_360 = tpu.memref_slice %arg6[%dma_wait3A_349, %dma_wait3A_359] : memref<2x512xi32, #tpu.memory_space<vmem>> -> memref<1x512xi32, #tpu.memory_space<vmem>>
      %dma_wait3A_361 = tpu.memref_squeeze %dma_wait3A_360 : memref<1x512xi32, #tpu.memory_space<vmem>> -> memref<512xi32, #tpu.memory_space<vmem>>
      %dma_wait3A_362 = arith.constant 384 : i32
      %dma_wait3A_363 = tpu.memref_slice %dma_wait3A_361[%dma_wait3A_362] : memref<512xi32, #tpu.memory_space<vmem>> -> memref<128xi32, #tpu.memory_space<vmem>>
      %dma_wait3A_364 = arith.constant 0 : i32
      %dma_wait3A_365 = arith.constant 0 : i32
      %dma_wait3A_366 = tpu.memref_slice %arg3[%dma_wait3A_364, %dma_wait3A_365] : memref<100000x32xf32, #tpu.memory_space<hbm>> -> memref<100000x32xf32, #tpu.memory_space<hbm>>
      %dma_wait3A_367 = tpu.memref_slice %arg10[%dma_wait3A_351] : memref<2x!tpu.dma_semaphore, #tpu.memory_space<semaphore_mem>> -> memref<1x!tpu.dma_semaphore, #tpu.memory_space<semaphore_mem>>
      %dma_wait3A_368 = tpu.memref_squeeze %dma_wait3A_367 : memref<1x!tpu.dma_semaphore, #tpu.memory_space<semaphore_mem>> -> memref<!tpu.dma_semaphore, #tpu.memory_space<semaphore_mem>>
      tpu.wait_indirect_dma semaphore(%dma_wait3A_368 : memref<!tpu.dma_semaphore, #tpu.memory_space<semaphore_mem>>) src(%dma_wait3A_366 : memref<100000x32xf32, #tpu.memory_space<hbm>>) dst(%dma_wait3A_358 : memref<128x32xf32, #tpu.memory_space<vmem>>)
      %add3A_369 = arith.constant 1 : i32
      %add3A_370 = arith.addi %add3A_288, %add3A_369 : i32
      %lt3A_371 = arith.constant 50 : i32
      %lt3A_372 = arith.cmpi slt, %add3A_370, %lt3A_371 : i32
      %convert_element_type3A_373 = arith.extui %lt3A_372 : i1 to i32
      %cond3A_374 = arith.constant 0 : i32
      %cond3A_375 = arith.cmpi ne, %convert_element_type3A_373, %cond3A_374 : i32
      scf.if %cond3A_375 {
        %add3A_414 = arith.constant 1 : i32
        %add3A_415 = arith.addi %add3A_288, %add3A_414 : i32
        %parallel_loop3A_416 = arith.constant 0 : i32
        %parallel_loop3A_417 = arith.constant 32 : i32
        %parallel_loop3A_418 = arith.constant 1 : i32
        scf.for %parallel_loop3A_499 = %parallel_loop3A_416 to %parallel_loop3A_417 step %parallel_loop3A_418  : i32 {
          %parallel_loop3A_500 = arith.constant 16 : i32
          %parallel_loop3A_501 = arith.muli %parallel_loop3A_499, %parallel_loop3A_500 : i32
          %parallel_loop3A_502 = arith.constant 50 : i32
          %parallel_loop3A_503 = arith.muli %parallel_loop3A_501, %parallel_loop3A_502 : i32
          %parallel_loop3A_504 = arith.addi %parallel_loop3A_503, %add3A_415 : i32
          %parallel_loop3A_505 = vector.broadcast %parallel_loop3A_504 : i32 to vector<16xi32>
          %parallel_loop3A_506 = arith.addi %mul3A_9, %parallel_loop3A_505 : vector<16xi32>
          %parallel_loop3A_507 = tpu.vector_load_idx %arg5[%parallel_loop3A_506] : memref<25600xi32, #tpu.memory_space<vmem>>[vector<16xi32>], vector<16xi32>,
          %parallel_loop3A_508 = arith.constant 16 : i32
          %parallel_loop3A_509 = arith.muli %parallel_loop3A_499, %parallel_loop3A_508 : i32
          %parallel_loop3A_510 = arith.constant 0 : i32
          %parallel_loop3A_511 = arith.index_cast %parallel_loop3A_510 : i32 to index
          %parallel_loop3A_512 = arith.index_cast %parallel_loop3A_509 : i32 to index
          %parallel_loop3A_513 = tpu.vector_load %arg6[%parallel_loop3A_511, %parallel_loop3A_512] {strides = array<i32>} : memref<2x512xi32, #tpu.memory_space<vmem>>, vector<16xi32>,
          tpu.vector_store %arg6[%parallel_loop3A_511, %parallel_loop3A_512], %parallel_loop3A_507 {strides = array<i32>} : memref<2x512xi32, #tpu.memory_space<vmem>>, vector<16xi32>,
        } {sc.loop_unroll_factor = 8 : i64, sc.parallel_access}
        %dma_start3A_419 = arith.constant 0 : i32
        %dma_start3A_420 = arith.constant 0 : i32
        %dma_start3A_421 = arith.constant 0 : i32
        %dma_start3A_422 = arith.constant 0 : i32
        %dma_start3A_423 = arith.constant 0 : i32
        %dma_start3A_424 = tpu.memref_slice %arg7[%dma_start3A_420, %dma_start3A_422, %dma_start3A_423] : memref<2x512x32xf32, #tpu.memory_space<vmem>> -> memref<1x512x32xf32, #tpu.memory_space<vmem>>
        %dma_start3A_425 = tpu.memref_squeeze %dma_start3A_424 : memref<1x512x32xf32, #tpu.memory_space<vmem>> -> memref<512x32xf32, #tpu.memory_space<vmem>>
        %dma_start3A_426 = arith.constant 0 : i32
        %dma_start3A_427 = arith.constant 0 : i32
        %dma_start3A_428 = tpu.memref_slice %dma_start3A_425[%dma_start3A_426, %dma_start3A_427] : memref<512x32xf32, #tpu.memory_space<vmem>> -> memref<128x32xf32, #tpu.memory_space<vmem>>
        %dma_start3A_429 = arith.constant 0 : i32
        %dma_start3A_430 = tpu.memref_slice %arg6[%dma_start3A_419, %dma_start3A_429] : memref<2x512xi32, #tpu.memory_space<vmem>> -> memref<1x512xi32, #tpu.memory_space<vmem>>
        %dma_start3A_431 = tpu.memref_squeeze %dma_start3A_430 : memref<1x512xi32, #tpu.memory_space<vmem>> -> memref<512xi32, #tpu.memory_space<vmem>>
        %dma_start3A_432 = arith.constant 0 : i32
        %dma_start3A_433 = tpu.memref_slice %dma_start3A_431[%dma_start3A_432] : memref<512xi32, #tpu.memory_space<vmem>> -> memref<128xi32, #tpu.memory_space<vmem>>
        %dma_start3A_434 = arith.constant 0 : i32
        %dma_start3A_435 = arith.constant 0 : i32
        %dma_start3A_436 = tpu.memref_slice %arg3[%dma_start3A_434, %dma_start3A_435] : memref<100000x32xf32, #tpu.memory_space<hbm>> -> memref<100000x32xf32, #tpu.memory_space<hbm>>
        %dma_start3A_437 = tpu.memref_slice %arg10[%dma_start3A_421] : memref<2x!tpu.dma_semaphore, #tpu.memory_space<semaphore_mem>> -> memref<1x!tpu.dma_semaphore, #tpu.memory_space<semaphore_mem>>
        %dma_start3A_438 = tpu.memref_squeeze %dma_start3A_437 : memref<1x!tpu.dma_semaphore, #tpu.memory_space<semaphore_mem>> -> memref<!tpu.dma_semaphore, #tpu.memory_space<semaphore_mem>>
        tpu.enqueue_indirect_dma source(%dma_start3A_436 : memref<100000x32xf32, #tpu.memory_space<hbm>>) target(%dma_start3A_428 : memref<128x32xf32, #tpu.memory_space<vmem>>) offsets(%dma_start3A_433 : memref<128xi32, #tpu.memory_space<vmem>>) semaphore(%dma_start3A_438 : memref<!tpu.dma_semaphore, #tpu.memory_space<semaphore_mem>>)
        %dma_start3A_439 = arith.constant 0 : i32
        %dma_start3A_440 = arith.constant 0 : i32
        %dma_start3A_441 = arith.constant 0 : i32
        %dma_start3A_442 = arith.constant 0 : i32
        %dma_start3A_443 = arith.constant 0 : i32
        %dma_start3A_444 = tpu.memref_slice %arg7[%dma_start3A_440, %dma_start3A_442, %dma_start3A_443] : memref<2x512x32xf32, #tpu.memory_space<vmem>> -> memref<1x512x32xf32, #tpu.memory_space<vmem>>
        %dma_start3A_445 = tpu.memref_squeeze %dma_start3A_444 : memref<1x512x32xf32, #tpu.memory_space<vmem>> -> memref<512x32xf32, #tpu.memory_space<vmem>>
        %dma_start3A_446 = arith.constant 128 : i32
        %dma_start3A_447 = arith.constant 0 : i32
        %dma_start3A_448 = tpu.memref_slice %dma_start3A_445[%dma_start3A_446, %dma_start3A_447] : memref<512x32xf32, #tpu.memory_space<vmem>> -> memref<128x32xf32, #tpu.memory_space<vmem>>
        %dma_start3A_449 = arith.constant 0 : i32
        %dma_start3A_450 = tpu.memref_slice %arg6[%dma_start3A_439, %dma_start3A_449] : memref<2x512xi32, #tpu.memory_space<vmem>> -> memref<1x512xi32, #tpu.memory_space<vmem>>
        %dma_start3A_451 = tpu.memref_squeeze %dma_start3A_450 : memref<1x512xi32, #tpu.memory_space<vmem>> -> memref<512xi32, #tpu.memory_space<vmem>>
        %dma_start3A_452 = arith.constant 128 : i32
        %dma_start3A_453 = tpu.memref_slice %dma_start3A_451[%dma_start3A_452] : memref<512xi32, #tpu.memory_space<vmem>> -> memref<128xi32, #tpu.memory_space<vmem>>
        %dma_start3A_454 = arith.constant 0 : i32
        %dma_start3A_455 = arith.constant 0 : i32
        %dma_start3A_456 = tpu.memref_slice %arg3[%dma_start3A_454, %dma_start3A_455] : memref<100000x32xf32, #tpu.memory_space<hbm>> -> memref<100000x32xf32, #tpu.memory_space<hbm>>
        %dma_start3A_457 = tpu.memref_slice %arg10[%dma_start3A_441] : memref<2x!tpu.dma_semaphore, #tpu.memory_space<semaphore_mem>> -> memref<1x!tpu.dma_semaphore, #tpu.memory_space<semaphore_mem>>
        %dma_start3A_458 = tpu.memref_squeeze %dma_start3A_457 : memref<1x!tpu.dma_semaphore, #tpu.memory_space<semaphore_mem>> -> memref<!tpu.dma_semaphore, #tpu.memory_space<semaphore_mem>>
        tpu.enqueue_indirect_dma source(%dma_start3A_456 : memref<100000x32xf32, #tpu.memory_space<hbm>>) target(%dma_start3A_448 : memref<128x32xf32, #tpu.memory_space<vmem>>) offsets(%dma_start3A_453 : memref<128xi32, #tpu.memory_space<vmem>>) semaphore(%dma_start3A_458 : memref<!tpu.dma_semaphore, #tpu.memory_space<semaphore_mem>>)
        %dma_start3A_459 = arith.constant 0 : i32
        %dma_start3A_460 = arith.constant 0 : i32
        %dma_start3A_461 = arith.constant 0 : i32
        %dma_start3A_462 = arith.constant 0 : i32
        %dma_start3A_463 = arith.constant 0 : i32
        %dma_start3A_464 = tpu.memref_slice %arg7[%dma_start3A_460, %dma_start3A_462, %dma_start3A_463] : memref<2x512x32xf32, #tpu.memory_space<vmem>> -> memref<1x512x32xf32, #tpu.memory_space<vmem>>
        %dma_start3A_465 = tpu.memref_squeeze %dma_start3A_464 : memref<1x512x32xf32, #tpu.memory_space<vmem>> -> memref<512x32xf32, #tpu.memory_space<vmem>>
        %dma_start3A_466 = arith.constant 256 : i32
        %dma_start3A_467 = arith.constant 0 : i32
        %dma_start3A_468 = tpu.memref_slice %dma_start3A_465[%dma_start3A_466, %dma_start3A_467] : memref<512x32xf32, #tpu.memory_space<vmem>> -> memref<128x32xf32, #tpu.memory_space<vmem>>
        %dma_start3A_469 = arith.constant 0 : i32
        %dma_start3A_470 = tpu.memref_slice %arg6[%dma_start3A_459, %dma_start3A_469] : memref<2x512xi32, #tpu.memory_space<vmem>> -> memref<1x512xi32, #tpu.memory_space<vmem>>
        %dma_start3A_471 = tpu.memref_squeeze %dma_start3A_470 : memref<1x512xi32, #tpu.memory_space<vmem>> -> memref<512xi32, #tpu.memory_space<vmem>>
        %dma_start3A_472 = arith.constant 256 : i32
        %dma_start3A_473 = tpu.memref_slice %dma_start3A_471[%dma_start3A_472] : memref<512xi32, #tpu.memory_space<vmem>> -> memref<128xi32, #tpu.memory_space<vmem>>
        %dma_start3A_474 = arith.constant 0 : i32
        %dma_start3A_475 = arith.constant 0 : i32
        %dma_start3A_476 = tpu.memref_slice %arg3[%dma_start3A_474, %dma_start3A_475] : memref<100000x32xf32, #tpu.memory_space<hbm>> -> memref<100000x32xf32, #tpu.memory_space<hbm>>
        %dma_start3A_477 = tpu.memref_slice %arg10[%dma_start3A_461] : memref<2x!tpu.dma_semaphore, #tpu.memory_space<semaphore_mem>> -> memref<1x!tpu.dma_semaphore, #tpu.memory_space<semaphore_mem>>
        %dma_start3A_478 = tpu.memref_squeeze %dma_start3A_477 : memref<1x!tpu.dma_semaphore, #tpu.memory_space<semaphore_mem>> -> memref<!tpu.dma_semaphore, #tpu.memory_space<semaphore_mem>>
        tpu.enqueue_indirect_dma source(%dma_start3A_476 : memref<100000x32xf32, #tpu.memory_space<hbm>>) target(%dma_start3A_468 : memref<128x32xf32, #tpu.memory_space<vmem>>) offsets(%dma_start3A_473 : memref<128xi32, #tpu.memory_space<vmem>>) semaphore(%dma_start3A_478 : memref<!tpu.dma_semaphore, #tpu.memory_space<semaphore_mem>>)
        %dma_start3A_479 = arith.constant 0 : i32
        %dma_start3A_480 = arith.constant 0 : i32
        %dma_start3A_481 = arith.constant 0 : i32
        %dma_start3A_482 = arith.constant 0 : i32
        %dma_start3A_483 = arith.constant 0 : i32
        %dma_start3A_484 = tpu.memref_slice %arg7[%dma_start3A_480, %dma_start3A_482, %dma_start3A_483] : memref<2x512x32xf32, #tpu.memory_space<vmem>> -> memref<1x512x32xf32, #tpu.memory_space<vmem>>
        %dma_start3A_485 = tpu.memref_squeeze %dma_start3A_484 : memref<1x512x32xf32, #tpu.memory_space<vmem>> -> memref<512x32xf32, #tpu.memory_space<vmem>>
        %dma_start3A_486 = arith.constant 384 : i32
        %dma_start3A_487 = arith.constant 0 : i32
        %dma_start3A_488 = tpu.memref_slice %dma_start3A_485[%dma_start3A_486, %dma_start3A_487] : memref<512x32xf32, #tpu.memory_space<vmem>> -> memref<128x32xf32, #tpu.memory_space<vmem>>
        %dma_start3A_489 = arith.constant 0 : i32
        %dma_start3A_490 = tpu.memref_slice %arg6[%dma_start3A_479, %dma_start3A_489] : memref<2x512xi32, #tpu.memory_space<vmem>> -> memref<1x512xi32, #tpu.memory_space<vmem>>
        %dma_start3A_491 = tpu.memref_squeeze %dma_start3A_490 : memref<1x512xi32, #tpu.memory_space<vmem>> -> memref<512xi32, #tpu.memory_space<vmem>>
        %dma_start3A_492 = arith.constant 384 : i32
        %dma_start3A_493 = tpu.memref_slice %dma_start3A_491[%dma_start3A_492] : memref<512xi32, #tpu.memory_space<vmem>> -> memref<128xi32, #tpu.memory_space<vmem>>
        %dma_start3A_494 = arith.constant 0 : i32
        %dma_start3A_495 = arith.constant 0 : i32
        %dma_start3A_496 = tpu.memref_slice %arg3[%dma_start3A_494, %dma_start3A_495] : memref<100000x32xf32, #tpu.memory_space<hbm>> -> memref<100000x32xf32, #tpu.memory_space<hbm>>
        %dma_start3A_497 = tpu.memref_slice %arg10[%dma_start3A_481] : memref<2x!tpu.dma_semaphore, #tpu.memory_space<semaphore_mem>> -> memref<1x!tpu.dma_semaphore, #tpu.memory_space<semaphore_mem>>
        %dma_start3A_498 = tpu.memref_squeeze %dma_start3A_497 : memref<1x!tpu.dma_semaphore, #tpu.memory_space<semaphore_mem>> -> memref<!tpu.dma_semaphore, #tpu.memory_space<semaphore_mem>>
        tpu.enqueue_indirect_dma source(%dma_start3A_496 : memref<100000x32xf32, #tpu.memory_space<hbm>>) target(%dma_start3A_488 : memref<128x32xf32, #tpu.memory_space<vmem>>) offsets(%dma_start3A_493 : memref<128xi32, #tpu.memory_space<vmem>>) semaphore(%dma_start3A_498 : memref<!tpu.dma_semaphore, #tpu.memory_space<semaphore_mem>>)
      } else {
      }
      %ge3A_376 = arith.constant 2 : i32
      %ge3A_377 = arith.cmpi sge, %add3A_288, %ge3A_376 : i32
      %convert_element_type3A_378 = arith.extui %ge3A_377 : i1 to i32
      %cond3A_379 = arith.constant 0 : i32
      %cond3A_380 = arith.cmpi ne, %convert_element_type3A_378, %cond3A_379 : i32
      scf.if %cond3A_380 {
        %dma_wait3A_414 = arith.constant 1 : i32
        %dma_wait3A_415 = arith.constant 0 : i32
        %dma_wait3A_416 = arith.constant 1 : i32
        %dma_wait3A_417 = arith.constant 0 : i32
        %dma_wait3A_418 = arith.constant 0 : i32
        %dma_wait3A_419 = tpu.memref_slice %arg8[%dma_wait3A_414, %dma_wait3A_417, %dma_wait3A_418] : memref<2x32x513xf32, #tpu.memory_space<vmem>> -> memref<1x32x513xf32, #tpu.memory_space<vmem>>
        %dma_wait3A_420 = tpu.memref_squeeze %dma_wait3A_419 : memref<1x32x513xf32, #tpu.memory_space<vmem>> -> memref<32x513xf32, #tpu.memory_space<vmem>>
        %dma_wait3A_421 = arith.constant 0 : i32
        %dma_wait3A_422 = arith.constant 0 : i32
        %dma_wait3A_423 = tpu.memref_slice %dma_wait3A_420[%dma_wait3A_421, %dma_wait3A_422] : memref<32x513xf32, #tpu.memory_space<vmem>> -> memref<32x512xf32, #tpu.memory_space<vmem>>
        %dma_wait3A_424 = arith.constant 0 : i32
        %dma_wait3A_425 = arith.constant 0 : i32
        %dma_wait3A_426 = tpu.memref_slice %arg4[%dma_wait3A_415, %dma_wait3A_424, %dma_wait3A_425] : memref<50x32x16384xf32, #tpu.memory_space<hbm>> -> memref<1x32x16384xf32, #tpu.memory_space<hbm>>
        %dma_wait3A_427 = tpu.memref_squeeze %dma_wait3A_426 : memref<1x32x16384xf32, #tpu.memory_space<hbm>> -> memref<32x16384xf32, #tpu.memory_space<hbm>>
        %dma_wait3A_428 = arith.constant 0 : i32
        %dma_wait3A_429 = tpu.memref_slice %dma_wait3A_427[%dma_wait3A_428, %mul3A_2] : memref<32x16384xf32, #tpu.memory_space<hbm>> -> memref<32x512xf32, #tpu.memory_space<hbm>>
        %dma_wait3A_430 = tpu.memref_slice %arg11[%dma_wait3A_416] : memref<2x!tpu.dma_semaphore, #tpu.memory_space<semaphore_mem>> -> memref<1x!tpu.dma_semaphore, #tpu.memory_space<semaphore_mem>>
        %dma_wait3A_431 = tpu.memref_squeeze %dma_wait3A_430 : memref<1x!tpu.dma_semaphore, #tpu.memory_space<semaphore_mem>> -> memref<!tpu.dma_semaphore, #tpu.memory_space<semaphore_mem>>
        %dma_wait3A_432 = arith.constant 0 : i32
        %dma_wait3A_433 = arith.constant 0 : i32
        %dma_wait3A_434 = tpu.memref_slice %arg4[%dma_wait3A_415, %dma_wait3A_432, %dma_wait3A_433] : memref<50x32x16384xf32, #tpu.memory_space<hbm>> -> memref<1x32x16384xf32, #tpu.memory_space<hbm>>
        %dma_wait3A_435 = tpu.memref_squeeze %dma_wait3A_434 : memref<1x32x16384xf32, #tpu.memory_space<hbm>> -> memref<32x16384xf32, #tpu.memory_space<hbm>>
        %dma_wait3A_436 = arith.constant 0 : i32
        %dma_wait3A_437 = tpu.memref_slice %dma_wait3A_435[%dma_wait3A_436, %mul3A_2] : memref<32x16384xf32, #tpu.memory_space<hbm>> -> memref<32x512xf32, #tpu.memory_space<hbm>>
        %dma_wait3A_438 = arith.constant 0 : i32
        %dma_wait3A_439 = arith.constant 0 : i32
        %dma_wait3A_440 = tpu.memref_slice %arg8[%dma_wait3A_414, %dma_wait3A_438, %dma_wait3A_439] : memref<2x32x513xf32, #tpu.memory_space<vmem>> -> memref<1x32x513xf32, #tpu.memory_space<vmem>>
        %dma_wait3A_441 = tpu.memref_squeeze %dma_wait3A_440 : memref<1x32x513xf32, #tpu.memory_space<vmem>> -> memref<32x513xf32, #tpu.memory_space<vmem>>
        %dma_wait3A_442 = arith.constant 0 : i32
        %dma_wait3A_443 = arith.constant 0 : i32
        %dma_wait3A_444 = tpu.memref_slice %dma_wait3A_441[%dma_wait3A_442, %dma_wait3A_443] : memref<32x513xf32, #tpu.memory_space<vmem>> -> memref<32x512xf32, #tpu.memory_space<vmem>>
        tpu.wait_dma2 semaphore(%dma_wait3A_431 : memref<!tpu.dma_semaphore, #tpu.memory_space<semaphore_mem>>) src(%dma_wait3A_444 : memref<32x512xf32, #tpu.memory_space<vmem>>) dst(%dma_wait3A_437 : memref<32x512xf32, #tpu.memory_space<hbm>>)
      } else {
      }
      %parallel_loop3A_381 = arith.constant 0 : i32
      %parallel_loop3A_382 = arith.constant 512 : i32
      %parallel_loop3A_383 = arith.constant 1 : i32
      scf.for %parallel_loop3A_414 = %parallel_loop3A_381 to %parallel_loop3A_382 step %parallel_loop3A_383  : i32 {
        %parallel_loop3A_415 = vector.broadcast %parallel_loop3A_414 : i32 to vector<16xi32>
        %parallel_loop3A_416 = arith.constant 1 : i32
        %parallel_loop3A_417 = arith.index_cast %parallel_loop3A_416 : i32 to index
        %parallel_loop3A_418 = arith.index_cast %parallel_loop3A_414 : i32 to index
        %parallel_loop3A_419 = arith.constant 0 : index
        %parallel_loop3A_420 = tpu.vector_load %arg7[%parallel_loop3A_417, %parallel_loop3A_418, %parallel_loop3A_419] {strides = array<i32>} : memref<2x512x32xf32, #tpu.memory_space<vmem>>, vector<16xf32>,
        %parallel_loop3A_421 = arith.constant 1 : i32
        %parallel_loop3A_422 = arith.index_cast %parallel_loop3A_421 : i32 to index
        %parallel_loop3A_423 = arith.index_cast %parallel_loop3A_414 : i32 to index
        %parallel_loop3A_424 = arith.constant 16 : index
        %parallel_loop3A_425 = tpu.vector_load %arg7[%parallel_loop3A_422, %parallel_loop3A_423, %parallel_loop3A_424] {strides = array<i32>} : memref<2x512x32xf32, #tpu.memory_space<vmem>>, vector<16xf32>,
        %parallel_loop3A_426 = arith.constant 1 : i32
        %parallel_loop3A_427 = arith.constant 0 : i32
        %parallel_loop3A_428 = arith.constant 0 : i32
        %parallel_loop3A_429 = tpu.memref_slice %arg8[%parallel_loop3A_426, %parallel_loop3A_427, %parallel_loop3A_428] : memref<2x32x513xf32, #tpu.memory_space<vmem>> -> memref<1x32x513xf32, #tpu.memory_space<vmem>>
        %parallel_loop3A_430 = tpu.memref_squeeze %parallel_loop3A_429 : memref<1x32x513xf32, #tpu.memory_space<vmem>> -> memref<32x513xf32, #tpu.memory_space<vmem>>
        tpu.vector_store_idx %parallel_loop3A_430[%iota3A, %parallel_loop3A_415], %parallel_loop3A_420 : memref<32x513xf32, #tpu.memory_space<vmem>>[vector<16xi32>, vector<16xi32>], vector<16xf32>,
        %parallel_loop3A_431 = arith.constant 16 : i32
        %parallel_loop3A_432 = vector.broadcast %parallel_loop3A_431 : i32 to vector<16xi32>
        %parallel_loop3A_433 = arith.addi %iota3A, %parallel_loop3A_432 : vector<16xi32>
        %parallel_loop3A_434 = arith.constant 1 : i32
        %parallel_loop3A_435 = arith.constant 0 : i32
        %parallel_loop3A_436 = arith.constant 0 : i32
        %parallel_loop3A_437 = tpu.memref_slice %arg8[%parallel_loop3A_434, %parallel_loop3A_435, %parallel_loop3A_436] : memref<2x32x513xf32, #tpu.memory_space<vmem>> -> memref<1x32x513xf32, #tpu.memory_space<vmem>>
        %parallel_loop3A_438 = tpu.memref_squeeze %parallel_loop3A_437 : memref<1x32x513xf32, #tpu.memory_space<vmem>> -> memref<32x513xf32, #tpu.memory_space<vmem>>
        tpu.vector_store_idx %parallel_loop3A_438[%parallel_loop3A_433, %parallel_loop3A_415], %parallel_loop3A_425 : memref<32x513xf32, #tpu.memory_space<vmem>>[vector<16xi32>, vector<16xi32>], vector<16xf32>,
      } {sc.loop_unroll_factor = 8 : i64, sc.parallel_access}
      %dma_start3A_384 = arith.constant 1 : i32
      %dma_start3A_385 = arith.constant 1 : i32
      %dma_start3A_386 = arith.constant 0 : i32
      %dma_start3A_387 = arith.constant 0 : i32
      %dma_start3A_388 = tpu.memref_slice %arg8[%dma_start3A_384, %dma_start3A_386, %dma_start3A_387] : memref<2x32x513xf32, #tpu.memory_space<vmem>> -> memref<1x32x513xf32, #tpu.memory_space<vmem>>
      %dma_start3A_389 = tpu.memref_squeeze %dma_start3A_388 : memref<1x32x513xf32, #tpu.memory_space<vmem>> -> memref<32x513xf32, #tpu.memory_space<vmem>>
      %dma_start3A_390 = arith.constant 0 : i32
      %dma_start3A_391 = arith.constant 0 : i32
      %dma_start3A_392 = tpu.memref_slice %dma_start3A_389[%dma_start3A_390, %dma_start3A_391] : memref<32x513xf32, #tpu.memory_space<vmem>> -> memref<32x512xf32, #tpu.memory_space<vmem>>
      %dma_start3A_393 = arith.constant 0 : i32
      %dma_start3A_394 = arith.constant 0 : i32
      %dma_start3A_395 = tpu.memref_slice %arg4[%add3A_288, %dma_start3A_393, %dma_start3A_394] : memref<50x32x16384xf32, #tpu.memory_space<hbm>> -> memref<1x32x16384xf32, #tpu.memory_space<hbm>>
      %dma_start3A_396 = tpu.memref_squeeze %dma_start3A_395 : memref<1x32x16384xf32, #tpu.memory_space<hbm>> -> memref<32x16384xf32, #tpu.memory_space<hbm>>
      %dma_start3A_397 = arith.constant 0 : i32
      %dma_start3A_398 = tpu.memref_slice %dma_start3A_396[%dma_start3A_397, %mul3A_2] : memref<32x16384xf32, #tpu.memory_space<hbm>> -> memref<32x512xf32, #tpu.memory_space<hbm>>
      %dma_start3A_399 = tpu.memref_slice %arg11[%dma_start3A_385] : memref<2x!tpu.dma_semaphore, #tpu.memory_space<semaphore_mem>> -> memref<1x!tpu.dma_semaphore, #tpu.memory_space<semaphore_mem>>
      %dma_start3A_400 = tpu.memref_squeeze %dma_start3A_399 : memref<1x!tpu.dma_semaphore, #tpu.memory_space<semaphore_mem>> -> memref<!tpu.dma_semaphore, #tpu.memory_space<semaphore_mem>>
      %dma_start3A_401 = arith.constant 0 : i32
      %dma_start3A_402 = arith.constant 0 : i32
      %dma_start3A_403 = tpu.memref_slice %arg4[%add3A_288, %dma_start3A_401, %dma_start3A_402] : memref<50x32x16384xf32, #tpu.memory_space<hbm>> -> memref<1x32x16384xf32, #tpu.memory_space<hbm>>
      %dma_start3A_404 = tpu.memref_squeeze %dma_start3A_403 : memref<1x32x16384xf32, #tpu.memory_space<hbm>> -> memref<32x16384xf32, #tpu.memory_space<hbm>>
      %dma_start3A_405 = arith.constant 0 : i32
      %dma_start3A_406 = tpu.memref_slice %dma_start3A_404[%dma_start3A_405, %mul3A_2] : memref<32x16384xf32, #tpu.memory_space<hbm>> -> memref<32x512xf32, #tpu.memory_space<hbm>>
      %dma_start3A_407 = arith.constant 0 : i32
      %dma_start3A_408 = arith.constant 0 : i32
      %dma_start3A_409 = tpu.memref_slice %arg8[%dma_start3A_384, %dma_start3A_407, %dma_start3A_408] : memref<2x32x513xf32, #tpu.memory_space<vmem>> -> memref<1x32x513xf32, #tpu.memory_space<vmem>>
      %dma_start3A_410 = tpu.memref_squeeze %dma_start3A_409 : memref<1x32x513xf32, #tpu.memory_space<vmem>> -> memref<32x513xf32, #tpu.memory_space<vmem>>
      %dma_start3A_411 = arith.constant 0 : i32
      %dma_start3A_412 = arith.constant 0 : i32
      %dma_start3A_413 = tpu.memref_slice %dma_start3A_410[%dma_start3A_411, %dma_start3A_412] : memref<32x513xf32, #tpu.memory_space<vmem>> -> memref<32x512xf32, #tpu.memory_space<vmem>>
      tpu.enqueue_dma source(%dma_start3A_413 : memref<32x512xf32, #tpu.memory_space<vmem>>) target(%dma_start3A_406 : memref<32x512xf32, #tpu.memory_space<hbm>>) target_semaphore(%dma_start3A_400 : memref<!tpu.dma_semaphore, #tpu.memory_space<semaphore_mem>>)
    }
    %scan3A_96 = arith.constant 25 : i32
    %dma_wait3A_97 = arith.constant 0 : i32
    %dma_wait3A_98 = arith.constant 0 : i32
    %dma_wait3A_99 = arith.constant 0 : i32
    %dma_wait3A_100 = arith.constant 0 : i32
    %dma_wait3A_101 = arith.constant 0 : i32
    %dma_wait3A_102 = tpu.memref_slice %arg8[%dma_wait3A_97, %dma_wait3A_100, %dma_wait3A_101] : memref<2x32x513xf32, #tpu.memory_space<vmem>> -> memref<1x32x513xf32, #tpu.memory_space<vmem>>
    %dma_wait3A_103 = tpu.memref_squeeze %dma_wait3A_102 : memref<1x32x513xf32, #tpu.memory_space<vmem>> -> memref<32x513xf32, #tpu.memory_space<vmem>>
    %dma_wait3A_104 = arith.constant 0 : i32
    %dma_wait3A_105 = arith.constant 0 : i32
    %dma_wait3A_106 = tpu.memref_slice %dma_wait3A_103[%dma_wait3A_104, %dma_wait3A_105] : memref<32x513xf32, #tpu.memory_space<vmem>> -> memref<32x512xf32, #tpu.memory_space<vmem>>
    %dma_wait3A_107 = arith.constant 0 : i32
    %dma_wait3A_108 = arith.constant 0 : i32
    %dma_wait3A_109 = tpu.memref_slice %arg4[%dma_wait3A_98, %dma_wait3A_107, %dma_wait3A_108] : memref<50x32x16384xf32, #tpu.memory_space<hbm>> -> memref<1x32x16384xf32, #tpu.memory_space<hbm>>
    %dma_wait3A_110 = tpu.memref_squeeze %dma_wait3A_109 : memref<1x32x16384xf32, #tpu.memory_space<hbm>> -> memref<32x16384xf32, #tpu.memory_space<hbm>>
    %dma_wait3A_111 = arith.constant 0 : i32
    %dma_wait3A_112 = tpu.memref_slice %dma_wait3A_110[%dma_wait3A_111, %mul3A_2] : memref<32x16384xf32, #tpu.memory_space<hbm>> -> memref<32x512xf32, #tpu.memory_space<hbm>>
    %dma_wait3A_113 = tpu.memref_slice %arg11[%dma_wait3A_99] : memref<2x!tpu.dma_semaphore, #tpu.memory_space<semaphore_mem>> -> memref<1x!tpu.dma_semaphore, #tpu.memory_space<semaphore_mem>>
    %dma_wait3A_114 = tpu.memref_squeeze %dma_wait3A_113 : memref<1x!tpu.dma_semaphore, #tpu.memory_space<semaphore_mem>> -> memref<!tpu.dma_semaphore, #tpu.memory_space<semaphore_mem>>
    %dma_wait3A_115 = arith.constant 0 : i32
    %dma_wait3A_116 = arith.constant 0 : i32
    %dma_wait3A_117 = tpu.memref_slice %arg4[%dma_wait3A_98, %dma_wait3A_115, %dma_wait3A_116] : memref<50x32x16384xf32, #tpu.memory_space<hbm>> -> memref<1x32x16384xf32, #tpu.memory_space<hbm>>
    %dma_wait3A_118 = tpu.memref_squeeze %dma_wait3A_117 : memref<1x32x16384xf32, #tpu.memory_space<hbm>> -> memref<32x16384xf32, #tpu.memory_space<hbm>>
    %dma_wait3A_119 = arith.constant 0 : i32
    %dma_wait3A_120 = tpu.memref_slice %dma_wait3A_118[%dma_wait3A_119, %mul3A_2] : memref<32x16384xf32, #tpu.memory_space<hbm>> -> memref<32x512xf32, #tpu.memory_space<hbm>>
    %dma_wait3A_121 = arith.constant 0 : i32
    %dma_wait3A_122 = arith.constant 0 : i32
    %dma_wait3A_123 = tpu.memref_slice %arg8[%dma_wait3A_97, %dma_wait3A_121, %dma_wait3A_122] : memref<2x32x513xf32, #tpu.memory_space<vmem>> -> memref<1x32x513xf32, #tpu.memory_space<vmem>>
    %dma_wait3A_124 = tpu.memref_squeeze %dma_wait3A_123 : memref<1x32x513xf32, #tpu.memory_space<vmem>> -> memref<32x513xf32, #tpu.memory_space<vmem>>
    %dma_wait3A_125 = arith.constant 0 : i32
    %dma_wait3A_126 = arith.constant 0 : i32
    %dma_wait3A_127 = tpu.memref_slice %dma_wait3A_124[%dma_wait3A_125, %dma_wait3A_126] : memref<32x513xf32, #tpu.memory_space<vmem>> -> memref<32x512xf32, #tpu.memory_space<vmem>>
    tpu.wait_dma2 semaphore(%dma_wait3A_114 : memref<!tpu.dma_semaphore, #tpu.memory_space<semaphore_mem>>) src(%dma_wait3A_127 : memref<32x512xf32, #tpu.memory_space<vmem>>) dst(%dma_wait3A_120 : memref<32x512xf32, #tpu.memory_space<hbm>>)
    %dma_wait3A_128 = arith.constant 1 : i32
    %dma_wait3A_129 = arith.constant 0 : i32
    %dma_wait3A_130 = arith.constant 1 : i32
    %dma_wait3A_131 = arith.constant 0 : i32
    %dma_wait3A_132 = arith.constant 0 : i32
    %dma_wait3A_133 = tpu.memref_slice %arg8[%dma_wait3A_128, %dma_wait3A_131, %dma_wait3A_132] : memref<2x32x513xf32, #tpu.memory_space<vmem>> -> memref<1x32x513xf32, #tpu.memory_space<vmem>>
    %dma_wait3A_134 = tpu.memref_squeeze %dma_wait3A_133 : memref<1x32x513xf32, #tpu.memory_space<vmem>> -> memref<32x513xf32, #tpu.memory_space<vmem>>
    %dma_wait3A_135 = arith.constant 0 : i32
    %dma_wait3A_136 = arith.constant 0 : i32
    %dma_wait3A_137 = tpu.memref_slice %dma_wait3A_134[%dma_wait3A_135, %dma_wait3A_136] : memref<32x513xf32, #tpu.memory_space<vmem>> -> memref<32x512xf32, #tpu.memory_space<vmem>>
    %dma_wait3A_138 = arith.constant 0 : i32
    %dma_wait3A_139 = arith.constant 0 : i32
    %dma_wait3A_140 = tpu.memref_slice %arg4[%dma_wait3A_129, %dma_wait3A_138, %dma_wait3A_139] : memref<50x32x16384xf32, #tpu.memory_space<hbm>> -> memref<1x32x16384xf32, #tpu.memory_space<hbm>>
    %dma_wait3A_141 = tpu.memref_squeeze %dma_wait3A_140 : memref<1x32x16384xf32, #tpu.memory_space<hbm>> -> memref<32x16384xf32, #tpu.memory_space<hbm>>
    %dma_wait3A_142 = arith.constant 0 : i32
    %dma_wait3A_143 = tpu.memref_slice %dma_wait3A_141[%dma_wait3A_142, %mul3A_2] : memref<32x16384xf32, #tpu.memory_space<hbm>> -> memref<32x512xf32, #tpu.memory_space<hbm>>
    %dma_wait3A_144 = tpu.memref_slice %arg11[%dma_wait3A_130] : memref<2x!tpu.dma_semaphore, #tpu.memory_space<semaphore_mem>> -> memref<1x!tpu.dma_semaphore, #tpu.memory_space<semaphore_mem>>
    %dma_wait3A_145 = tpu.memref_squeeze %dma_wait3A_144 : memref<1x!tpu.dma_semaphore, #tpu.memory_space<semaphore_mem>> -> memref<!tpu.dma_semaphore, #tpu.memory_space<semaphore_mem>>
    %dma_wait3A_146 = arith.constant 0 : i32
    %dma_wait3A_147 = arith.constant 0 : i32
    %dma_wait3A_148 = tpu.memref_slice %arg4[%dma_wait3A_129, %dma_wait3A_146, %dma_wait3A_147] : memref<50x32x16384xf32, #tpu.memory_space<hbm>> -> memref<1x32x16384xf32, #tpu.memory_space<hbm>>
    %dma_wait3A_149 = tpu.memref_squeeze %dma_wait3A_148 : memref<1x32x16384xf32, #tpu.memory_space<hbm>> -> memref<32x16384xf32, #tpu.memory_space<hbm>>
    %dma_wait3A_150 = arith.constant 0 : i32
    %dma_wait3A_151 = tpu.memref_slice %dma_wait3A_149[%dma_wait3A_150, %mul3A_2] : memref<32x16384xf32, #tpu.memory_space<hbm>> -> memref<32x512xf32, #tpu.memory_space<hbm>>
    %dma_wait3A_152 = arith.constant 0 : i32
    %dma_wait3A_153 = arith.constant 0 : i32
    %dma_wait3A_154 = tpu.memref_slice %arg8[%dma_wait3A_128, %dma_wait3A_152, %dma_wait3A_153] : memref<2x32x513xf32, #tpu.memory_space<vmem>> -> memref<1x32x513xf32, #tpu.memory_space<vmem>>
    %dma_wait3A_155 = tpu.memref_squeeze %dma_wait3A_154 : memref<1x32x513xf32, #tpu.memory_space<vmem>> -> memref<32x513xf32, #tpu.memory_space<vmem>>
    %dma_wait3A_156 = arith.constant 0 : i32
    %dma_wait3A_157 = arith.constant 0 : i32
    %dma_wait3A_158 = tpu.memref_slice %dma_wait3A_155[%dma_wait3A_156, %dma_wait3A_157] : memref<32x513xf32, #tpu.memory_space<vmem>> -> memref<32x512xf32, #tpu.memory_space<vmem>>
    tpu.wait_dma2 semaphore(%dma_wait3A_145 : memref<!tpu.dma_semaphore, #tpu.memory_space<semaphore_mem>>) src(%dma_wait3A_158 : memref<32x512xf32, #tpu.memory_space<vmem>>) dst(%dma_wait3A_151 : memref<32x512xf32, #tpu.memory_space<hbm>>)
    return
  }
}

</mosaic_0001>

<sc_bundles>
// kernel: kernel.4.cloned.1.call-start
scs
__scs_entry_jumppad:
0x0: {  	(pc) =	sbr.rel $0x88, $3  }
0x1: {  	(tag) =	ssettag $0x0;
	lr =	simm.s32 $0x1  }
0x2: {  	[smem:$0x3F9F] =	sst lr;
	_ =	strace $0xD0000000  }
0x3: {  	_ = 	snop  }
0x4: {  	_ = 	snop  }
0x5: {  	_ = 	snop  }
0x6: {  	_ = 	snop  }
0x7: {  	_ = 	snop  }
__scs_overlays_trampoline_lowered:
0x8: {  	[smem:$0x3FAE] =	sst s0  }
0x9: {  	[smem:$0x3FAF] =	sst s1  }
0xa: {  	[smem:$0x3FB0] =	sst s2  }
0xb: {  	[smem:$0x3FB1] =	sst s3  }
0xc: {  	[smem:$0x3FB2] =	sst s4  }
0xd: {  	[smem:$0x3FB3] =	sst s5  }
0xe: {  	[smem:$0x3FB4] =	sst s6  }
0xf: {  	[smem:$0x3FB5] =	sst s7  }
0x10: {  	[smem:$0x3FB6] =	sst s8  }
0x11: {  	[smem:$0x3FB7] =	sst s9;
	s0 =	simm.s32 @!p0 $0x0  }
0x12: {  	s1 =	sld [smem:$0x3F9D];
	s0 =	simm.s32 @p0 $0x1  }
0x13: {  	[smem:$0x3FB8] =	sst s0;
	s0 =	simm.s32 @!p1 $0x0  }
0x14: {  	s2 =	sld [smem:$0x3F9C];
	s0 =	simm.s32 @p1 $0x1  }
0x15: {  	[smem:$0x3FB9] =	sst s0;
	s0 =	simm.s32 @!p2 $0x0  }
0x16: {  	s3 =	sld [smem:$0x3FDB];
	s0 =	simm.s32 @p2 $0x1  }
0x17: {  	s4 =	simm.s32 $0x1BF5;
	[smem:$0x3FBB] =	sst s0  }
0x18: {  	s0 =	sld [smem:$0x3F9E];
	_ =	swait.ge [sflag:s4], $0x0  }
0x19: {  	s7 =	sld [smem:$0x3F9F]  }
0x1a: {  	s8 =	sadd.s32 $0xFFFFE003, lr  }
0x1b: {  	s9 =	sadd.s32 $0xFFFFFEF7, lr;
	s5 =	simm.s32 $0xFFFFFFFF;
	p2 =	slt.u32 s8, $0xFFFFF086  }
0x1c: {  	p1 =	slt.u32 s9, $0xF7A;
	s5 =	simm.s32 @!p2 $0x0  }
0x1d: {  	s5 =	simm.s32 @p1 $0x1;
	p0 =	seq.s32 s7, s2  }
0x1e: {  	s7 =	smul.u32 @!p0 $0xF7A, s2;
	p2 =	seq.s32 @!p0 s5, $0x0  }
0x1f: {  	s9 =	smul.u32 $0xF7A, s1;
	s8 =	simm.s32 @!p0 $0x1BF5;
	p2 =	por !p2, p0  }
0x20: {  	[sflag:s8] =	ssyncset.s32 @!p0 $0xFFFFF086;
	s6 =	sadd.s32 @!p0 s3, s7;
	s7 =	simm.s32 @!p0 $0x108  }
0x21: {  	s3 =	sadd.s32 s3, s9;
	s6 =	sadd.s32 @!p0 $0x88, s6;
	s7 =	simm.s32 @p2 $0x1082  }
0x22: {  	[simem:s7], [sflag:s8] =	dma.local @!p0 [hbm:s6], $0xF7A  }
0x23: {  	s9 =	sor.u32 $0xD0000000, s2;
	s6 =	simm.s32 $0x108;
	_ =	swait.ge @!p0 [sflag:s8], $0x0  }
0x24: {  	s3 =	sadd.s32 $0x88, s3;
	s6 =	simm.s32 @!p1 $0x1082;
	[sflag:s4] =	ssyncset.s32 $0xFFFFF086  }
0x25: {  	[simem:s6], [sflag:s4] =	dma.local [hbm:s3], $0xF7A  }
0x26: {  	[smem:$0x3F9F] =	sst s1;
	(tag) =	ssettag s2;
	_ =	strace s9  }
0x27: {  	s1 =	sld [smem:$0x3FAF]  }
0x28: {  	s2 =	sld [smem:$0x3FB0]  }
0x29: {  	s4 =	sld [smem:$0x3FB2]  }
0x2a: {  	p0 =	seq.s32 s5, $0x0;
	s5 =	sld [smem:$0x3FB3]  }
0x2b: {  	s6 =	sld [smem:$0x3FB4]  }
0x2c: {  	s7 =	sld [smem:$0x3FB5]  }
0x2d: {  	s3 =	simm.s32 $0x108;
	s8 =	sld [smem:$0x3FB6]  }
0x2e: {  	s3 =	simm.s32 @!p0 $0x1082;
	s9 =	sld [smem:$0x3FB7]  }
0x2f: {  	lr =	sadd.s32 s0, s3;
	s0 =	sld [smem:$0x3FAE]  }
0x30: {  	s3 =	sld [smem:$0x3FB1]  }
0x31: {  	[smem:$0x3FBA] =	sst s10  }
0x32: {  	s10 =	sld [smem:$0x3FB8];
	_ =	sdelay $0x3  }
0x33: {  	p0 =	seq.s32 s10, $0x1;
	s10 =	sld [smem:$0x3FBA];
	_ =	sdelay $0x3  }
0x34: {  	[smem:$0x3FBA] =	sst s10  }
0x35: {  	s10 =	sld [smem:$0x3FB9];
	_ =	sdelay $0x3  }
0x36: {  	p1 =	seq.s32 s10, $0x1;
	s10 =	sld [smem:$0x3FBA];
	_ =	sdelay $0x3  }
0x37: {  	[smem:$0x3FBA] =	sst s10  }
0x38: {  	s10 =	sld [smem:$0x3FBB]  }
0x39: {  	_ = 	snop;
	(pc) =	sbr.ind lr, $3  }
0x3a: {  	_ = 	snop  }
0x3b: {  	_ = 	snop  }
0x3c: {  	p2 =	seq.s32 s10, $0x1;
	s10 =	sld [smem:$0x3FBA]  }
0x3d: {  	_ =	shalt  }
0x3e: {  	_ =	shalt  }
0x3f: {  	_ =	shalt  }
0x40: {  	_ =	shalt  }
0x41: {  	_ =	shalt  }
0x42: {  	_ =	shalt  }
0x43: {  	_ =	shalt  }
0x44: {  	_ =	shalt  }
0x45: {  	_ =	shalt  }
0x46: {  	_ =	shalt  }
0x47: {  	_ =	shalt  }
0x48: {  	_ =	shalt  }
0x49: {  	_ =	shalt  }
0x4a: {  	_ =	shalt  }
0x4b: {  	_ =	shalt  }
0x4c: {  	_ =	shalt  }
0x4d: {  	_ =	shalt  }
0x4e: {  	_ =	shalt  }
0x4f: {  	_ =	shalt  }
0x50: {  	_ =	shalt  }
0x51: {  	_ =	shalt  }
0x52: {  	_ =	shalt  }
0x53: {  	_ =	shalt  }
0x54: {  	_ =	shalt  }
0x55: {  	_ =	shalt  }
0x56: {  	_ =	shalt  }
0x57: {  	_ =	shalt  }
0x58: {  	_ =	shalt  }
0x59: {  	_ =	shalt  }
0x5a: {  	_ =	shalt  }
0x5b: {  	_ =	shalt  }
0x5c: {  	_ =	shalt  }
0x5d: {  	_ =	shalt  }
0x5e: {  	_ =	shalt  }
0x5f: {  	_ =	shalt  }
0x60: {  	_ =	shalt  }
0x61: {  	_ =	shalt  }
0x62: {  	_ =	shalt  }
0x63: {  	_ =	shalt  }
0x64: {  	_ =	shalt  }
0x65: {  	_ =	shalt  }
0x66: {  	_ =	shalt  }
0x67: {  	_ =	shalt  }
0x68: {  	_ =	shalt  }
0x69: {  	_ =	shalt  }
0x6a: {  	_ =	shalt  }
0x6b: {  	_ =	shalt  }
0x6c: {  	_ =	shalt  }
0x6d: {  	_ =	shalt  }
0x6e: {  	_ =	shalt  }
0x6f: {  	_ =	shalt  }
0x70: {  	_ =	shalt  }
0x71: {  	_ =	shalt  }
0x72: {  	_ =	shalt  }
0x73: {  	_ =	shalt  }
0x74: {  	_ =	shalt  }
0x75: {  	_ =	shalt  }
0x76: {  	_ =	shalt  }
0x77: {  	_ =	shalt  }
0x78: {  	_ =	shalt  }
0x79: {  	_ =	shalt  }
0x7a: {  	_ =	shalt  }
0x7b: {  	_ =	shalt  }
0x7c: {  	_ =	shalt  }
0x7d: {  	_ =	shalt  }
0x7e: {  	_ =	shalt  }
0x7f: {  	_ =	shalt  }
0x80: {  	_ =	shalt  }
0x81: {  	_ =	shalt  }
0x82: {  	_ =	shalt  }
0x83: {  	_ =	shalt  }
0x84: {  	_ =	shalt  }
0x85: {  	_ =	shalt  }
0x86: {  	_ =	shalt  }
0x87: {  	_ =	shalt  }
.Lfunc_end0:
.L_simem_size_0:
called_computation_lowered:
.L_overlay_start_0:
0x88: {  	s2 =	sld [smem:$0x3FD9]  }
0x89: {  	s3 =	sld [smem:$0x3FFE];
	_ =	sdelay $0x1  }
0x8a: {  	s1 =	srdreg.scid  }
0x8b: {  	s0 =	sand.u32 $0x1, s1  }
0x8c: {  	s16 =	sshll.u32 s0, $0xA;
	s2 =	sadd.s32 s3, s2  }
0x8d: {  	s2 =	sadd.s32 s2, s16  }
0x8e: {  	[smem:$0x3FC6] =	sst s2  }
0x8f: {  	_ = 	snop  }
0x90: {  	(tm) =	ssettm $0x1  }
0x91: {  	s17 =	sld [smem:$0x3FFB];
	_ =	sdelay $0x3  }
0x92: {  	_ =	strace s17  }
0x93: {  	s2 =	sld [smem:$0x3FFC];
	_ =	sdelay $0x3  }
0x94: {  	_ =	strace s2  }
0x95: {  	s2 =	sld [smem:$0x3FFD];
	_ =	sdelay $0x3  }
0x96: {  	_ =	strace s2  }
0x97: {  	_ =	strace $0x8FFFFFFF  }
0x98: {  	s18 =	sld [smem:$0x3FDB];
	_ =	sdelay $0x1  }
0x99: {  	s19 =	simm.s32 $_scs_section_size  }
0x9a: {  	s4 =	simm.s32 $_size__tile_overlayer_lowered;
	s5 =	simm.s32 $_tile_overlayer_lowered  }
0x9b: {  	s22 =	simm.s32 $0x1BFF;
	s21 =	sshll.u32 s5, $0x1;
	s2 =	sadd.s32 s19, s18  }
0x9c: {  	s6 =	simm.s32 $0x0;
	s20 =	sshll.u32 s4, $0x1;
	s4 =	sadd.s32 s21, s2  }
0x9d: {  	[timem:s6], [sflag:s22] =	dma.local [hbm:s4], s20  }
0x9e: {  	_ =	swait.ge [sflag:s22], s20  }
0x9f: {  	s3 =	ssub.s32 $0x0, s20;
	[sflag:s22] =	ssyncset.done $0x0  }
0xa0: {  	[sflag:s22] =	ssyncadd.s32 s3;
	_ =	sdelay $0x1  }
0xa1: {  	s23 =	simm.s32 $0x1B8B  }
0xa2: {  	_ =	swait.ge [sflag:s23], $0x1  }
0xa3: {  	[sflag:s23] =	ssyncset.done $0x0  }
0xa4: {  	s25 =	simm.s32 $0x1B8E;
	s24 =	sld [smem:$0x3FFE];
	[sflag:s23] =	ssyncadd.s32 $0xFFFFFFFF  }
0xa5: {  	s26 =	simm.s32 $execute0_lowered;
	[smem:$0x3FD2] =	sst s25  }
0xa6: {  	s4 =	sshll.u32 s26, $0x1;
	_ =	strace $0x80000046;
	[dreg:$0x1] =	wrdreg $0xFFFFFFFF  }
0xa7: {  	s28 =	simm.s32 $_size_execute0_lowered;
	s2 =	sadd.s32 s2, s4;
	[dreg:$0x0] =	wrdreg $0x0  }
0xa8: {  	s4 =	sshll.u32 s28, $0x1;
	[dreg:$0x2] =	wrdreg s2  }
0xa9: {  	[dreg:$0x3] =	wrdreg s4  }
0xaa: {  	[dreg:$0x4] =	wrdreg $0xC0  }
0xab: {  	_ =	task [dreg:s6], $0x5FFFF  }
0xac: {  	[dreg:$0x1] =	wrdreg $0xFFFFFFFF  }
0xad: {  	[dreg:$0x0] =	wrdreg $0x60  }
0xae: {  	[dreg:$0x2] =	wrdreg s24  }
0xaf: {  	[dreg:$0x3] =	wrdreg $0x9  }
0xb0: {  	_ =	task.clear_ibuf [dreg:s6], $0x4FFFF;
	_ =	strace $0x90000046  }
0xb1: {  	s29 =	simm.s32 $0x9;
	_ =	strace $0x80000048  }
0xb2: {  	_ =	swait.ge [sflag:s29], $0x1  }
0xb3: {  	[sflag:s29] =	ssyncadd.s32 $0xFFFFFFFF  }
0xb4: {  	_ =	strace $0x90000048  }
0xb5: {  	_ =	sfence  }
0xb6: {  	s30 =	sld [smem:$0x0];
	_ =	sdelay $0x2  }
0xb7: {  	s31 =	sshll.u32 s1, $0xD;
	s1 =	sshrl.u32 s1, $0x2  }
0xb8: {  	s3 =	sand.u32 $0x4000, s31;
	s1 =	sadd.s32 s1, s30  }
0xb9: {  	s0 =	sor.u32 s3, s0;
	s1 =	sshll.u32 s1, $0x11  }
0xba: {  	s0 =	sor.u32 s1, s0  }
0xbb: {  	s0 =	sadd.s32 $0x8F2B, s0  }
0xbc: {  	[sflag:s0] =	ssyncadd.remote.s32 $0x1  }
0xbd: {  	_ =	sfence.sel $0xFFFF  }
0xbe: {  	[dreg:$0x0] =	wrdreg $0xFFFFFFFF;
	(pc) =	sbr.abs _section_cstart, $3  }
0xbf: {  	[dreg:$0x1] =	wrdreg $0xFFFFFFFF  }
0xc0: {  	_ =	task.clear_ibuf [dreg:s6], $0x2FFFF;
	_ =	strace $0x9FFFFFFF  }
0xc1: {  	(tm) =	ssettm $0x7FFFFFFF  }
tec
execute0_lowered:
.L_overlay_start_1:
0x0: {  	(tag) =	ssettag $0x1  }
0x1: {  	s0 =	srdreg.scid  }
0x2: {  	s2 =	stileid.u32;
	s1 =	rddreg [dreg:$0x0]  }
0x3: {  	s9 =	simm.s32 $0x80;
	s15 =	simm.s32 $0x8800;
	s16 =	simm.s32 $0x6580  }
0x4: {  	s17 =	simm.s32 $0x9800;
	s18 =	simm.s32 $0x2;
	s19 =	simm.s32 $0x6600  }
0x5: {  	s20 =	simm.s32 $0xA800;
	s21 =	simm.s32 $0x6680;
	s22 =	simm.s32 $0xB800  }
0x6: {  	s23 =	simm.s32 $0x6700;
	s24 =	simm.s32 $0xC800;
	s25 =	simm.s32 $0x6780  }
0x7: {  	v1 =	vlaneseq.u32;
	v3 =	vimm.s32 $0x0;
	s28 =	simm.s32 $0xE800;
	s29 =	simm.s32 $0x3;
	s30 =	simm.s32 $0x5  }
0x8: {  	vm0 =	vcmask $0x300;
	s31 =	simm.s32 $0x12900;
	s0 =	sand.u32 $0x1, s0;
	s3 =	sshll.u32 s2, $0x1;
	v2 =	vand.u32 $0x3, v1;
	v0 =	vmul.u32 $0x208, v1  }
0x9: {  	s2 =	simm.s32 $0x0;
	v1 =	vmul.u32 $0x32, v1;
	v3 =	vsel vm0, $0x3, v3;
	s5 =	sor.u32 s0, s3;
	s0 =	ssub.s32 $0x2, s0;
	v2 =	vmul.u32 $0x2, v2  }
0xa: {  	[smem:$0x7FF] =	sst s2;
	s3 =	smul.u32 $0xC80, s5;
	s7 =	sshrl.u32 s0, $0x1;
	v4 =	vadd.s32 $0x2080, v0;
	v5 =	vor.u32 $0x1, v0;
	v6 =	vadd.s32 $0x2081, v0  }
0xb: {  	s4 =	sadd.s32 $0x7C400, s1;
	_ =	strace $0x80000047;
	v7 =	vor.u32 $0x2, v0;
	v8 =	vadd.s32 $0x2082, v0;
	v9 =	vor.u32 $0x3, v0;
	s0 =	ssub.s32 s0, s7  }
0xc: {  	v10 =	vadd.s32 $0x2083, v0;
	v11 =	vor.u32 $0x4, v0;
	v12 =	vadd.s32 $0x2084, v0;
	s6 =	sadd.s32 s3, s1;
	s3 =	sadd.s32 $0x1A800, s1;
	s0 =	smax.u32 s0, $0x1  }
0xd: {  	v13 =	vor.u32 $0x5, v0;
	v14 =	vadd.s32 $0x2085, v0;
	v15 =	vor.u32 $0x6, v0;
	s1 =	simm.s32 $0x0;
	s26 =	sadd.s32 $0x1800, s6;
	[dreg:$0x3] =	wrdreg s0  }
0xe: {  	v16 =	vadd.s32 $0x2086, v0;
	v17 =	vor.u32 $0x7, v0;
	v18 =	vadd.s32 $0x2087, v0;
	s6 =	sshll.u32 s5, $0x6;
	[dreg:$0x2] =	wrdreg s26;
	s26 =	simm.s32 $0xD800  }
.LBB2_1:
0xf: {  	v19 =	vadd.s32 s2, v1;
	s0 =	simm.s32 $0x320;
	s8 =	simm.s32 $0x15E0  }
0x10: {  	s10 =	simm.s32 $0x640;
	s5 =	simm.s32 $0x960;
	s11 =	simm.s32 $0xC80;
	v19 =	vand.u32 $0xFFF8, v19;
	v20 =	vadd.s32 s0, v1;
	v21 =	vadd.s32 s8, v1  }
0x11: {  	s12 =	simm.s32 $0xFA0;
	s13 =	simm.s32 $0x12C0;
	v22 =	vadd.s32 s10, v1;
	v23 =	vadd.s32 s5, v1;
	v24 =	vadd.s32 s11, v1  }
0x12: {  	s14 =	rddreg [dreg:$0x2];
	v25 =	vadd.s32 s12, v1;
	v26 =	vadd.s32 s13, v1;
	v21 =	vand.u32 $0xFFF8, v21  }
0x13: {  	[tilespmem:s2], [sflag:$0x1] =	stream.linear.gather [hbm4b:s14+s2], $0x6400, $0x38;
	v20 =	vand.u32 $0xFFF8, v20;
	v22 =	vand.u32 $0xFFF8, v22;
	v21 =	vor.u32 v2, v21;
	[tilespmem:$0x16A00] =	vst v63  }
0x14: {  	[dreg:$0x4] =	wrdreg s1;
	s0 =	simm.s32 $0x1;
	v23 =	vand.u32 $0xFFF8, v23;
	v24 =	vand.u32 $0xFFF8, v24;
	v20 =	vor.u32 v2, v20  }
0x15: {  	s11 =	simm.s32 $0x2260;
	_ =	swait.ge [sflag:s0], $0x6400;
	v25 =	vand.u32 $0xFFF8, v25;
	v26 =	vand.u32 $0xFFF8, v26;
	v22 =	vor.u32 v2, v22  }
0x16: {  	s5 =	simm.s32 $0x1900;
	s13 =	simm.s32 $0x28A0;
	v19 =	vor.u32 v2, v19;
	v30 =	vadd.s32 s11, v1;
	[sflag:s0] =	ssyncset.done $0x0;
	v23 =	vor.u32 v2, v23  }
0x17: {  	s8 =	simm.s32 $0x2EE0;
	v31 =	vadd.s32 s13, v1;
	v27 =	vor.u32 v2, v24;
	v24 =	vadd.s32 s5, v1;
	[sflag:s0] =	ssyncadd.s32 $0xFFFF9C00  }
0x18: {  	s14 =	simm.s32 $0x2BC0;
	v28 =	vor.u32 v2, v25;
	v32 =	vand.u32 $0xFFF8, v24;
	v24 =	vadd.s32 s8, v1;
	v21 =	vld.idx.msk [tilespmem:v21+s2+$0x0], $0xffff  }
0x19: {  	s7 =	simm.s32 $0x1C20;
	s10 =	simm.s32 $0x1F40;
	v35 =	vadd.s32 s14, v1;
	v29 =	vor.u32 v2, v26;
	v24 =	vand.u32 $0xFFF8, v24;
	v33 =	vld.idx.msk [tilespmem:v20+s2+$0x0], $0xffff  }
0x1a: {  	v25 =	vadd.s32 s7, v1;
	v26 =	vadd.s32 s10, v1;
	v34 =	vor.u32 v2, v24;
	v24 =	vld.idx.msk [tilespmem:v22+s2+$0x0], $0xffff  }
0x1b: {  	s12 =	simm.s32 $0x2580;
	v30 =	vand.u32 $0xFFF8, v30;
	v36 =	vand.u32 $0xFFF8, v31;
	v26 =	vand.u32 $0xFFF8, v26;
	v23 =	vld.idx.msk [tilespmem:v23+s2+$0x0], $0xffff  }
0x1c: {  	v26 =	vor.u32 v2, v26;
	v20 =	vadd.s32 s12, v1;
	v22 =	vand.u32 $0xFFF8, v25;
	v25 =	vld.idx.msk [tilespmem:v27+s2+$0x0], $0xffff  }
0x1d: {  	s0 =	simm.s32 $0x6440;
	v32 =	vor.u32 v2, v32;
	v28 =	vld.idx.msk [tilespmem:v28+s2+$0x0], $0xffff;
	v20 =	vand.u32 $0xFFF8, v20;
	v31 =	vor.u32 v2, v22  }
0x1e: {  	v35 =	vand.u32 $0xFFF8, v35;
	v27 =	vor.u32 v2, v30;
	v30 =	vld.idx.msk [tilespmem:v29+s2+$0x0], $0xffff;
	v22 =	vor.u32 v2, v20;
	[tilespmem:s0+$0x30] =	vst v21  }
0x1f: {  	s1 =	simm.s32 $0x6440;
	s5 =	simm.s32 $0x8;
	s7 =	simm.s32 $0x3200;
	v20 =	vor.u32 v2, v35;
	v29 =	vld.idx.msk [tilespmem:v34+s2+$0x0], $0xffff;
	v21 =	vor.u32 v2, v36;
	[tilespmem:s0+$0xFFFFFFD0] =	vst v33  }
.LBB2_2:
0x20: {  	v33 =	vadd.s32 s7, v1;
	s8 =	sadd.s32 $0x320, s7;
	s10 =	sadd.s32 $0x15E0, s7;
	s5 =	sadd.s32 $0x8, s5;
	v34 =	vld.idx.msk [tilespmem:v19+s2+$0x0], $0xffff;
	[tilespmem:s0+$0xFFFFFFE0] =	vst v24;
	v19 =	vmov v32  }
0x21: {  	s11 =	sadd.s32 $0x960, s7;
	v32 =	vand.u32 $0xFFF8, v33;
	v33 =	vadd.s32 s8, v1;
	s8 =	sadd.s32 $0x640, s7;
	v24 =	vadd.s32 s10, v1;
	p0 =	slt.u32 s5, $0x18;
	[tilespmem:s0+$0xFFFFFFF0] =	vst v23  }
0x22: {  	v35 =	vadd.s32 s11, v1;
	s10 =	sadd.s32 $0xFA0, s7;
	s11 =	sadd.s32 $0x12C0, s7;
	v23 =	vadd.s32 s8, v1;
	s8 =	sadd.s32 $0xC80, s7;
	v24 =	vand.u32 $0xFFF8, v24;
	v36 =	vld.idx.msk [tilespmem:v31+s2+$0x0], $0xffff;
	[tilespmem:s0+$0x0] =	vst v25  }
0x23: {  	v31 =	vadd.s32 s10, v1;
	v25 =	vadd.s32 s8, v1;
	v37 =	vor.u32 v2, v24;
	v24 =	vld.idx.msk [tilespmem:v26+s2+$0x0], $0xffff;
	[tilespmem:s0+$0x10] =	vst v28  }
.Ltmp0:
0x24: {  	v26 =	vand.u32 $0xFFF8, v33;
	v28 =	vand.u32 $0xFFF8, v23;
	v33 =	vadd.s32 s11, v1;
	s0 =	sadd.s32 $0x80, s0;
	v23 =	vld.idx.msk [tilespmem:v27+s2+$0x0], $0xffff;
	[tilespmem:s1+$0x20] =	vst v30;
	(pc) =	sbr.rel @p0 .LBB2_2-.Ltmp0, $4  }
0x25: {  	v27 =	vand.u32 $0xFFF8, v35;
	v30 =	vand.u32 $0xFFF8, v25;
	v35 =	vand.u32 $0xFFF8, v31;
	v25 =	vld.idx.msk [tilespmem:v22+s2+$0x0], $0xffff;
	[tilespmem:s0+$0x30] =	vst v29  }
0x26: {  	v31 =	vor.u32 v2, v26;
	v26 =	vor.u32 v2, v28;
	v29 =	vand.u32 $0xFFF8, v33;
	v28 =	vld.idx.msk [tilespmem:v21+s2+$0x0], $0xffff;
	[tilespmem:s1+$0xFFFFFFC0] =	vst v34;
	s1 =	smov.u32 s0  }
0x27: {  	v27 =	vor.u32 v2, v27;
	v22 =	vor.u32 v2, v30;
	v21 =	vor.u32 v2, v35;
	v30 =	vld.idx.msk [tilespmem:v20+s2+$0x0], $0xffff  }
0x28: {  	v32 =	vor.u32 v2, v32;
	s7 =	sadd.s32 $0x1900, s7;
	v20 =	vor.u32 v2, v29;
	v29 =	vld.idx.msk [tilespmem:v37+s2+$0x0], $0xffff;
	[tilespmem:s0+$0xFFFFFFD0] =	vst v36  }
0x29: {  	_ =	sdelay $0x2  }
0x2a: {  	[tilespmem:s0+$0xFFFFFFE0] =	vst v24  }
0x2b: {  	v19 =	vld.idx.msk [tilespmem:v19+s2+$0x0], $0xffff;
	[tilespmem:s0+$0xFFFFFFF0] =	vst v23  }
0x2c: {  	v61 =	vld.idx.msk [tilespmem:v31+s2+$0x0], $0xffff;
	[tilespmem:s0+$0x0] =	vst v25  }
0x2d: {  	v62 =	vld.idx.msk [tilespmem:v26+s2+$0x0], $0xffff;
	[tilespmem:s0+$0x10] =	vst v28  }
0x2e: {  	v63 =	vld.idx.msk [tilespmem:v27+s2+$0x0], $0xffff;
	s8 =	sadd.s32 $0x80, s0;
	[tilespmem:s1+$0x20] =	vst v30  }
0x2f: {  	v22 =	vld.idx.msk [tilespmem:v22+s2+$0x0], $0xffff;
	[tilespmem:s8+$0x30] =	vst v29  }
0x30: {  	v21 =	vld.idx.msk [tilespmem:v21+s2+$0x0], $0xffff;
	[tilespmem:s1+$0xFFFFFFC0] =	vst v19  }
0x31: {  	v19 =	vld.idx.msk [tilespmem:v20+s2+$0x0], $0xffff;
	[tilespmem:s8+$0xFFFFFFD0] =	vst v61  }
0x32: {  	v20 =	vld.idx.msk [tilespmem:v32+s2+$0x0], $0xffff;
	[tilespmem:s8+$0xFFFFFFE0] =	vst v62  }
0x33: {  	[tilespmem:s8+$0xFFFFFFF0] =	vst v63  }
0x34: {  	[tilespmem:s8+$0x0] =	vst v22  }
0x35: {  	[tilespmem:s8+$0x10] =	vst v21  }
0x36: {  	[tilespmem:s8+$0x20] =	vst v19  }
0x37: {  	s10 =	simm.s32 $0x6400;
	s11 =	simm.s32 $0x6800;
	[tilespmem:s8+$0xFFFFFFC0] =	vst v20  }
0x38: {  	[tilespmem:s11], [sflag:$0x2] =	stream.indirect.gather [hbm4b:s3+s9], $0x20, s10, s9, $0xb8;
	[tilespmem:$0x16A00] =	vst v63  }
0x39: {  	s12 =	simm.s32 $0x6480;
	s13 =	simm.s32 $0x7800  }
0x3a: {  	[tilespmem:s13], [sflag:$0x2] =	stream.indirect.gather [hbm4b:s3+s9], $0x20, s12, s9, $0xb8;
	[tilespmem:$0x16A00] =	vst v63  }
0x3b: {  	s14 =	simm.s32 $0x6500  }
0x3c: {  	[tilespmem:s15], [sflag:$0x2] =	stream.indirect.gather [hbm4b:s3+s9], $0x20, s14, s9, $0xb8;
	[tilespmem:$0x16A00] =	vst v63  }
0x3d: {  	s5 =	simm.s32 $0x0;
	s7 =	simm.s32 $0x15E1;
	s8 =	simm.s32 $0x15E2  }
0x3e: {  	[tilespmem:s17], [sflag:$0x2] =	stream.indirect.gather [hbm4b:s3+s9], $0x20, s16, s9, $0xb8;
	[tilespmem:$0x16A00] =	vst v63  }
.LBB2_4:
0x3f: {  	_ =	swait.ge [sflag:s18], $0x1000  }
0x40: {  	[sflag:s18] =	ssyncset.done $0x0  }
0x41: {  	[sflag:s18] =	ssyncadd.s32 $0xFFFFF000  }
0x42: {  	_ =	swait.ge [sflag:s18], $0x1000  }
0x43: {  	[sflag:s18] =	ssyncset.done $0x0  }
0x44: {  	[sflag:s18] =	ssyncadd.s32 $0xFFFFF000  }
0x45: {  	s0 =	sadd.s32 $0xFFFFFCE0, s7;
	_ =	swait.ge [sflag:s18], $0x1000  }
0x46: {  	s1 =	sadd.s32 $0xFFFFED40, s7;
	v20 =	vadd.s32 s0, v1;
	[sflag:s18] =	ssyncset.done $0x0  }
0x47: {  	s10 =	sadd.s32 $0xFFFFF060, s7;
	v21 =	vadd.s32 s1, v1;
	[sflag:s18] =	ssyncadd.s32 $0xFFFFF000  }
0x48: {  	s11 =	sadd.s32 $0xFFFFEA20, s7;
	v22 =	vadd.s32 s10, v1;
	_ =	swait.ge [sflag:s18], $0x1000  }
0x49: {  	s12 =	sadd.s32 $0xFFFFF380, s7;
	v23 =	vadd.s32 s11, v1;
	[sflag:s18] =	ssyncset.done $0x0  }
0x4a: {  	s13 =	sadd.s32 $0xFFFFF6A0, s7;
	v24 =	vadd.s32 s12, v1;
	[sflag:s18] =	ssyncadd.s32 $0xFFFFF000  }
0x4b: {  	s14 =	sadd.s32 $0xFFFFF9C0, s7;
	v25 =	vadd.s32 s13, v1;
	v20 =	vld.idx.msk [tilespmem:v20+s2+$0x0], $0xffff  }
0x4c: {  	v26 =	vadd.s32 s14, v1;
	s11 =	sadd.s32 $0x1900, s7;
	v21 =	vld.idx.msk [tilespmem:v21+s2+$0x0], $0xffff  }
0x4d: {  	v28 =	vadd.s32 s11, v1;
	v22 =	vld.idx.msk [tilespmem:v22+s2+$0x0], $0xffff  }
0x4e: {  	v19 =	vadd.s32 s7, v1;
	s12 =	sadd.s32 $0xFFFFED40, s11;
	v23 =	vld.idx.msk [tilespmem:v23+s2+$0x0], $0xffff  }
0x4f: {  	s10 =	sadd.s32 $0xFFFFFCE0, s11;
	v30 =	vadd.s32 s12, v1;
	v31 =	vld.idx.msk [tilespmem:v24+s2+$0x0], $0xffff  }
0x50: {  	s0 =	simm.s32 $0x6670;
	s13 =	sadd.s32 $0xFFFFF060, s11;
	v29 =	vadd.s32 s10, v1;
	v33 =	vld.idx.msk [tilespmem:v25+s2+$0x0], $0xffff  }
0x51: {  	v32 =	vadd.s32 s13, v1;
	s13 =	sadd.s32 $0xFFFFEA20, s11;
	v27 =	vld.idx.msk [tilespmem:v26+s2+$0x0], $0xffff;
	[tilespmem:s0+$0xFFFFFFF0] =	vst v20  }
0x52: {  	s14 =	sadd.s32 $0xFFFFF380, s11;
	[tilespmem:s0+$0xFFFFFFA0] =	vst v21;
	v20 =	vld.idx.msk [tilespmem:v28+s2+$0x0], $0xffff;
	v28 =	vadd.s32 s13, v1  }
0x53: {  	s10 =	sadd.s32 $0xFFFFF6A0, s11;
	v19 =	vld.idx.msk [tilespmem:v19+s2+$0x0], $0xffff;
	[tilespmem:s0+$0xFFFFFFB0] =	vst v22;
	v22 =	vadd.s32 s14, v1  }
0x54: {  	s12 =	sadd.s32 $0xFFFFF9C0, s11;
	v24 =	vadd.s32 s10, v1;
	v25 =	vld.idx.msk [tilespmem:v30+s2+$0x0], $0xffff;
	[tilespmem:s0+$0xFFFFFF90] =	vst v23  }
0x55: {  	v21 =	vld.idx.msk [tilespmem:v29+s2+$0x0], $0xffff;
	[tilespmem:s0+$0xFFFFFFC0] =	vst v31;
	v23 =	vadd.s32 s12, v1  }
0x56: {  	s1 =	sshllo.u32 s5, $0x1;
	s11 =	sadd.s32 $0x1900, s11;
	s10 =	simm.s32 $0x8;
	v26 =	vld.idx.msk [tilespmem:v32+s2+$0x0], $0xffff;
	[tilespmem:s0+$0xFFFFFFD0] =	vst v33  }
.LBB2_5:
0x57: {  	s12 =	sadd.s32 $0xFFFFED40, s11;
	s13 =	sadd.s32 $0xFFFFFCE0, s11;
	v29 =	vadd.s32 s11, v1;
	s10 =	sadd.s32 $0x8, s10;
	v30 =	vld.idx.msk [tilespmem:v28+s2+$0x0], $0xffff;
	[tilespmem:s0+$0xFFFFFFE0] =	vst v27  }
0x58: {  	s14 =	sadd.s32 $0xFFFFF380, s11;
	v31 =	vadd.s32 s12, v1;
	s12 =	sadd.s32 $0xFFFFF060, s11;
	v32 =	vadd.s32 s13, v1;
	p0 =	slt.u32 s10, $0x18;
	v33 =	vld.idx.msk [tilespmem:v22+s2+$0x0], $0xffff;
	[tilespmem:s0+$0x0] =	vst v19  }
0x59: {  	v22 =	vadd.s32 s14, v1;
	s13 =	sadd.s32 $0xFFFFF9C0, s11;
	s0 =	sadd.s32 $0x80, s0;
	v19 =	vmov v20;
	v34 =	vadd.s32 s12, v1;
	s12 =	sadd.s32 $0xFFFFF6A0, s11;
	v35 =	vld.idx.msk [tilespmem:v24+s2+$0x0], $0xffff  }
0x5a: {  	s14 =	sadd.s32 $0xFFFFEA20, s11;
	v24 =	vadd.s32 s12, v1;
	v27 =	vld.idx.msk [tilespmem:v23+s2+$0x0], $0xffff;
	v23 =	vadd.s32 s13, v1;
	[tilespmem:s0+$0xFFFFFFF0] =	vst v21  }
.Ltmp1:
0x5b: {  	v28 =	vadd.s32 s14, v1;
	[tilespmem:s0+$0xFFFFFFA0] =	vst v25;
	(pc) =	sbr.rel @p0 .LBB2_5-.Ltmp1, $4  }
0x5c: {  	v20 =	vld.idx.msk [tilespmem:v29+s2+$0x0], $0xffff;
	[tilespmem:s0+$0xFFFFFFB0] =	vst v26  }
0x5d: {  	v21 =	vld.idx.msk [tilespmem:v32+s2+$0x0], $0xffff;
	[tilespmem:s0+$0xFFFFFF90] =	vst v30  }
0x5e: {  	v25 =	vld.idx.msk [tilespmem:v31+s2+$0x0], $0xffff;
	[tilespmem:s0+$0xFFFFFFC0] =	vst v33  }
0x5f: {  	s11 =	sadd.s32 $0x1900, s11;
	v26 =	vld.idx.msk [tilespmem:v34+s2+$0x0], $0xffff;
	[tilespmem:s0+$0xFFFFFFD0] =	vst v35  }
0x60: {  	_ =	sdelay $0x2  }
0x61: {  	[tilespmem:s0+$0xFFFFFFE0] =	vst v27  }
0x62: {  	v28 =	vld.idx.msk [tilespmem:v28+s2+$0x0], $0xffff;
	[tilespmem:s0+$0x0] =	vst v19;
	s11 =	sadd.s32 $0x80, s0  }
0x63: {  	v22 =	vld.idx.msk [tilespmem:v22+s2+$0x0], $0xffff;
	[tilespmem:s11+$0x0] =	vst v20  }
0x64: {  	v19 =	vld.idx.msk [tilespmem:v24+s2+$0x0], $0xffff;
	[tilespmem:s11+$0xFFFFFFF0] =	vst v21  }
0x65: {  	v21 =	vld.idx.msk [tilespmem:v23+s2+$0x0], $0xffff;
	[tilespmem:s11+$0xFFFFFFA0] =	vst v25  }
0x66: {  	[tilespmem:s11+$0xFFFFFFB0] =	vst v26  }
0x67: {  	[tilespmem:s11+$0xFFFFFF90] =	vst v28  }
0x68: {  	[tilespmem:s11+$0xFFFFFFC0] =	vst v22  }
0x69: {  	[tilespmem:s11+$0xFFFFFFD0] =	vst v19  }
0x6a: {  	[tilespmem:s11+$0xFFFFFFE0] =	vst v21  }
0x6b: {  	[tilespmem:s20], [sflag:$0x3] =	stream.indirect.gather [hbm4b:s3+s9], $0x20, s19, s9, $0xb8;
	[tilespmem:$0x16A00] =	vst v63  }
0x6c: {  	_ = 	snop  }
0x6d: {  	[tilespmem:s22], [sflag:$0x3] =	stream.indirect.gather [hbm4b:s3+s9], $0x20, s21, s9, $0xb8;
	[tilespmem:$0x16A00] =	vst v63  }
0x6e: {  	s12 =	simm.s32 $0x7;
	p0 =	seq.s32 s5, $0x0  }
0x6f: {  	[tilespmem:s24], [sflag:$0x3] =	stream.indirect.gather [hbm4b:s3+s9], $0x20, s23, s9, $0xb8;
	[tilespmem:$0x16A00] =	vst v63  }
0x70: {  	s10 =	simm.s32 $0x0;
	s0 =	simm.s32 @!p0 $0x4;
	v19 =	vmov s12  }
0x71: {  	v20 =	vmov s10;
	v19 =	vshrl.u32 v19, $0x3;
	[tilespmem:s26], [sflag:$0x3] =	stream.indirect.gather [hbm4b:s3+s9], $0x20, s25, s9, $0xb8;
	[tilespmem:$0x16A00] =	vst v63  }
0x72: {  	v20 =	vshrl.u32 v20, $0x3;
	v19 =	vshll.u32 v19, v3;
	_ =	swait.ge @!p0 [sflag:s0], $0x4000  }
0x73: {  	s13 =	simm.s32 $0x1;
	s14 =	simm.s32 $0x2;
	v20 =	vshll.u32 v20, v3;
	v19 =	vbroadcast v19, $0x0;
	[sflag:s0] =	ssyncset.done @!p0 $0x0  }
0x74: {  	v24 =	vmov s14;
	v20 =	vbroadcast v20, $0x0;
	v21 =	vmov s13;
	[sflag:s0] =	ssyncadd.s32 @!p0 $0xFFFFC000;
	s0 =	simm.s32 $0x6880  }
0x75: {  	v24 =	vshrl.u32 v24, $0x3;
	v21 =	vshrl.u32 v21, $0x3;
	v23 =	vadd.s32 v17, v19;
	v22 =	vld [tilespmem:s0+$0x60]  }
0x76: {  	v24 =	vshll.u32 v24, v3;
	v27 =	vadd.s32 v0, v20;
	v21 =	vshll.u32 v21, v3;
	v26 =	vld [tilespmem:s0+$0xFFFFFF80]  }
0x77: {  	v24 =	vbroadcast v24, $0x0;
	s11 =	simm.s32 $0x3;
	v19 =	vadd.s32 v18, v19;
	v21 =	vbroadcast v21, $0x0;
	v25 =	vld [tilespmem:s0+$0x70]  }
0x78: {  	v20 =	vadd.s32 v4, v20;
	v29 =	vmov s11;
	v28 =	vld [tilespmem:s0+$0xFFFFFF90]  }
0x79: {  	s12 =	simm.s32 $0x4;
	v35 =	vadd.s32 v7, v24;
	v29 =	vshrl.u32 v29, $0x3;
	v31 =	vadd.s32 v5, v21;
	v30 =	vld [tilespmem:s0+$0xFFFFFFA0]  }
0x7a: {  	v33 =	vadd.s32 v6, v21;
	v21 =	vshll.u32 v29, v3;
	v29 =	vmov s12;
	v34 =	vld [tilespmem:s0+$0xFFFFFFC0];
	[tilespmem:v23+s28+$0x0] =	vst.idx.msk $0xffff, v22  }
0x7b: {  	s13 =	simm.s32 $0x5;
	v36 =	vbroadcast v21, $0x0;
	v21 =	vshrl.u32 v29, $0x3;
	v32 =	vld [tilespmem:s0+$0xFFFFFFB0];
	[tilespmem:v27+s28+$0x0] =	vst.idx.msk $0xffff, v26  }
0x7c: {  	v21 =	vshll.u32 v21, v3;
	v22 =	vld [tilespmem:s0+$0xFFFFFFD0];
	v27 =	vadd.s32 v8, v24;
	v24 =	vmov s13;
	[tilespmem:v19+s28+$0x0] =	vst.idx.msk $0xffff, v25  }
0x7d: {  	s14 =	simm.s32 $0x6;
	v37 =	vbroadcast v21, $0x0;
	v23 =	vadd.s32 v9, v36;
	[tilespmem:v20+s28+$0x0] =	vst.idx.msk $0xffff, v28;
	v19 =	vld [tilespmem:s0+$0xFFFFFFE0];
	v20 =	vshrl.u32 v24, $0x3  }
0x7e: {  	v21 =	vld [tilespmem:s0+$0xFFFFFFF0];
	[tilespmem:v31+s28+$0x0] =	vst.idx.msk $0xffff, v30;
	v25 =	vadd.s32 v10, v36;
	v24 =	vmov s14;
	v20 =	vshll.u32 v20, v3  }
0x7f: {  	s11 =	simm.s32 $0xF;
	v26 =	vld [tilespmem:s0+$0x0];
	[tilespmem:v35+s28+$0x0] =	vst.idx.msk $0xffff, v34;
	v28 =	vadd.s32 v11, v37;
	v31 =	vshrl.u32 v24, $0x3;
	v29 =	vbroadcast v20, $0x0  }
0x80: {  	s10 =	simm.s32 $0x8;
	v30 =	vmov s11;
	s11 =	simm.s32 $0x10;
	[tilespmem:v33+s28+$0x0] =	vst.idx.msk $0xffff, v32;
	v24 =	vadd.s32 v12, v37;
	v20 =	vld [tilespmem:s0+$0x10];
	v31 =	vshll.u32 v31, v3  }
.LBB2_7:
0x81: {  	p1 =	slt.u32 s11, $0x1F8;
	v30 =	vshrl.u32 v30, $0x3;
	[tilespmem:v27+s28+$0x0] =	vst.idx.msk $0xffff, v22;
	v22 =	vld [tilespmem:s0+$0x20];
	v27 =	vadd.s32 v13, v29;
	v31 =	vbroadcast v31, $0x0  }
0x82: {  	v32 =	vmov s10;
	v30 =	vshll.u32 v30, v3;
	[tilespmem:v23+s28+$0x0] =	vst.idx.msk $0xffff, v19;
	v19 =	vld [tilespmem:s0+$0x30];
	v23 =	vadd.s32 v14, v29  }
0x83: {  	s12 =	sadd.s32 $0x1, s10;
	v29 =	vshrl.u32 v32, $0x3;
	v30 =	vbroadcast v30, $0x0;
	[tilespmem:v25+s28+$0x0] =	vst.idx.msk $0xffff, v21;
	v21 =	vld [tilespmem:s0+$0x40];
	v25 =	vadd.s32 v15, v31  }
0x84: {  	v32 =	vmov s12;
	v29 =	vshll.u32 v29, v3;
	[tilespmem:v28+s28+$0x0] =	vst.idx.msk $0xffff, v26;
	v26 =	vld [tilespmem:s0+$0x50];
	v28 =	vadd.s32 v16, v31;
	s0 =	sadd.s32 $0x100, s0  }
0x85: {  	s12 =	sadd.s32 $0x2, s10;
	v29 =	vbroadcast v29, $0x0;
	v31 =	vshrl.u32 v32, $0x3;
	v32 =	vld [tilespmem:s0+$0x60];
	v33 =	vadd.s32 v17, v30;
	[tilespmem:v24+s28+$0x0] =	vst.idx.msk $0xffff, v20  }
0x86: {  	v20 =	vshll.u32 v31, v3;
	v24 =	vmov s12;
	v30 =	vadd.s32 v18, v30;
	v31 =	vld [tilespmem:s0+$0x70];
	[tilespmem:v27+s28+$0x0] =	vst.idx.msk $0xffff, v22  }
0x87: {  	s12 =	sadd.s32 $0x3, s10;
	v27 =	vadd.s32 v0, v29;
	v20 =	vbroadcast v20, $0x0;
	v24 =	vshrl.u32 v24, $0x3;
	v22 =	vld [tilespmem:s0+$0xFFFFFF80];
	[tilespmem:v23+s28+$0x0] =	vst.idx.msk $0xffff, v19  }
0x88: {  	v23 =	vadd.s32 v4, v29;
	v24 =	vshll.u32 v24, v3;
	v29 =	vmov s12;
	v19 =	vld [tilespmem:s0+$0xFFFFFF90];
	[tilespmem:v25+s28+$0x0] =	vst.idx.msk $0xffff, v21  }
0x89: {  	s12 =	sadd.s32 $0x4, s10;
	v25 =	vadd.s32 v5, v20;
	v24 =	vbroadcast v24, $0x0;
	v29 =	vshrl.u32 v29, $0x3;
	v21 =	vld [tilespmem:s0+$0xFFFFFFA0];
	[tilespmem:v28+s28+$0x0] =	vst.idx.msk $0xffff, v26  }
0x8a: {  	v20 =	vadd.s32 v6, v20;
	v28 =	vshll.u32 v29, v3;
	v29 =	vmov s12;
	v26 =	vld [tilespmem:s0+$0xFFFFFFB0];
	[tilespmem:v33+s28+$0x0] =	vst.idx.msk $0xffff, v32  }
0x8b: {  	s12 =	sadd.s32 $0x5, s10;
	v33 =	vadd.s32 v7, v24;
	v28 =	vbroadcast v28, $0x0;
	v29 =	vshrl.u32 v29, $0x3;
	v32 =	vld [tilespmem:s0+$0xFFFFFFC0];
	[tilespmem:v30+s28+$0x0] =	vst.idx.msk $0xffff, v31  }
.Ltmp2:
0x8c: {  	[tilespmem:v27+s28+$0x0] =	vst.idx.msk $0xffff, v22;
	v22 =	vld [tilespmem:s0+$0xFFFFFFD0];
	v27 =	vadd.s32 v8, v24;
	v24 =	vshll.u32 v29, v3;
	v29 =	vmov s12;
	(pc) =	sbr.rel @p1 .LBB2_7-.Ltmp2, $4  }
0x8d: {  	s12 =	sadd.s32 $0x6, s10;
	s10 =	smov.u32 s11;
	[tilespmem:v23+s28+$0x0] =	vst.idx.msk $0xffff, v19;
	v19 =	vld [tilespmem:s0+$0xFFFFFFE0];
	v23 =	vadd.s32 v9, v28;
	v24 =	vbroadcast v24, $0x0;
	v29 =	vshrl.u32 v29, $0x3  }
0x8e: {  	v30 =	vmov s12;
	[tilespmem:v25+s28+$0x0] =	vst.idx.msk $0xffff, v21;
	v21 =	vld [tilespmem:s0+$0xFFFFFFF0];
	v25 =	vadd.s32 v10, v28;
	v29 =	vshll.u32 v29, v3  }
0x8f: {  	s12 =	sadd.s32 $0x7, s11;
	v31 =	vshrl.u32 v30, $0x3;
	[tilespmem:v20+s28+$0x0] =	vst.idx.msk $0xffff, v26;
	v26 =	vld [tilespmem:s0+$0x0];
	v28 =	vadd.s32 v11, v24;
	v29 =	vbroadcast v29, $0x0  }
0x90: {  	s11 =	sadd.s32 $0x8, s11;
	v30 =	vmov s12;
	v24 =	vadd.s32 v12, v24;
	v31 =	vshll.u32 v31, v3;
	[tilespmem:v33+s28+$0x0] =	vst.idx.msk $0xffff, v32;
	v20 =	vld [tilespmem:s0+$0x10]  }
0x91: {  	_ =	sdelay $0x2  }
0x92: {  	v30 =	vshrl.u32 v30, $0x3;
	v54 =	vadd.s32 v13, v29;
	v31 =	vbroadcast v31, $0x0  }
0x93: {  	[tilespmem:v27+s28+$0x0] =	vst.idx.msk $0xffff, v22;
	v32 =	vmov s10;
	v55 =	vadd.s32 v14, v29;
	s11 =	sadd.s32 $0x1, s10;
	s12 =	sadd.s32 $0x2, s10;
	v30 =	vshll.u32 v30, v3  }
0x94: {  	v53 =	vld [tilespmem:s0+$0x20];
	s13 =	sadd.s32 $0x3, s10;
	s14 =	sadd.s32 $0x4, s10;
	[tilespmem:v23+s28+$0x0] =	vst.idx.msk $0xffff, v19;
	v56 =	vshrl.u32 v32, $0x3;
	v59 =	vmov s11;
	v35 =	vmov s12  }
0x95: {  	v19 =	vld [tilespmem:s0+$0x30];
	v40 =	vmov s13;
	v45 =	vmov s14;
	v30 =	vbroadcast v30, $0x0;
	[tilespmem:v25+s28+$0x0] =	vst.idx.msk $0xffff, v21  }
0x96: {  	v57 =	vld [tilespmem:s0+$0x40];
	v58 =	vadd.s32 v15, v31;
	v29 =	vshll.u32 v56, v3;
	v61 =	vadd.s32 v16, v31  }
0x97: {  	v60 =	vld [tilespmem:s0+$0x50];
	s0 =	sadd.s32 $0x100, s0;
	s12 =	sadd.s32 $0x5, s10;
	v62 =	vshrl.u32 v59, $0x3;
	[tilespmem:v28+s28+$0x0] =	vst.idx.msk $0xffff, v26;
	v29 =	vbroadcast v29, $0x0;
	v33 =	vadd.s32 v17, v30  }
0x98: {  	v63 =	vld [tilespmem:s0+$0x60];
	v50 =	vmov s12;
	[tilespmem:v24+s28+$0x0] =	vst.idx.msk $0xffff, v20;
	v20 =	vshll.u32 v62, v3;
	v30 =	vadd.s32 v18, v30  }
0x99: {  	v36 =	vld [tilespmem:s0+$0x70];
	v24 =	vshrl.u32 v35, $0x3;
	[tilespmem:v54+s28+$0x0] =	vst.idx.msk $0xffff, v53;
	v38 =	vadd.s32 v0, v29;
	v20 =	vbroadcast v20, $0x0  }
0x9a: {  	v37 =	vld [tilespmem:s0+$0xFFFFFF80];
	v39 =	vadd.s32 v4, v29;
	v24 =	vshll.u32 v24, v3;
	v29 =	vshrl.u32 v40, $0x3;
	[tilespmem:v55+s28+$0x0] =	vst.idx.msk $0xffff, v19  }
0x9b: {  	v19 =	vld [tilespmem:s0+$0xFFFFFF90];
	v24 =	vbroadcast v24, $0x0;
	v44 =	vshll.u32 v29, v3;
	v29 =	vshrl.u32 v45, $0x3;
	[tilespmem:v58+s28+$0x0] =	vst.idx.msk $0xffff, v57  }
0x9c: {  	v41 =	vld [tilespmem:s0+$0xFFFFFFA0];
	v42 =	vadd.s32 v5, v20;
	v20 =	vadd.s32 v6, v20;
	v28 =	vbroadcast v44, $0x0;
	[tilespmem:v61+s28+$0x0] =	vst.idx.msk $0xffff, v60  }
0x9d: {  	s13 =	sadd.s32 $0x6, s10;
	v43 =	vld [tilespmem:s0+$0xFFFFFFB0];
	v49 =	vshll.u32 v29, v3;
	v29 =	vshrl.u32 v50, $0x3;
	v47 =	vadd.s32 v7, v24;
	[tilespmem:v33+s28+$0x0] =	vst.idx.msk $0xffff, v63  }
0x9e: {  	v46 =	vld [tilespmem:s0+$0xFFFFFFC0];
	v55 =	vmov s13;
	v24 =	vadd.s32 v8, v24;
	v54 =	vshll.u32 v29, v3;
	[tilespmem:v30+s28+$0x0] =	vst.idx.msk $0xffff, v36  }
0x9f: {  	v48 =	vld [tilespmem:s0+$0xFFFFFFD0];
	v51 =	vadd.s32 v9, v28;
	v53 =	vadd.s32 v10, v28;
	v28 =	vbroadcast v54, $0x0;
	[tilespmem:v38+s28+$0x0] =	vst.idx.msk $0xffff, v37  }
0xa0: {  	v27 =	vbroadcast v49, $0x0;
	v29 =	vshrl.u32 v55, $0x3;
	[tilespmem:v39+s28+$0x0] =	vst.idx.msk $0xffff, v19;
	v19 =	vld [tilespmem:s0+$0xFFFFFFE0]  }
0xa1: {  	v58 =	vld [tilespmem:s0+$0x20];
	v29 =	vshll.u32 v29, v3;
	v59 =	vadd.s32 v13, v28;
	[tilespmem:v42+s28+$0x0] =	vst.idx.msk $0xffff, v41  }
0xa2: {  	v56 =	vadd.s32 v11, v27;
	v29 =	vbroadcast v29, $0x0;
	[tilespmem:v20+s28+$0x0] =	vst.idx.msk $0xffff, v43;
	v20 =	vld [tilespmem:s0+$0x0]  }
0xa3: {  	v52 =	vld [tilespmem:s0+$0xFFFFFFF0];
	[tilespmem:v47+s28+$0x0] =	vst.idx.msk $0xffff, v46  }
0xa4: {  	v61 =	vld [tilespmem:s0+$0x40];
	v62 =	vadd.s32 v15, v29;
	[tilespmem:v24+s28+$0x0] =	vst.idx.msk $0xffff, v48  }
0xa5: {  	v57 =	vld [tilespmem:s0+$0x10];
	v27 =	vadd.s32 v12, v27;
	[tilespmem:v51+s28+$0x0] =	vst.idx.msk $0xffff, v19  }
0xa6: {  	v60 =	vadd.s32 v14, v28;
	v19 =	vld [tilespmem:s0+$0x30];
	[tilespmem:v59+s28+$0x0] =	vst.idx.msk $0xffff, v58  }
0xa7: {  	v63 =	vadd.s32 v16, v29;
	[tilespmem:v56+s28+$0x0] =	vst.idx.msk $0xffff, v20;
	v20 =	vld [tilespmem:s0+$0x50]  }
0xa8: {  	[tilespmem:v53+s28+$0x0] =	vst.idx.msk $0xffff, v52  }
0xa9: {  	s14 =	sshll.u32 s5, $0x11;
	[tilespmem:v62+s28+$0x0] =	vst.idx.msk $0xffff, v61  }
0xaa: {  	s0 =	sadd.s32 s4, s14;
	[tilespmem:v27+s28+$0x0] =	vst.idx.msk $0xffff, v57  }
0xab: {  	s10 =	simm.s32 $0xE800;
	s0 =	sadd.s32 s6, s0;
	[tilespmem:v60+s28+$0x0] =	vst.idx.msk $0xffff, v19  }
0xac: {  	s11 =	simm.s32 $0x800;
	s12 =	simm.s32 $0xEA08;
	s13 =	sadd.s32 $0x0, s0;
	[tilespmem:v63+s28+$0x0] =	vst.idx.msk $0xffff, v20  }
.LBB2_9:
0xad: {  	[hbm4b:s13+s2] =	stream.linear.scatter [tilespmem:s10], [sflag:$0x4], $0x200, $0x38;
	[tilespmem:$0x16A00] =	vst v63  }
0xae: {  	s13 =	smov.u32 s11;
	s10 =	smov.u32 s12;
	p1 =	sne.s32 s11, $0xF800  }
.Ltmp3:
0xaf: {  	s11 =	sadd.s32 $0x800, s11;
	(pc) =	sbr.rel @p1 .LBB2_9-.Ltmp3, $2  }
0xb0: {  	_ =	sdelay $0x2  }
0xb1: {  	s12 =	sadd.s32 $0x208, s12;
	s13 =	sadd.s32 s13, s0  }
0xb2: {  	[hbm4b:s13+s2] =	stream.linear.scatter [tilespmem:s10], [sflag:$0x4], $0x200, $0x38;
	[tilespmem:$0x16A00] =	vst v63  }
0xb3: {  	_ =	swait.ge [sflag:s29], $0x1000  }
0xb4: {  	[sflag:s29] =	ssyncset.done $0x0  }
0xb5: {  	[sflag:s29] =	ssyncadd.s32 $0xFFFFF000  }
0xb6: {  	_ =	swait.ge [sflag:s29], $0x1000  }
0xb7: {  	[sflag:s29] =	ssyncset.done $0x0  }
0xb8: {  	[sflag:s29] =	ssyncadd.s32 $0xFFFFF000  }
0xb9: {  	p1 =	seq.s32 s5, $0x18;
	_ =	swait.ge [sflag:s29], $0x1000  }
.Ltmp4:
0xba: {  	[sflag:s29] =	ssyncset.done $0x0;
	(pc) =	sbr.rel @p1 .LBB2_14-.Ltmp4, $4  }
0xbb: {  	[sflag:s29] =	ssyncadd.s32 $0xFFFFF000  }
0xbc: {  	_ =	swait.ge [sflag:s29], $0x1000  }
0xbd: {  	[sflag:s29] =	ssyncset.done $0x0  }
0xbe: {  	[sflag:s29] =	ssyncadd.s32 $0xFFFFF000  }
0xbf: {  	s0 =	sadd.s32 $0xFFFFFCE0, s8  }
0xc0: {  	s11 =	sadd.s32 $0xFFFFEA20, s8;
	v20 =	vadd.s32 s0, v1  }
0xc1: {  	s10 =	sadd.s32 $0xFFFFED40, s8;
	v23 =	vadd.s32 s11, v1  }
0xc2: {  	s12 =	sadd.s32 $0xFFFFF380, s8;
	v21 =	vadd.s32 s10, v1  }
0xc3: {  	s13 =	sadd.s32 $0xFFFFF6A0, s8;
	v24 =	vadd.s32 s12, v1  }
0xc4: {  	s10 =	sadd.s32 $0xFFFFF060, s8;
	v25 =	vadd.s32 s13, v1  }
0xc5: {  	s14 =	sadd.s32 $0xFFFFF9C0, s8;
	v22 =	vadd.s32 s10, v1;
	v20 =	vld.idx.msk [tilespmem:v20+s2+$0x0], $0xffff  }
0xc6: {  	v26 =	vadd.s32 s14, v1;
	s11 =	sadd.s32 $0x1900, s8;
	v23 =	vld.idx.msk [tilespmem:v23+s2+$0x0], $0xffff  }
0xc7: {  	v28 =	vadd.s32 s11, v1;
	v21 =	vld.idx.msk [tilespmem:v21+s2+$0x0], $0xffff  }
0xc8: {  	v19 =	vadd.s32 s8, v1;
	s12 =	sadd.s32 $0xFFFFED40, s11;
	v31 =	vld.idx.msk [tilespmem:v24+s2+$0x0], $0xffff  }
0xc9: {  	s10 =	sadd.s32 $0xFFFFFCE0, s11;
	v30 =	vadd.s32 s12, v1;
	v33 =	vld.idx.msk [tilespmem:v25+s2+$0x0], $0xffff  }
0xca: {  	s0 =	simm.s32 $0x6440;
	s13 =	sadd.s32 $0xFFFFF060, s11;
	s14 =	sadd.s32 $0xFFFFF380, s11;
	v29 =	vadd.s32 s10, v1;
	v22 =	vld.idx.msk [tilespmem:v22+s2+$0x0], $0xffff  }
0xcb: {  	v32 =	vadd.s32 s13, v1;
	v27 =	vld.idx.msk [tilespmem:v26+s2+$0x0], $0xffff;
	[tilespmem:s0+$0xFFFFFFC0] =	vst v23;
	v23 =	vadd.s32 s14, v1;
	s14 =	sadd.s32 $0xFFFFEA20, s11  }
0xcc: {  	[tilespmem:s0+$0x20] =	vst v20;
	v20 =	vld.idx.msk [tilespmem:v28+s2+$0x0], $0xffff;
	v28 =	vadd.s32 s14, v1  }
0xcd: {  	s12 =	sadd.s32 $0xFFFFF6A0, s11;
	v19 =	vld.idx.msk [tilespmem:v19+s2+$0x0], $0xffff;
	[tilespmem:s0+$0xFFFFFFD0] =	vst v21  }
0xce: {  	s13 =	sadd.s32 $0xFFFFF9C0, s11;
	v24 =	vadd.s32 s12, v1;
	v25 =	vld.idx.msk [tilespmem:v30+s2+$0x0], $0xffff;
	[tilespmem:s0+$0xFFFFFFF0] =	vst v31  }
0xcf: {  	v21 =	vld.idx.msk [tilespmem:v29+s2+$0x0], $0xffff;
	[tilespmem:s0+$0xFFFFFFE0] =	vst v22;
	v22 =	vadd.s32 s13, v1  }
0xd0: {  	s10 =	simm.s32 $0x8;
	v26 =	vld.idx.msk [tilespmem:v32+s2+$0x0], $0xffff;
	s11 =	sadd.s32 $0x1900, s11;
	[tilespmem:s0+$0x0] =	vst v33  }
.LBB2_12:
0xd1: {  	s12 =	sadd.s32 $0xFFFFED40, s11;
	s13 =	sadd.s32 $0xFFFFFCE0, s11;
	v29 =	vadd.s32 s11, v1;
	s10 =	sadd.s32 $0x8, s10;
	v30 =	vld.idx.msk [tilespmem:v28+s2+$0x0], $0xffff;
	[tilespmem:s0+$0x10] =	vst v27  }
0xd2: {  	s14 =	sadd.s32 $0xFFFFF380, s11;
	v31 =	vadd.s32 s12, v1;
	s12 =	sadd.s32 $0xFFFFF060, s11;
	v32 =	vadd.s32 s13, v1;
	p1 =	slt.u32 s10, $0x18;
	v33 =	vld.idx.msk [tilespmem:v23+s2+$0x0], $0xffff;
	[tilespmem:s0+$0x30] =	vst v19  }
0xd3: {  	v23 =	vadd.s32 s14, v1;
	s13 =	sadd.s32 $0xFFFFF9C0, s11;
	s0 =	sadd.s32 $0x80, s0;
	v19 =	vmov v20;
	v34 =	vadd.s32 s12, v1;
	s12 =	sadd.s32 $0xFFFFF6A0, s11;
	v35 =	vld.idx.msk [tilespmem:v24+s2+$0x0], $0xffff  }
0xd4: {  	s14 =	sadd.s32 $0xFFFFEA20, s11;
	v24 =	vadd.s32 s12, v1;
	v27 =	vld.idx.msk [tilespmem:v22+s2+$0x0], $0xffff;
	v22 =	vadd.s32 s13, v1;
	[tilespmem:s0+$0x20] =	vst v21  }
.Ltmp5:
0xd5: {  	v28 =	vadd.s32 s14, v1;
	[tilespmem:s0+$0xFFFFFFD0] =	vst v25;
	(pc) =	sbr.rel @p1 .LBB2_12-.Ltmp5, $4  }
0xd6: {  	v20 =	vld.idx.msk [tilespmem:v29+s2+$0x0], $0xffff;
	[tilespmem:s0+$0xFFFFFFE0] =	vst v26  }
0xd7: {  	v21 =	vld.idx.msk [tilespmem:v32+s2+$0x0], $0xffff;
	[tilespmem:s0+$0xFFFFFFC0] =	vst v30  }
0xd8: {  	v25 =	vld.idx.msk [tilespmem:v31+s2+$0x0], $0xffff;
	[tilespmem:s0+$0xFFFFFFF0] =	vst v33  }
0xd9: {  	s11 =	sadd.s32 $0x1900, s11;
	v26 =	vld.idx.msk [tilespmem:v34+s2+$0x0], $0xffff;
	[tilespmem:s0+$0x0] =	vst v35  }
0xda: {  	_ =	sdelay $0x2  }
0xdb: {  	[tilespmem:s0+$0x10] =	vst v27  }
0xdc: {  	v28 =	vld.idx.msk [tilespmem:v28+s2+$0x0], $0xffff;
	[tilespmem:s0+$0x30] =	vst v19;
	s10 =	sadd.s32 $0x80, s0  }
0xdd: {  	v23 =	vld.idx.msk [tilespmem:v23+s2+$0x0], $0xffff;
	[tilespmem:s10+$0x30] =	vst v20  }
0xde: {  	v19 =	vld.idx.msk [tilespmem:v24+s2+$0x0], $0xffff;
	[tilespmem:s10+$0x20] =	vst v21  }
0xdf: {  	v63 =	vld.idx.msk [tilespmem:v22+s2+$0x0], $0xffff;
	[tilespmem:s10+$0xFFFFFFD0] =	vst v25  }
0xe0: {  	[tilespmem:s10+$0xFFFFFFE0] =	vst v26  }
0xe1: {  	[tilespmem:s10+$0xFFFFFFC0] =	vst v28  }
0xe2: {  	[tilespmem:s10+$0xFFFFFFF0] =	vst v23  }
0xe3: {  	[tilespmem:s10+$0x0] =	vst v19  }
0xe4: {  	s11 =	simm.s32 $0x6400;
	[tilespmem:s10+$0x10] =	vst v63;
	s10 =	simm.s32 $0x6800  }
0xe5: {  	[tilespmem:s10], [sflag:$0x2] =	stream.indirect.gather [hbm4b:s3+s9], $0x20, s11, s9, $0xb8;
	[tilespmem:$0x16A00] =	vst v63  }
0xe6: {  	s12 =	simm.s32 $0x6480;
	s13 =	simm.s32 $0x7800  }
0xe7: {  	[tilespmem:s13], [sflag:$0x2] =	stream.indirect.gather [hbm4b:s3+s9], $0x20, s12, s9, $0xb8;
	[tilespmem:$0x16A00] =	vst v63  }
.Ltmp6:
0xe8: {  	_ = 	snop;
	(pc) =	sbr.rel @p0 .LBB2_15-.Ltmp6, $4  }
0xe9: {  	s14 =	simm.s32 $0x6500  }
0xea: {  	[tilespmem:s15], [sflag:$0x2] =	stream.indirect.gather [hbm4b:s3+s9], $0x20, s14, s9, $0xb8;
	[tilespmem:$0x16A00] =	vst v63  }
0xeb: {  	_ = 	snop  }
0xec: {  	[tilespmem:s17], [sflag:$0x2] =	stream.indirect.gather [hbm4b:s3+s9], $0x20, s16, s9, $0xb8;
	[tilespmem:$0x16A00] =	vst v63  }
.LBB2_14:
0xed: {  	_ =	swait.ge [sflag:s30], $0x4000  }
0xee: {  	[sflag:s30] =	ssyncset.done $0x0  }
0xef: {  	[sflag:s30] =	ssyncadd.s32 $0xFFFFC000  }
.LBB2_15:
0xf0: {  	s0 =	simm.s32 $0x7  }
0xf1: {  	s13 =	simm.s32 $0x0;
	v19 =	vmov s0  }
0xf2: {  	v20 =	vmov s13;
	v19 =	vshrl.u32 v19, $0x3  }
0xf3: {  	v20 =	vshrl.u32 v20, $0x3;
	v19 =	vshll.u32 v19, v3  }
0xf4: {  	s10 =	simm.s32 $0x1;
	v20 =	vshll.u32 v20, v3;
	v19 =	vbroadcast v19, $0x0  }
0xf5: {  	s14 =	simm.s32 $0x2;
	s0 =	simm.s32 $0xA8F0;
	v21 =	vmov s10;
	v20 =	vbroadcast v20, $0x0  }
0xf6: {  	v24 =	vmov s14;
	v21 =	vshrl.u32 v21, $0x3;
	v22 =	vld [tilespmem:s0+$0xFFFFFFF0];
	v23 =	vadd.s32 v17, v19  }
0xf7: {  	v26 =	vld [tilespmem:s0+$0xFFFFFF10];
	v24 =	vshrl.u32 v24, $0x3;
	v21 =	vshll.u32 v21, v3;
	v27 =	vadd.s32 v0, v20  }
0xf8: {  	s11 =	simm.s32 $0x3;
	v25 =	vld [tilespmem:s0+$0x0];
	v24 =	vshll.u32 v24, v3;
	v21 =	vbroadcast v21, $0x0;
	v19 =	vadd.s32 v18, v19  }
0xf9: {  	v29 =	vmov s11;
	v28 =	vld [tilespmem:s0+$0xFFFFFF20];
	v24 =	vbroadcast v24, $0x0;
	v20 =	vadd.s32 v4, v20  }
0xfa: {  	s12 =	simm.s32 $0x4;
	v30 =	vld [tilespmem:s0+$0xFFFFFF30];
	v29 =	vshrl.u32 v29, $0x3;
	v31 =	vadd.s32 v5, v21;
	v33 =	vadd.s32 v6, v21  }
0xfb: {  	v34 =	vld [tilespmem:s0+$0xFFFFFF50];
	v21 =	vshll.u32 v29, v3;
	v29 =	vmov s12;
	v35 =	vadd.s32 v7, v24;
	[tilespmem:v23+s31+$0x0] =	vst.idx.msk $0xffff, v22  }
0xfc: {  	s13 =	simm.s32 $0x5;
	v32 =	vld [tilespmem:s0+$0xFFFFFF40];
	v36 =	vbroadcast v21, $0x0;
	v21 =	vshrl.u32 v29, $0x3;
	[tilespmem:v27+s31+$0x0] =	vst.idx.msk $0xffff, v26  }
0xfd: {  	v21 =	vshll.u32 v21, v3;
	v22 =	vld [tilespmem:s0+$0xFFFFFF60];
	v27 =	vadd.s32 v8, v24;
	v24 =	vmov s13;
	[tilespmem:v19+s31+$0x0] =	vst.idx.msk $0xffff, v25  }
0xfe: {  	s14 =	simm.s32 $0x6;
	v37 =	vbroadcast v21, $0x0;
	v23 =	vadd.s32 v9, v36;
	[tilespmem:v20+s31+$0x0] =	vst.idx.msk $0xffff, v28;
	v19 =	vld [tilespmem:s0+$0xFFFFFF70];
	v20 =	vshrl.u32 v24, $0x3  }
0xff: {  	v21 =	vld [tilespmem:s0+$0xFFFFFF80];
	[tilespmem:v31+s31+$0x0] =	vst.idx.msk $0xffff, v30;
	v25 =	vadd.s32 v10, v36;
	v24 =	vmov s14;
	v20 =	vshll.u32 v20, v3  }
0x100: {  	s11 =	simm.s32 $0xF;
	v26 =	vld [tilespmem:s0+$0xFFFFFF90];
	[tilespmem:v35+s31+$0x0] =	vst.idx.msk $0xffff, v34;
	v28 =	vadd.s32 v11, v37;
	v31 =	vshrl.u32 v24, $0x3;
	v29 =	vbroadcast v20, $0x0  }
0x101: {  	s10 =	simm.s32 $0x8;
	v30 =	vmov s11;
	s11 =	simm.s32 $0x10;
	[tilespmem:v33+s31+$0x0] =	vst.idx.msk $0xffff, v32;
	v24 =	vadd.s32 v12, v37;
	v20 =	vld [tilespmem:s0+$0xFFFFFFA0];
	v31 =	vshll.u32 v31, v3  }
.LBB2_16:
0x102: {  	p0 =	slt.u32 s11, $0x1F8;
	v30 =	vshrl.u32 v30, $0x3;
	[tilespmem:v27+s31+$0x0] =	vst.idx.msk $0xffff, v22;
	v22 =	vld [tilespmem:s0+$0xFFFFFFB0];
	v27 =	vadd.s32 v13, v29;
	v31 =	vbroadcast v31, $0x0  }
0x103: {  	v32 =	vmov s10;
	v30 =	vshll.u32 v30, v3;
	[tilespmem:v23+s31+$0x0] =	vst.idx.msk $0xffff, v19;
	v19 =	vld [tilespmem:s0+$0xFFFFFFC0];
	v23 =	vadd.s32 v14, v29  }
0x104: {  	s12 =	sadd.s32 $0x1, s10;
	v29 =	vshrl.u32 v32, $0x3;
	v30 =	vbroadcast v30, $0x0;
	[tilespmem:v25+s31+$0x0] =	vst.idx.msk $0xffff, v21;
	v21 =	vld [tilespmem:s0+$0xFFFFFFD0];
	v25 =	vadd.s32 v15, v31  }
0x105: {  	v32 =	vmov s12;
	v29 =	vshll.u32 v29, v3;
	[tilespmem:v28+s31+$0x0] =	vst.idx.msk $0xffff, v26;
	v26 =	vld [tilespmem:s0+$0xFFFFFFE0];
	v28 =	vadd.s32 v16, v31;
	s0 =	sadd.s32 $0x100, s0  }
0x106: {  	s12 =	sadd.s32 $0x2, s10;
	v29 =	vbroadcast v29, $0x0;
	v31 =	vshrl.u32 v32, $0x3;
	v32 =	vld [tilespmem:s0+$0xFFFFFFF0];
	v33 =	vadd.s32 v17, v30;
	[tilespmem:v24+s31+$0x0] =	vst.idx.msk $0xffff, v20  }
0x107: {  	v20 =	vshll.u32 v31, v3;
	v24 =	vmov s12;
	v30 =	vadd.s32 v18, v30;
	v31 =	vld [tilespmem:s0+$0x0];
	[tilespmem:v27+s31+$0x0] =	vst.idx.msk $0xffff, v22  }
0x108: {  	s12 =	sadd.s32 $0x3, s10;
	v27 =	vadd.s32 v0, v29;
	v20 =	vbroadcast v20, $0x0;
	v24 =	vshrl.u32 v24, $0x3;
	v22 =	vld [tilespmem:s0+$0xFFFFFF10];
	[tilespmem:v23+s31+$0x0] =	vst.idx.msk $0xffff, v19  }
0x109: {  	v23 =	vadd.s32 v4, v29;
	v24 =	vshll.u32 v24, v3;
	v29 =	vmov s12;
	v19 =	vld [tilespmem:s0+$0xFFFFFF20];
	[tilespmem:v25+s31+$0x0] =	vst.idx.msk $0xffff, v21  }
0x10a: {  	s12 =	sadd.s32 $0x4, s10;
	v25 =	vadd.s32 v5, v20;
	v24 =	vbroadcast v24, $0x0;
	v29 =	vshrl.u32 v29, $0x3;
	v21 =	vld [tilespmem:s0+$0xFFFFFF30];
	[tilespmem:v28+s31+$0x0] =	vst.idx.msk $0xffff, v26  }
0x10b: {  	v20 =	vadd.s32 v6, v20;
	v28 =	vshll.u32 v29, v3;
	v29 =	vmov s12;
	v26 =	vld [tilespmem:s0+$0xFFFFFF40];
	[tilespmem:v33+s31+$0x0] =	vst.idx.msk $0xffff, v32  }
0x10c: {  	s12 =	sadd.s32 $0x5, s10;
	v33 =	vadd.s32 v7, v24;
	v28 =	vbroadcast v28, $0x0;
	v29 =	vshrl.u32 v29, $0x3;
	v32 =	vld [tilespmem:s0+$0xFFFFFF50];
	[tilespmem:v30+s31+$0x0] =	vst.idx.msk $0xffff, v31  }
.Ltmp7:
0x10d: {  	[tilespmem:v27+s31+$0x0] =	vst.idx.msk $0xffff, v22;
	v22 =	vld [tilespmem:s0+$0xFFFFFF60];
	v27 =	vadd.s32 v8, v24;
	v24 =	vshll.u32 v29, v3;
	v29 =	vmov s12;
	(pc) =	sbr.rel @p0 .LBB2_16-.Ltmp7, $4  }
0x10e: {  	s12 =	sadd.s32 $0x6, s10;
	s10 =	smov.u32 s11;
	[tilespmem:v23+s31+$0x0] =	vst.idx.msk $0xffff, v19;
	v19 =	vld [tilespmem:s0+$0xFFFFFF70];
	v23 =	vadd.s32 v9, v28;
	v24 =	vbroadcast v24, $0x0;
	v29 =	vshrl.u32 v29, $0x3  }
0x10f: {  	v30 =	vmov s12;
	[tilespmem:v25+s31+$0x0] =	vst.idx.msk $0xffff, v21;
	v21 =	vld [tilespmem:s0+$0xFFFFFF80];
	v25 =	vadd.s32 v10, v28;
	v29 =	vshll.u32 v29, v3  }
0x110: {  	s12 =	sadd.s32 $0x7, s11;
	v31 =	vshrl.u32 v30, $0x3;
	[tilespmem:v20+s31+$0x0] =	vst.idx.msk $0xffff, v26;
	v26 =	vld [tilespmem:s0+$0xFFFFFF90];
	v28 =	vadd.s32 v11, v24;
	v29 =	vbroadcast v29, $0x0  }
0x111: {  	s11 =	sadd.s32 $0x8, s11;
	v30 =	vmov s12;
	v24 =	vadd.s32 v12, v24;
	v31 =	vshll.u32 v31, v3;
	[tilespmem:v33+s31+$0x0] =	vst.idx.msk $0xffff, v32;
	v20 =	vld [tilespmem:s0+$0xFFFFFFA0]  }
0x112: {  	_ =	sdelay $0x2  }
0x113: {  	v30 =	vshrl.u32 v30, $0x3;
	v54 =	vadd.s32 v13, v29;
	v31 =	vbroadcast v31, $0x0  }
0x114: {  	[tilespmem:v27+s31+$0x0] =	vst.idx.msk $0xffff, v22;
	v32 =	vmov s10;
	v55 =	vadd.s32 v14, v29;
	s11 =	sadd.s32 $0x1, s10;
	s12 =	sadd.s32 $0x2, s10;
	v30 =	vshll.u32 v30, v3  }
0x115: {  	v53 =	vld [tilespmem:s0+$0xFFFFFFB0];
	s13 =	sadd.s32 $0x3, s10;
	s14 =	sadd.s32 $0x4, s10;
	[tilespmem:v23+s31+$0x0] =	vst.idx.msk $0xffff, v19;
	v56 =	vshrl.u32 v32, $0x3;
	v59 =	vmov s11;
	v35 =	vmov s12  }
0x116: {  	v19 =	vld [tilespmem:s0+$0xFFFFFFC0];
	v40 =	vmov s13;
	v45 =	vmov s14;
	v30 =	vbroadcast v30, $0x0;
	[tilespmem:v25+s31+$0x0] =	vst.idx.msk $0xffff, v21  }
0x117: {  	v57 =	vld [tilespmem:s0+$0xFFFFFFD0];
	v58 =	vadd.s32 v15, v31;
	v29 =	vshll.u32 v56, v3;
	v61 =	vadd.s32 v16, v31  }
0x118: {  	v60 =	vld [tilespmem:s0+$0xFFFFFFE0];
	s0 =	sadd.s32 $0x100, s0;
	s12 =	sadd.s32 $0x5, s10;
	v62 =	vshrl.u32 v59, $0x3;
	[tilespmem:v28+s31+$0x0] =	vst.idx.msk $0xffff, v26;
	v29 =	vbroadcast v29, $0x0;
	v33 =	vadd.s32 v17, v30  }
0x119: {  	v63 =	vld [tilespmem:s0+$0xFFFFFFF0];
	v50 =	vmov s12;
	[tilespmem:v24+s31+$0x0] =	vst.idx.msk $0xffff, v20;
	v20 =	vshll.u32 v62, v3;
	v30 =	vadd.s32 v18, v30  }
0x11a: {  	v36 =	vld [tilespmem:s0+$0x0];
	v24 =	vshrl.u32 v35, $0x3;
	[tilespmem:v54+s31+$0x0] =	vst.idx.msk $0xffff, v53;
	v38 =	vadd.s32 v0, v29;
	v20 =	vbroadcast v20, $0x0  }
0x11b: {  	v37 =	vld [tilespmem:s0+$0xFFFFFF10];
	v39 =	vadd.s32 v4, v29;
	v24 =	vshll.u32 v24, v3;
	v29 =	vshrl.u32 v40, $0x3;
	[tilespmem:v55+s31+$0x0] =	vst.idx.msk $0xffff, v19  }
0x11c: {  	v19 =	vld [tilespmem:s0+$0xFFFFFF20];
	v24 =	vbroadcast v24, $0x0;
	v44 =	vshll.u32 v29, v3;
	v29 =	vshrl.u32 v45, $0x3;
	[tilespmem:v58+s31+$0x0] =	vst.idx.msk $0xffff, v57  }
0x11d: {  	v41 =	vld [tilespmem:s0+$0xFFFFFF30];
	v42 =	vadd.s32 v5, v20;
	v20 =	vadd.s32 v6, v20;
	v28 =	vbroadcast v44, $0x0;
	[tilespmem:v61+s31+$0x0] =	vst.idx.msk $0xffff, v60  }
0x11e: {  	s13 =	sadd.s32 $0x6, s10;
	v43 =	vld [tilespmem:s0+$0xFFFFFF40];
	v49 =	vshll.u32 v29, v3;
	v29 =	vshrl.u32 v50, $0x3;
	v47 =	vadd.s32 v7, v24;
	[tilespmem:v33+s31+$0x0] =	vst.idx.msk $0xffff, v63  }
0x11f: {  	v46 =	vld [tilespmem:s0+$0xFFFFFF50];
	v55 =	vmov s13;
	v24 =	vadd.s32 v8, v24;
	v54 =	vshll.u32 v29, v3;
	[tilespmem:v30+s31+$0x0] =	vst.idx.msk $0xffff, v36  }
0x120: {  	v48 =	vld [tilespmem:s0+$0xFFFFFF60];
	v51 =	vadd.s32 v9, v28;
	v53 =	vadd.s32 v10, v28;
	v28 =	vbroadcast v54, $0x0;
	[tilespmem:v38+s31+$0x0] =	vst.idx.msk $0xffff, v37  }
0x121: {  	v27 =	vbroadcast v49, $0x0;
	v29 =	vshrl.u32 v55, $0x3;
	[tilespmem:v39+s31+$0x0] =	vst.idx.msk $0xffff, v19;
	v19 =	vld [tilespmem:s0+$0xFFFFFF70]  }
0x122: {  	v58 =	vld [tilespmem:s0+$0xFFFFFFB0];
	v29 =	vshll.u32 v29, v3;
	v59 =	vadd.s32 v13, v28;
	[tilespmem:v42+s31+$0x0] =	vst.idx.msk $0xffff, v41  }
0x123: {  	v56 =	vadd.s32 v11, v27;
	v29 =	vbroadcast v29, $0x0;
	[tilespmem:v20+s31+$0x0] =	vst.idx.msk $0xffff, v43;
	v20 =	vld [tilespmem:s0+$0xFFFFFF90]  }
0x124: {  	v52 =	vld [tilespmem:s0+$0xFFFFFF80];
	[tilespmem:v47+s31+$0x0] =	vst.idx.msk $0xffff, v46  }
0x125: {  	v61 =	vld [tilespmem:s0+$0xFFFFFFD0];
	v62 =	vadd.s32 v15, v29;
	[tilespmem:v24+s31+$0x0] =	vst.idx.msk $0xffff, v48  }
0x126: {  	v57 =	vld [tilespmem:s0+$0xFFFFFFA0];
	v27 =	vadd.s32 v12, v27;
	[tilespmem:v51+s31+$0x0] =	vst.idx.msk $0xffff, v19  }
0x127: {  	v60 =	vadd.s32 v14, v28;
	v19 =	vld [tilespmem:s0+$0xFFFFFFC0];
	[tilespmem:v59+s31+$0x0] =	vst.idx.msk $0xffff, v58  }
0x128: {  	v63 =	vadd.s32 v16, v29;
	[tilespmem:v56+s31+$0x0] =	vst.idx.msk $0xffff, v20;
	v20 =	vld [tilespmem:s0+$0xFFFFFFE0]  }
0x129: {  	[tilespmem:v53+s31+$0x0] =	vst.idx.msk $0xffff, v52  }
0x12a: {  	s14 =	sshll.u32 s1, $0x10;
	[tilespmem:v62+s31+$0x0] =	vst.idx.msk $0xffff, v61  }
0x12b: {  	s0 =	sadd.s32 s4, s14;
	[tilespmem:v27+s31+$0x0] =	vst.idx.msk $0xffff, v57  }
0x12c: {  	s1 =	simm.s32 $0x12900;
	s0 =	sadd.s32 s6, s0;
	[tilespmem:v60+s31+$0x0] =	vst.idx.msk $0xffff, v19  }
0x12d: {  	s10 =	simm.s32 $0x800;
	s11 =	simm.s32 $0x12B08;
	s12 =	sadd.s32 $0x0, s0;
	[tilespmem:v63+s31+$0x0] =	vst.idx.msk $0xffff, v20  }
.LBB2_18:
0x12e: {  	[hbm4b:s12+s2] =	stream.linear.scatter [tilespmem:s1], [sflag:$0x5], $0x200, $0x38;
	[tilespmem:$0x16A00] =	vst v63  }
0x12f: {  	s12 =	smov.u32 s10;
	s1 =	smov.u32 s11;
	p0 =	sne.s32 s10, $0xF800  }
.Ltmp8:
0x130: {  	s10 =	sadd.s32 $0x800, s10;
	(pc) =	sbr.rel @p0 .LBB2_18-.Ltmp8, $2  }
0x131: {  	_ =	sdelay $0x2  }
0x132: {  	s11 =	sadd.s32 $0x208, s11;
	s12 =	sadd.s32 s12, s0  }
0x133: {  	s5 =	sadd.s32 $0x1, s5  }
0x134: {  	p0 =	sne.s32 s5, $0x19  }
.Ltmp9:
0x135: {  	_ = 	snop;
	(pc) =	sbr.rel @p0 .LBB2_4-.Ltmp9, $3  }
0x136: {  	_ =	sdelay $0x1  }
0x137: {  	[hbm4b:s12+s2] =	stream.linear.scatter [tilespmem:s1], [sflag:$0x5], $0x200, $0x38;
	[tilespmem:$0x16A00] =	vst v63  }
0x138: {  	s7 =	sadd.s32 $0x2, s7;
	s8 =	sadd.s32 $0x2, s8  }
0x139: {  	s0 =	simm.s32 $0x4  }
0x13a: {  	_ =	swait.ge [sflag:s0], $0x4000  }
0x13b: {  	[sflag:s0] =	ssyncset.done $0x0  }
0x13c: {  	[sflag:s0] =	ssyncadd.s32 $0xFFFFC000  }
0x13d: {  	_ =	swait.ge [sflag:s30], $0x4000  }
0x13e: {  	s1 =	rddreg [dreg:$0x4]  }
0x13f: {  	s14 =	rddreg [dreg:$0x3];
	s1 =	sadd.s32 $0x1, s1  }
0x140: {  	p0 =	sne.s32 s1, s14  }
.Ltmp10:
0x141: {  	_ = 	snop;
	(pc) =	sbr.rel @p0 .LBB2_1-.Ltmp10, $3  }
0x142: {  	_ =	sdelay $0x1  }
0x143: {  	[sflag:s30] =	ssyncset.done $0x0  }
0x144: {  	[sflag:s30] =	ssyncadd.s32 $0xFFFFC000  }
0x145: {  	_ =	sfence.sel $0x180000  }
0x146: {  	[bflag:$0x0] =	sbarrier.arrive $0xFFFF  }
0x147: {  	_ =	strace $0x90000047  }
0x148: {  	s0 =	stileid.u32;
	[bflag:$0x2] =	sbarrier.arrive $0xFFFF  }
0x149: {  	p0 =	sne.s32 s0, $0x0;
	s0 =	rddreg [dreg:$0x1]  }
0x14a: {  	s0 =	sadd.s32 @!p0 $0x100000, s0  }
0x14b: {  	[sflag:s0] =	ssyncadd.tile.s32 @!p0 $0x1;
	_ =	shalt  }
.Lfunc_end2:
_tile_overlayer_lowered:
.L_overlay_start_2:
0x14c: {  	(tag) =	ssettag $0x2  }
0x14d: {  	s0 =	rddreg [dreg:$0x0];
	s2 =	stileid.u32  }
0x14e: {  	s1 =	rddreg [dreg:$0x1];
	p0 =	sne.s32 s2, $0x0  }
0x14f: {  	s3 =	rddreg [dreg:$0x2];
	[bflag:$0x3] =	sbarrier.arrive $0xFFFF;
	s2 =	simm.s32 @!p0 $0x1C06  }
0x150: {  	[timem:s3], [sflag:s2] =	dma.local @!p0 [hbm:s0], s1  }
0x151: {  	s0 =	simm.s32 @!p0 $0x6  }
0x152: {  	_ =	swait.ge @!p0 [sflag:s0], s1  }
0x153: {  	s1 =	ssub.s32 @!p0 $0x0, s1;
	[sflag:s0] =	ssyncset.done @!p0 $0x0  }
0x154: {  	[sflag:s0] =	ssyncadd.s32 @!p0 s1  }
0x155: {  	[bflag:$0x3] =	sbarrier.arrive $0xFFFF  }
0x156: {  	_ =	shalt  }

// kernel: kernel.7.cloned.1.call-start
scs
__scs_entry_jumppad:
0x0: {  	(pc) =	sbr.rel $0x88, $3  }
0x1: {  	(tag) =	ssettag $0x0;
	lr =	simm.s32 $0x1  }
0x2: {  	[smem:$0x3F9F] =	sst lr;
	_ =	strace $0xD0000000  }
0x3: {  	_ = 	snop  }
0x4: {  	_ = 	snop  }
0x5: {  	_ = 	snop  }
0x6: {  	_ = 	snop  }
0x7: {  	_ = 	snop  }
__scs_overlays_trampoline_lowered:
0x8: {  	[smem:$0x3FAE] =	sst s0  }
0x9: {  	[smem:$0x3FAF] =	sst s1  }
0xa: {  	[smem:$0x3FB0] =	sst s2  }
0xb: {  	[smem:$0x3FB1] =	sst s3  }
0xc: {  	[smem:$0x3FB2] =	sst s4  }
0xd: {  	[smem:$0x3FB3] =	sst s5  }
0xe: {  	[smem:$0x3FB4] =	sst s6  }
0xf: {  	[smem:$0x3FB5] =	sst s7  }
0x10: {  	[smem:$0x3FB6] =	sst s8  }
0x11: {  	[smem:$0x3FB7] =	sst s9;
	s0 =	simm.s32 @!p0 $0x0  }
0x12: {  	s1 =	sld [smem:$0x3F9D];
	s0 =	simm.s32 @p0 $0x1  }
0x13: {  	[smem:$0x3FB8] =	sst s0;
	s0 =	simm.s32 @!p1 $0x0  }
0x14: {  	s2 =	sld [smem:$0x3F9C];
	s0 =	simm.s32 @p1 $0x1  }
0x15: {  	[smem:$0x3FB9] =	sst s0;
	s0 =	simm.s32 @!p2 $0x0  }
0x16: {  	s3 =	sld [smem:$0x3FDB];
	s0 =	simm.s32 @p2 $0x1  }
0x17: {  	s4 =	simm.s32 $0x1BF5;
	[smem:$0x3FBB] =	sst s0  }
0x18: {  	s0 =	sld [smem:$0x3F9E];
	_ =	swait.ge [sflag:s4], $0x0  }
0x19: {  	s7 =	sld [smem:$0x3F9F]  }
0x1a: {  	s8 =	sadd.s32 $0xFFFFE003, lr  }
0x1b: {  	s9 =	sadd.s32 $0xFFFFFEF7, lr;
	s5 =	simm.s32 $0xFFFFFFFF;
	p2 =	slt.u32 s8, $0xFFFFF086  }
0x1c: {  	p1 =	slt.u32 s9, $0xF7A;
	s5 =	simm.s32 @!p2 $0x0  }
0x1d: {  	s5 =	simm.s32 @p1 $0x1;
	p0 =	seq.s32 s7, s2  }
0x1e: {  	s7 =	smul.u32 @!p0 $0xF7A, s2;
	p2 =	seq.s32 @!p0 s5, $0x0  }
0x1f: {  	s9 =	smul.u32 $0xF7A, s1;
	s8 =	simm.s32 @!p0 $0x1BF5;
	p2 =	por !p2, p0  }
0x20: {  	[sflag:s8] =	ssyncset.s32 @!p0 $0xFFFFF086;
	s6 =	sadd.s32 @!p0 s3, s7;
	s7 =	simm.s32 @!p0 $0x108  }
0x21: {  	s3 =	sadd.s32 s3, s9;
	s6 =	sadd.s32 @!p0 $0x88, s6;
	s7 =	simm.s32 @p2 $0x1082  }
0x22: {  	[simem:s7], [sflag:s8] =	dma.local @!p0 [hbm:s6], $0xF7A  }
0x23: {  	s9 =	sor.u32 $0xD0000000, s2;
	s6 =	simm.s32 $0x108;
	_ =	swait.ge @!p0 [sflag:s8], $0x0  }
0x24: {  	s3 =	sadd.s32 $0x88, s3;
	s6 =	simm.s32 @!p1 $0x1082;
	[sflag:s4] =	ssyncset.s32 $0xFFFFF086  }
0x25: {  	[simem:s6], [sflag:s4] =	dma.local [hbm:s3], $0xF7A  }
0x26: {  	[smem:$0x3F9F] =	sst s1;
	(tag) =	ssettag s2;
	_ =	strace s9  }
0x27: {  	s1 =	sld [smem:$0x3FAF]  }
0x28: {  	s2 =	sld [smem:$0x3FB0]  }
0x29: {  	s4 =	sld [smem:$0x3FB2]  }
0x2a: {  	p0 =	seq.s32 s5, $0x0;
	s5 =	sld [smem:$0x3FB3]  }
0x2b: {  	s6 =	sld [smem:$0x3FB4]  }
0x2c: {  	s7 =	sld [smem:$0x3FB5]  }
0x2d: {  	s3 =	simm.s32 $0x108;
	s8 =	sld [smem:$0x3FB6]  }
0x2e: {  	s3 =	simm.s32 @!p0 $0x1082;
	s9 =	sld [smem:$0x3FB7]  }
0x2f: {  	lr =	sadd.s32 s0, s3;
	s0 =	sld [smem:$0x3FAE]  }
0x30: {  	s3 =	sld [smem:$0x3FB1]  }
0x31: {  	[smem:$0x3FBA] =	sst s10  }
0x32: {  	s10 =	sld [smem:$0x3FB8];
	_ =	sdelay $0x3  }
0x33: {  	p0 =	seq.s32 s10, $0x1;
	s10 =	sld [smem:$0x3FBA];
	_ =	sdelay $0x3  }
0x34: {  	[smem:$0x3FBA] =	sst s10  }
0x35: {  	s10 =	sld [smem:$0x3FB9];
	_ =	sdelay $0x3  }
0x36: {  	p1 =	seq.s32 s10, $0x1;
	s10 =	sld [smem:$0x3FBA];
	_ =	sdelay $0x3  }
0x37: {  	[smem:$0x3FBA] =	sst s10  }
0x38: {  	s10 =	sld [smem:$0x3FBB]  }
0x39: {  	_ = 	snop;
	(pc) =	sbr.ind lr, $3  }
0x3a: {  	_ = 	snop  }
0x3b: {  	_ = 	snop  }
0x3c: {  	p2 =	seq.s32 s10, $0x1;
	s10 =	sld [smem:$0x3FBA]  }
0x3d: {  	_ =	shalt  }
0x3e: {  	_ =	shalt  }
0x3f: {  	_ =	shalt  }
0x40: {  	_ =	shalt  }
0x41: {  	_ =	shalt  }
0x42: {  	_ =	shalt  }
0x43: {  	_ =	shalt  }
0x44: {  	_ =	shalt  }
0x45: {  	_ =	shalt  }
0x46: {  	_ =	shalt  }
0x47: {  	_ =	shalt  }
0x48: {  	_ =	shalt  }
0x49: {  	_ =	shalt  }
0x4a: {  	_ =	shalt  }
0x4b: {  	_ =	shalt  }
0x4c: {  	_ =	shalt  }
0x4d: {  	_ =	shalt  }
0x4e: {  	_ =	shalt  }
0x4f: {  	_ =	shalt  }
0x50: {  	_ =	shalt  }
0x51: {  	_ =	shalt  }
0x52: {  	_ =	shalt  }
0x53: {  	_ =	shalt  }
0x54: {  	_ =	shalt  }
0x55: {  	_ =	shalt  }
0x56: {  	_ =	shalt  }
0x57: {  	_ =	shalt  }
0x58: {  	_ =	shalt  }
0x59: {  	_ =	shalt  }
0x5a: {  	_ =	shalt  }
0x5b: {  	_ =	shalt  }
0x5c: {  	_ =	shalt  }
0x5d: {  	_ =	shalt  }
0x5e: {  	_ =	shalt  }
0x5f: {  	_ =	shalt  }
0x60: {  	_ =	shalt  }
0x61: {  	_ =	shalt  }
0x62: {  	_ =	shalt  }
0x63: {  	_ =	shalt  }
0x64: {  	_ =	shalt  }
0x65: {  	_ =	shalt  }
0x66: {  	_ =	shalt  }
0x67: {  	_ =	shalt  }
0x68: {  	_ =	shalt  }
0x69: {  	_ =	shalt  }
0x6a: {  	_ =	shalt  }
0x6b: {  	_ =	shalt  }
0x6c: {  	_ =	shalt  }
0x6d: {  	_ =	shalt  }
0x6e: {  	_ =	shalt  }
0x6f: {  	_ =	shalt  }
0x70: {  	_ =	shalt  }
0x71: {  	_ =	shalt  }
0x72: {  	_ =	shalt  }
0x73: {  	_ =	shalt  }
0x74: {  	_ =	shalt  }
0x75: {  	_ =	shalt  }
0x76: {  	_ =	shalt  }
0x77: {  	_ =	shalt  }
0x78: {  	_ =	shalt  }
0x79: {  	_ =	shalt  }
0x7a: {  	_ =	shalt  }
0x7b: {  	_ =	shalt  }
0x7c: {  	_ =	shalt  }
0x7d: {  	_ =	shalt  }
0x7e: {  	_ =	shalt  }
0x7f: {  	_ =	shalt  }
0x80: {  	_ =	shalt  }
0x81: {  	_ =	shalt  }
0x82: {  	_ =	shalt  }
0x83: {  	_ =	shalt  }
0x84: {  	_ =	shalt  }
0x85: {  	_ =	shalt  }
0x86: {  	_ =	shalt  }
0x87: {  	_ =	shalt  }
.Lfunc_end0:
.L_simem_size_0:
called_computation.1_lowered:
.L_overlay_start_0:
0x88: {  	s2 =	sld [smem:$0x3FD9]  }
0x89: {  	s3 =	sld [smem:$0x3FFE];
	_ =	sdelay $0x1  }
0x8a: {  	s1 =	srdreg.scid  }
0x8b: {  	s0 =	sand.u32 $0x1, s1  }
0x8c: {  	s17 =	sshll.u32 s0, $0xA;
	s2 =	sadd.s32 s3, s2  }
0x8d: {  	s2 =	sadd.s32 s2, s17  }
0x8e: {  	[smem:$0x3FC6] =	sst s2  }
0x8f: {  	_ = 	snop  }
0x90: {  	s2 =	sld [smem:$0x3FD0];
	(tm) =	ssettm $0x1  }
0x91: {  	s18 =	sld [smem:$0x3FFB];
	_ =	sdelay $0x3  }
0x92: {  	_ =	strace s18  }
0x93: {  	s3 =	sld [smem:$0x3FFC];
	_ =	sdelay $0x3  }
0x94: {  	_ =	strace s3  }
0x95: {  	s3 =	sld [smem:$0x3FFD];
	_ =	sdelay $0x3  }
0x96: {  	_ =	strace s3  }
0x97: {  	_ =	strace $0x8FFFFFFF  }
0x98: {  	s19 =	sld [smem:$0x3FDB];
	_ =	sdelay $0x1  }
0x99: {  	s4 =	simm.s32 $_scs_section_size  }
0x9a: {  	s5 =	simm.s32 $_size__tile_overlayer_lowered;
	s6 =	simm.s32 $_tile_overlayer_lowered  }
0x9b: {  	s22 =	simm.s32 $0x1BFF;
	s21 =	sshll.u32 s6, $0x1;
	s3 =	sadd.s32 s4, s19  }
0x9c: {  	s7 =	simm.s32 $0x0;
	s20 =	sshll.u32 s5, $0x1;
	s5 =	sadd.s32 s21, s3  }
0x9d: {  	[timem:s7], [sflag:s22] =	dma.local [hbm:s5], s20  }
0x9e: {  	_ =	swait.ge [sflag:s22], s20  }
0x9f: {  	s4 =	ssub.s32 $0x0, s20;
	[sflag:s22] =	ssyncset.done $0x0  }
0xa0: {  	[sflag:s22] =	ssyncadd.s32 s4;
	_ =	sdelay $0x1  }
0xa1: {  	s23 =	simm.s32 $0x1B8B  }
0xa2: {  	_ =	swait.ge [sflag:s23], $0x1  }
0xa3: {  	[sflag:s23] =	ssyncset.done $0x0  }
0xa4: {  	s25 =	simm.s32 $0x1B8E;
	s24 =	sld [smem:$0x3FFE];
	[sflag:s23] =	ssyncadd.s32 $0xFFFFFFFF  }
0xa5: {  	s26 =	simm.s32 $execute0_lowered;
	[smem:$0x3FD2] =	sst s25  }
0xa6: {  	s5 =	sshll.u32 s26, $0x1;
	_ =	strace $0x80000049;
	[dreg:$0x1] =	wrdreg $0xFFFFFFFF  }
0xa7: {  	s28 =	simm.s32 $_size_execute0_lowered;
	s3 =	sadd.s32 s3, s5;
	[dreg:$0x0] =	wrdreg $0x0  }
0xa8: {  	s5 =	sshll.u32 s28, $0x1;
	[dreg:$0x2] =	wrdreg s3  }
0xa9: {  	[dreg:$0x3] =	wrdreg s5  }
0xaa: {  	[dreg:$0x4] =	wrdreg $0xC0  }
0xab: {  	_ =	task [dreg:s7], $0x5FFFF  }
0xac: {  	[dreg:$0x1] =	wrdreg $0xFFFFFFFF  }
0xad: {  	[dreg:$0x0] =	wrdreg $0x60  }
0xae: {  	[dreg:$0x2] =	wrdreg s24  }
0xaf: {  	[dreg:$0x3] =	wrdreg s2  }
0xb0: {  	[dreg:$0x4] =	wrdreg $0x9  }
0xb1: {  	_ =	task.clear_ibuf [dreg:s7], $0x5FFFF;
	_ =	strace $0x90000049  }
0xb2: {  	s29 =	simm.s32 $0x9;
	_ =	strace $0x8000004B  }
0xb3: {  	_ =	swait.ge [sflag:s29], $0x1  }
0xb4: {  	[sflag:s29] =	ssyncadd.s32 $0xFFFFFFFF  }
0xb5: {  	_ =	strace $0x9000004B  }
0xb6: {  	_ =	sfence  }
0xb7: {  	s30 =	sld [smem:$0x0];
	_ =	sdelay $0x2  }
0xb8: {  	s31 =	sshll.u32 s1, $0xD;
	s1 =	sshrl.u32 s1, $0x2  }
0xb9: {  	s3 =	sand.u32 $0x4000, s31;
	s1 =	sadd.s32 s1, s30  }
0xba: {  	s0 =	sor.u32 s3, s0;
	s1 =	sshll.u32 s1, $0x11  }
0xbb: {  	s0 =	sor.u32 s1, s0  }
0xbc: {  	s0 =	sadd.s32 $0x8F2B, s0  }
0xbd: {  	[sflag:s0] =	ssyncadd.remote.s32 $0x1  }
0xbe: {  	_ =	sfence.sel $0xFFFF  }
0xbf: {  	[dreg:$0x0] =	wrdreg $0xFFFFFFFF;
	(pc) =	sbr.abs _section_cstart, $3  }
0xc0: {  	[dreg:$0x1] =	wrdreg $0xFFFFFFFF  }
0xc1: {  	_ =	task.clear_ibuf [dreg:s7], $0x2FFFF;
	_ =	strace $0x9FFFFFFF  }
0xc2: {  	(tm) =	ssettm $0x7FFFFFFF  }
0xc3: {  	_ =	shalt  }
tec
execute0_lowered:
.L_overlay_start_1:
0x0: {  	(tag) =	ssettag $0x1  }
0x1: {  	s1 =	srdreg.scid;
	s5 =	rddreg [dreg:$0x0]  }
0x2: {  	s0 =	stileid.u32;
	s2 =	rddreg [dreg:$0x1]  }
0x3: {  	s4 =	simm.s32 $0x0;
	s15 =	simm.s32 $0x1;
	s16 =	simm.s32 $0x2  }
0x4: {  	s17 =	simm.s32 $0x3;
	s6 =	sand.u32 $0x1, s1;
	s26 =	sshll.u32 s0, $0x1  }
0x5: {  	s18 =	simm.s32 $0x8000;
	s19 =	simm.s32 $0x4;
	s7 =	sor.u32 s6, s26  }
0x6: {  	s20 =	simm.s32 $0x0;
	s1 =	rddreg [dreg:$0x2];
	s3 =	smul.u32 $0x19, s7  }
0x7: {  	[smem:$0x7FF] =	sst s4;
	s5 =	sadd.s32 $0x7C400, s5;
	s6 =	ssub.s32 $0x2, s6  }
0x8: {  	s7 =	smul.u32 $0xC8000, s7;
	s28 =	sshrl.u32 s6, $0x1;
	s8 =	sand.u32 $0xF, s3  }
0x9: {  	_ =	strace $0x8000004A;
	s14 =	ssub.s32 s6, s28;
	s9 =	sshll.u32 s8, $0xC  }
0xa: {  	s11 =	sshll.u32 s8, $0xF;
	s10 =	sor.u32 s7, s9;
	s7 =	sand.u32 $0x1F80000, s7  }
0xb: {  	s8 =	sand.u32 $0x60000, s11;
	s10 =	sand.u32 $0x1F83000, s10;
	s13 =	sor.u32 s7, s9  }
0xc: {  	s14 =	smax.u32 s14, $0x1;
	s12 =	sor.u32 s8, s10;
	s8 =	sor.u32 s8, s13  }
0xd: {  	s31 =	sor.u32 s11, s10;
	s11 =	sor.u32 s11, s13;
	s29 =	sshrl.u32 s12, $0x3  }
.Ltmp0:
0xe: {  	s30 =	sshrl.u32 s8, $0x3;
	s12 =	sshrl.u32 s31, $0x3;
	(pc) =	sbr.rel .LBB2_1-.Ltmp0, $4  }
0xf: {  	s13 =	sshrl.u32 s11, $0x3;
	s6 =	sadd.s32 s5, s29;
	s9 =	sor.u32 $0x1800, s30  }
0x10: {  	s12 =	sor.u32 $0x3000, s12;
	s13 =	sor.u32 $0x3800, s13;
	s7 =	sadd.s32 $0x800, s6  }
0x11: {  	s8 =	sadd.s32 $0x1000, s6;
	s9 =	sadd.s32 s5, s9;
	s10 =	sadd.s32 $0x2000, s6  }
0x12: {  	s11 =	sadd.s32 $0x2800, s6;
	s12 =	sadd.s32 s5, s12;
	s13 =	sadd.s32 s5, s13  }
.LBB2_55:
0x13: {  	s20 =	sadd.s32 $0x1, s20  }
0x14: {  	_ =	swait.ge [sflag:s17], $0x8000;
	p0 =	sne.s32 s20, s14  }
.Ltmp1:
0x15: {  	[sflag:s17] =	ssyncset.done $0x0;
	(pc) =	sbr.rel @!p0 .LBB2_56-.Ltmp1, $4  }
0x16: {  	[sflag:s17] =	ssyncadd.s32 $0xFFFF8000  }
0x17: {  	_ =	swait.ge [sflag:s19], $0x8000  }
0x18: {  	[sflag:s19] =	ssyncset.done $0x0  }
0x19: {  	[sflag:s19] =	ssyncadd.s32 $0xFFFF8000  }
.LBB2_1:
0x1a: {  	s21 =	simm.s32 $0x10  }
0x1b: {  	s24 =	sadd.s32 $0x0, s6;
	s22 =	simm.s32 $0x400;
	s23 =	simm.s32 $0x0  }
.LBB2_2:
0x1c: {  	[tilespmem:s23], [sflag:$0x1] =	stream.linear.gather [hbm4b:s24+s4], $0x80, $0x38;
	[tilespmem:$0x10000] =	vst v63  }
0x1d: {  	s24 =	smov.u32 s21;
	s23 =	smov.u32 s22;
	p0 =	sne.s32 s21, $0x1F0  }
.Ltmp2:
0x1e: {  	s21 =	sadd.s32 $0x10, s21;
	(pc) =	sbr.rel @p0 .LBB2_2-.Ltmp2, $2  }
0x1f: {  	_ =	sdelay $0x2  }
0x20: {  	s22 =	sadd.s32 $0x400, s22;
	s24 =	sadd.s32 s24, s6  }
0x21: {  	[tilespmem:s23], [sflag:$0x1] =	stream.linear.gather [hbm4b:s24+s4], $0x80, $0x38;
	[tilespmem:$0x10000] =	vst v63  }
0x22: {  	s21 =	simm.s32 $0x80  }
0x23: {  	s22 =	simm.s32 $0x10;
	s24 =	sadd.s32 $0x0, s7;
	s23 =	simm.s32 $0x480  }
.LBB2_4:
0x24: {  	[tilespmem:s21], [sflag:$0x1] =	stream.linear.gather [hbm4b:s24+s4], $0x80, $0x38;
	[tilespmem:$0x10000] =	vst v63  }
0x25: {  	s24 =	smov.u32 s22;
	s21 =	smov.u32 s23;
	p0 =	sne.s32 s22, $0x1F0  }
.Ltmp3:
0x26: {  	s22 =	sadd.s32 $0x10, s22;
	(pc) =	sbr.rel @p0 .LBB2_4-.Ltmp3, $2  }
0x27: {  	_ =	sdelay $0x2  }
0x28: {  	s23 =	sadd.s32 $0x400, s23;
	s24 =	sadd.s32 s24, s7  }
0x29: {  	[tilespmem:s21], [sflag:$0x1] =	stream.linear.gather [hbm4b:s24+s4], $0x80, $0x38;
	[tilespmem:$0x10000] =	vst v63  }
0x2a: {  	s21 =	simm.s32 $0x100  }
0x2b: {  	s22 =	simm.s32 $0x10;
	s24 =	sadd.s32 $0x0, s8;
	s23 =	simm.s32 $0x500  }
.LBB2_6:
0x2c: {  	[tilespmem:s21], [sflag:$0x1] =	stream.linear.gather [hbm4b:s24+s4], $0x80, $0x38;
	[tilespmem:$0x10000] =	vst v63  }
0x2d: {  	s24 =	smov.u32 s22;
	s21 =	smov.u32 s23;
	p0 =	sne.s32 s22, $0x1F0  }
.Ltmp4:
0x2e: {  	s22 =	sadd.s32 $0x10, s22;
	(pc) =	sbr.rel @p0 .LBB2_6-.Ltmp4, $2  }
0x2f: {  	_ =	sdelay $0x2  }
0x30: {  	s23 =	sadd.s32 $0x400, s23;
	s24 =	sadd.s32 s24, s8  }
0x31: {  	[tilespmem:s21], [sflag:$0x1] =	stream.linear.gather [hbm4b:s24+s4], $0x80, $0x38;
	[tilespmem:$0x10000] =	vst v63  }
0x32: {  	s21 =	simm.s32 $0x180  }
0x33: {  	s22 =	simm.s32 $0x10;
	s24 =	sadd.s32 $0x0, s9;
	s23 =	simm.s32 $0x580  }
.LBB2_8:
0x34: {  	[tilespmem:s21], [sflag:$0x1] =	stream.linear.gather [hbm4b:s24+s4], $0x80, $0x38;
	[tilespmem:$0x10000] =	vst v63  }
0x35: {  	s24 =	smov.u32 s22;
	s21 =	smov.u32 s23;
	p0 =	sne.s32 s22, $0x1F0  }
.Ltmp5:
0x36: {  	s22 =	sadd.s32 $0x10, s22;
	(pc) =	sbr.rel @p0 .LBB2_8-.Ltmp5, $2  }
0x37: {  	_ =	sdelay $0x2  }
0x38: {  	s23 =	sadd.s32 $0x400, s23;
	s24 =	sadd.s32 s24, s9  }
0x39: {  	[tilespmem:s21], [sflag:$0x1] =	stream.linear.gather [hbm4b:s24+s4], $0x80, $0x38;
	[tilespmem:$0x10000] =	vst v63  }
0x3a: {  	s21 =	simm.s32 $0x200  }
0x3b: {  	s22 =	simm.s32 $0x10;
	s24 =	sadd.s32 $0x0, s10;
	s23 =	simm.s32 $0x600  }
.LBB2_10:
0x3c: {  	[tilespmem:s21], [sflag:$0x1] =	stream.linear.gather [hbm4b:s24+s4], $0x80, $0x38;
	[tilespmem:$0x10000] =	vst v63  }
0x3d: {  	s24 =	smov.u32 s22;
	s21 =	smov.u32 s23;
	p0 =	sne.s32 s22, $0x1F0  }
.Ltmp6:
0x3e: {  	s22 =	sadd.s32 $0x10, s22;
	(pc) =	sbr.rel @p0 .LBB2_10-.Ltmp6, $2  }
0x3f: {  	_ =	sdelay $0x2  }
0x40: {  	s23 =	sadd.s32 $0x400, s23;
	s24 =	sadd.s32 s24, s10  }
0x41: {  	[tilespmem:s21], [sflag:$0x1] =	stream.linear.gather [hbm4b:s24+s4], $0x80, $0x38;
	[tilespmem:$0x10000] =	vst v63  }
0x42: {  	s21 =	simm.s32 $0x280  }
0x43: {  	s22 =	simm.s32 $0x10;
	s24 =	sadd.s32 $0x0, s11;
	s23 =	simm.s32 $0x680  }
.LBB2_12:
0x44: {  	[tilespmem:s21], [sflag:$0x1] =	stream.linear.gather [hbm4b:s24+s4], $0x80, $0x38;
	[tilespmem:$0x10000] =	vst v63  }
0x45: {  	s24 =	smov.u32 s22;
	s21 =	smov.u32 s23;
	p0 =	sne.s32 s22, $0x1F0  }
.Ltmp7:
0x46: {  	s22 =	sadd.s32 $0x10, s22;
	(pc) =	sbr.rel @p0 .LBB2_12-.Ltmp7, $2  }
0x47: {  	_ =	sdelay $0x2  }
0x48: {  	s23 =	sadd.s32 $0x400, s23;
	s24 =	sadd.s32 s24, s11  }
0x49: {  	[tilespmem:s21], [sflag:$0x1] =	stream.linear.gather [hbm4b:s24+s4], $0x80, $0x38;
	[tilespmem:$0x10000] =	vst v63  }
0x4a: {  	s21 =	simm.s32 $0x300  }
0x4b: {  	s22 =	simm.s32 $0x10;
	s24 =	sadd.s32 $0x0, s12;
	s23 =	simm.s32 $0x700  }
.LBB2_14:
0x4c: {  	[tilespmem:s21], [sflag:$0x1] =	stream.linear.gather [hbm4b:s24+s4], $0x80, $0x38;
	[tilespmem:$0x10000] =	vst v63  }
0x4d: {  	s24 =	smov.u32 s22;
	s21 =	smov.u32 s23;
	p0 =	sne.s32 s22, $0x1F0  }
.Ltmp8:
0x4e: {  	s22 =	sadd.s32 $0x10, s22;
	(pc) =	sbr.rel @p0 .LBB2_14-.Ltmp8, $2  }
0x4f: {  	_ =	sdelay $0x2  }
0x50: {  	s23 =	sadd.s32 $0x400, s23;
	s24 =	sadd.s32 s24, s12  }
0x51: {  	[tilespmem:s21], [sflag:$0x1] =	stream.linear.gather [hbm4b:s24+s4], $0x80, $0x38;
	[tilespmem:$0x10000] =	vst v63  }
0x52: {  	s21 =	simm.s32 $0x0;
	s22 =	simm.s32 $0x380  }
0x53: {  	s23 =	simm.s32 $0x10;
	s25 =	sadd.s32 $0x0, s13;
	s24 =	simm.s32 $0x780  }
.LBB2_16:
0x54: {  	[tilespmem:s22], [sflag:$0x1] =	stream.linear.gather [hbm4b:s25+s21], $0x80, $0x38;
	[tilespmem:$0x10000] =	vst v63  }
0x55: {  	s25 =	smov.u32 s23;
	s22 =	smov.u32 s24;
	p0 =	sne.s32 s23, $0x1F0  }
.Ltmp9:
0x56: {  	s23 =	sadd.s32 $0x10, s23;
	(pc) =	sbr.rel @p0 .LBB2_16-.Ltmp9, $2  }
0x57: {  	_ =	sdelay $0x2  }
0x58: {  	s24 =	sadd.s32 $0x400, s24;
	s25 =	sadd.s32 s25, s13  }
.Ltmp10:
0x59: {  	(pc) =	sbr.rel .LBB2_18-.Ltmp10, $2  }
0x5a: {  	_ =	sdelay $0x2  }
0x5b: {  	[tilespmem:s22], [sflag:$0x1] =	stream.linear.gather [hbm4b:s25+s21], $0x80, $0x38;
	[tilespmem:$0x10000] =	vst v63  }
.LBB2_54:
0x5c: {  	s21 =	sadd.s32 $0x1, s21  }
0x5d: {  	p0 =	sne.s32 s21, $0xD  }
.Ltmp11:
0x5e: {  	_ = 	snop;
	(pc) =	sbr.rel @!p0 .LBB2_55-.Ltmp11, $1  }
0x5f: {  	_ =	sdelay $0x3  }
.LBB2_18:
0x60: {  	_ =	swait.ge [sflag:s15], $0x1000  }
0x61: {  	[sflag:s15] =	ssyncset.done $0x0  }
0x62: {  	[sflag:s15] =	ssyncadd.s32 $0xFFFFF000  }
0x63: {  	_ =	swait.ge [sflag:s15], $0x1000  }
0x64: {  	[sflag:s15] =	ssyncset.done $0x0  }
0x65: {  	[sflag:s15] =	ssyncadd.s32 $0xFFFFF000  }
0x66: {  	_ =	swait.ge [sflag:s15], $0x1000  }
0x67: {  	[sflag:s15] =	ssyncset.done $0x0  }
0x68: {  	[sflag:s15] =	ssyncadd.s32 $0xFFFFF000  }
0x69: {  	_ =	swait.ge [sflag:s15], $0x1000  }
0x6a: {  	[sflag:s15] =	ssyncset.done $0x0  }
0x6b: {  	[sflag:s15] =	ssyncadd.s32 $0xFFFFF000  }
0x6c: {  	_ =	swait.ge [sflag:s15], $0x1000  }
0x6d: {  	[sflag:s15] =	ssyncset.done $0x0  }
0x6e: {  	[sflag:s15] =	ssyncadd.s32 $0xFFFFF000  }
0x6f: {  	_ =	swait.ge [sflag:s15], $0x1000  }
0x70: {  	[sflag:s15] =	ssyncset.done $0x0  }
0x71: {  	s22 =	sshllo.u32 s21, $0x1;
	[sflag:s15] =	ssyncadd.s32 $0xFFFFF000  }
0x72: {  	p0 =	sgt.u32 s22, $0x18;
	_ =	swait.ge [sflag:s15], $0x1000  }
.Ltmp12:
0x73: {  	[sflag:s15] =	ssyncset.done $0x0;
	(pc) =	sbr.rel @p0 .LBB2_36-.Ltmp12, $4  }
0x74: {  	[sflag:s15] =	ssyncadd.s32 $0xFFFFF000  }
0x75: {  	_ =	swait.ge [sflag:s15], $0x1000  }
0x76: {  	s23 =	sshll.u32 s21, $0x1;
	[sflag:s15] =	ssyncset.done $0x0  }
0x77: {  	s23 =	sadd.s32 s3, s23;
	[sflag:s15] =	ssyncadd.s32 $0xFFFFF000  }
0x78: {  	p1 =	seq.s32 s21, $0x0;
	s24 =	sadd.s32 $0x1, s23  }
0x79: {  	s25 =	simm.s32 @!p1 $0x4;
	s26 =	sshll.u32 s24, $0xC;
	s24 =	sshll.u32 s24, $0x9  }
0x7a: {  	_ =	swait.ge @!p1 [sflag:s25], $0x8000;
	s24 =	sand.u32 $0x600, s24;
	s26 =	sand.u32 $0xFFFC000, s26  }
0x7b: {  	[sflag:s25] =	ssyncset.done @!p1 $0x0;
	s24 =	sor.u32 s24, s26  }
0x7c: {  	s28 =	simm.s32 $0x10;
	[sflag:s25] =	ssyncadd.s32 @!p1 $0xFFFF8000;
	s25 =	sadd.s32 s5, s24  }
0x7d: {  	s29 =	simm.s32 $0x8400;
	s26 =	simm.s32 $0x8000;
	s30 =	sadd.s32 $0x0, s25  }
.LBB2_20:
0x7e: {  	[tilespmem:s26], [sflag:$0x2] =	stream.linear.gather [hbm4b:s30+s4], $0x80, $0x38;
	[tilespmem:$0x10000] =	vst v63  }
0x7f: {  	s30 =	smov.u32 s28;
	s26 =	smov.u32 s29;
	p1 =	sne.s32 s28, $0x1F0  }
.Ltmp13:
0x80: {  	s28 =	sadd.s32 $0x10, s28;
	(pc) =	sbr.rel @p1 .LBB2_20-.Ltmp13, $2  }
0x81: {  	_ =	sdelay $0x2  }
0x82: {  	s29 =	sadd.s32 $0x400, s29;
	s30 =	sadd.s32 s30, s25  }
0x83: {  	[tilespmem:s26], [sflag:$0x2] =	stream.linear.gather [hbm4b:s30+s4], $0x80, $0x38;
	[tilespmem:$0x10000] =	vst v63  }
0x84: {  	s24 =	sadd.s32 s24, s5  }
0x85: {  	s26 =	simm.s32 $0x8080;
	s25 =	sadd.s32 $0x800, s24  }
0x86: {  	s28 =	simm.s32 $0x10;
	s29 =	simm.s32 $0x8480;
	s30 =	sadd.s32 $0x0, s25  }
.LBB2_22:
0x87: {  	[tilespmem:s26], [sflag:$0x2] =	stream.linear.gather [hbm4b:s30+s4], $0x80, $0x38;
	[tilespmem:$0x10000] =	vst v63  }
0x88: {  	s30 =	smov.u32 s28;
	s26 =	smov.u32 s29;
	p1 =	sne.s32 s28, $0x1F0  }
.Ltmp14:
0x89: {  	s28 =	sadd.s32 $0x10, s28;
	(pc) =	sbr.rel @p1 .LBB2_22-.Ltmp14, $2  }
0x8a: {  	_ =	sdelay $0x2  }
0x8b: {  	s29 =	sadd.s32 $0x400, s29;
	s30 =	sadd.s32 s30, s25  }
0x8c: {  	[tilespmem:s26], [sflag:$0x2] =	stream.linear.gather [hbm4b:s30+s4], $0x80, $0x38;
	[tilespmem:$0x10000] =	vst v63  }
0x8d: {  	s25 =	sadd.s32 $0x1000, s24;
	s26 =	simm.s32 $0x8100  }
0x8e: {  	s28 =	simm.s32 $0x10;
	s29 =	simm.s32 $0x8500;
	s30 =	sadd.s32 $0x0, s25  }
.LBB2_24:
0x8f: {  	[tilespmem:s26], [sflag:$0x2] =	stream.linear.gather [hbm4b:s30+s4], $0x80, $0x38;
	[tilespmem:$0x10000] =	vst v63  }
0x90: {  	s30 =	smov.u32 s28;
	s26 =	smov.u32 s29;
	p1 =	sne.s32 s28, $0x1F0  }
.Ltmp15:
0x91: {  	s28 =	sadd.s32 $0x10, s28;
	(pc) =	sbr.rel @p1 .LBB2_24-.Ltmp15, $2  }
0x92: {  	_ =	sdelay $0x2  }
0x93: {  	s29 =	sadd.s32 $0x400, s29;
	s30 =	sadd.s32 s30, s25  }
0x94: {  	[tilespmem:s26], [sflag:$0x2] =	stream.linear.gather [hbm4b:s30+s4], $0x80, $0x38;
	[tilespmem:$0x10000] =	vst v63  }
0x95: {  	s25 =	sadd.s32 $0x1800, s24;
	s26 =	simm.s32 $0x8180  }
0x96: {  	s28 =	simm.s32 $0x10;
	s29 =	simm.s32 $0x8580;
	s30 =	sadd.s32 $0x0, s25  }
.LBB2_26:
0x97: {  	[tilespmem:s26], [sflag:$0x2] =	stream.linear.gather [hbm4b:s30+s4], $0x80, $0x38;
	[tilespmem:$0x10000] =	vst v63  }
0x98: {  	s30 =	smov.u32 s28;
	s26 =	smov.u32 s29;
	p1 =	sne.s32 s28, $0x1F0  }
.Ltmp16:
0x99: {  	s28 =	sadd.s32 $0x10, s28;
	(pc) =	sbr.rel @p1 .LBB2_26-.Ltmp16, $2  }
0x9a: {  	_ =	sdelay $0x2  }
0x9b: {  	s29 =	sadd.s32 $0x400, s29;
	s30 =	sadd.s32 s30, s25  }
0x9c: {  	[tilespmem:s26], [sflag:$0x2] =	stream.linear.gather [hbm4b:s30+s4], $0x80, $0x38;
	[tilespmem:$0x10000] =	vst v63  }
0x9d: {  	s25 =	sadd.s32 $0x2000, s24;
	s26 =	simm.s32 $0x8200  }
0x9e: {  	s28 =	simm.s32 $0x10;
	s29 =	simm.s32 $0x8600;
	s30 =	sadd.s32 $0x0, s25  }
.LBB2_28:
0x9f: {  	[tilespmem:s26], [sflag:$0x2] =	stream.linear.gather [hbm4b:s30+s4], $0x80, $0x38;
	[tilespmem:$0x10000] =	vst v63  }
0xa0: {  	s30 =	smov.u32 s28;
	s26 =	smov.u32 s29;
	p1 =	sne.s32 s28, $0x1F0  }
.Ltmp17:
0xa1: {  	s28 =	sadd.s32 $0x10, s28;
	(pc) =	sbr.rel @p1 .LBB2_28-.Ltmp17, $2  }
0xa2: {  	_ =	sdelay $0x2  }
0xa3: {  	s29 =	sadd.s32 $0x400, s29;
	s30 =	sadd.s32 s30, s25  }
0xa4: {  	[tilespmem:s26], [sflag:$0x2] =	stream.linear.gather [hbm4b:s30+s4], $0x80, $0x38;
	[tilespmem:$0x10000] =	vst v63  }
0xa5: {  	s25 =	sadd.s32 $0x2800, s24;
	s26 =	simm.s32 $0x8280  }
0xa6: {  	s28 =	simm.s32 $0x10;
	s29 =	simm.s32 $0x8680;
	s30 =	sadd.s32 $0x0, s25  }
.LBB2_30:
0xa7: {  	[tilespmem:s26], [sflag:$0x2] =	stream.linear.gather [hbm4b:s30+s4], $0x80, $0x38;
	[tilespmem:$0x10000] =	vst v63  }
0xa8: {  	s30 =	smov.u32 s28;
	s26 =	smov.u32 s29;
	p1 =	sne.s32 s28, $0x1F0  }
.Ltmp18:
0xa9: {  	s28 =	sadd.s32 $0x10, s28;
	(pc) =	sbr.rel @p1 .LBB2_30-.Ltmp18, $2  }
0xaa: {  	_ =	sdelay $0x2  }
0xab: {  	s29 =	sadd.s32 $0x400, s29;
	s30 =	sadd.s32 s30, s25  }
0xac: {  	[tilespmem:s26], [sflag:$0x2] =	stream.linear.gather [hbm4b:s30+s4], $0x80, $0x38;
	[tilespmem:$0x10000] =	vst v63  }
0xad: {  	s25 =	sadd.s32 $0x3000, s24;
	s26 =	simm.s32 $0x8300  }
0xae: {  	s28 =	simm.s32 $0x10;
	s29 =	simm.s32 $0x8700;
	s30 =	sadd.s32 $0x0, s25  }
.LBB2_32:
0xaf: {  	[tilespmem:s26], [sflag:$0x2] =	stream.linear.gather [hbm4b:s30+s4], $0x80, $0x38;
	[tilespmem:$0x10000] =	vst v63  }
0xb0: {  	s30 =	smov.u32 s28;
	s26 =	smov.u32 s29;
	p1 =	sne.s32 s28, $0x1F0  }
.Ltmp19:
0xb1: {  	s28 =	sadd.s32 $0x10, s28;
	(pc) =	sbr.rel @p1 .LBB2_32-.Ltmp19, $2  }
0xb2: {  	_ =	sdelay $0x2  }
0xb3: {  	s29 =	sadd.s32 $0x400, s29;
	s30 =	sadd.s32 s30, s25  }
0xb4: {  	[tilespmem:s26], [sflag:$0x2] =	stream.linear.gather [hbm4b:s30+s4], $0x80, $0x38;
	[tilespmem:$0x10000] =	vst v63  }
0xb5: {  	s24 =	sadd.s32 $0x3800, s24;
	s25 =	simm.s32 $0x8380  }
0xb6: {  	s26 =	simm.s32 $0x10;
	s28 =	simm.s32 $0x8780;
	s29 =	sadd.s32 $0x0, s24  }
.LBB2_34:
0xb7: {  	[tilespmem:s25], [sflag:$0x2] =	stream.linear.gather [hbm4b:s29+s4], $0x80, $0x38;
	[tilespmem:$0x10000] =	vst v63  }
0xb8: {  	s29 =	smov.u32 s26;
	s25 =	smov.u32 s28;
	p1 =	sne.s32 s26, $0x1F0  }
.Ltmp20:
0xb9: {  	s26 =	sadd.s32 $0x10, s26;
	(pc) =	sbr.rel @p1 .LBB2_34-.Ltmp20, $2  }
0xba: {  	_ =	sdelay $0x2  }
0xbb: {  	s28 =	sadd.s32 $0x400, s28;
	s29 =	sadd.s32 s29, s24  }
0xbc: {  	[tilespmem:s25], [sflag:$0x2] =	stream.linear.gather [hbm4b:s29+s4], $0x80, $0x38;
	[tilespmem:$0x10000] =	vst v63  }
.LBB2_36:
.Ltmp21:
0xbd: {  	s23 =	sshll.u32 s23, $0xC;
	(pc) =	sbr.rel @p0 .LBB2_54-.Ltmp21, $4  }
0xbe: {  	s24 =	sand.u32 $0x1FFF0000, s23  }
0xbf: {  	s23 =	sand.u32 $0xF000, s23;
	s24 =	sadd.s32 s2, s24  }
0xc0: {  	s23 =	sadd.s32 s23, s24  }
0xc1: {  	[hbm4b:s23+s4] =	stream.linear.scatter [tilespmem:s4], [sflag:$0x3], $0x8000, $0x38;
	[tilespmem:$0x10000] =	vst v63  }
0xc2: {  	_ =	swait.ge [sflag:s16], $0x1000  }
0xc3: {  	[sflag:s16] =	ssyncset.done $0x0  }
0xc4: {  	[sflag:s16] =	ssyncadd.s32 $0xFFFFF000  }
0xc5: {  	_ =	swait.ge [sflag:s16], $0x1000  }
0xc6: {  	[sflag:s16] =	ssyncset.done $0x0  }
0xc7: {  	[sflag:s16] =	ssyncadd.s32 $0xFFFFF000  }
0xc8: {  	_ =	swait.ge [sflag:s16], $0x1000  }
0xc9: {  	[sflag:s16] =	ssyncset.done $0x0  }
0xca: {  	[sflag:s16] =	ssyncadd.s32 $0xFFFFF000  }
0xcb: {  	_ =	swait.ge [sflag:s16], $0x1000  }
0xcc: {  	[sflag:s16] =	ssyncset.done $0x0  }
0xcd: {  	[sflag:s16] =	ssyncadd.s32 $0xFFFFF000  }
0xce: {  	_ =	swait.ge [sflag:s16], $0x1000  }
0xcf: {  	[sflag:s16] =	ssyncset.done $0x0  }
0xd0: {  	[sflag:s16] =	ssyncadd.s32 $0xFFFFF000  }
0xd1: {  	_ =	swait.ge [sflag:s16], $0x1000  }
0xd2: {  	[sflag:s16] =	ssyncset.done $0x0  }
0xd3: {  	[sflag:s16] =	ssyncadd.s32 $0xFFFFF000  }
0xd4: {  	_ =	swait.ge [sflag:s16], $0x1000  }
0xd5: {  	[sflag:s16] =	ssyncset.done $0x0  }
0xd6: {  	s22 =	sadd.s32 s3, s22;
	[sflag:s16] =	ssyncadd.s32 $0xFFFFF000  }
0xd7: {  	s23 =	sadd.s32 $0x1, s22;
	_ =	swait.ge [sflag:s16], $0x1000  }
0xd8: {  	s24 =	sshll.u32 s23, $0xC;
	s23 =	sshll.u32 s23, $0x9;
	[sflag:s16] =	ssyncset.done $0x0  }
0xd9: {  	s23 =	sand.u32 $0x600, s23;
	s24 =	sand.u32 $0xFFFC000, s24;
	[sflag:s16] =	ssyncadd.s32 $0xFFFFF000  }
0xda: {  	s25 =	simm.s32 $0x0;
	s23 =	sor.u32 s23, s24;
	_ =	swait.ge [sflag:s17], $0x8000  }
0xdb: {  	s26 =	simm.s32 $0x10;
	s24 =	sadd.s32 s5, s23;
	[sflag:s17] =	ssyncset.done $0x0  }
0xdc: {  	s28 =	simm.s32 $0x400;
	s29 =	sadd.s32 $0x0, s24;
	[sflag:s17] =	ssyncadd.s32 $0xFFFF8000  }
.LBB2_38:
0xdd: {  	[tilespmem:s25], [sflag:$0x1] =	stream.linear.gather [hbm4b:s29+s4], $0x80, $0x38;
	[tilespmem:$0x10000] =	vst v63  }
0xde: {  	s29 =	smov.u32 s26;
	s25 =	smov.u32 s28;
	p0 =	sne.s32 s26, $0x1F0  }
.Ltmp22:
0xdf: {  	s26 =	sadd.s32 $0x10, s26;
	(pc) =	sbr.rel @p0 .LBB2_38-.Ltmp22, $2  }
0xe0: {  	_ =	sdelay $0x2  }
0xe1: {  	s28 =	sadd.s32 $0x400, s28;
	s29 =	sadd.s32 s29, s24  }
0xe2: {  	[tilespmem:s25], [sflag:$0x1] =	stream.linear.gather [hbm4b:s29+s4], $0x80, $0x38;
	[tilespmem:$0x10000] =	vst v63  }
0xe3: {  	s23 =	sadd.s32 s23, s5  }
0xe4: {  	s25 =	simm.s32 $0x80;
	s24 =	sadd.s32 $0x800, s23  }
0xe5: {  	s26 =	simm.s32 $0x10;
	s28 =	simm.s32 $0x480;
	s29 =	sadd.s32 $0x0, s24  }
.LBB2_40:
0xe6: {  	[tilespmem:s25], [sflag:$0x1] =	stream.linear.gather [hbm4b:s29+s4], $0x80, $0x38;
	[tilespmem:$0x10000] =	vst v63  }
0xe7: {  	s29 =	smov.u32 s26;
	s25 =	smov.u32 s28;
	p0 =	sne.s32 s26, $0x1F0  }
.Ltmp23:
0xe8: {  	s26 =	sadd.s32 $0x10, s26;
	(pc) =	sbr.rel @p0 .LBB2_40-.Ltmp23, $2  }
0xe9: {  	_ =	sdelay $0x2  }
0xea: {  	s28 =	sadd.s32 $0x400, s28;
	s29 =	sadd.s32 s29, s24  }
0xeb: {  	[tilespmem:s25], [sflag:$0x1] =	stream.linear.gather [hbm4b:s29+s4], $0x80, $0x38;
	[tilespmem:$0x10000] =	vst v63  }
0xec: {  	s24 =	sadd.s32 $0x1000, s23;
	s25 =	simm.s32 $0x100  }
0xed: {  	s26 =	simm.s32 $0x10;
	s28 =	simm.s32 $0x500;
	s29 =	sadd.s32 $0x0, s24  }
.LBB2_42:
0xee: {  	[tilespmem:s25], [sflag:$0x1] =	stream.linear.gather [hbm4b:s29+s4], $0x80, $0x38;
	[tilespmem:$0x10000] =	vst v63  }
0xef: {  	s29 =	smov.u32 s26;
	s25 =	smov.u32 s28;
	p0 =	sne.s32 s26, $0x1F0  }
.Ltmp24:
0xf0: {  	s26 =	sadd.s32 $0x10, s26;
	(pc) =	sbr.rel @p0 .LBB2_42-.Ltmp24, $2  }
0xf1: {  	_ =	sdelay $0x2  }
0xf2: {  	s28 =	sadd.s32 $0x400, s28;
	s29 =	sadd.s32 s29, s24  }
0xf3: {  	[tilespmem:s25], [sflag:$0x1] =	stream.linear.gather [hbm4b:s29+s4], $0x80, $0x38;
	[tilespmem:$0x10000] =	vst v63  }
0xf4: {  	s24 =	sadd.s32 $0x1800, s23;
	s25 =	simm.s32 $0x180  }
0xf5: {  	s26 =	simm.s32 $0x10;
	s28 =	simm.s32 $0x580;
	s29 =	sadd.s32 $0x0, s24  }
.LBB2_44:
0xf6: {  	[tilespmem:s25], [sflag:$0x1] =	stream.linear.gather [hbm4b:s29+s4], $0x80, $0x38;
	[tilespmem:$0x10000] =	vst v63  }
0xf7: {  	s29 =	smov.u32 s26;
	s25 =	smov.u32 s28;
	p0 =	sne.s32 s26, $0x1F0  }
.Ltmp25:
0xf8: {  	s26 =	sadd.s32 $0x10, s26;
	(pc) =	sbr.rel @p0 .LBB2_44-.Ltmp25, $2  }
0xf9: {  	_ =	sdelay $0x2  }
0xfa: {  	s28 =	sadd.s32 $0x400, s28;
	s29 =	sadd.s32 s29, s24  }
0xfb: {  	[tilespmem:s25], [sflag:$0x1] =	stream.linear.gather [hbm4b:s29+s4], $0x80, $0x38;
	[tilespmem:$0x10000] =	vst v63  }
0xfc: {  	s24 =	sadd.s32 $0x2000, s23;
	s25 =	simm.s32 $0x200  }
0xfd: {  	s26 =	simm.s32 $0x10;
	s28 =	simm.s32 $0x600;
	s29 =	sadd.s32 $0x0, s24  }
.LBB2_46:
0xfe: {  	[tilespmem:s25], [sflag:$0x1] =	stream.linear.gather [hbm4b:s29+s4], $0x80, $0x38;
	[tilespmem:$0x10000] =	vst v63  }
0xff: {  	s29 =	smov.u32 s26;
	s25 =	smov.u32 s28;
	p0 =	sne.s32 s26, $0x1F0  }
.Ltmp26:
0x100: {  	s26 =	sadd.s32 $0x10, s26;
	(pc) =	sbr.rel @p0 .LBB2_46-.Ltmp26, $2  }
0x101: {  	_ =	sdelay $0x2  }
0x102: {  	s28 =	sadd.s32 $0x400, s28;
	s29 =	sadd.s32 s29, s24  }
0x103: {  	[tilespmem:s25], [sflag:$0x1] =	stream.linear.gather [hbm4b:s29+s4], $0x80, $0x38;
	[tilespmem:$0x10000] =	vst v63  }
0x104: {  	s24 =	sadd.s32 $0x2800, s23;
	s25 =	simm.s32 $0x280  }
0x105: {  	s26 =	simm.s32 $0x10;
	s28 =	simm.s32 $0x680;
	s29 =	sadd.s32 $0x0, s24  }
.LBB2_48:
0x106: {  	[tilespmem:s25], [sflag:$0x1] =	stream.linear.gather [hbm4b:s29+s4], $0x80, $0x38;
	[tilespmem:$0x10000] =	vst v63  }
0x107: {  	s29 =	smov.u32 s26;
	s25 =	smov.u32 s28;
	p0 =	sne.s32 s26, $0x1F0  }
.Ltmp27:
0x108: {  	s26 =	sadd.s32 $0x10, s26;
	(pc) =	sbr.rel @p0 .LBB2_48-.Ltmp27, $2  }
0x109: {  	_ =	sdelay $0x2  }
0x10a: {  	s28 =	sadd.s32 $0x400, s28;
	s29 =	sadd.s32 s29, s24  }
0x10b: {  	[tilespmem:s25], [sflag:$0x1] =	stream.linear.gather [hbm4b:s29+s4], $0x80, $0x38;
	[tilespmem:$0x10000] =	vst v63  }
0x10c: {  	s24 =	sadd.s32 $0x3000, s23;
	s25 =	simm.s32 $0x300  }
0x10d: {  	s26 =	simm.s32 $0x10;
	s28 =	simm.s32 $0x700;
	s29 =	sadd.s32 $0x0, s24  }
.LBB2_50:
0x10e: {  	[tilespmem:s25], [sflag:$0x1] =	stream.linear.gather [hbm4b:s29+s4], $0x80, $0x38;
	[tilespmem:$0x10000] =	vst v63  }
0x10f: {  	s29 =	smov.u32 s26;
	s25 =	smov.u32 s28;
	p0 =	sne.s32 s26, $0x1F0  }
.Ltmp28:
0x110: {  	s26 =	sadd.s32 $0x10, s26;
	(pc) =	sbr.rel @p0 .LBB2_50-.Ltmp28, $2  }
0x111: {  	_ =	sdelay $0x2  }
0x112: {  	s28 =	sadd.s32 $0x400, s28;
	s29 =	sadd.s32 s29, s24  }
0x113: {  	[tilespmem:s25], [sflag:$0x1] =	stream.linear.gather [hbm4b:s29+s4], $0x80, $0x38;
	[tilespmem:$0x10000] =	vst v63  }
0x114: {  	s23 =	sadd.s32 $0x3800, s23;
	s24 =	simm.s32 $0x380  }
0x115: {  	s25 =	simm.s32 $0x10;
	s26 =	simm.s32 $0x780;
	s28 =	sadd.s32 $0x0, s23  }
.LBB2_52:
0x116: {  	[tilespmem:s24], [sflag:$0x1] =	stream.linear.gather [hbm4b:s28+s4], $0x80, $0x38;
	[tilespmem:$0x10000] =	vst v63  }
0x117: {  	s28 =	smov.u32 s25;
	s24 =	smov.u32 s26;
	p0 =	sne.s32 s25, $0x1F0  }
.Ltmp29:
0x118: {  	s25 =	sadd.s32 $0x10, s25;
	(pc) =	sbr.rel @p0 .LBB2_52-.Ltmp29, $2  }
0x119: {  	_ =	sdelay $0x2  }
0x11a: {  	s26 =	sadd.s32 $0x400, s26;
	s28 =	sadd.s32 s28, s23  }
0x11b: {  	[tilespmem:s24], [sflag:$0x1] =	stream.linear.gather [hbm4b:s28+s4], $0x80, $0x38;
	[tilespmem:$0x10000] =	vst v63  }
.Ltmp30:
0x11c: {  	s22 =	sshll.u32 s22, $0xC;
	(pc) =	sbr.rel .LBB2_54-.Ltmp30, $4  }
0x11d: {  	s23 =	sand.u32 $0x1FFF0000, s22  }
0x11e: {  	s22 =	sand.u32 $0xF000, s22;
	s23 =	sadd.s32 s2, s23  }
0x11f: {  	s22 =	sadd.s32 s22, s23  }
0x120: {  	[hbm4b:s22+s4] =	stream.linear.scatter [tilespmem:s18], [sflag:$0x4], $0x8000, $0x38;
	[tilespmem:$0x10000] =	vst v63  }
.LBB2_56:
0x121: {  	_ =	sfence.sel $0x180000  }
0x122: {  	[bflag:$0x0] =	sbarrier.arrive $0xFFFF  }
0x123: {  	p0 =	sne.s32 s0, $0x0;
	_ =	strace $0x9000004A  }
0x124: {  	s0 =	sadd.s32 @!p0 $0x100000, s1;
	[bflag:$0x2] =	sbarrier.arrive $0xFFFF  }
0x125: {  	[sflag:s0] =	ssyncadd.tile.s32 @!p0 $0x1;
	_ =	shalt  }
.Lfunc_end2:
_tile_overlayer_lowered:
.L_overlay_start_2:
0x126: {  	(tag) =	ssettag $0x2  }
0x127: {  	s0 =	rddreg [dreg:$0x0];
	s2 =	stileid.u32  }
0x128: {  	s1 =	rddreg [dreg:$0x1];
	p0 =	sne.s32 s2, $0x0  }
0x129: {  	s3 =	rddreg [dreg:$0x2];
	[bflag:$0x3] =	sbarrier.arrive $0xFFFF;
	s2 =	simm.s32 @!p0 $0x1C05  }
0x12a: {  	[timem:s3], [sflag:s2] =	dma.local @!p0 [hbm:s0], s1  }
0x12b: {  	s0 =	simm.s32 @!p0 $0x5  }
0x12c: {  	_ =	swait.ge @!p0 [sflag:s0], s1  }
0x12d: {  	s1 =	ssub.s32 @!p0 $0x0, s1;
	[sflag:s0] =	ssyncset.done @!p0 $0x0  }
0x12e: {  	[sflag:s0] =	ssyncadd.s32 @!p0 s1  }
0x12f: {  	[bflag:$0x3] =	sbarrier.arrive $0xFFFF  }
0x130: {  	_ =	shalt  }

</sc_bundles>
